<compile_context>
chip_gen: v7x
topology: tpu7x:2x2x1
jax: 0.10.2.dev20260603
libtpu: 0.0.44.dev20260713+nightly
codegen_flags: <defaults>
</compile_context>

<pallas_src>
import functools

import jax
import jax.numpy as jnp
from jax import lax
from jax.experimental import pallas as pl
from jax.experimental.pallas import tpu as pltpu
from jax.experimental.pallas import tpu_sc as plsc

N_NODES = 100000
N_GRAPHS = 1024
D = 128
DJ = D // 16

NC = 2
NS = 16
NW = NC * NS
GPW = N_GRAPHS // NW

B = 400
NBUF = 2
CH = 2000
NCH = N_NODES // CH
NHG = 64
CH_BITS = 11

NEG_INF = -3.4028235e38


def _worker_id():
    return lax.axis_index("s") * NC + lax.axis_index("c")


def _popcnt(mask):
    return plsc.all_reduce_population_count(mask)


def _ffs(mask):
    return plsc.all_reduce_ffs(mask)


def _gather_start(src_hbm, idx_ref, dst_ref, sem):
    pltpu.make_async_copy(src_hbm.at[idx_ref], dst_ref, sem).start()


def _gather_wait(src_hbm, idx_ref, dst_ref, sem):
    pltpu.make_async_copy(src_hbm.at[idx_ref], dst_ref, sem).wait()


def _body(x_hbm, batch_hbm, out_hbm, *scr):
    xbs = scr[0:NBUF]
    bbs = scr[NBUF:2 * NBUF]
    idxb, hbuf, cbufa, cbufb, stage = scr[2 * NBUF:2 * NBUF + 5]
    sems = scr[2 * NBUF + 5:]
    semx0, semx1 = sems[0], sems[1]
    wid = _worker_id()
    g0 = wid * GPW

    zf = jnp.zeros((16,), jnp.float32)
    lanes = lax.iota(jnp.int32, 16)

    for c in range(NHG // 16):
        gi = jnp.minimum((lanes + 16 * c) * CH, N_NODES - CH)
        idxb[pl.ds(16 * c, 16)] = gi
    _gather_start(batch_hbm, idxb, hbuf, semx0)

    def init_g(g, c):
        for j in range(3 * DJ):
            stage[g, pl.ds(j * 16, 16)] = zf
        return c

    lax.fori_loop(0, GPW, init_g, 0)
    _gather_wait(batch_hbm, idxb, hbuf, semx0)

    big = jnp.full((16,), 1 << 30, jnp.int32)

    def chunk_of(T):
        tv = jnp.full((16,), T, jnp.int32)
        acc = jnp.zeros((16,), jnp.int32)
        for c in range(NHG // 16):
            hv = hbuf[pl.ds(16 * c, 16)]
            hv = jnp.where((lanes + 16 * c) < NCH, hv, big)
            acc = acc + _popcnt(hv < tv)
        return jnp.maximum(acc[0] - 1, 0)

    ca = chunk_of(g0)
    cb = chunk_of(g0 + GPW)
    pltpu.make_async_copy(batch_hbm.at[pl.ds(ca * CH, CH)],
                          cbufa.at[pl.ds(0, CH)], semx0).start()
    pltpu.make_async_copy(batch_hbm.at[pl.ds(cb * CH, CH)],
                          cbufb.at[pl.ds(0, CH)], semx1).start()
    pltpu.make_async_copy(batch_hbm.at[pl.ds(0, CH)],
                          cbufa.at[pl.ds(0, CH)], semx0).wait()
    pltpu.make_async_copy(batch_hbm.at[pl.ds(0, CH)],
                          cbufb.at[pl.ds(0, CH)], semx1).wait()
    cbufa[pl.ds(CH, 16)] = big
    cbufb[pl.ds(CH, 16)] = big

    def lower_bound(cbuf, base, T):
        def step(i, lh):
            lo_s, hi_s = lh
            mid = (lo_s + hi_s) // 2
            v = cbuf[pl.ds(mid, 16)][0]
            lt = v < T
            lo_s = jnp.where(lt, mid + 1, lo_s)
            hi_s = jnp.where(lt, hi_s, mid)
            return (lo_s, hi_s)

        lo_s, _ = lax.fori_loop(0, CH_BITS, step,
                                (jnp.int32(0), jnp.int32(CH)))
        return base + lo_s

    lo = lower_bound(cbufa, ca * CH, g0)
    hi = lower_bound(cbufb, cb * CH, g0 + GPW)

    blk0 = (lo // B) * B
    nblk = (hi - blk0 + (B - 1)) // B

    def issue(blk, xb, bb, sem):
        pltpu.make_async_copy(x_hbm.at[pl.ds(blk, B)], xb, sem).start()
        pltpu.make_async_copy(batch_hbm.at[pl.ds(blk, B)],
                              bb.at[pl.ds(0, B)], sem).start()

    def drain(xb, bb, sem):
        pltpu.make_async_copy(x_hbm.at[pl.ds(0, B)], xb, sem).wait()
        pltpu.make_async_copy(batch_hbm.at[pl.ds(0, B)],
                              bb.at[pl.ds(0, B)], sem).wait()

    def flush(prev_id, cnt_s, s, m):
        bl = prev_id - g0
        cntf = jnp.full((16,), cnt_s).astype(jnp.float32)
        inv = 1.0 / cntf
        for j in range(DJ):
            stage[bl, pl.ds(j * 16, 16)] = s[j] * inv
            stage[bl, pl.ds(D + j * 16, 16)] = m[j]
            stage[bl, pl.ds(2 * D + j * 16, 16)] = s[j]

    lanes = lax.iota(jnp.int32, 16)

    def process(blk, xb, bb, carry):
        r0 = jnp.minimum(jnp.maximum(lo - blk, 0), B)
        r1 = jnp.minimum(jnp.maximum(hi - blk, 0), B)

        def run_cond(st):
            return st[0] < r1

        def run_body(st):
            r, prev_id, cnt_s, s, m = st
            cur = bb[pl.ds(r, 16)][0]
            changed = cur != prev_id

            @pl.when(changed & (cnt_s > 0))
            def _():
                flush(prev_id, cnt_s, s, m)

            s = tuple(jnp.where(changed, zf, sj) for sj in s)
            m = tuple(jnp.where(changed, NEG_INF, mj) for mj in m)
            cnt_s = jnp.where(changed, 0, cnt_s)

            cur_v = jnp.full((16,), cur, jnp.int32)

            def se_cond(st2):
                return (st2[1] < 0) & (st2[0] < r1)

            def se_body(st2):
                rr, _e = st2
                chunk = bb[pl.ds(rr, 16)]
                mm = (chunk != cur_v) | ((lanes + rr) >= r1)
                pc = _popcnt(mm)
                fi = _ffs(mm)
                e_v = jnp.where(pc > 0, rr + fi, -1)
                return (rr + 16, e_v[0])

            _rr, e = lax.while_loop(se_cond, se_body, (r, jnp.int32(-1)))
            e = jnp.where(e < 0, r1, e)

            def acc_rows(base, nrows, sm):
                s2, m2 = sm
                s3, m3 = list(s2), list(m2)
                for u in range(nrows):
                    for j in range(DJ):
                        v = xb[base + u, pl.ds(j * 16, 16)]
                        s3[j] = s3[j] + v
                        m3[j] = jnp.maximum(m3[j], v)
                return (tuple(s3), tuple(m3))

            n4 = (e - r) // 4

            def acc4(k, sm):
                return acc_rows(r + 4 * k, 4, sm)

            def acc1(rr, sm):
                return acc_rows(rr, 1, sm)

            s, m = lax.fori_loop(0, n4, acc4, (s, m))
            s, m = lax.fori_loop(r + 4 * n4, e, acc1, (s, m))
            cnt_s = cnt_s + (e - r)
            return (e, cur, cnt_s, s, m)

        r, prev_id, cnt_s, s, m = lax.while_loop(
            run_cond, run_body, (r0,) + carry)
        return (prev_id, cnt_s, s, m)

    carry0 = (jnp.int32(-1), jnp.int32(0),
              tuple(zf for _ in range(DJ)),
              tuple(jnp.full((16,), NEG_INF, jnp.float32) for _ in range(DJ)))

    for u in range(NBUF - 1):
        @pl.when(u < nblk)
        def _(u=u):
            issue(blk0 + u * B, xbs[u], bbs[u], sems[u])

    ngrp = (nblk + NBUF - 1) // NBUF

    def do_grp(g, carry):
        for u in range(NBUF):
            b = NBUF * g + u
            blk = blk0 + b * B
            pre = b + (NBUF - 1)

            @pl.when(pre < nblk)
            def _(pre=pre, u=u):
                issue(blk0 + pre * B, xbs[(u + NBUF - 1) % NBUF],
                      bbs[(u + NBUF - 1) % NBUF], sems[(u + NBUF - 1) % NBUF])

            @pl.when(b < nblk)
            def _(u=u):
                drain(xbs[u], bbs[u], sems[u])

            carry = process(blk, xbs[u], bbs[u], carry)
        return carry

    prev_id, cnt_s, s, m = lax.fori_loop(0, ngrp, do_grp, carry0)

    @pl.when(cnt_s > 0)
    def _():
        flush(prev_id, cnt_s, s, m)

    pltpu.sync_copy(stage, out_hbm.at[pl.ds(g0, GPW)])


@jax.jit
def _pool(x, batch):
    mesh = plsc.VectorSubcoreMesh(core_axis_name="c", subcore_axis_name="s",
                                  num_cores=NC, num_subcores=NS)
    run = pl.kernel(
        _body,
        out_type=jax.ShapeDtypeStruct((N_GRAPHS, 3 * D), jnp.float32),
        mesh=mesh,
        compiler_params=pltpu.CompilerParams(needs_layout_passes=False),
        scratch_types=(
            [pltpu.VMEM((B, D), jnp.float32)] * NBUF
            + [pltpu.VMEM((B + 16,), jnp.int32)] * NBUF
            + [
                pltpu.VMEM((NHG,), jnp.int32),
                pltpu.VMEM((NHG,), jnp.int32),
                pltpu.VMEM((CH + 16,), jnp.int32),
                pltpu.VMEM((CH + 16,), jnp.int32),
                pltpu.VMEM((GPW, 3 * D), jnp.float32),
            ]
            + [pltpu.SemaphoreType.DMA] * NBUF
        ),
    )
    return run(x, batch)


def kernel(x, batch):
    return _pool(x, batch.astype(jnp.int32))

# --- scband reference (transcript-rebuilt; emitter-appended) ---
"""Pipeline reference for scband-global-all-pooling-59107339927781 (READ-ONLY COPY).

The authoritative reference and input builder live on the scoring server;
editing this copy changes nothing except your own understanding.
"""

import jax, jax.numpy as jnp
import numpy as np

NUM_GRAPHS = 1024
N_NODES = 100000
D_FEAT = 128


def setup_inputs(seed: int = 0) -> dict:
    key = jax.random.key(seed)
    k1, k2 = jax.random.split(key)
    x = jax.random.normal(k1, (N_NODES, D_FEAT), dtype=jnp.float32)
    batch = jnp.sort(jax.random.randint(k2, (N_NODES,), 0, NUM_GRAPHS))
    return {"x": x, "batch": batch}


def reference(x, batch):
    # global_add_pool: scatter-add per graph
    x_add = jax.ops.segment_sum(x, batch, num_segments=NUM_GRAPHS)
    # counts per graph for mean
    cnt = jax.ops.segment_sum(jnp.ones((x.shape[0], 1), dtype=x.dtype), batch, num_segments=NUM_GRAPHS)
    # global_mean_pool
    x_mean = x_add / jnp.maximum(cnt, 1.0)
    # global_max_pool (empty segments -> 0, matching PyG fill behavior)
    x_max = jax.ops.segment_max(x, batch, num_segments=NUM_GRAPHS)
    x_max = jnp.where(cnt > 0, x_max, 0.0)
    return jnp.concatenate([x_mean, x_max, x_add], axis=1)

if __name__ == "__main__":
    import jax
    _d = setup_inputs()
    print(jax.jit(kernel)(*tuple(_d.values())))

</pallas_src>

<mosaic_0001>
#map = affine_map<(d0, d1) -> (0, 0)>
#map1 = affine_map<(d0, d1) -> (0)>
module attributes {stable_mosaic.version = 14 : i64} {
  func.func @_body(%arg0: i32, %arg1: i32, %arg2: memref<100000x128xf32, #tpu.memory_space<hbm>>, %arg3: memref<100000xi32, #tpu.memory_space<hbm>>, %arg4: memref<1024x384xf32, #tpu.memory_space<hbm>>, %arg5: memref<400x128xf32, #tpu.memory_space<vmem>>, %arg6: memref<400x128xf32, #tpu.memory_space<vmem>>, %arg7: memref<416xi32, #tpu.memory_space<vmem>>, %arg8: memref<416xi32, #tpu.memory_space<vmem>>, %arg9: memref<64xi32, #tpu.memory_space<vmem>>, %arg10: memref<64xi32, #tpu.memory_space<vmem>>, %arg11: memref<2016xi32, #tpu.memory_space<vmem>>, %arg12: memref<2016xi32, #tpu.memory_space<vmem>>, %arg13: memref<32x384xf32, #tpu.memory_space<vmem>>, %arg14: memref<!tpu.dma_semaphore, #tpu.memory_space<semaphore_mem>>, %arg15: memref<!tpu.dma_semaphore, #tpu.memory_space<semaphore_mem>>) attributes {dimension_semantics = [#tpu.dimension_semantics<core_parallel>, #tpu.dimension_semantics<subcore_parallel>], iteration_bounds = array<i64: 2, 16>, scalar_prefetch = 0 : i64, scratch_operands = 11 : i64, tpu.core_type = #tpu.core_type<sc_vector_subcore>, window_params = [{transform_indices = #map}, {transform_indices = #map1}, {transform_indices = #map}]} {
    %mul3A = arith.constant 2 : i32
    %mul3A_0 = arith.muli %arg1, %mul3A : i32
    %add3A = arith.addi %mul3A_0, %arg0 : i32
    %mul3A_1 = arith.constant 32 : i32
    %mul3A_2 = arith.muli %add3A, %mul3A_1 : i32
    %broadcast_in_dim3A = arith.constant 0.000000e+00 : f32
    %broadcast_in_dim3A_3 = vector.broadcast %broadcast_in_dim3A : f32 to vector<16xf32>
    %iota3A = tpu.iota {dimensions = array<i32: 0>} : vector<16xi32>
    %add3A_4 = arith.constant 0 : i32
    %add3A_5 = vector.broadcast %add3A_4 : i32 to vector<16xi32>
    %add3A_6 = arith.addi %iota3A, %add3A_5 : vector<16xi32>
    %mul3A_7 = arith.constant 2000 : i32
    %mul3A_8 = vector.broadcast %mul3A_7 : i32 to vector<16xi32>
    %mul3A_9 = arith.muli %add3A_6, %mul3A_8 : vector<16xi32>
    %min3A = arith.constant 98000 : i32
    %min3A_10 = vector.broadcast %min3A : i32 to vector<16xi32>
    %min3A_11 = arith.minsi %mul3A_9, %min3A_10 : vector<16xi32>
    %swap3A = arith.constant 0 : index
    %swap3A_12 = tpu.vector_load %arg9[%swap3A] {strides = array<i32>} : memref<64xi32, #tpu.memory_space<vmem>>, vector<16xi32>,
    tpu.vector_store %arg9[%swap3A], %min3A_11 {strides = array<i32>} : memref<64xi32, #tpu.memory_space<vmem>>, vector<16xi32>,
    %add3A_13 = arith.constant 16 : i32
    %add3A_14 = vector.broadcast %add3A_13 : i32 to vector<16xi32>
    %add3A_15 = arith.addi %iota3A, %add3A_14 : vector<16xi32>
    %mul3A_16 = arith.constant 2000 : i32
    %mul3A_17 = vector.broadcast %mul3A_16 : i32 to vector<16xi32>
    %mul3A_18 = arith.muli %add3A_15, %mul3A_17 : vector<16xi32>
    %min3A_19 = arith.constant 98000 : i32
    %min3A_20 = vector.broadcast %min3A_19 : i32 to vector<16xi32>
    %min3A_21 = arith.minsi %mul3A_18, %min3A_20 : vector<16xi32>
    %swap3A_22 = arith.constant 16 : index
    %swap3A_23 = tpu.vector_load %arg9[%swap3A_22] {strides = array<i32>} : memref<64xi32, #tpu.memory_space<vmem>>, vector<16xi32>,
    tpu.vector_store %arg9[%swap3A_22], %min3A_21 {strides = array<i32>} : memref<64xi32, #tpu.memory_space<vmem>>, vector<16xi32>,
    %add3A_24 = arith.constant 32 : i32
    %add3A_25 = vector.broadcast %add3A_24 : i32 to vector<16xi32>
    %add3A_26 = arith.addi %iota3A, %add3A_25 : vector<16xi32>
    %mul3A_27 = arith.constant 2000 : i32
    %mul3A_28 = vector.broadcast %mul3A_27 : i32 to vector<16xi32>
    %mul3A_29 = arith.muli %add3A_26, %mul3A_28 : vector<16xi32>
    %min3A_30 = arith.constant 98000 : i32
    %min3A_31 = vector.broadcast %min3A_30 : i32 to vector<16xi32>
    %min3A_32 = arith.minsi %mul3A_29, %min3A_31 : vector<16xi32>
    %swap3A_33 = arith.constant 32 : index
    %swap3A_34 = tpu.vector_load %arg9[%swap3A_33] {strides = array<i32>} : memref<64xi32, #tpu.memory_space<vmem>>, vector<16xi32>,
    tpu.vector_store %arg9[%swap3A_33], %min3A_32 {strides = array<i32>} : memref<64xi32, #tpu.memory_space<vmem>>, vector<16xi32>,
    %add3A_35 = arith.constant 48 : i32
    %add3A_36 = vector.broadcast %add3A_35 : i32 to vector<16xi32>
    %add3A_37 = arith.addi %iota3A, %add3A_36 : vector<16xi32>
    %mul3A_38 = arith.constant 2000 : i32
    %mul3A_39 = vector.broadcast %mul3A_38 : i32 to vector<16xi32>
    %mul3A_40 = arith.muli %add3A_37, %mul3A_39 : vector<16xi32>
    %min3A_41 = arith.constant 98000 : i32
    %min3A_42 = vector.broadcast %min3A_41 : i32 to vector<16xi32>
    %min3A_43 = arith.minsi %mul3A_40, %min3A_42 : vector<16xi32>
    %swap3A_44 = arith.constant 48 : index
    %swap3A_45 = tpu.vector_load %arg9[%swap3A_44] {strides = array<i32>} : memref<64xi32, #tpu.memory_space<vmem>>, vector<16xi32>,
    tpu.vector_store %arg9[%swap3A_44], %min3A_43 {strides = array<i32>} : memref<64xi32, #tpu.memory_space<vmem>>, vector<16xi32>,
    %dma_start3A = arith.constant 0 : i32
    %dma_start3A_46 = tpu.memref_slice %arg3[%dma_start3A] : memref<100000xi32, #tpu.memory_space<hbm>> -> memref<100000xi32, #tpu.memory_space<hbm>>
    tpu.enqueue_indirect_dma source(%dma_start3A_46 : memref<100000xi32, #tpu.memory_space<hbm>>) target(%arg10 : memref<64xi32, #tpu.memory_space<vmem>>) offsets(%arg9 : memref<64xi32, #tpu.memory_space<vmem>>) semaphore(%arg14 : memref<!tpu.dma_semaphore, #tpu.memory_space<semaphore_mem>>)
    %scan3A = arith.constant 0 : i32
    %scan3A_47 = arith.constant 0 : i32
    %scan3A_48 = arith.constant 32 : i32
    %scan3A_49 = arith.addi %scan3A_47, %scan3A_48 : i32
    %scan3A_50 = arith.constant 1 : i32
    scf.for %scan3A_334 = %scan3A_47 to %scan3A_49 step %scan3A_50  : i32 {
      %swap3A_335 = arith.index_cast %scan3A_334 : i32 to index
      %swap3A_336 = arith.constant 0 : index
      %swap3A_337 = tpu.vector_load %arg13[%swap3A_335, %swap3A_336] {strides = array<i32>} : memref<32x384xf32, #tpu.memory_space<vmem>>, vector<16xf32>,
      tpu.vector_store %arg13[%swap3A_335, %swap3A_336], %broadcast_in_dim3A_3 {strides = array<i32>} : memref<32x384xf32, #tpu.memory_space<vmem>>, vector<16xf32>,
      %swap3A_338 = arith.index_cast %scan3A_334 : i32 to index
      %swap3A_339 = arith.constant 16 : index
      %swap3A_340 = tpu.vector_load %arg13[%swap3A_338, %swap3A_339] {strides = array<i32>} : memref<32x384xf32, #tpu.memory_space<vmem>>, vector<16xf32>,
      tpu.vector_store %arg13[%swap3A_338, %swap3A_339], %broadcast_in_dim3A_3 {strides = array<i32>} : memref<32x384xf32, #tpu.memory_space<vmem>>, vector<16xf32>,
      %swap3A_341 = arith.index_cast %scan3A_334 : i32 to index
      %swap3A_342 = arith.constant 32 : index
      %swap3A_343 = tpu.vector_load %arg13[%swap3A_341, %swap3A_342] {strides = array<i32>} : memref<32x384xf32, #tpu.memory_space<vmem>>, vector<16xf32>,
      tpu.vector_store %arg13[%swap3A_341, %swap3A_342], %broadcast_in_dim3A_3 {strides = array<i32>} : memref<32x384xf32, #tpu.memory_space<vmem>>, vector<16xf32>,
      %swap3A_344 = arith.index_cast %scan3A_334 : i32 to index
      %swap3A_345 = arith.constant 48 : index
      %swap3A_346 = tpu.vector_load %arg13[%swap3A_344, %swap3A_345] {strides = array<i32>} : memref<32x384xf32, #tpu.memory_space<vmem>>, vector<16xf32>,
      tpu.vector_store %arg13[%swap3A_344, %swap3A_345], %broadcast_in_dim3A_3 {strides = array<i32>} : memref<32x384xf32, #tpu.memory_space<vmem>>, vector<16xf32>,
      %swap3A_347 = arith.index_cast %scan3A_334 : i32 to index
      %swap3A_348 = arith.constant 64 : index
      %swap3A_349 = tpu.vector_load %arg13[%swap3A_347, %swap3A_348] {strides = array<i32>} : memref<32x384xf32, #tpu.memory_space<vmem>>, vector<16xf32>,
      tpu.vector_store %arg13[%swap3A_347, %swap3A_348], %broadcast_in_dim3A_3 {strides = array<i32>} : memref<32x384xf32, #tpu.memory_space<vmem>>, vector<16xf32>,
      %swap3A_350 = arith.index_cast %scan3A_334 : i32 to index
      %swap3A_351 = arith.constant 80 : index
      %swap3A_352 = tpu.vector_load %arg13[%swap3A_350, %swap3A_351] {strides = array<i32>} : memref<32x384xf32, #tpu.memory_space<vmem>>, vector<16xf32>,
      tpu.vector_store %arg13[%swap3A_350, %swap3A_351], %broadcast_in_dim3A_3 {strides = array<i32>} : memref<32x384xf32, #tpu.memory_space<vmem>>, vector<16xf32>,
      %swap3A_353 = arith.index_cast %scan3A_334 : i32 to index
      %swap3A_354 = arith.constant 96 : index
      %swap3A_355 = tpu.vector_load %arg13[%swap3A_353, %swap3A_354] {strides = array<i32>} : memref<32x384xf32, #tpu.memory_space<vmem>>, vector<16xf32>,
      tpu.vector_store %arg13[%swap3A_353, %swap3A_354], %broadcast_in_dim3A_3 {strides = array<i32>} : memref<32x384xf32, #tpu.memory_space<vmem>>, vector<16xf32>,
      %swap3A_356 = arith.index_cast %scan3A_334 : i32 to index
      %swap3A_357 = arith.constant 112 : index
      %swap3A_358 = tpu.vector_load %arg13[%swap3A_356, %swap3A_357] {strides = array<i32>} : memref<32x384xf32, #tpu.memory_space<vmem>>, vector<16xf32>,
      tpu.vector_store %arg13[%swap3A_356, %swap3A_357], %broadcast_in_dim3A_3 {strides = array<i32>} : memref<32x384xf32, #tpu.memory_space<vmem>>, vector<16xf32>,
      %swap3A_359 = arith.index_cast %scan3A_334 : i32 to index
      %swap3A_360 = arith.constant 128 : index
      %swap3A_361 = tpu.vector_load %arg13[%swap3A_359, %swap3A_360] {strides = array<i32>} : memref<32x384xf32, #tpu.memory_space<vmem>>, vector<16xf32>,
      tpu.vector_store %arg13[%swap3A_359, %swap3A_360], %broadcast_in_dim3A_3 {strides = array<i32>} : memref<32x384xf32, #tpu.memory_space<vmem>>, vector<16xf32>,
      %swap3A_362 = arith.index_cast %scan3A_334 : i32 to index
      %swap3A_363 = arith.constant 144 : index
      %swap3A_364 = tpu.vector_load %arg13[%swap3A_362, %swap3A_363] {strides = array<i32>} : memref<32x384xf32, #tpu.memory_space<vmem>>, vector<16xf32>,
      tpu.vector_store %arg13[%swap3A_362, %swap3A_363], %broadcast_in_dim3A_3 {strides = array<i32>} : memref<32x384xf32, #tpu.memory_space<vmem>>, vector<16xf32>,
      %swap3A_365 = arith.index_cast %scan3A_334 : i32 to index
      %swap3A_366 = arith.constant 160 : index
      %swap3A_367 = tpu.vector_load %arg13[%swap3A_365, %swap3A_366] {strides = array<i32>} : memref<32x384xf32, #tpu.memory_space<vmem>>, vector<16xf32>,
      tpu.vector_store %arg13[%swap3A_365, %swap3A_366], %broadcast_in_dim3A_3 {strides = array<i32>} : memref<32x384xf32, #tpu.memory_space<vmem>>, vector<16xf32>,
      %swap3A_368 = arith.index_cast %scan3A_334 : i32 to index
      %swap3A_369 = arith.constant 176 : index
      %swap3A_370 = tpu.vector_load %arg13[%swap3A_368, %swap3A_369] {strides = array<i32>} : memref<32x384xf32, #tpu.memory_space<vmem>>, vector<16xf32>,
      tpu.vector_store %arg13[%swap3A_368, %swap3A_369], %broadcast_in_dim3A_3 {strides = array<i32>} : memref<32x384xf32, #tpu.memory_space<vmem>>, vector<16xf32>,
      %swap3A_371 = arith.index_cast %scan3A_334 : i32 to index
      %swap3A_372 = arith.constant 192 : index
      %swap3A_373 = tpu.vector_load %arg13[%swap3A_371, %swap3A_372] {strides = array<i32>} : memref<32x384xf32, #tpu.memory_space<vmem>>, vector<16xf32>,
      tpu.vector_store %arg13[%swap3A_371, %swap3A_372], %broadcast_in_dim3A_3 {strides = array<i32>} : memref<32x384xf32, #tpu.memory_space<vmem>>, vector<16xf32>,
      %swap3A_374 = arith.index_cast %scan3A_334 : i32 to index
      %swap3A_375 = arith.constant 208 : index
      %swap3A_376 = tpu.vector_load %arg13[%swap3A_374, %swap3A_375] {strides = array<i32>} : memref<32x384xf32, #tpu.memory_space<vmem>>, vector<16xf32>,
      tpu.vector_store %arg13[%swap3A_374, %swap3A_375], %broadcast_in_dim3A_3 {strides = array<i32>} : memref<32x384xf32, #tpu.memory_space<vmem>>, vector<16xf32>,
      %swap3A_377 = arith.index_cast %scan3A_334 : i32 to index
      %swap3A_378 = arith.constant 224 : index
      %swap3A_379 = tpu.vector_load %arg13[%swap3A_377, %swap3A_378] {strides = array<i32>} : memref<32x384xf32, #tpu.memory_space<vmem>>, vector<16xf32>,
      tpu.vector_store %arg13[%swap3A_377, %swap3A_378], %broadcast_in_dim3A_3 {strides = array<i32>} : memref<32x384xf32, #tpu.memory_space<vmem>>, vector<16xf32>,
      %swap3A_380 = arith.index_cast %scan3A_334 : i32 to index
      %swap3A_381 = arith.constant 240 : index
      %swap3A_382 = tpu.vector_load %arg13[%swap3A_380, %swap3A_381] {strides = array<i32>} : memref<32x384xf32, #tpu.memory_space<vmem>>, vector<16xf32>,
      tpu.vector_store %arg13[%swap3A_380, %swap3A_381], %broadcast_in_dim3A_3 {strides = array<i32>} : memref<32x384xf32, #tpu.memory_space<vmem>>, vector<16xf32>,
      %swap3A_383 = arith.index_cast %scan3A_334 : i32 to index
      %swap3A_384 = arith.constant 256 : index
      %swap3A_385 = tpu.vector_load %arg13[%swap3A_383, %swap3A_384] {strides = array<i32>} : memref<32x384xf32, #tpu.memory_space<vmem>>, vector<16xf32>,
      tpu.vector_store %arg13[%swap3A_383, %swap3A_384], %broadcast_in_dim3A_3 {strides = array<i32>} : memref<32x384xf32, #tpu.memory_space<vmem>>, vector<16xf32>,
      %swap3A_386 = arith.index_cast %scan3A_334 : i32 to index
      %swap3A_387 = arith.constant 272 : index
      %swap3A_388 = tpu.vector_load %arg13[%swap3A_386, %swap3A_387] {strides = array<i32>} : memref<32x384xf32, #tpu.memory_space<vmem>>, vector<16xf32>,
      tpu.vector_store %arg13[%swap3A_386, %swap3A_387], %broadcast_in_dim3A_3 {strides = array<i32>} : memref<32x384xf32, #tpu.memory_space<vmem>>, vector<16xf32>,
      %swap3A_389 = arith.index_cast %scan3A_334 : i32 to index
      %swap3A_390 = arith.constant 288 : index
      %swap3A_391 = tpu.vector_load %arg13[%swap3A_389, %swap3A_390] {strides = array<i32>} : memref<32x384xf32, #tpu.memory_space<vmem>>, vector<16xf32>,
      tpu.vector_store %arg13[%swap3A_389, %swap3A_390], %broadcast_in_dim3A_3 {strides = array<i32>} : memref<32x384xf32, #tpu.memory_space<vmem>>, vector<16xf32>,
      %swap3A_392 = arith.index_cast %scan3A_334 : i32 to index
      %swap3A_393 = arith.constant 304 : index
      %swap3A_394 = tpu.vector_load %arg13[%swap3A_392, %swap3A_393] {strides = array<i32>} : memref<32x384xf32, #tpu.memory_space<vmem>>, vector<16xf32>,
      tpu.vector_store %arg13[%swap3A_392, %swap3A_393], %broadcast_in_dim3A_3 {strides = array<i32>} : memref<32x384xf32, #tpu.memory_space<vmem>>, vector<16xf32>,
      %swap3A_395 = arith.index_cast %scan3A_334 : i32 to index
      %swap3A_396 = arith.constant 320 : index
      %swap3A_397 = tpu.vector_load %arg13[%swap3A_395, %swap3A_396] {strides = array<i32>} : memref<32x384xf32, #tpu.memory_space<vmem>>, vector<16xf32>,
      tpu.vector_store %arg13[%swap3A_395, %swap3A_396], %broadcast_in_dim3A_3 {strides = array<i32>} : memref<32x384xf32, #tpu.memory_space<vmem>>, vector<16xf32>,
      %swap3A_398 = arith.index_cast %scan3A_334 : i32 to index
      %swap3A_399 = arith.constant 336 : index
      %swap3A_400 = tpu.vector_load %arg13[%swap3A_398, %swap3A_399] {strides = array<i32>} : memref<32x384xf32, #tpu.memory_space<vmem>>, vector<16xf32>,
      tpu.vector_store %arg13[%swap3A_398, %swap3A_399], %broadcast_in_dim3A_3 {strides = array<i32>} : memref<32x384xf32, #tpu.memory_space<vmem>>, vector<16xf32>,
      %swap3A_401 = arith.index_cast %scan3A_334 : i32 to index
      %swap3A_402 = arith.constant 352 : index
      %swap3A_403 = tpu.vector_load %arg13[%swap3A_401, %swap3A_402] {strides = array<i32>} : memref<32x384xf32, #tpu.memory_space<vmem>>, vector<16xf32>,
      tpu.vector_store %arg13[%swap3A_401, %swap3A_402], %broadcast_in_dim3A_3 {strides = array<i32>} : memref<32x384xf32, #tpu.memory_space<vmem>>, vector<16xf32>,
      %swap3A_404 = arith.index_cast %scan3A_334 : i32 to index
      %swap3A_405 = arith.constant 368 : index
      %swap3A_406 = tpu.vector_load %arg13[%swap3A_404, %swap3A_405] {strides = array<i32>} : memref<32x384xf32, #tpu.memory_space<vmem>>, vector<16xf32>,
      tpu.vector_store %arg13[%swap3A_404, %swap3A_405], %broadcast_in_dim3A_3 {strides = array<i32>} : memref<32x384xf32, #tpu.memory_space<vmem>>, vector<16xf32>,
    }
    %scan3A_51 = arith.constant 32 : i32
    %dma_wait3A = arith.constant 0 : i32
    %dma_wait3A_52 = tpu.memref_slice %arg3[%dma_wait3A] : memref<100000xi32, #tpu.memory_space<hbm>> -> memref<100000xi32, #tpu.memory_space<hbm>>
    tpu.wait_indirect_dma semaphore(%arg14 : memref<!tpu.dma_semaphore, #tpu.memory_space<semaphore_mem>>) src(%dma_wait3A_52 : memref<100000xi32, #tpu.memory_space<hbm>>) dst(%arg10 : memref<64xi32, #tpu.memory_space<vmem>>)
    %broadcast_in_dim3A_53 = arith.constant 1073741824 : i32
    %broadcast_in_dim3A_54 = vector.broadcast %broadcast_in_dim3A_53 : i32 to vector<16xi32>
    %broadcast_in_dim3A_55 = vector.broadcast %mul3A_2 : i32 to vector<16xi32>
    %broadcast_in_dim3A_56 = arith.constant 0 : i32
    %broadcast_in_dim3A_57 = vector.broadcast %broadcast_in_dim3A_56 : i32 to vector<16xi32>
    %get3A = arith.constant 0 : index
    %get3A_58 = tpu.vector_load %arg10[%get3A] {strides = array<i32>} : memref<64xi32, #tpu.memory_space<vmem>>, vector<16xi32>,
    %add3A_59 = arith.constant 0 : i32
    %add3A_60 = vector.broadcast %add3A_59 : i32 to vector<16xi32>
    %add3A_61 = arith.addi %iota3A, %add3A_60 : vector<16xi32>
    %lt3A = arith.constant 50 : i32
    %lt3A_62 = vector.broadcast %lt3A : i32 to vector<16xi32>
    %lt3A_63 = arith.cmpi slt, %add3A_61, %lt3A_62 : vector<16xi32>
    %select_n3A = arith.select %lt3A_63, %get3A_58, %broadcast_in_dim3A_54 : vector<16xi1>, vector<16xi32>
    %lt3A_64 = arith.cmpi slt, %select_n3A, %broadcast_in_dim3A_55 : vector<16xi32>
    %all_reduce_population_count3A = tpu.all_reduce %lt3A_64 {dim = 0 : i64, kind = #tpu.reduction_kind<sum>} : vector<16xi1> -> vector<16xi32>
    %add3A_65 = arith.addi %broadcast_in_dim3A_57, %all_reduce_population_count3A : vector<16xi32>
    %get3A_66 = arith.constant 16 : index
    %get3A_67 = tpu.vector_load %arg10[%get3A_66] {strides = array<i32>} : memref<64xi32, #tpu.memory_space<vmem>>, vector<16xi32>,
    %add3A_68 = arith.constant 16 : i32
    %add3A_69 = vector.broadcast %add3A_68 : i32 to vector<16xi32>
    %add3A_70 = arith.addi %iota3A, %add3A_69 : vector<16xi32>
    %lt3A_71 = arith.constant 50 : i32
    %lt3A_72 = vector.broadcast %lt3A_71 : i32 to vector<16xi32>
    %lt3A_73 = arith.cmpi slt, %add3A_70, %lt3A_72 : vector<16xi32>
    %select_n3A_74 = arith.select %lt3A_73, %get3A_67, %broadcast_in_dim3A_54 : vector<16xi1>, vector<16xi32>
    %lt3A_75 = arith.cmpi slt, %select_n3A_74, %broadcast_in_dim3A_55 : vector<16xi32>
    %all_reduce_population_count3A_76 = tpu.all_reduce %lt3A_75 {dim = 0 : i64, kind = #tpu.reduction_kind<sum>} : vector<16xi1> -> vector<16xi32>
    %add3A_77 = arith.addi %add3A_65, %all_reduce_population_count3A_76 : vector<16xi32>
    %get3A_78 = arith.constant 32 : index
    %get3A_79 = tpu.vector_load %arg10[%get3A_78] {strides = array<i32>} : memref<64xi32, #tpu.memory_space<vmem>>, vector<16xi32>,
    %add3A_80 = arith.constant 32 : i32
    %add3A_81 = vector.broadcast %add3A_80 : i32 to vector<16xi32>
    %add3A_82 = arith.addi %iota3A, %add3A_81 : vector<16xi32>
    %lt3A_83 = arith.constant 50 : i32
    %lt3A_84 = vector.broadcast %lt3A_83 : i32 to vector<16xi32>
    %lt3A_85 = arith.cmpi slt, %add3A_82, %lt3A_84 : vector<16xi32>
    %select_n3A_86 = arith.select %lt3A_85, %get3A_79, %broadcast_in_dim3A_54 : vector<16xi1>, vector<16xi32>
    %lt3A_87 = arith.cmpi slt, %select_n3A_86, %broadcast_in_dim3A_55 : vector<16xi32>
    %all_reduce_population_count3A_88 = tpu.all_reduce %lt3A_87 {dim = 0 : i64, kind = #tpu.reduction_kind<sum>} : vector<16xi1> -> vector<16xi32>
    %add3A_89 = arith.addi %add3A_77, %all_reduce_population_count3A_88 : vector<16xi32>
    %get3A_90 = arith.constant 48 : index
    %get3A_91 = tpu.vector_load %arg10[%get3A_90] {strides = array<i32>} : memref<64xi32, #tpu.memory_space<vmem>>, vector<16xi32>,
    %add3A_92 = arith.constant 48 : i32
    %add3A_93 = vector.broadcast %add3A_92 : i32 to vector<16xi32>
    %add3A_94 = arith.addi %iota3A, %add3A_93 : vector<16xi32>
    %lt3A_95 = arith.constant 50 : i32
    %lt3A_96 = vector.broadcast %lt3A_95 : i32 to vector<16xi32>
    %lt3A_97 = arith.cmpi slt, %add3A_94, %lt3A_96 : vector<16xi32>
    %select_n3A_98 = arith.select %lt3A_97, %get3A_91, %broadcast_in_dim3A_54 : vector<16xi1>, vector<16xi32>
    %lt3A_99 = arith.cmpi slt, %select_n3A_98, %broadcast_in_dim3A_55 : vector<16xi32>
    %all_reduce_population_count3A_100 = tpu.all_reduce %lt3A_99 {dim = 0 : i64, kind = #tpu.reduction_kind<sum>} : vector<16xi1> -> vector<16xi32>
    %add3A_101 = arith.addi %add3A_89, %all_reduce_population_count3A_100 : vector<16xi32>
    %slice3A = vector.extract_strided_slice %add3A_101 {offsets = [0], sizes = [1], strides = [1]} : vector<16xi32> to vector<1xi32>
    %squeeze3A = vector.extract %slice3A[0] : i32 from vector<1xi32>
    %sub3A = arith.constant 1 : i32
    %sub3A_102 = arith.subi %squeeze3A, %sub3A : i32
    %max3A = arith.constant 0 : i32
    %max3A_103 = arith.maxsi %sub3A_102, %max3A : i32
    %add3A_104 = arith.constant 32 : i32
    %add3A_105 = arith.addi %mul3A_2, %add3A_104 : i32
    %broadcast_in_dim3A_106 = vector.broadcast %add3A_105 : i32 to vector<16xi32>
    %broadcast_in_dim3A_107 = arith.constant 0 : i32
    %broadcast_in_dim3A_108 = vector.broadcast %broadcast_in_dim3A_107 : i32 to vector<16xi32>
    %get3A_109 = arith.constant 0 : index
    %get3A_110 = tpu.vector_load %arg10[%get3A_109] {strides = array<i32>} : memref<64xi32, #tpu.memory_space<vmem>>, vector<16xi32>,
    %add3A_111 = arith.constant 0 : i32
    %add3A_112 = vector.broadcast %add3A_111 : i32 to vector<16xi32>
    %add3A_113 = arith.addi %iota3A, %add3A_112 : vector<16xi32>
    %lt3A_114 = arith.constant 50 : i32
    %lt3A_115 = vector.broadcast %lt3A_114 : i32 to vector<16xi32>
    %lt3A_116 = arith.cmpi slt, %add3A_113, %lt3A_115 : vector<16xi32>
    %select_n3A_117 = arith.select %lt3A_116, %get3A_110, %broadcast_in_dim3A_54 : vector<16xi1>, vector<16xi32>
    %lt3A_118 = arith.cmpi slt, %select_n3A_117, %broadcast_in_dim3A_106 : vector<16xi32>
    %all_reduce_population_count3A_119 = tpu.all_reduce %lt3A_118 {dim = 0 : i64, kind = #tpu.reduction_kind<sum>} : vector<16xi1> -> vector<16xi32>
    %add3A_120 = arith.addi %broadcast_in_dim3A_108, %all_reduce_population_count3A_119 : vector<16xi32>
    %get3A_121 = arith.constant 16 : index
    %get3A_122 = tpu.vector_load %arg10[%get3A_121] {strides = array<i32>} : memref<64xi32, #tpu.memory_space<vmem>>, vector<16xi32>,
    %add3A_123 = arith.constant 16 : i32
    %add3A_124 = vector.broadcast %add3A_123 : i32 to vector<16xi32>
    %add3A_125 = arith.addi %iota3A, %add3A_124 : vector<16xi32>
    %lt3A_126 = arith.constant 50 : i32
    %lt3A_127 = vector.broadcast %lt3A_126 : i32 to vector<16xi32>
    %lt3A_128 = arith.cmpi slt, %add3A_125, %lt3A_127 : vector<16xi32>
    %select_n3A_129 = arith.select %lt3A_128, %get3A_122, %broadcast_in_dim3A_54 : vector<16xi1>, vector<16xi32>
    %lt3A_130 = arith.cmpi slt, %select_n3A_129, %broadcast_in_dim3A_106 : vector<16xi32>
    %all_reduce_population_count3A_131 = tpu.all_reduce %lt3A_130 {dim = 0 : i64, kind = #tpu.reduction_kind<sum>} : vector<16xi1> -> vector<16xi32>
    %add3A_132 = arith.addi %add3A_120, %all_reduce_population_count3A_131 : vector<16xi32>
    %get3A_133 = arith.constant 32 : index
    %get3A_134 = tpu.vector_load %arg10[%get3A_133] {strides = array<i32>} : memref<64xi32, #tpu.memory_space<vmem>>, vector<16xi32>,
    %add3A_135 = arith.constant 32 : i32
    %add3A_136 = vector.broadcast %add3A_135 : i32 to vector<16xi32>
    %add3A_137 = arith.addi %iota3A, %add3A_136 : vector<16xi32>
    %lt3A_138 = arith.constant 50 : i32
    %lt3A_139 = vector.broadcast %lt3A_138 : i32 to vector<16xi32>
    %lt3A_140 = arith.cmpi slt, %add3A_137, %lt3A_139 : vector<16xi32>
    %select_n3A_141 = arith.select %lt3A_140, %get3A_134, %broadcast_in_dim3A_54 : vector<16xi1>, vector<16xi32>
    %lt3A_142 = arith.cmpi slt, %select_n3A_141, %broadcast_in_dim3A_106 : vector<16xi32>
    %all_reduce_population_count3A_143 = tpu.all_reduce %lt3A_142 {dim = 0 : i64, kind = #tpu.reduction_kind<sum>} : vector<16xi1> -> vector<16xi32>
    %add3A_144 = arith.addi %add3A_132, %all_reduce_population_count3A_143 : vector<16xi32>
    %get3A_145 = arith.constant 48 : index
    %get3A_146 = tpu.vector_load %arg10[%get3A_145] {strides = array<i32>} : memref<64xi32, #tpu.memory_space<vmem>>, vector<16xi32>,
    %add3A_147 = arith.constant 48 : i32
    %add3A_148 = vector.broadcast %add3A_147 : i32 to vector<16xi32>
    %add3A_149 = arith.addi %iota3A, %add3A_148 : vector<16xi32>
    %lt3A_150 = arith.constant 50 : i32
    %lt3A_151 = vector.broadcast %lt3A_150 : i32 to vector<16xi32>
    %lt3A_152 = arith.cmpi slt, %add3A_149, %lt3A_151 : vector<16xi32>
    %select_n3A_153 = arith.select %lt3A_152, %get3A_146, %broadcast_in_dim3A_54 : vector<16xi1>, vector<16xi32>
    %lt3A_154 = arith.cmpi slt, %select_n3A_153, %broadcast_in_dim3A_106 : vector<16xi32>
    %all_reduce_population_count3A_155 = tpu.all_reduce %lt3A_154 {dim = 0 : i64, kind = #tpu.reduction_kind<sum>} : vector<16xi1> -> vector<16xi32>
    %add3A_156 = arith.addi %add3A_144, %all_reduce_population_count3A_155 : vector<16xi32>
    %slice3A_157 = vector.extract_strided_slice %add3A_156 {offsets = [0], sizes = [1], strides = [1]} : vector<16xi32> to vector<1xi32>
    %squeeze3A_158 = vector.extract %slice3A_157[0] : i32 from vector<1xi32>
    %sub3A_159 = arith.constant 1 : i32
    %sub3A_160 = arith.subi %squeeze3A_158, %sub3A_159 : i32
    %max3A_161 = arith.constant 0 : i32
    %max3A_162 = arith.maxsi %sub3A_160, %max3A_161 : i32
    %mul3A_163 = arith.constant 2000 : i32
    %mul3A_164 = arith.muli %max3A_103, %mul3A_163 : i32
    %dma_start3A_165 = arith.constant 0 : i32
    %dma_start3A_166 = tpu.memref_slice %arg11[%dma_start3A_165] : memref<2016xi32, #tpu.memory_space<vmem>> -> memref<2000xi32, #tpu.memory_space<vmem>>
    %dma_start3A_167 = tpu.memref_slice %arg3[%mul3A_164] : memref<100000xi32, #tpu.memory_space<hbm>> -> memref<2000xi32, #tpu.memory_space<hbm>>
    %dma_start3A_168 = arith.constant 0 : i32
    %dma_start3A_169 = tpu.memref_slice %arg11[%dma_start3A_168] : memref<2016xi32, #tpu.memory_space<vmem>> -> memref<2000xi32, #tpu.memory_space<vmem>>
    %dma_start3A_170 = tpu.memref_slice %arg3[%mul3A_164] : memref<100000xi32, #tpu.memory_space<hbm>> -> memref<2000xi32, #tpu.memory_space<hbm>>
    tpu.enqueue_dma source(%dma_start3A_170 : memref<2000xi32, #tpu.memory_space<hbm>>) target(%dma_start3A_169 : memref<2000xi32, #tpu.memory_space<vmem>>) target_semaphore(%arg14 : memref<!tpu.dma_semaphore, #tpu.memory_space<semaphore_mem>>)
    %mul3A_171 = arith.constant 2000 : i32
    %mul3A_172 = arith.muli %max3A_162, %mul3A_171 : i32
    %dma_start3A_173 = arith.constant 0 : i32
    %dma_start3A_174 = tpu.memref_slice %arg12[%dma_start3A_173] : memref<2016xi32, #tpu.memory_space<vmem>> -> memref<2000xi32, #tpu.memory_space<vmem>>
    %dma_start3A_175 = tpu.memref_slice %arg3[%mul3A_172] : memref<100000xi32, #tpu.memory_space<hbm>> -> memref<2000xi32, #tpu.memory_space<hbm>>
    %dma_start3A_176 = arith.constant 0 : i32
    %dma_start3A_177 = tpu.memref_slice %arg12[%dma_start3A_176] : memref<2016xi32, #tpu.memory_space<vmem>> -> memref<2000xi32, #tpu.memory_space<vmem>>
    %dma_start3A_178 = tpu.memref_slice %arg3[%mul3A_172] : memref<100000xi32, #tpu.memory_space<hbm>> -> memref<2000xi32, #tpu.memory_space<hbm>>
    tpu.enqueue_dma source(%dma_start3A_178 : memref<2000xi32, #tpu.memory_space<hbm>>) target(%dma_start3A_177 : memref<2000xi32, #tpu.memory_space<vmem>>) target_semaphore(%arg15 : memref<!tpu.dma_semaphore, #tpu.memory_space<semaphore_mem>>)
    %dma_wait3A_179 = arith.constant 0 : i32
    %dma_wait3A_180 = tpu.memref_slice %arg11[%dma_wait3A_179] : memref<2016xi32, #tpu.memory_space<vmem>> -> memref<2000xi32, #tpu.memory_space<vmem>>
    %dma_wait3A_181 = arith.constant 0 : i32
    %dma_wait3A_182 = tpu.memref_slice %arg3[%dma_wait3A_181] : memref<100000xi32, #tpu.memory_space<hbm>> -> memref<2000xi32, #tpu.memory_space<hbm>>
    %dma_wait3A_183 = arith.constant 0 : i32
    %dma_wait3A_184 = tpu.memref_slice %arg11[%dma_wait3A_183] : memref<2016xi32, #tpu.memory_space<vmem>> -> memref<2000xi32, #tpu.memory_space<vmem>>
    %dma_wait3A_185 = arith.constant 0 : i32
    %dma_wait3A_186 = tpu.memref_slice %arg3[%dma_wait3A_185] : memref<100000xi32, #tpu.memory_space<hbm>> -> memref<2000xi32, #tpu.memory_space<hbm>>
    tpu.wait_dma2 semaphore(%arg14 : memref<!tpu.dma_semaphore, #tpu.memory_space<semaphore_mem>>) src(%dma_wait3A_186 : memref<2000xi32, #tpu.memory_space<hbm>>) dst(%dma_wait3A_184 : memref<2000xi32, #tpu.memory_space<vmem>>)
    %dma_wait3A_187 = arith.constant 0 : i32
    %dma_wait3A_188 = tpu.memref_slice %arg12[%dma_wait3A_187] : memref<2016xi32, #tpu.memory_space<vmem>> -> memref<2000xi32, #tpu.memory_space<vmem>>
    %dma_wait3A_189 = arith.constant 0 : i32
    %dma_wait3A_190 = tpu.memref_slice %arg3[%dma_wait3A_189] : memref<100000xi32, #tpu.memory_space<hbm>> -> memref<2000xi32, #tpu.memory_space<hbm>>
    %dma_wait3A_191 = arith.constant 0 : i32
    %dma_wait3A_192 = tpu.memref_slice %arg12[%dma_wait3A_191] : memref<2016xi32, #tpu.memory_space<vmem>> -> memref<2000xi32, #tpu.memory_space<vmem>>
    %dma_wait3A_193 = arith.constant 0 : i32
    %dma_wait3A_194 = tpu.memref_slice %arg3[%dma_wait3A_193] : memref<100000xi32, #tpu.memory_space<hbm>> -> memref<2000xi32, #tpu.memory_space<hbm>>
    tpu.wait_dma2 semaphore(%arg15 : memref<!tpu.dma_semaphore, #tpu.memory_space<semaphore_mem>>) src(%dma_wait3A_194 : memref<2000xi32, #tpu.memory_space<hbm>>) dst(%dma_wait3A_192 : memref<2000xi32, #tpu.memory_space<vmem>>)
    %swap3A_195 = arith.constant 2000 : index
    %swap3A_196 = tpu.vector_load %arg11[%swap3A_195] {strides = array<i32>} : memref<2016xi32, #tpu.memory_space<vmem>>, vector<16xi32>,
    tpu.vector_store %arg11[%swap3A_195], %broadcast_in_dim3A_54 {strides = array<i32>} : memref<2016xi32, #tpu.memory_space<vmem>>, vector<16xi32>,
    %swap3A_197 = arith.constant 2000 : index
    %swap3A_198 = tpu.vector_load %arg12[%swap3A_197] {strides = array<i32>} : memref<2016xi32, #tpu.memory_space<vmem>>, vector<16xi32>,
    tpu.vector_store %arg12[%swap3A_197], %broadcast_in_dim3A_54 {strides = array<i32>} : memref<2016xi32, #tpu.memory_space<vmem>>, vector<16xi32>,
    %mul3A_199 = arith.constant 2000 : i32
    %mul3A_200 = arith.muli %max3A_103, %mul3A_199 : i32
    %scan3A_201 = arith.constant 0 : i32
    %scan3A_202 = arith.constant 2000 : i32
    %scan3A_203 = arith.constant 0 : i32
    %scan3A_204 = arith.constant 11 : i32
    %scan3A_205 = arith.addi %scan3A_203, %scan3A_204 : i32
    %scan3A_206 = arith.constant 1 : i32
    %scan3A_207:2 = scf.for %scan3A_334 = %scan3A_203 to %scan3A_205 step %scan3A_206 iter_args(%scan3A_335 = %scan3A_201, %scan3A_336 = %scan3A_202) -> (i32, i32)  : i32 {
      %add3A_337 = arith.addi %scan3A_335, %scan3A_336 : i32
      %jit3A_338 = arith.constant 2 : i32
      %div3A_339 = arith.divsi %add3A_337, %jit3A_338 : i32
      %sign3A_340 = arith.constant 0 : i32
      %sign3A_341 = arith.cmpi sgt, %add3A_337, %sign3A_340 : i32
      %sign3A_342 = arith.extui %sign3A_341 : i1 to i32
      %sign3A_343 = arith.constant 0 : i32
      %sign3A_344 = arith.cmpi slt, %add3A_337, %sign3A_343 : i32
      %sign3A_345 = arith.extui %sign3A_344 : i1 to i32
      %sign3A_346 = arith.subi %sign3A_342, %sign3A_345 : i32
      %sign3A_347 = arith.constant 0 : i32
      %sign3A_348 = arith.cmpi sgt, %jit3A_338, %sign3A_347 : i32
      %sign3A_349 = arith.extui %sign3A_348 : i1 to i32
      %sign3A_350 = arith.constant 0 : i32
      %sign3A_351 = arith.cmpi slt, %jit3A_338, %sign3A_350 : i32
      %sign3A_352 = arith.extui %sign3A_351 : i1 to i32
      %sign3A_353 = arith.subi %sign3A_349, %sign3A_352 : i32
      %ne3A_354 = arith.cmpi ne, %sign3A_346, %sign3A_353 : i32
      %rem3A_355 = arith.remsi %add3A_337, %jit3A_338 : i32
      %ne3A_356 = arith.constant 0 : i32
      %ne3A_357 = arith.cmpi ne, %rem3A_355, %ne3A_356 : i32
      %and3A_358 = arith.andi %ne3A_354, %ne3A_357 : i1
      %sub3A_359 = arith.constant 1 : i32
      %sub3A_360 = arith.subi %div3A_339, %sub3A_359 : i32
      %select_n3A_361 = arith.select %and3A_358, %sub3A_360, %div3A_339 : i32
      %get3A_362 = arith.index_cast %select_n3A_361 : i32 to index
      %get3A_363 = tpu.vector_load %arg11[%get3A_362] {strides = array<i32>} : memref<2016xi32, #tpu.memory_space<vmem>>, vector<16xi32>,
      %slice3A_364 = vector.extract_strided_slice %get3A_363 {offsets = [0], sizes = [1], strides = [1]} : vector<16xi32> to vector<1xi32>
      %squeeze3A_365 = vector.extract %slice3A_364[0] : i32 from vector<1xi32>
      %lt3A_366 = arith.cmpi slt, %squeeze3A_365, %mul3A_2 : i32
      %add3A_367 = arith.constant 1 : i32
      %add3A_368 = arith.addi %select_n3A_361, %add3A_367 : i32
      %select_n3A_369 = arith.select %lt3A_366, %add3A_368, %scan3A_335 : i32
      %select_n3A_370 = arith.select %lt3A_366, %scan3A_336, %select_n3A_361 : i32
      scf.yield %select_n3A_369, %select_n3A_370 : i32, i32
    }
    %scan3A_208 = arith.constant 11 : i32
    %add3A_209 = arith.addi %mul3A_200, %scan3A_207#0 : i32
    %mul3A_210 = arith.constant 2000 : i32
    %mul3A_211 = arith.muli %max3A_162, %mul3A_210 : i32
    %add3A_212 = arith.constant 32 : i32
    %add3A_213 = arith.addi %mul3A_2, %add3A_212 : i32
    %scan3A_214 = arith.constant 0 : i32
    %scan3A_215 = arith.constant 2000 : i32
    %scan3A_216 = arith.constant 0 : i32
    %scan3A_217 = arith.constant 11 : i32
    %scan3A_218 = arith.addi %scan3A_216, %scan3A_217 : i32
    %scan3A_219 = arith.constant 1 : i32
    %scan3A_220:2 = scf.for %scan3A_334 = %scan3A_216 to %scan3A_218 step %scan3A_219 iter_args(%scan3A_335 = %scan3A_214, %scan3A_336 = %scan3A_215) -> (i32, i32)  : i32 {
      %add3A_337 = arith.addi %scan3A_335, %scan3A_336 : i32
      %jit3A_338 = arith.constant 2 : i32
      %div3A_339 = arith.divsi %add3A_337, %jit3A_338 : i32
      %sign3A_340 = arith.constant 0 : i32
      %sign3A_341 = arith.cmpi sgt, %add3A_337, %sign3A_340 : i32
      %sign3A_342 = arith.extui %sign3A_341 : i1 to i32
      %sign3A_343 = arith.constant 0 : i32
      %sign3A_344 = arith.cmpi slt, %add3A_337, %sign3A_343 : i32
      %sign3A_345 = arith.extui %sign3A_344 : i1 to i32
      %sign3A_346 = arith.subi %sign3A_342, %sign3A_345 : i32
      %sign3A_347 = arith.constant 0 : i32
      %sign3A_348 = arith.cmpi sgt, %jit3A_338, %sign3A_347 : i32
      %sign3A_349 = arith.extui %sign3A_348 : i1 to i32
      %sign3A_350 = arith.constant 0 : i32
      %sign3A_351 = arith.cmpi slt, %jit3A_338, %sign3A_350 : i32
      %sign3A_352 = arith.extui %sign3A_351 : i1 to i32
      %sign3A_353 = arith.subi %sign3A_349, %sign3A_352 : i32
      %ne3A_354 = arith.cmpi ne, %sign3A_346, %sign3A_353 : i32
      %rem3A_355 = arith.remsi %add3A_337, %jit3A_338 : i32
      %ne3A_356 = arith.constant 0 : i32
      %ne3A_357 = arith.cmpi ne, %rem3A_355, %ne3A_356 : i32
      %and3A_358 = arith.andi %ne3A_354, %ne3A_357 : i1
      %sub3A_359 = arith.constant 1 : i32
      %sub3A_360 = arith.subi %div3A_339, %sub3A_359 : i32
      %select_n3A_361 = arith.select %and3A_358, %sub3A_360, %div3A_339 : i32
      %get3A_362 = arith.index_cast %select_n3A_361 : i32 to index
      %get3A_363 = tpu.vector_load %arg12[%get3A_362] {strides = array<i32>} : memref<2016xi32, #tpu.memory_space<vmem>>, vector<16xi32>,
      %slice3A_364 = vector.extract_strided_slice %get3A_363 {offsets = [0], sizes = [1], strides = [1]} : vector<16xi32> to vector<1xi32>
      %squeeze3A_365 = vector.extract %slice3A_364[0] : i32 from vector<1xi32>
      %lt3A_366 = arith.cmpi slt, %squeeze3A_365, %add3A_213 : i32
      %add3A_367 = arith.constant 1 : i32
      %add3A_368 = arith.addi %select_n3A_361, %add3A_367 : i32
      %select_n3A_369 = arith.select %lt3A_366, %add3A_368, %scan3A_335 : i32
      %select_n3A_370 = arith.select %lt3A_366, %scan3A_336, %select_n3A_361 : i32
      scf.yield %select_n3A_369, %select_n3A_370 : i32, i32
    }
    %scan3A_221 = arith.constant 11 : i32
    %add3A_222 = arith.addi %mul3A_211, %scan3A_220#0 : i32
    %jit3A = arith.constant 400 : i32
    %div3A = arith.divsi %add3A_209, %jit3A : i32
    %sign3A = arith.constant 0 : i32
    %sign3A_223 = arith.cmpi sgt, %add3A_209, %sign3A : i32
    %sign3A_224 = arith.extui %sign3A_223 : i1 to i32
    %sign3A_225 = arith.constant 0 : i32
    %sign3A_226 = arith.cmpi slt, %add3A_209, %sign3A_225 : i32
    %sign3A_227 = arith.extui %sign3A_226 : i1 to i32
    %sign3A_228 = arith.subi %sign3A_224, %sign3A_227 : i32
    %sign3A_229 = arith.constant 0 : i32
    %sign3A_230 = arith.cmpi sgt, %jit3A, %sign3A_229 : i32
    %sign3A_231 = arith.extui %sign3A_230 : i1 to i32
    %sign3A_232 = arith.constant 0 : i32
    %sign3A_233 = arith.cmpi slt, %jit3A, %sign3A_232 : i32
    %sign3A_234 = arith.extui %sign3A_233 : i1 to i32
    %sign3A_235 = arith.subi %sign3A_231, %sign3A_234 : i32
    %ne3A = arith.cmpi ne, %sign3A_228, %sign3A_235 : i32
    %rem3A = arith.remsi %add3A_209, %jit3A : i32
    %ne3A_236 = arith.constant 0 : i32
    %ne3A_237 = arith.cmpi ne, %rem3A, %ne3A_236 : i32
    %and3A = arith.andi %ne3A, %ne3A_237 : i1
    %sub3A_238 = arith.constant 1 : i32
    %sub3A_239 = arith.subi %div3A, %sub3A_238 : i32
    %select_n3A_240 = arith.select %and3A, %sub3A_239, %div3A : i32
    %mul3A_241 = arith.constant 400 : i32
    %mul3A_242 = arith.muli %select_n3A_240, %mul3A_241 : i32
    %sub3A_243 = arith.subi %add3A_222, %mul3A_242 : i32
    %add3A_244 = arith.constant 399 : i32
    %add3A_245 = arith.addi %sub3A_243, %add3A_244 : i32
    %jit3A_246 = arith.constant 400 : i32
    %div3A_247 = arith.divsi %add3A_245, %jit3A_246 : i32
    %sign3A_248 = arith.constant 0 : i32
    %sign3A_249 = arith.cmpi sgt, %add3A_245, %sign3A_248 : i32
    %sign3A_250 = arith.extui %sign3A_249 : i1 to i32
    %sign3A_251 = arith.constant 0 : i32
    %sign3A_252 = arith.cmpi slt, %add3A_245, %sign3A_251 : i32
    %sign3A_253 = arith.extui %sign3A_252 : i1 to i32
    %sign3A_254 = arith.subi %sign3A_250, %sign3A_253 : i32
    %sign3A_255 = arith.constant 0 : i32
    %sign3A_256 = arith.cmpi sgt, %jit3A_246, %sign3A_255 : i32
    %sign3A_257 = arith.extui %sign3A_256 : i1 to i32
    %sign3A_258 = arith.constant 0 : i32
    %sign3A_259 = arith.cmpi slt, %jit3A_246, %sign3A_258 : i32
    %sign3A_260 = arith.extui %sign3A_259 : i1 to i32
    %sign3A_261 = arith.subi %sign3A_257, %sign3A_260 : i32
    %ne3A_262 = arith.cmpi ne, %sign3A_254, %sign3A_261 : i32
    %rem3A_263 = arith.remsi %add3A_245, %jit3A_246 : i32
    %ne3A_264 = arith.constant 0 : i32
    %ne3A_265 = arith.cmpi ne, %rem3A_263, %ne3A_264 : i32
    %and3A_266 = arith.andi %ne3A_262, %ne3A_265 : i1
    %sub3A_267 = arith.constant 1 : i32
    %sub3A_268 = arith.subi %div3A_247, %sub3A_267 : i32
    %select_n3A_269 = arith.select %and3A_266, %sub3A_268, %div3A_247 : i32
    %iota3A_270 = tpu.iota {dimensions = array<i32: 0>} : vector<16xi32>
    %broadcast_in_dim3A_271 = arith.constant -3.40282347E+38 : f32
    %broadcast_in_dim3A_272 = vector.broadcast %broadcast_in_dim3A_271 : f32 to vector<16xf32>
    %broadcast_in_dim3A_273 = arith.constant -3.40282347E+38 : f32
    %broadcast_in_dim3A_274 = vector.broadcast %broadcast_in_dim3A_273 : f32 to vector<16xf32>
    %broadcast_in_dim3A_275 = arith.constant -3.40282347E+38 : f32
    %broadcast_in_dim3A_276 = vector.broadcast %broadcast_in_dim3A_275 : f32 to vector<16xf32>
    %broadcast_in_dim3A_277 = arith.constant -3.40282347E+38 : f32
    %broadcast_in_dim3A_278 = vector.broadcast %broadcast_in_dim3A_277 : f32 to vector<16xf32>
    %broadcast_in_dim3A_279 = arith.constant -3.40282347E+38 : f32
    %broadcast_in_dim3A_280 = vector.broadcast %broadcast_in_dim3A_279 : f32 to vector<16xf32>
    %broadcast_in_dim3A_281 = arith.constant -3.40282347E+38 : f32
    %broadcast_in_dim3A_282 = vector.broadcast %broadcast_in_dim3A_281 : f32 to vector<16xf32>
    %broadcast_in_dim3A_283 = arith.constant -3.40282347E+38 : f32
    %broadcast_in_dim3A_284 = vector.broadcast %broadcast_in_dim3A_283 : f32 to vector<16xf32>
    %broadcast_in_dim3A_285 = arith.constant -3.40282347E+38 : f32
    %broadcast_in_dim3A_286 = vector.broadcast %broadcast_in_dim3A_285 : f32 to vector<16xf32>
    %gt3A = arith.constant 0 : i32
    %gt3A_287 = arith.cmpi sgt, %select_n3A_269, %gt3A : i32
    %convert_element_type3A = arith.extui %gt3A_287 : i1 to i32
    %cond3A = arith.constant 0 : i32
    %cond3A_288 = arith.cmpi ne, %convert_element_type3A, %cond3A : i32
    scf.if %cond3A_288 {
      %add3A_334 = arith.constant 0 : i32
      %add3A_335 = arith.addi %mul3A_242, %add3A_334 : i32
      %dma_start3A_336 = arith.constant 0 : i32
      %dma_start3A_337 = tpu.memref_slice %arg2[%add3A_335, %dma_start3A_336] : memref<100000x128xf32, #tpu.memory_space<hbm>> -> memref<400x128xf32, #tpu.memory_space<hbm>>
      %dma_start3A_338 = arith.constant 0 : i32
      %dma_start3A_339 = tpu.memref_slice %arg2[%add3A_335, %dma_start3A_338] : memref<100000x128xf32, #tpu.memory_space<hbm>> -> memref<400x128xf32, #tpu.memory_space<hbm>>
      tpu.enqueue_dma source(%dma_start3A_339 : memref<400x128xf32, #tpu.memory_space<hbm>>) target(%arg5 : memref<400x128xf32, #tpu.memory_space<vmem>>) target_semaphore(%arg14 : memref<!tpu.dma_semaphore, #tpu.memory_space<semaphore_mem>>)
      %dma_start3A_340 = arith.constant 0 : i32
      %dma_start3A_341 = tpu.memref_slice %arg7[%dma_start3A_340] : memref<416xi32, #tpu.memory_space<vmem>> -> memref<400xi32, #tpu.memory_space<vmem>>
      %dma_start3A_342 = tpu.memref_slice %arg3[%add3A_335] : memref<100000xi32, #tpu.memory_space<hbm>> -> memref<400xi32, #tpu.memory_space<hbm>>
      %dma_start3A_343 = arith.constant 0 : i32
      %dma_start3A_344 = tpu.memref_slice %arg7[%dma_start3A_343] : memref<416xi32, #tpu.memory_space<vmem>> -> memref<400xi32, #tpu.memory_space<vmem>>
      %dma_start3A_345 = tpu.memref_slice %arg3[%add3A_335] : memref<100000xi32, #tpu.memory_space<hbm>> -> memref<400xi32, #tpu.memory_space<hbm>>
      tpu.enqueue_dma source(%dma_start3A_345 : memref<400xi32, #tpu.memory_space<hbm>>) target(%dma_start3A_344 : memref<400xi32, #tpu.memory_space<vmem>>) target_semaphore(%arg14 : memref<!tpu.dma_semaphore, #tpu.memory_space<semaphore_mem>>)
    } else {
    }
    %add3A_289 = arith.constant 2 : i32
    %add3A_290 = arith.addi %select_n3A_269, %add3A_289 : i32
    %sub3A_291 = arith.constant 1 : i32
    %sub3A_292 = arith.subi %add3A_290, %sub3A_291 : i32
    %jit3A_293 = arith.constant 2 : i32
    %div3A_294 = arith.divsi %sub3A_292, %jit3A_293 : i32
    %sign3A_295 = arith.constant 0 : i32
    %sign3A_296 = arith.cmpi sgt, %sub3A_292, %sign3A_295 : i32
    %sign3A_297 = arith.extui %sign3A_296 : i1 to i32
    %sign3A_298 = arith.constant 0 : i32
    %sign3A_299 = arith.cmpi slt, %sub3A_292, %sign3A_298 : i32
    %sign3A_300 = arith.extui %sign3A_299 : i1 to i32
    %sign3A_301 = arith.subi %sign3A_297, %sign3A_300 : i32
    %sign3A_302 = arith.constant 0 : i32
    %sign3A_303 = arith.cmpi sgt, %jit3A_293, %sign3A_302 : i32
    %sign3A_304 = arith.extui %sign3A_303 : i1 to i32
    %sign3A_305 = arith.constant 0 : i32
    %sign3A_306 = arith.cmpi slt, %jit3A_293, %sign3A_305 : i32
    %sign3A_307 = arith.extui %sign3A_306 : i1 to i32
    %sign3A_308 = arith.subi %sign3A_304, %sign3A_307 : i32
    %ne3A_309 = arith.cmpi ne, %sign3A_301, %sign3A_308 : i32
    %rem3A_310 = arith.remsi %sub3A_292, %jit3A_293 : i32
    %ne3A_311 = arith.constant 0 : i32
    %ne3A_312 = arith.cmpi ne, %rem3A_310, %ne3A_311 : i32
    %and3A_313 = arith.andi %ne3A_309, %ne3A_312 : i1
    %sub3A_314 = arith.constant 1 : i32
    %sub3A_315 = arith.subi %div3A_294, %sub3A_314 : i32
    %select_n3A_316 = arith.select %and3A_313, %sub3A_315, %div3A_294 : i32
    %while3A = arith.constant 0 : i32
    %while3A_317 = arith.constant -1 : i32
    %while3A_318 = arith.constant 0 : i32
    %while3A_319 = arith.subi %select_n3A_316, %while3A : i32
    %while3A_320 = arith.addi %while3A, %while3A_319 : i32
    %while3A_321 = arith.constant 1 : i32
    %while3A_322 = arith.divsi %while3A_319, %while3A_321 : i32
    %while3A_323 = arith.muli %while3A_322, %while3A_321 : i32
    %while3A_324 = arith.addi %while3A, %while3A_323 : i32
    %while3A_325 = arith.constant 1 : i32
    %while3A_326:18 = scf.for %while3A_334 = %while3A to %while3A_324 step %while3A_325 iter_args(%while3A_335 = %while3A_317, %while3A_336 = %while3A_318, %while3A_337 = %broadcast_in_dim3A_3, %while3A_338 = %broadcast_in_dim3A_3, %while3A_339 = %broadcast_in_dim3A_3, %while3A_340 = %broadcast_in_dim3A_3, %while3A_341 = %broadcast_in_dim3A_3, %while3A_342 = %broadcast_in_dim3A_3, %while3A_343 = %broadcast_in_dim3A_3, %while3A_344 = %broadcast_in_dim3A_3, %while3A_345 = %broadcast_in_dim3A_272, %while3A_346 = %broadcast_in_dim3A_274, %while3A_347 = %broadcast_in_dim3A_276, %while3A_348 = %broadcast_in_dim3A_278, %while3A_349 = %broadcast_in_dim3A_280, %while3A_350 = %broadcast_in_dim3A_282, %while3A_351 = %broadcast_in_dim3A_284, %while3A_352 = %broadcast_in_dim3A_286) -> (i32, i32, vector<16xf32>, vector<16xf32>, vector<16xf32>, vector<16xf32>, vector<16xf32>, vector<16xf32>, vector<16xf32>, vector<16xf32>, vector<16xf32>, vector<16xf32>, vector<16xf32>, vector<16xf32>, vector<16xf32>, vector<16xf32>, vector<16xf32>, vector<16xf32>)  : i32 {
      %mul3A_353 = arith.constant 2 : i32
      %mul3A_354 = arith.muli %mul3A_353, %while3A_334 : i32
      %add3A_355 = arith.constant 0 : i32
      %add3A_356 = arith.addi %mul3A_354, %add3A_355 : i32
      %mul3A_357 = arith.constant 400 : i32
      %mul3A_358 = arith.muli %add3A_356, %mul3A_357 : i32
      %add3A_359 = arith.addi %mul3A_242, %mul3A_358 : i32
      %add3A_360 = arith.constant 1 : i32
      %add3A_361 = arith.addi %add3A_356, %add3A_360 : i32
      %lt3A_362 = arith.cmpi slt, %add3A_361, %select_n3A_269 : i32
      %convert_element_type3A_363 = arith.extui %lt3A_362 : i1 to i32
      %cond3A_364 = arith.constant 0 : i32
      %cond3A_365 = arith.cmpi ne, %convert_element_type3A_363, %cond3A_364 : i32
      scf.if %cond3A_365 {
        %mul3A_409 = arith.constant 400 : i32
        %mul3A_410 = arith.muli %add3A_361, %mul3A_409 : i32
        %add3A_411 = arith.addi %mul3A_242, %mul3A_410 : i32
        %dma_start3A_412 = arith.constant 0 : i32
        %dma_start3A_413 = tpu.memref_slice %arg2[%add3A_411, %dma_start3A_412] : memref<100000x128xf32, #tpu.memory_space<hbm>> -> memref<400x128xf32, #tpu.memory_space<hbm>>
        %dma_start3A_414 = arith.constant 0 : i32
        %dma_start3A_415 = tpu.memref_slice %arg2[%add3A_411, %dma_start3A_414] : memref<100000x128xf32, #tpu.memory_space<hbm>> -> memref<400x128xf32, #tpu.memory_space<hbm>>
        tpu.enqueue_dma source(%dma_start3A_415 : memref<400x128xf32, #tpu.memory_space<hbm>>) target(%arg6 : memref<400x128xf32, #tpu.memory_space<vmem>>) target_semaphore(%arg15 : memref<!tpu.dma_semaphore, #tpu.memory_space<semaphore_mem>>)
        %dma_start3A_416 = arith.constant 0 : i32
        %dma_start3A_417 = tpu.memref_slice %arg8[%dma_start3A_416] : memref<416xi32, #tpu.memory_space<vmem>> -> memref<400xi32, #tpu.memory_space<vmem>>
        %dma_start3A_418 = tpu.memref_slice %arg3[%add3A_411] : memref<100000xi32, #tpu.memory_space<hbm>> -> memref<400xi32, #tpu.memory_space<hbm>>
        %dma_start3A_419 = arith.constant 0 : i32
        %dma_start3A_420 = tpu.memref_slice %arg8[%dma_start3A_419] : memref<416xi32, #tpu.memory_space<vmem>> -> memref<400xi32, #tpu.memory_space<vmem>>
        %dma_start3A_421 = tpu.memref_slice %arg3[%add3A_411] : memref<100000xi32, #tpu.memory_space<hbm>> -> memref<400xi32, #tpu.memory_space<hbm>>
        tpu.enqueue_dma source(%dma_start3A_421 : memref<400xi32, #tpu.memory_space<hbm>>) target(%dma_start3A_420 : memref<400xi32, #tpu.memory_space<vmem>>) target_semaphore(%arg15 : memref<!tpu.dma_semaphore, #tpu.memory_space<semaphore_mem>>)
      } else {
      }
      %lt3A_366 = arith.cmpi slt, %add3A_356, %select_n3A_269 : i32
      %convert_element_type3A_367 = arith.extui %lt3A_366 : i1 to i32
      %cond3A_368 = arith.constant 0 : i32
      %cond3A_369 = arith.cmpi ne, %convert_element_type3A_367, %cond3A_368 : i32
      scf.if %cond3A_369 {
        %dma_wait3A_409 = arith.constant 0 : i32
        %dma_wait3A_410 = arith.constant 0 : i32
        %dma_wait3A_411 = tpu.memref_slice %arg2[%dma_wait3A_409, %dma_wait3A_410] : memref<100000x128xf32, #tpu.memory_space<hbm>> -> memref<400x128xf32, #tpu.memory_space<hbm>>
        %dma_wait3A_412 = arith.constant 0 : i32
        %dma_wait3A_413 = arith.constant 0 : i32
        %dma_wait3A_414 = tpu.memref_slice %arg2[%dma_wait3A_412, %dma_wait3A_413] : memref<100000x128xf32, #tpu.memory_space<hbm>> -> memref<400x128xf32, #tpu.memory_space<hbm>>
        tpu.wait_dma2 semaphore(%arg14 : memref<!tpu.dma_semaphore, #tpu.memory_space<semaphore_mem>>) src(%dma_wait3A_414 : memref<400x128xf32, #tpu.memory_space<hbm>>) dst(%arg5 : memref<400x128xf32, #tpu.memory_space<vmem>>)
        %dma_wait3A_415 = arith.constant 0 : i32
        %dma_wait3A_416 = tpu.memref_slice %arg7[%dma_wait3A_415] : memref<416xi32, #tpu.memory_space<vmem>> -> memref<400xi32, #tpu.memory_space<vmem>>
        %dma_wait3A_417 = arith.constant 0 : i32
        %dma_wait3A_418 = tpu.memref_slice %arg3[%dma_wait3A_417] : memref<100000xi32, #tpu.memory_space<hbm>> -> memref<400xi32, #tpu.memory_space<hbm>>
        %dma_wait3A_419 = arith.constant 0 : i32
        %dma_wait3A_420 = tpu.memref_slice %arg7[%dma_wait3A_419] : memref<416xi32, #tpu.memory_space<vmem>> -> memref<400xi32, #tpu.memory_space<vmem>>
        %dma_wait3A_421 = arith.constant 0 : i32
        %dma_wait3A_422 = tpu.memref_slice %arg3[%dma_wait3A_421] : memref<100000xi32, #tpu.memory_space<hbm>> -> memref<400xi32, #tpu.memory_space<hbm>>
        tpu.wait_dma2 semaphore(%arg14 : memref<!tpu.dma_semaphore, #tpu.memory_space<semaphore_mem>>) src(%dma_wait3A_422 : memref<400xi32, #tpu.memory_space<hbm>>) dst(%dma_wait3A_420 : memref<400xi32, #tpu.memory_space<vmem>>)
      } else {
      }
      %sub3A_370 = arith.subi %add3A_209, %add3A_359 : i32
      %max3A_371 = arith.constant 0 : i32
      %max3A_372 = arith.maxsi %sub3A_370, %max3A_371 : i32
      %min3A_373 = arith.constant 400 : i32
      %min3A_374 = arith.minsi %max3A_372, %min3A_373 : i32
      %sub3A_375 = arith.subi %add3A_222, %add3A_359 : i32
      %max3A_376 = arith.constant 0 : i32
      %max3A_377 = arith.maxsi %sub3A_375, %max3A_376 : i32
      %min3A_378 = arith.constant 400 : i32
      %min3A_379 = arith.minsi %max3A_377, %min3A_378 : i32
      %while3A_380:19 = scf.while (%while3A_409 = %min3A_374, %while3A_410 = %while3A_335, %while3A_411 = %while3A_336, %while3A_412 = %while3A_337, %while3A_413 = %while3A_338, %while3A_414 = %while3A_339, %while3A_415 = %while3A_340, %while3A_416 = %while3A_341, %while3A_417 = %while3A_342, %while3A_418 = %while3A_343, %while3A_419 = %while3A_344, %while3A_420 = %while3A_345, %while3A_421 = %while3A_346, %while3A_422 = %while3A_347, %while3A_423 = %while3A_348, %while3A_424 = %while3A_349, %while3A_425 = %while3A_350, %while3A_426 = %while3A_351, %while3A_427 = %while3A_352) : (i32, i32, i32, vector<16xf32>, vector<16xf32>, vector<16xf32>, vector<16xf32>, vector<16xf32>, vector<16xf32>, vector<16xf32>, vector<16xf32>, vector<16xf32>, vector<16xf32>, vector<16xf32>, vector<16xf32>, vector<16xf32>, vector<16xf32>, vector<16xf32>, vector<16xf32>) -> (i32, i32, i32, vector<16xf32>, vector<16xf32>, vector<16xf32>, vector<16xf32>, vector<16xf32>, vector<16xf32>, vector<16xf32>, vector<16xf32>, vector<16xf32>, vector<16xf32>, vector<16xf32>, vector<16xf32>, vector<16xf32>, vector<16xf32>, vector<16xf32>, vector<16xf32>) {
        %lt3A_428 = arith.cmpi slt, %while3A_409, %min3A_379 : i32
        scf.condition(%lt3A_428) %while3A_409, %while3A_410, %while3A_411, %while3A_412, %while3A_413, %while3A_414, %while3A_415, %while3A_416, %while3A_417, %while3A_418, %while3A_419, %while3A_420, %while3A_421, %while3A_422, %while3A_423, %while3A_424, %while3A_425, %while3A_426, %while3A_427 : i32, i32, i32, vector<16xf32>, vector<16xf32>, vector<16xf32>, vector<16xf32>, vector<16xf32>, vector<16xf32>, vector<16xf32>, vector<16xf32>, vector<16xf32>, vector<16xf32>, vector<16xf32>, vector<16xf32>, vector<16xf32>, vector<16xf32>, vector<16xf32>, vector<16xf32>
      } do {
      ^bb0(%while3A_409: i32, %while3A_410: i32, %while3A_411: i32, %while3A_412: vector<16xf32>, %while3A_413: vector<16xf32>, %while3A_414: vector<16xf32>, %while3A_415: vector<16xf32>, %while3A_416: vector<16xf32>, %while3A_417: vector<16xf32>, %while3A_418: vector<16xf32>, %while3A_419: vector<16xf32>, %while3A_420: vector<16xf32>, %while3A_421: vector<16xf32>, %while3A_422: vector<16xf32>, %while3A_423: vector<16xf32>, %while3A_424: vector<16xf32>, %while3A_425: vector<16xf32>, %while3A_426: vector<16xf32>, %while3A_427: vector<16xf32>):
        %get3A_428 = arith.index_cast %while3A_409 : i32 to index
        %get3A_429 = tpu.vector_load %arg7[%get3A_428] {strides = array<i32>} : memref<416xi32, #tpu.memory_space<vmem>>, vector<16xi32>,
        %slice3A_430 = vector.extract_strided_slice %get3A_429 {offsets = [0], sizes = [1], strides = [1]} : vector<16xi32> to vector<1xi32>
        %squeeze3A_431 = vector.extract %slice3A_430[0] : i32 from vector<1xi32>
        %ne3A_432 = arith.cmpi ne, %squeeze3A_431, %while3A_410 : i32
        %gt3A_433 = arith.constant 0 : i32
        %gt3A_434 = arith.cmpi sgt, %while3A_411, %gt3A_433 : i32
        %and3A_435 = arith.andi %ne3A_432, %gt3A_434 : i1
        %convert_element_type3A_436 = arith.extui %and3A_435 : i1 to i32
        %cond3A_437 = arith.constant 0 : i32
        %cond3A_438 = arith.cmpi ne, %convert_element_type3A_436, %cond3A_437 : i32
        scf.if %cond3A_438 {
          %sub3A_530 = arith.subi %while3A_410, %mul3A_2 : i32
          %broadcast_in_dim3A_531 = vector.broadcast %while3A_411 : i32 to vector<16xi32>
          %convert_element_type3A_532 = arith.sitofp %broadcast_in_dim3A_531 : vector<16xi32> to vector<16xf32>
          %div3A_533 = arith.constant 1.000000e+00 : f32
          %div3A_534 = vector.broadcast %div3A_533 : f32 to vector<16xf32>
          %div3A_535 = arith.divf %div3A_534, %convert_element_type3A_532 : vector<16xf32>
          %mul3A_536 = arith.mulf %while3A_412, %div3A_535 : vector<16xf32>
          %swap3A_537 = arith.index_cast %sub3A_530 : i32 to index
          %swap3A_538 = arith.constant 0 : index
          %swap3A_539 = tpu.vector_load %arg13[%swap3A_537, %swap3A_538] {strides = array<i32>} : memref<32x384xf32, #tpu.memory_space<vmem>>, vector<16xf32>,
          tpu.vector_store %arg13[%swap3A_537, %swap3A_538], %mul3A_536 {strides = array<i32>} : memref<32x384xf32, #tpu.memory_space<vmem>>, vector<16xf32>,
          %swap3A_540 = arith.index_cast %sub3A_530 : i32 to index
          %swap3A_541 = arith.constant 128 : index
          %swap3A_542 = tpu.vector_load %arg13[%swap3A_540, %swap3A_541] {strides = array<i32>} : memref<32x384xf32, #tpu.memory_space<vmem>>, vector<16xf32>,
          tpu.vector_store %arg13[%swap3A_540, %swap3A_541], %while3A_420 {strides = array<i32>} : memref<32x384xf32, #tpu.memory_space<vmem>>, vector<16xf32>,
          %swap3A_543 = arith.index_cast %sub3A_530 : i32 to index
          %swap3A_544 = arith.constant 256 : index
          %swap3A_545 = tpu.vector_load %arg13[%swap3A_543, %swap3A_544] {strides = array<i32>} : memref<32x384xf32, #tpu.memory_space<vmem>>, vector<16xf32>,
          tpu.vector_store %arg13[%swap3A_543, %swap3A_544], %while3A_412 {strides = array<i32>} : memref<32x384xf32, #tpu.memory_space<vmem>>, vector<16xf32>,
          %mul3A_546 = arith.mulf %while3A_413, %div3A_535 : vector<16xf32>
          %swap3A_547 = arith.index_cast %sub3A_530 : i32 to index
          %swap3A_548 = arith.constant 16 : index
          %swap3A_549 = tpu.vector_load %arg13[%swap3A_547, %swap3A_548] {strides = array<i32>} : memref<32x384xf32, #tpu.memory_space<vmem>>, vector<16xf32>,
          tpu.vector_store %arg13[%swap3A_547, %swap3A_548], %mul3A_546 {strides = array<i32>} : memref<32x384xf32, #tpu.memory_space<vmem>>, vector<16xf32>,
          %swap3A_550 = arith.index_cast %sub3A_530 : i32 to index
          %swap3A_551 = arith.constant 144 : index
          %swap3A_552 = tpu.vector_load %arg13[%swap3A_550, %swap3A_551] {strides = array<i32>} : memref<32x384xf32, #tpu.memory_space<vmem>>, vector<16xf32>,
          tpu.vector_store %arg13[%swap3A_550, %swap3A_551], %while3A_421 {strides = array<i32>} : memref<32x384xf32, #tpu.memory_space<vmem>>, vector<16xf32>,
          %swap3A_553 = arith.index_cast %sub3A_530 : i32 to index
          %swap3A_554 = arith.constant 272 : index
          %swap3A_555 = tpu.vector_load %arg13[%swap3A_553, %swap3A_554] {strides = array<i32>} : memref<32x384xf32, #tpu.memory_space<vmem>>, vector<16xf32>,
          tpu.vector_store %arg13[%swap3A_553, %swap3A_554], %while3A_413 {strides = array<i32>} : memref<32x384xf32, #tpu.memory_space<vmem>>, vector<16xf32>,
          %mul3A_556 = arith.mulf %while3A_414, %div3A_535 : vector<16xf32>
          %swap3A_557 = arith.index_cast %sub3A_530 : i32 to index
          %swap3A_558 = arith.constant 32 : index
          %swap3A_559 = tpu.vector_load %arg13[%swap3A_557, %swap3A_558] {strides = array<i32>} : memref<32x384xf32, #tpu.memory_space<vmem>>, vector<16xf32>,
          tpu.vector_store %arg13[%swap3A_557, %swap3A_558], %mul3A_556 {strides = array<i32>} : memref<32x384xf32, #tpu.memory_space<vmem>>, vector<16xf32>,
          %swap3A_560 = arith.index_cast %sub3A_530 : i32 to index
          %swap3A_561 = arith.constant 160 : index
          %swap3A_562 = tpu.vector_load %arg13[%swap3A_560, %swap3A_561] {strides = array<i32>} : memref<32x384xf32, #tpu.memory_space<vmem>>, vector<16xf32>,
          tpu.vector_store %arg13[%swap3A_560, %swap3A_561], %while3A_422 {strides = array<i32>} : memref<32x384xf32, #tpu.memory_space<vmem>>, vector<16xf32>,
          %swap3A_563 = arith.index_cast %sub3A_530 : i32 to index
          %swap3A_564 = arith.constant 288 : index
          %swap3A_565 = tpu.vector_load %arg13[%swap3A_563, %swap3A_564] {strides = array<i32>} : memref<32x384xf32, #tpu.memory_space<vmem>>, vector<16xf32>,
          tpu.vector_store %arg13[%swap3A_563, %swap3A_564], %while3A_414 {strides = array<i32>} : memref<32x384xf32, #tpu.memory_space<vmem>>, vector<16xf32>,
          %mul3A_566 = arith.mulf %while3A_415, %div3A_535 : vector<16xf32>
          %swap3A_567 = arith.index_cast %sub3A_530 : i32 to index
          %swap3A_568 = arith.constant 48 : index
          %swap3A_569 = tpu.vector_load %arg13[%swap3A_567, %swap3A_568] {strides = array<i32>} : memref<32x384xf32, #tpu.memory_space<vmem>>, vector<16xf32>,
          tpu.vector_store %arg13[%swap3A_567, %swap3A_568], %mul3A_566 {strides = array<i32>} : memref<32x384xf32, #tpu.memory_space<vmem>>, vector<16xf32>,
          %swap3A_570 = arith.index_cast %sub3A_530 : i32 to index
          %swap3A_571 = arith.constant 176 : index
          %swap3A_572 = tpu.vector_load %arg13[%swap3A_570, %swap3A_571] {strides = array<i32>} : memref<32x384xf32, #tpu.memory_space<vmem>>, vector<16xf32>,
          tpu.vector_store %arg13[%swap3A_570, %swap3A_571], %while3A_423 {strides = array<i32>} : memref<32x384xf32, #tpu.memory_space<vmem>>, vector<16xf32>,
          %swap3A_573 = arith.index_cast %sub3A_530 : i32 to index
          %swap3A_574 = arith.constant 304 : index
          %swap3A_575 = tpu.vector_load %arg13[%swap3A_573, %swap3A_574] {strides = array<i32>} : memref<32x384xf32, #tpu.memory_space<vmem>>, vector<16xf32>,
          tpu.vector_store %arg13[%swap3A_573, %swap3A_574], %while3A_415 {strides = array<i32>} : memref<32x384xf32, #tpu.memory_space<vmem>>, vector<16xf32>,
          %mul3A_576 = arith.mulf %while3A_416, %div3A_535 : vector<16xf32>
          %swap3A_577 = arith.index_cast %sub3A_530 : i32 to index
          %swap3A_578 = arith.constant 64 : index
          %swap3A_579 = tpu.vector_load %arg13[%swap3A_577, %swap3A_578] {strides = array<i32>} : memref<32x384xf32, #tpu.memory_space<vmem>>, vector<16xf32>,
          tpu.vector_store %arg13[%swap3A_577, %swap3A_578], %mul3A_576 {strides = array<i32>} : memref<32x384xf32, #tpu.memory_space<vmem>>, vector<16xf32>,
          %swap3A_580 = arith.index_cast %sub3A_530 : i32 to index
          %swap3A_581 = arith.constant 192 : index
          %swap3A_582 = tpu.vector_load %arg13[%swap3A_580, %swap3A_581] {strides = array<i32>} : memref<32x384xf32, #tpu.memory_space<vmem>>, vector<16xf32>,
          tpu.vector_store %arg13[%swap3A_580, %swap3A_581], %while3A_424 {strides = array<i32>} : memref<32x384xf32, #tpu.memory_space<vmem>>, vector<16xf32>,
          %swap3A_583 = arith.index_cast %sub3A_530 : i32 to index
          %swap3A_584 = arith.constant 320 : index
          %swap3A_585 = tpu.vector_load %arg13[%swap3A_583, %swap3A_584] {strides = array<i32>} : memref<32x384xf32, #tpu.memory_space<vmem>>, vector<16xf32>,
          tpu.vector_store %arg13[%swap3A_583, %swap3A_584], %while3A_416 {strides = array<i32>} : memref<32x384xf32, #tpu.memory_space<vmem>>, vector<16xf32>,
          %mul3A_586 = arith.mulf %while3A_417, %div3A_535 : vector<16xf32>
          %swap3A_587 = arith.index_cast %sub3A_530 : i32 to index
          %swap3A_588 = arith.constant 80 : index
          %swap3A_589 = tpu.vector_load %arg13[%swap3A_587, %swap3A_588] {strides = array<i32>} : memref<32x384xf32, #tpu.memory_space<vmem>>, vector<16xf32>,
          tpu.vector_store %arg13[%swap3A_587, %swap3A_588], %mul3A_586 {strides = array<i32>} : memref<32x384xf32, #tpu.memory_space<vmem>>, vector<16xf32>,
          %swap3A_590 = arith.index_cast %sub3A_530 : i32 to index
          %swap3A_591 = arith.constant 208 : index
          %swap3A_592 = tpu.vector_load %arg13[%swap3A_590, %swap3A_591] {strides = array<i32>} : memref<32x384xf32, #tpu.memory_space<vmem>>, vector<16xf32>,
          tpu.vector_store %arg13[%swap3A_590, %swap3A_591], %while3A_425 {strides = array<i32>} : memref<32x384xf32, #tpu.memory_space<vmem>>, vector<16xf32>,
          %swap3A_593 = arith.index_cast %sub3A_530 : i32 to index
          %swap3A_594 = arith.constant 336 : index
          %swap3A_595 = tpu.vector_load %arg13[%swap3A_593, %swap3A_594] {strides = array<i32>} : memref<32x384xf32, #tpu.memory_space<vmem>>, vector<16xf32>,
          tpu.vector_store %arg13[%swap3A_593, %swap3A_594], %while3A_417 {strides = array<i32>} : memref<32x384xf32, #tpu.memory_space<vmem>>, vector<16xf32>,
          %mul3A_596 = arith.mulf %while3A_418, %div3A_535 : vector<16xf32>
          %swap3A_597 = arith.index_cast %sub3A_530 : i32 to index
          %swap3A_598 = arith.constant 96 : index
          %swap3A_599 = tpu.vector_load %arg13[%swap3A_597, %swap3A_598] {strides = array<i32>} : memref<32x384xf32, #tpu.memory_space<vmem>>, vector<16xf32>,
          tpu.vector_store %arg13[%swap3A_597, %swap3A_598], %mul3A_596 {strides = array<i32>} : memref<32x384xf32, #tpu.memory_space<vmem>>, vector<16xf32>,
          %swap3A_600 = arith.index_cast %sub3A_530 : i32 to index
          %swap3A_601 = arith.constant 224 : index
          %swap3A_602 = tpu.vector_load %arg13[%swap3A_600, %swap3A_601] {strides = array<i32>} : memref<32x384xf32, #tpu.memory_space<vmem>>, vector<16xf32>,
          tpu.vector_store %arg13[%swap3A_600, %swap3A_601], %while3A_426 {strides = array<i32>} : memref<32x384xf32, #tpu.memory_space<vmem>>, vector<16xf32>,
          %swap3A_603 = arith.index_cast %sub3A_530 : i32 to index
          %swap3A_604 = arith.constant 352 : index
          %swap3A_605 = tpu.vector_load %arg13[%swap3A_603, %swap3A_604] {strides = array<i32>} : memref<32x384xf32, #tpu.memory_space<vmem>>, vector<16xf32>,
          tpu.vector_store %arg13[%swap3A_603, %swap3A_604], %while3A_418 {strides = array<i32>} : memref<32x384xf32, #tpu.memory_space<vmem>>, vector<16xf32>,
          %mul3A_606 = arith.mulf %while3A_419, %div3A_535 : vector<16xf32>
          %swap3A_607 = arith.index_cast %sub3A_530 : i32 to index
          %swap3A_608 = arith.constant 112 : index
          %swap3A_609 = tpu.vector_load %arg13[%swap3A_607, %swap3A_608] {strides = array<i32>} : memref<32x384xf32, #tpu.memory_space<vmem>>, vector<16xf32>,
          tpu.vector_store %arg13[%swap3A_607, %swap3A_608], %mul3A_606 {strides = array<i32>} : memref<32x384xf32, #tpu.memory_space<vmem>>, vector<16xf32>,
          %swap3A_610 = arith.index_cast %sub3A_530 : i32 to index
          %swap3A_611 = arith.constant 240 : index
          %swap3A_612 = tpu.vector_load %arg13[%swap3A_610, %swap3A_611] {strides = array<i32>} : memref<32x384xf32, #tpu.memory_space<vmem>>, vector<16xf32>,
          tpu.vector_store %arg13[%swap3A_610, %swap3A_611], %while3A_427 {strides = array<i32>} : memref<32x384xf32, #tpu.memory_space<vmem>>, vector<16xf32>,
          %swap3A_613 = arith.index_cast %sub3A_530 : i32 to index
          %swap3A_614 = arith.constant 368 : index
          %swap3A_615 = tpu.vector_load %arg13[%swap3A_613, %swap3A_614] {strides = array<i32>} : memref<32x384xf32, #tpu.memory_space<vmem>>, vector<16xf32>,
          tpu.vector_store %arg13[%swap3A_613, %swap3A_614], %while3A_419 {strides = array<i32>} : memref<32x384xf32, #tpu.memory_space<vmem>>, vector<16xf32>,
        } else {
        }
        %select_n3A_439 = arith.select %ne3A_432, %broadcast_in_dim3A_3, %while3A_412 : vector<16xf32>
        %select_n3A_440 = arith.select %ne3A_432, %broadcast_in_dim3A_3, %while3A_413 : vector<16xf32>
        %select_n3A_441 = arith.select %ne3A_432, %broadcast_in_dim3A_3, %while3A_414 : vector<16xf32>
        %select_n3A_442 = arith.select %ne3A_432, %broadcast_in_dim3A_3, %while3A_415 : vector<16xf32>
        %select_n3A_443 = arith.select %ne3A_432, %broadcast_in_dim3A_3, %while3A_416 : vector<16xf32>
        %select_n3A_444 = arith.select %ne3A_432, %broadcast_in_dim3A_3, %while3A_417 : vector<16xf32>
        %select_n3A_445 = arith.select %ne3A_432, %broadcast_in_dim3A_3, %while3A_418 : vector<16xf32>
        %select_n3A_446 = arith.select %ne3A_432, %broadcast_in_dim3A_3, %while3A_419 : vector<16xf32>
        %jit3A_447 = arith.constant -3.40282347E+38 : f32
        %broadcast_in_dim3A_448 = vector.broadcast %jit3A_447 : f32 to vector<16xf32>
        %select_n3A_449 = arith.select %ne3A_432, %broadcast_in_dim3A_448, %while3A_420 : vector<16xf32>
        %jit3A_450 = arith.constant -3.40282347E+38 : f32
        %broadcast_in_dim3A_451 = vector.broadcast %jit3A_450 : f32 to vector<16xf32>
        %select_n3A_452 = arith.select %ne3A_432, %broadcast_in_dim3A_451, %while3A_421 : vector<16xf32>
        %jit3A_453 = arith.constant -3.40282347E+38 : f32
        %broadcast_in_dim3A_454 = vector.broadcast %jit3A_453 : f32 to vector<16xf32>
        %select_n3A_455 = arith.select %ne3A_432, %broadcast_in_dim3A_454, %while3A_422 : vector<16xf32>
        %jit3A_456 = arith.constant -3.40282347E+38 : f32
        %broadcast_in_dim3A_457 = vector.broadcast %jit3A_456 : f32 to vector<16xf32>
        %select_n3A_458 = arith.select %ne3A_432, %broadcast_in_dim3A_457, %while3A_423 : vector<16xf32>
        %jit3A_459 = arith.constant -3.40282347E+38 : f32
        %broadcast_in_dim3A_460 = vector.broadcast %jit3A_459 : f32 to vector<16xf32>
        %select_n3A_461 = arith.select %ne3A_432, %broadcast_in_dim3A_460, %while3A_424 : vector<16xf32>
        %jit3A_462 = arith.constant -3.40282347E+38 : f32
        %broadcast_in_dim3A_463 = vector.broadcast %jit3A_462 : f32 to vector<16xf32>
        %select_n3A_464 = arith.select %ne3A_432, %broadcast_in_dim3A_463, %while3A_425 : vector<16xf32>
        %jit3A_465 = arith.constant -3.40282347E+38 : f32
        %broadcast_in_dim3A_466 = vector.broadcast %jit3A_465 : f32 to vector<16xf32>
        %select_n3A_467 = arith.select %ne3A_432, %broadcast_in_dim3A_466, %while3A_426 : vector<16xf32>
        %jit3A_468 = arith.constant -3.40282347E+38 : f32
        %broadcast_in_dim3A_469 = vector.broadcast %jit3A_468 : f32 to vector<16xf32>
        %select_n3A_470 = arith.select %ne3A_432, %broadcast_in_dim3A_469, %while3A_427 : vector<16xf32>
        %jit3A_471 = arith.constant 0 : i32
        %select_n3A_472 = arith.select %ne3A_432, %jit3A_471, %while3A_411 : i32
        %broadcast_in_dim3A_473 = vector.broadcast %squeeze3A_431 : i32 to vector<16xi32>
        %while3A_474 = arith.constant -1 : i32
        %while3A_475:2 = scf.while (%while3A_530 = %while3A_409, %while3A_531 = %while3A_474) : (i32, i32) -> (i32, i32) {
          %lt3A_532 = arith.constant 0 : i32
          %lt3A_533 = arith.cmpi slt, %while3A_531, %lt3A_532 : i32
          %lt3A_534 = arith.cmpi slt, %while3A_530, %min3A_379 : i32
          %and3A_535 = arith.andi %lt3A_533, %lt3A_534 : i1
          scf.condition(%and3A_535) %while3A_530, %while3A_531 : i32, i32
        } do {
        ^bb0(%while3A_530: i32, %while3A_531: i32):
          %get3A_532 = arith.index_cast %while3A_530 : i32 to index
          %get3A_533 = tpu.vector_load %arg7[%get3A_532] {strides = array<i32>} : memref<416xi32, #tpu.memory_space<vmem>>, vector<16xi32>,
          %ne3A_534 = arith.cmpi ne, %get3A_533, %broadcast_in_dim3A_473 : vector<16xi32>
          %add3A_535 = vector.broadcast %while3A_530 : i32 to vector<16xi32>
          %add3A_536 = arith.addi %iota3A_270, %add3A_535 : vector<16xi32>
          %ge3A = vector.broadcast %min3A_379 : i32 to vector<16xi32>
          %ge3A_537 = arith.cmpi sge, %add3A_536, %ge3A : vector<16xi32>
          %or3A = arith.ori %ne3A_534, %ge3A_537 : vector<16xi1>
          %all_reduce_population_count3A_538 = tpu.all_reduce %or3A {dim = 0 : i64, kind = #tpu.reduction_kind<sum>} : vector<16xi1> -> vector<16xi32>
          %all_reduce_ffs3A = tpu.all_reduce %or3A {dim = 0 : i64, kind = #tpu.reduction_kind<find_first_set>} : vector<16xi1> -> vector<16xi32>
          %gt3A_539 = arith.constant 0 : i32
          %gt3A_540 = vector.broadcast %gt3A_539 : i32 to vector<16xi32>
          %gt3A_541 = arith.cmpi sgt, %all_reduce_population_count3A_538, %gt3A_540 : vector<16xi32>
          %add3A_542 = vector.broadcast %while3A_530 : i32 to vector<16xi32>
          %add3A_543 = arith.addi %add3A_542, %all_reduce_ffs3A : vector<16xi32>
          %jit3A_544 = arith.constant -1 : i32
          %broadcast_in_dim3A_545 = vector.broadcast %jit3A_544 : i32 to vector<16xi32>
          %select_n3A_546 = arith.select %gt3A_541, %add3A_543, %broadcast_in_dim3A_545 : vector<16xi1>, vector<16xi32>
          %add3A_547 = arith.constant 16 : i32
          %add3A_548 = arith.addi %while3A_530, %add3A_547 : i32
          %slice3A_549 = vector.extract_strided_slice %select_n3A_546 {offsets = [0], sizes = [1], strides = [1]} : vector<16xi32> to vector<1xi32>
          %squeeze3A_550 = vector.extract %slice3A_549[0] : i32 from vector<1xi32>
          scf.yield %add3A_548, %squeeze3A_550 : i32, i32
        }
        %lt3A_476 = arith.constant 0 : i32
        %lt3A_477 = arith.cmpi slt, %while3A_475#1, %lt3A_476 : i32
        %select_n3A_478 = arith.select %lt3A_477, %min3A_379, %while3A_475#1 : i32
        %sub3A_479 = arith.subi %select_n3A_478, %while3A_409 : i32
        %jit3A_480 = arith.constant 4 : i32
        %div3A_481 = arith.divsi %sub3A_479, %jit3A_480 : i32
        %sign3A_482 = arith.constant 0 : i32
        %sign3A_483 = arith.cmpi sgt, %sub3A_479, %sign3A_482 : i32
        %sign3A_484 = arith.extui %sign3A_483 : i1 to i32
        %sign3A_485 = arith.constant 0 : i32
        %sign3A_486 = arith.cmpi slt, %sub3A_479, %sign3A_485 : i32
        %sign3A_487 = arith.extui %sign3A_486 : i1 to i32
        %sign3A_488 = arith.subi %sign3A_484, %sign3A_487 : i32
        %sign3A_489 = arith.constant 0 : i32
        %sign3A_490 = arith.cmpi sgt, %jit3A_480, %sign3A_489 : i32
        %sign3A_491 = arith.extui %sign3A_490 : i1 to i32
        %sign3A_492 = arith.constant 0 : i32
        %sign3A_493 = arith.cmpi slt, %jit3A_480, %sign3A_492 : i32
        %sign3A_494 = arith.extui %sign3A_493 : i1 to i32
        %sign3A_495 = arith.subi %sign3A_491, %sign3A_494 : i32
        %ne3A_496 = arith.cmpi ne, %sign3A_488, %sign3A_495 : i32
        %rem3A_497 = arith.remsi %sub3A_479, %jit3A_480 : i32
        %ne3A_498 = arith.constant 0 : i32
        %ne3A_499 = arith.cmpi ne, %rem3A_497, %ne3A_498 : i32
        %and3A_500 = arith.andi %ne3A_496, %ne3A_499 : i1
        %sub3A_501 = arith.constant 1 : i32
        %sub3A_502 = arith.subi %div3A_481, %sub3A_501 : i32
        %select_n3A_503 = arith.select %and3A_500, %sub3A_502, %div3A_481 : i32
        %while3A_504 = arith.constant 0 : i32
        %while3A_505 = arith.subi %select_n3A_503, %while3A_504 : i32
        %while3A_506 = arith.addi %while3A_504, %while3A_505 : i32
        %while3A_507 = arith.constant 1 : i32
        %while3A_508 = arith.divsi %while3A_505, %while3A_507 : i32
        %while3A_509 = arith.muli %while3A_508, %while3A_507 : i32
        %while3A_510 = arith.addi %while3A_504, %while3A_509 : i32
        %while3A_511 = arith.constant 1 : i32
        %while3A_512:16 = scf.for %while3A_530 = %while3A_504 to %while3A_510 step %while3A_511 iter_args(%while3A_531 = %select_n3A_439, %while3A_532 = %select_n3A_440, %while3A_533 = %select_n3A_441, %while3A_534 = %select_n3A_442, %while3A_535 = %select_n3A_443, %while3A_536 = %select_n3A_444, %while3A_537 = %select_n3A_445, %while3A_538 = %select_n3A_446, %while3A_539 = %select_n3A_449, %while3A_540 = %select_n3A_452, %while3A_541 = %select_n3A_455, %while3A_542 = %select_n3A_458, %while3A_543 = %select_n3A_461, %while3A_544 = %select_n3A_464, %while3A_545 = %select_n3A_467, %while3A_546 = %select_n3A_470) -> (vector<16xf32>, vector<16xf32>, vector<16xf32>, vector<16xf32>, vector<16xf32>, vector<16xf32>, vector<16xf32>, vector<16xf32>, vector<16xf32>, vector<16xf32>, vector<16xf32>, vector<16xf32>, vector<16xf32>, vector<16xf32>, vector<16xf32>, vector<16xf32>)  : i32 {
          %mul3A_547 = arith.constant 4 : i32
          %mul3A_548 = arith.muli %mul3A_547, %while3A_530 : i32
          %add3A_549 = arith.addi %while3A_409, %mul3A_548 : i32
          %add3A_550 = arith.constant 0 : i32
          %add3A_551 = arith.addi %add3A_549, %add3A_550 : i32
          %get3A_552 = arith.index_cast %add3A_551 : i32 to index
          %get3A_553 = arith.constant 0 : index
          %get3A_554 = tpu.vector_load %arg5[%get3A_552, %get3A_553] {strides = array<i32>} : memref<400x128xf32, #tpu.memory_space<vmem>>, vector<16xf32>,
          %add3A_555 = arith.addf %while3A_531, %get3A_554 : vector<16xf32>
          %max3A_556 = arith.maximumf %while3A_539, %get3A_554 : vector<16xf32>
          %add3A_557 = arith.constant 0 : i32
          %add3A_558 = arith.addi %add3A_549, %add3A_557 : i32
          %get3A_559 = arith.index_cast %add3A_558 : i32 to index
          %get3A_560 = arith.constant 16 : index
          %get3A_561 = tpu.vector_load %arg5[%get3A_559, %get3A_560] {strides = array<i32>} : memref<400x128xf32, #tpu.memory_space<vmem>>, vector<16xf32>,
          %add3A_562 = arith.addf %while3A_532, %get3A_561 : vector<16xf32>
          %max3A_563 = arith.maximumf %while3A_540, %get3A_561 : vector<16xf32>
          %add3A_564 = arith.constant 0 : i32
          %add3A_565 = arith.addi %add3A_549, %add3A_564 : i32
          %get3A_566 = arith.index_cast %add3A_565 : i32 to index
          %get3A_567 = arith.constant 32 : index
          %get3A_568 = tpu.vector_load %arg5[%get3A_566, %get3A_567] {strides = array<i32>} : memref<400x128xf32, #tpu.memory_space<vmem>>, vector<16xf32>,
          %add3A_569 = arith.addf %while3A_533, %get3A_568 : vector<16xf32>
          %max3A_570 = arith.maximumf %while3A_541, %get3A_568 : vector<16xf32>
          %add3A_571 = arith.constant 0 : i32
          %add3A_572 = arith.addi %add3A_549, %add3A_571 : i32
          %get3A_573 = arith.index_cast %add3A_572 : i32 to index
          %get3A_574 = arith.constant 48 : index
          %get3A_575 = tpu.vector_load %arg5[%get3A_573, %get3A_574] {strides = array<i32>} : memref<400x128xf32, #tpu.memory_space<vmem>>, vector<16xf32>,
          %add3A_576 = arith.addf %while3A_534, %get3A_575 : vector<16xf32>
          %max3A_577 = arith.maximumf %while3A_542, %get3A_575 : vector<16xf32>
          %add3A_578 = arith.constant 0 : i32
          %add3A_579 = arith.addi %add3A_549, %add3A_578 : i32
          %get3A_580 = arith.index_cast %add3A_579 : i32 to index
          %get3A_581 = arith.constant 64 : index
          %get3A_582 = tpu.vector_load %arg5[%get3A_580, %get3A_581] {strides = array<i32>} : memref<400x128xf32, #tpu.memory_space<vmem>>, vector<16xf32>,
          %add3A_583 = arith.addf %while3A_535, %get3A_582 : vector<16xf32>
          %max3A_584 = arith.maximumf %while3A_543, %get3A_582 : vector<16xf32>
          %add3A_585 = arith.constant 0 : i32
          %add3A_586 = arith.addi %add3A_549, %add3A_585 : i32
          %get3A_587 = arith.index_cast %add3A_586 : i32 to index
          %get3A_588 = arith.constant 80 : index
          %get3A_589 = tpu.vector_load %arg5[%get3A_587, %get3A_588] {strides = array<i32>} : memref<400x128xf32, #tpu.memory_space<vmem>>, vector<16xf32>,
          %add3A_590 = arith.addf %while3A_536, %get3A_589 : vector<16xf32>
          %max3A_591 = arith.maximumf %while3A_544, %get3A_589 : vector<16xf32>
          %add3A_592 = arith.constant 0 : i32
          %add3A_593 = arith.addi %add3A_549, %add3A_592 : i32
          %get3A_594 = arith.index_cast %add3A_593 : i32 to index
          %get3A_595 = arith.constant 96 : index
          %get3A_596 = tpu.vector_load %arg5[%get3A_594, %get3A_595] {strides = array<i32>} : memref<400x128xf32, #tpu.memory_space<vmem>>, vector<16xf32>,
          %add3A_597 = arith.addf %while3A_537, %get3A_596 : vector<16xf32>
          %max3A_598 = arith.maximumf %while3A_545, %get3A_596 : vector<16xf32>
          %add3A_599 = arith.constant 0 : i32
          %add3A_600 = arith.addi %add3A_549, %add3A_599 : i32
          %get3A_601 = arith.index_cast %add3A_600 : i32 to index
          %get3A_602 = arith.constant 112 : index
          %get3A_603 = tpu.vector_load %arg5[%get3A_601, %get3A_602] {strides = array<i32>} : memref<400x128xf32, #tpu.memory_space<vmem>>, vector<16xf32>,
          %add3A_604 = arith.addf %while3A_538, %get3A_603 : vector<16xf32>
          %max3A_605 = arith.maximumf %while3A_546, %get3A_603 : vector<16xf32>
          %add3A_606 = arith.constant 1 : i32
          %add3A_607 = arith.addi %add3A_549, %add3A_606 : i32
          %get3A_608 = arith.index_cast %add3A_607 : i32 to index
          %get3A_609 = arith.constant 0 : index
          %get3A_610 = tpu.vector_load %arg5[%get3A_608, %get3A_609] {strides = array<i32>} : memref<400x128xf32, #tpu.memory_space<vmem>>, vector<16xf32>,
          %add3A_611 = arith.addf %add3A_555, %get3A_610 : vector<16xf32>
          %max3A_612 = arith.maximumf %max3A_556, %get3A_610 : vector<16xf32>
          %add3A_613 = arith.constant 1 : i32
          %add3A_614 = arith.addi %add3A_549, %add3A_613 : i32
          %get3A_615 = arith.index_cast %add3A_614 : i32 to index
          %get3A_616 = arith.constant 16 : index
          %get3A_617 = tpu.vector_load %arg5[%get3A_615, %get3A_616] {strides = array<i32>} : memref<400x128xf32, #tpu.memory_space<vmem>>, vector<16xf32>,
          %add3A_618 = arith.addf %add3A_562, %get3A_617 : vector<16xf32>
          %max3A_619 = arith.maximumf %max3A_563, %get3A_617 : vector<16xf32>
          %add3A_620 = arith.constant 1 : i32
          %add3A_621 = arith.addi %add3A_549, %add3A_620 : i32
          %get3A_622 = arith.index_cast %add3A_621 : i32 to index
          %get3A_623 = arith.constant 32 : index
          %get3A_624 = tpu.vector_load %arg5[%get3A_622, %get3A_623] {strides = array<i32>} : memref<400x128xf32, #tpu.memory_space<vmem>>, vector<16xf32>,
          %add3A_625 = arith.addf %add3A_569, %get3A_624 : vector<16xf32>
          %max3A_626 = arith.maximumf %max3A_570, %get3A_624 : vector<16xf32>
          %add3A_627 = arith.constant 1 : i32
          %add3A_628 = arith.addi %add3A_549, %add3A_627 : i32
          %get3A_629 = arith.index_cast %add3A_628 : i32 to index
          %get3A_630 = arith.constant 48 : index
          %get3A_631 = tpu.vector_load %arg5[%get3A_629, %get3A_630] {strides = array<i32>} : memref<400x128xf32, #tpu.memory_space<vmem>>, vector<16xf32>,
          %add3A_632 = arith.addf %add3A_576, %get3A_631 : vector<16xf32>
          %max3A_633 = arith.maximumf %max3A_577, %get3A_631 : vector<16xf32>
          %add3A_634 = arith.constant 1 : i32
          %add3A_635 = arith.addi %add3A_549, %add3A_634 : i32
          %get3A_636 = arith.index_cast %add3A_635 : i32 to index
          %get3A_637 = arith.constant 64 : index
          %get3A_638 = tpu.vector_load %arg5[%get3A_636, %get3A_637] {strides = array<i32>} : memref<400x128xf32, #tpu.memory_space<vmem>>, vector<16xf32>,
          %add3A_639 = arith.addf %add3A_583, %get3A_638 : vector<16xf32>
          %max3A_640 = arith.maximumf %max3A_584, %get3A_638 : vector<16xf32>
          %add3A_641 = arith.constant 1 : i32
          %add3A_642 = arith.addi %add3A_549, %add3A_641 : i32
          %get3A_643 = arith.index_cast %add3A_642 : i32 to index
          %get3A_644 = arith.constant 80 : index
          %get3A_645 = tpu.vector_load %arg5[%get3A_643, %get3A_644] {strides = array<i32>} : memref<400x128xf32, #tpu.memory_space<vmem>>, vector<16xf32>,
          %add3A_646 = arith.addf %add3A_590, %get3A_645 : vector<16xf32>
          %max3A_647 = arith.maximumf %max3A_591, %get3A_645 : vector<16xf32>
          %add3A_648 = arith.constant 1 : i32
          %add3A_649 = arith.addi %add3A_549, %add3A_648 : i32
          %get3A_650 = arith.index_cast %add3A_649 : i32 to index
          %get3A_651 = arith.constant 96 : index
          %get3A_652 = tpu.vector_load %arg5[%get3A_650, %get3A_651] {strides = array<i32>} : memref<400x128xf32, #tpu.memory_space<vmem>>, vector<16xf32>,
          %add3A_653 = arith.addf %add3A_597, %get3A_652 : vector<16xf32>
          %max3A_654 = arith.maximumf %max3A_598, %get3A_652 : vector<16xf32>
          %add3A_655 = arith.constant 1 : i32
          %add3A_656 = arith.addi %add3A_549, %add3A_655 : i32
          %get3A_657 = arith.index_cast %add3A_656 : i32 to index
          %get3A_658 = arith.constant 112 : index
          %get3A_659 = tpu.vector_load %arg5[%get3A_657, %get3A_658] {strides = array<i32>} : memref<400x128xf32, #tpu.memory_space<vmem>>, vector<16xf32>,
          %add3A_660 = arith.addf %add3A_604, %get3A_659 : vector<16xf32>
          %max3A_661 = arith.maximumf %max3A_605, %get3A_659 : vector<16xf32>
          %add3A_662 = arith.constant 2 : i32
          %add3A_663 = arith.addi %add3A_549, %add3A_662 : i32
          %get3A_664 = arith.index_cast %add3A_663 : i32 to index
          %get3A_665 = arith.constant 0 : index
          %get3A_666 = tpu.vector_load %arg5[%get3A_664, %get3A_665] {strides = array<i32>} : memref<400x128xf32, #tpu.memory_space<vmem>>, vector<16xf32>,
          %add3A_667 = arith.addf %add3A_611, %get3A_666 : vector<16xf32>
          %max3A_668 = arith.maximumf %max3A_612, %get3A_666 : vector<16xf32>
          %add3A_669 = arith.constant 2 : i32
          %add3A_670 = arith.addi %add3A_549, %add3A_669 : i32
          %get3A_671 = arith.index_cast %add3A_670 : i32 to index
          %get3A_672 = arith.constant 16 : index
          %get3A_673 = tpu.vector_load %arg5[%get3A_671, %get3A_672] {strides = array<i32>} : memref<400x128xf32, #tpu.memory_space<vmem>>, vector<16xf32>,
          %add3A_674 = arith.addf %add3A_618, %get3A_673 : vector<16xf32>
          %max3A_675 = arith.maximumf %max3A_619, %get3A_673 : vector<16xf32>
          %add3A_676 = arith.constant 2 : i32
          %add3A_677 = arith.addi %add3A_549, %add3A_676 : i32
          %get3A_678 = arith.index_cast %add3A_677 : i32 to index
          %get3A_679 = arith.constant 32 : index
          %get3A_680 = tpu.vector_load %arg5[%get3A_678, %get3A_679] {strides = array<i32>} : memref<400x128xf32, #tpu.memory_space<vmem>>, vector<16xf32>,
          %add3A_681 = arith.addf %add3A_625, %get3A_680 : vector<16xf32>
          %max3A_682 = arith.maximumf %max3A_626, %get3A_680 : vector<16xf32>
          %add3A_683 = arith.constant 2 : i32
          %add3A_684 = arith.addi %add3A_549, %add3A_683 : i32
          %get3A_685 = arith.index_cast %add3A_684 : i32 to index
          %get3A_686 = arith.constant 48 : index
          %get3A_687 = tpu.vector_load %arg5[%get3A_685, %get3A_686] {strides = array<i32>} : memref<400x128xf32, #tpu.memory_space<vmem>>, vector<16xf32>,
          %add3A_688 = arith.addf %add3A_632, %get3A_687 : vector<16xf32>
          %max3A_689 = arith.maximumf %max3A_633, %get3A_687 : vector<16xf32>
          %add3A_690 = arith.constant 2 : i32
          %add3A_691 = arith.addi %add3A_549, %add3A_690 : i32
          %get3A_692 = arith.index_cast %add3A_691 : i32 to index
          %get3A_693 = arith.constant 64 : index
          %get3A_694 = tpu.vector_load %arg5[%get3A_692, %get3A_693] {strides = array<i32>} : memref<400x128xf32, #tpu.memory_space<vmem>>, vector<16xf32>,
          %add3A_695 = arith.addf %add3A_639, %get3A_694 : vector<16xf32>
          %max3A_696 = arith.maximumf %max3A_640, %get3A_694 : vector<16xf32>
          %add3A_697 = arith.constant 2 : i32
          %add3A_698 = arith.addi %add3A_549, %add3A_697 : i32
          %get3A_699 = arith.index_cast %add3A_698 : i32 to index
          %get3A_700 = arith.constant 80 : index
          %get3A_701 = tpu.vector_load %arg5[%get3A_699, %get3A_700] {strides = array<i32>} : memref<400x128xf32, #tpu.memory_space<vmem>>, vector<16xf32>,
          %add3A_702 = arith.addf %add3A_646, %get3A_701 : vector<16xf32>
          %max3A_703 = arith.maximumf %max3A_647, %get3A_701 : vector<16xf32>
          %add3A_704 = arith.constant 2 : i32
          %add3A_705 = arith.addi %add3A_549, %add3A_704 : i32
          %get3A_706 = arith.index_cast %add3A_705 : i32 to index
          %get3A_707 = arith.constant 96 : index
          %get3A_708 = tpu.vector_load %arg5[%get3A_706, %get3A_707] {strides = array<i32>} : memref<400x128xf32, #tpu.memory_space<vmem>>, vector<16xf32>,
          %add3A_709 = arith.addf %add3A_653, %get3A_708 : vector<16xf32>
          %max3A_710 = arith.maximumf %max3A_654, %get3A_708 : vector<16xf32>
          %add3A_711 = arith.constant 2 : i32
          %add3A_712 = arith.addi %add3A_549, %add3A_711 : i32
          %get3A_713 = arith.index_cast %add3A_712 : i32 to index
          %get3A_714 = arith.constant 112 : index
          %get3A_715 = tpu.vector_load %arg5[%get3A_713, %get3A_714] {strides = array<i32>} : memref<400x128xf32, #tpu.memory_space<vmem>>, vector<16xf32>,
          %add3A_716 = arith.addf %add3A_660, %get3A_715 : vector<16xf32>
          %max3A_717 = arith.maximumf %max3A_661, %get3A_715 : vector<16xf32>
          %add3A_718 = arith.constant 3 : i32
          %add3A_719 = arith.addi %add3A_549, %add3A_718 : i32
          %get3A_720 = arith.index_cast %add3A_719 : i32 to index
          %get3A_721 = arith.constant 0 : index
          %get3A_722 = tpu.vector_load %arg5[%get3A_720, %get3A_721] {strides = array<i32>} : memref<400x128xf32, #tpu.memory_space<vmem>>, vector<16xf32>,
          %add3A_723 = arith.addf %add3A_667, %get3A_722 : vector<16xf32>
          %max3A_724 = arith.maximumf %max3A_668, %get3A_722 : vector<16xf32>
          %add3A_725 = arith.constant 3 : i32
          %add3A_726 = arith.addi %add3A_549, %add3A_725 : i32
          %get3A_727 = arith.index_cast %add3A_726 : i32 to index
          %get3A_728 = arith.constant 16 : index
          %get3A_729 = tpu.vector_load %arg5[%get3A_727, %get3A_728] {strides = array<i32>} : memref<400x128xf32, #tpu.memory_space<vmem>>, vector<16xf32>,
          %add3A_730 = arith.addf %add3A_674, %get3A_729 : vector<16xf32>
          %max3A_731 = arith.maximumf %max3A_675, %get3A_729 : vector<16xf32>
          %add3A_732 = arith.constant 3 : i32
          %add3A_733 = arith.addi %add3A_549, %add3A_732 : i32
          %get3A_734 = arith.index_cast %add3A_733 : i32 to index
          %get3A_735 = arith.constant 32 : index
          %get3A_736 = tpu.vector_load %arg5[%get3A_734, %get3A_735] {strides = array<i32>} : memref<400x128xf32, #tpu.memory_space<vmem>>, vector<16xf32>,
          %add3A_737 = arith.addf %add3A_681, %get3A_736 : vector<16xf32>
          %max3A_738 = arith.maximumf %max3A_682, %get3A_736 : vector<16xf32>
          %add3A_739 = arith.constant 3 : i32
          %add3A_740 = arith.addi %add3A_549, %add3A_739 : i32
          %get3A_741 = arith.index_cast %add3A_740 : i32 to index
          %get3A_742 = arith.constant 48 : index
          %get3A_743 = tpu.vector_load %arg5[%get3A_741, %get3A_742] {strides = array<i32>} : memref<400x128xf32, #tpu.memory_space<vmem>>, vector<16xf32>,
          %add3A_744 = arith.addf %add3A_688, %get3A_743 : vector<16xf32>
          %max3A_745 = arith.maximumf %max3A_689, %get3A_743 : vector<16xf32>
          %add3A_746 = arith.constant 3 : i32
          %add3A_747 = arith.addi %add3A_549, %add3A_746 : i32
          %get3A_748 = arith.index_cast %add3A_747 : i32 to index
          %get3A_749 = arith.constant 64 : index
          %get3A_750 = tpu.vector_load %arg5[%get3A_748, %get3A_749] {strides = array<i32>} : memref<400x128xf32, #tpu.memory_space<vmem>>, vector<16xf32>,
          %add3A_751 = arith.addf %add3A_695, %get3A_750 : vector<16xf32>
          %max3A_752 = arith.maximumf %max3A_696, %get3A_750 : vector<16xf32>
          %add3A_753 = arith.constant 3 : i32
          %add3A_754 = arith.addi %add3A_549, %add3A_753 : i32
          %get3A_755 = arith.index_cast %add3A_754 : i32 to index
          %get3A_756 = arith.constant 80 : index
          %get3A_757 = tpu.vector_load %arg5[%get3A_755, %get3A_756] {strides = array<i32>} : memref<400x128xf32, #tpu.memory_space<vmem>>, vector<16xf32>,
          %add3A_758 = arith.addf %add3A_702, %get3A_757 : vector<16xf32>
          %max3A_759 = arith.maximumf %max3A_703, %get3A_757 : vector<16xf32>
          %add3A_760 = arith.constant 3 : i32
          %add3A_761 = arith.addi %add3A_549, %add3A_760 : i32
          %get3A_762 = arith.index_cast %add3A_761 : i32 to index
          %get3A_763 = arith.constant 96 : index
          %get3A_764 = tpu.vector_load %arg5[%get3A_762, %get3A_763] {strides = array<i32>} : memref<400x128xf32, #tpu.memory_space<vmem>>, vector<16xf32>,
          %add3A_765 = arith.addf %add3A_709, %get3A_764 : vector<16xf32>
          %max3A_766 = arith.maximumf %max3A_710, %get3A_764 : vector<16xf32>
          %add3A_767 = arith.constant 3 : i32
          %add3A_768 = arith.addi %add3A_549, %add3A_767 : i32
          %get3A_769 = arith.index_cast %add3A_768 : i32 to index
          %get3A_770 = arith.constant 112 : index
          %get3A_771 = tpu.vector_load %arg5[%get3A_769, %get3A_770] {strides = array<i32>} : memref<400x128xf32, #tpu.memory_space<vmem>>, vector<16xf32>,
          %add3A_772 = arith.addf %add3A_716, %get3A_771 : vector<16xf32>
          %max3A_773 = arith.maximumf %max3A_717, %get3A_771 : vector<16xf32>
          scf.yield %add3A_723, %add3A_730, %add3A_737, %add3A_744, %add3A_751, %add3A_758, %add3A_765, %add3A_772, %max3A_724, %max3A_731, %max3A_738, %max3A_745, %max3A_752, %max3A_759, %max3A_766, %max3A_773 : vector<16xf32>, vector<16xf32>, vector<16xf32>, vector<16xf32>, vector<16xf32>, vector<16xf32>, vector<16xf32>, vector<16xf32>, vector<16xf32>, vector<16xf32>, vector<16xf32>, vector<16xf32>, vector<16xf32>, vector<16xf32>, vector<16xf32>, vector<16xf32>
        }
        %while3A_513 = arith.constant 1 : i32
        %while3A_514:16 = scf.for %while3A_530 = %while3A_510 to %while3A_506 step %while3A_513 iter_args(%while3A_531 = %while3A_512#0, %while3A_532 = %while3A_512#1, %while3A_533 = %while3A_512#2, %while3A_534 = %while3A_512#3, %while3A_535 = %while3A_512#4, %while3A_536 = %while3A_512#5, %while3A_537 = %while3A_512#6, %while3A_538 = %while3A_512#7, %while3A_539 = %while3A_512#8, %while3A_540 = %while3A_512#9, %while3A_541 = %while3A_512#10, %while3A_542 = %while3A_512#11, %while3A_543 = %while3A_512#12, %while3A_544 = %while3A_512#13, %while3A_545 = %while3A_512#14, %while3A_546 = %while3A_512#15) -> (vector<16xf32>, vector<16xf32>, vector<16xf32>, vector<16xf32>, vector<16xf32>, vector<16xf32>, vector<16xf32>, vector<16xf32>, vector<16xf32>, vector<16xf32>, vector<16xf32>, vector<16xf32>, vector<16xf32>, vector<16xf32>, vector<16xf32>, vector<16xf32>)  : i32 {
          %mul3A_547 = arith.constant 4 : i32
          %mul3A_548 = arith.muli %mul3A_547, %while3A_530 : i32
          %add3A_549 = arith.addi %while3A_409, %mul3A_548 : i32
          %add3A_550 = arith.constant 0 : i32
          %add3A_551 = arith.addi %add3A_549, %add3A_550 : i32
          %get3A_552 = arith.index_cast %add3A_551 : i32 to index
          %get3A_553 = arith.constant 0 : index
          %get3A_554 = tpu.vector_load %arg5[%get3A_552, %get3A_553] {strides = array<i32>} : memref<400x128xf32, #tpu.memory_space<vmem>>, vector<16xf32>,
          %add3A_555 = arith.addf %while3A_531, %get3A_554 : vector<16xf32>
          %max3A_556 = arith.maximumf %while3A_539, %get3A_554 : vector<16xf32>
          %add3A_557 = arith.constant 0 : i32
          %add3A_558 = arith.addi %add3A_549, %add3A_557 : i32
          %get3A_559 = arith.index_cast %add3A_558 : i32 to index
          %get3A_560 = arith.constant 16 : index
          %get3A_561 = tpu.vector_load %arg5[%get3A_559, %get3A_560] {strides = array<i32>} : memref<400x128xf32, #tpu.memory_space<vmem>>, vector<16xf32>,
          %add3A_562 = arith.addf %while3A_532, %get3A_561 : vector<16xf32>
          %max3A_563 = arith.maximumf %while3A_540, %get3A_561 : vector<16xf32>
          %add3A_564 = arith.constant 0 : i32
          %add3A_565 = arith.addi %add3A_549, %add3A_564 : i32
          %get3A_566 = arith.index_cast %add3A_565 : i32 to index
          %get3A_567 = arith.constant 32 : index
          %get3A_568 = tpu.vector_load %arg5[%get3A_566, %get3A_567] {strides = array<i32>} : memref<400x128xf32, #tpu.memory_space<vmem>>, vector<16xf32>,
          %add3A_569 = arith.addf %while3A_533, %get3A_568 : vector<16xf32>
          %max3A_570 = arith.maximumf %while3A_541, %get3A_568 : vector<16xf32>
          %add3A_571 = arith.constant 0 : i32
          %add3A_572 = arith.addi %add3A_549, %add3A_571 : i32
          %get3A_573 = arith.index_cast %add3A_572 : i32 to index
          %get3A_574 = arith.constant 48 : index
          %get3A_575 = tpu.vector_load %arg5[%get3A_573, %get3A_574] {strides = array<i32>} : memref<400x128xf32, #tpu.memory_space<vmem>>, vector<16xf32>,
          %add3A_576 = arith.addf %while3A_534, %get3A_575 : vector<16xf32>
          %max3A_577 = arith.maximumf %while3A_542, %get3A_575 : vector<16xf32>
          %add3A_578 = arith.constant 0 : i32
          %add3A_579 = arith.addi %add3A_549, %add3A_578 : i32
          %get3A_580 = arith.index_cast %add3A_579 : i32 to index
          %get3A_581 = arith.constant 64 : index
          %get3A_582 = tpu.vector_load %arg5[%get3A_580, %get3A_581] {strides = array<i32>} : memref<400x128xf32, #tpu.memory_space<vmem>>, vector<16xf32>,
          %add3A_583 = arith.addf %while3A_535, %get3A_582 : vector<16xf32>
          %max3A_584 = arith.maximumf %while3A_543, %get3A_582 : vector<16xf32>
          %add3A_585 = arith.constant 0 : i32
          %add3A_586 = arith.addi %add3A_549, %add3A_585 : i32
          %get3A_587 = arith.index_cast %add3A_586 : i32 to index
          %get3A_588 = arith.constant 80 : index
          %get3A_589 = tpu.vector_load %arg5[%get3A_587, %get3A_588] {strides = array<i32>} : memref<400x128xf32, #tpu.memory_space<vmem>>, vector<16xf32>,
          %add3A_590 = arith.addf %while3A_536, %get3A_589 : vector<16xf32>
          %max3A_591 = arith.maximumf %while3A_544, %get3A_589 : vector<16xf32>
          %add3A_592 = arith.constant 0 : i32
          %add3A_593 = arith.addi %add3A_549, %add3A_592 : i32
          %get3A_594 = arith.index_cast %add3A_593 : i32 to index
          %get3A_595 = arith.constant 96 : index
          %get3A_596 = tpu.vector_load %arg5[%get3A_594, %get3A_595] {strides = array<i32>} : memref<400x128xf32, #tpu.memory_space<vmem>>, vector<16xf32>,
          %add3A_597 = arith.addf %while3A_537, %get3A_596 : vector<16xf32>
          %max3A_598 = arith.maximumf %while3A_545, %get3A_596 : vector<16xf32>
          %add3A_599 = arith.constant 0 : i32
          %add3A_600 = arith.addi %add3A_549, %add3A_599 : i32
          %get3A_601 = arith.index_cast %add3A_600 : i32 to index
          %get3A_602 = arith.constant 112 : index
          %get3A_603 = tpu.vector_load %arg5[%get3A_601, %get3A_602] {strides = array<i32>} : memref<400x128xf32, #tpu.memory_space<vmem>>, vector<16xf32>,
          %add3A_604 = arith.addf %while3A_538, %get3A_603 : vector<16xf32>
          %max3A_605 = arith.maximumf %while3A_546, %get3A_603 : vector<16xf32>
          %add3A_606 = arith.constant 1 : i32
          %add3A_607 = arith.addi %add3A_549, %add3A_606 : i32
          %get3A_608 = arith.index_cast %add3A_607 : i32 to index
          %get3A_609 = arith.constant 0 : index
          %get3A_610 = tpu.vector_load %arg5[%get3A_608, %get3A_609] {strides = array<i32>} : memref<400x128xf32, #tpu.memory_space<vmem>>, vector<16xf32>,
          %add3A_611 = arith.addf %add3A_555, %get3A_610 : vector<16xf32>
          %max3A_612 = arith.maximumf %max3A_556, %get3A_610 : vector<16xf32>
          %add3A_613 = arith.constant 1 : i32
          %add3A_614 = arith.addi %add3A_549, %add3A_613 : i32
          %get3A_615 = arith.index_cast %add3A_614 : i32 to index
          %get3A_616 = arith.constant 16 : index
          %get3A_617 = tpu.vector_load %arg5[%get3A_615, %get3A_616] {strides = array<i32>} : memref<400x128xf32, #tpu.memory_space<vmem>>, vector<16xf32>,
          %add3A_618 = arith.addf %add3A_562, %get3A_617 : vector<16xf32>
          %max3A_619 = arith.maximumf %max3A_563, %get3A_617 : vector<16xf32>
          %add3A_620 = arith.constant 1 : i32
          %add3A_621 = arith.addi %add3A_549, %add3A_620 : i32
          %get3A_622 = arith.index_cast %add3A_621 : i32 to index
          %get3A_623 = arith.constant 32 : index
          %get3A_624 = tpu.vector_load %arg5[%get3A_622, %get3A_623] {strides = array<i32>} : memref<400x128xf32, #tpu.memory_space<vmem>>, vector<16xf32>,
          %add3A_625 = arith.addf %add3A_569, %get3A_624 : vector<16xf32>
          %max3A_626 = arith.maximumf %max3A_570, %get3A_624 : vector<16xf32>
          %add3A_627 = arith.constant 1 : i32
          %add3A_628 = arith.addi %add3A_549, %add3A_627 : i32
          %get3A_629 = arith.index_cast %add3A_628 : i32 to index
          %get3A_630 = arith.constant 48 : index
          %get3A_631 = tpu.vector_load %arg5[%get3A_629, %get3A_630] {strides = array<i32>} : memref<400x128xf32, #tpu.memory_space<vmem>>, vector<16xf32>,
          %add3A_632 = arith.addf %add3A_576, %get3A_631 : vector<16xf32>
          %max3A_633 = arith.maximumf %max3A_577, %get3A_631 : vector<16xf32>
          %add3A_634 = arith.constant 1 : i32
          %add3A_635 = arith.addi %add3A_549, %add3A_634 : i32
          %get3A_636 = arith.index_cast %add3A_635 : i32 to index
          %get3A_637 = arith.constant 64 : index
          %get3A_638 = tpu.vector_load %arg5[%get3A_636, %get3A_637] {strides = array<i32>} : memref<400x128xf32, #tpu.memory_space<vmem>>, vector<16xf32>,
          %add3A_639 = arith.addf %add3A_583, %get3A_638 : vector<16xf32>
          %max3A_640 = arith.maximumf %max3A_584, %get3A_638 : vector<16xf32>
          %add3A_641 = arith.constant 1 : i32
          %add3A_642 = arith.addi %add3A_549, %add3A_641 : i32
          %get3A_643 = arith.index_cast %add3A_642 : i32 to index
          %get3A_644 = arith.constant 80 : index
          %get3A_645 = tpu.vector_load %arg5[%get3A_643, %get3A_644] {strides = array<i32>} : memref<400x128xf32, #tpu.memory_space<vmem>>, vector<16xf32>,
          %add3A_646 = arith.addf %add3A_590, %get3A_645 : vector<16xf32>
          %max3A_647 = arith.maximumf %max3A_591, %get3A_645 : vector<16xf32>
          %add3A_648 = arith.constant 1 : i32
          %add3A_649 = arith.addi %add3A_549, %add3A_648 : i32
          %get3A_650 = arith.index_cast %add3A_649 : i32 to index
          %get3A_651 = arith.constant 96 : index
          %get3A_652 = tpu.vector_load %arg5[%get3A_650, %get3A_651] {strides = array<i32>} : memref<400x128xf32, #tpu.memory_space<vmem>>, vector<16xf32>,
          %add3A_653 = arith.addf %add3A_597, %get3A_652 : vector<16xf32>
          %max3A_654 = arith.maximumf %max3A_598, %get3A_652 : vector<16xf32>
          %add3A_655 = arith.constant 1 : i32
          %add3A_656 = arith.addi %add3A_549, %add3A_655 : i32
          %get3A_657 = arith.index_cast %add3A_656 : i32 to index
          %get3A_658 = arith.constant 112 : index
          %get3A_659 = tpu.vector_load %arg5[%get3A_657, %get3A_658] {strides = array<i32>} : memref<400x128xf32, #tpu.memory_space<vmem>>, vector<16xf32>,
          %add3A_660 = arith.addf %add3A_604, %get3A_659 : vector<16xf32>
          %max3A_661 = arith.maximumf %max3A_605, %get3A_659 : vector<16xf32>
          %add3A_662 = arith.constant 2 : i32
          %add3A_663 = arith.addi %add3A_549, %add3A_662 : i32
          %get3A_664 = arith.index_cast %add3A_663 : i32 to index
          %get3A_665 = arith.constant 0 : index
          %get3A_666 = tpu.vector_load %arg5[%get3A_664, %get3A_665] {strides = array<i32>} : memref<400x128xf32, #tpu.memory_space<vmem>>, vector<16xf32>,
          %add3A_667 = arith.addf %add3A_611, %get3A_666 : vector<16xf32>
          %max3A_668 = arith.maximumf %max3A_612, %get3A_666 : vector<16xf32>
          %add3A_669 = arith.constant 2 : i32
          %add3A_670 = arith.addi %add3A_549, %add3A_669 : i32
          %get3A_671 = arith.index_cast %add3A_670 : i32 to index
          %get3A_672 = arith.constant 16 : index
          %get3A_673 = tpu.vector_load %arg5[%get3A_671, %get3A_672] {strides = array<i32>} : memref<400x128xf32, #tpu.memory_space<vmem>>, vector<16xf32>,
          %add3A_674 = arith.addf %add3A_618, %get3A_673 : vector<16xf32>
          %max3A_675 = arith.maximumf %max3A_619, %get3A_673 : vector<16xf32>
          %add3A_676 = arith.constant 2 : i32
          %add3A_677 = arith.addi %add3A_549, %add3A_676 : i32
          %get3A_678 = arith.index_cast %add3A_677 : i32 to index
          %get3A_679 = arith.constant 32 : index
          %get3A_680 = tpu.vector_load %arg5[%get3A_678, %get3A_679] {strides = array<i32>} : memref<400x128xf32, #tpu.memory_space<vmem>>, vector<16xf32>,
          %add3A_681 = arith.addf %add3A_625, %get3A_680 : vector<16xf32>
          %max3A_682 = arith.maximumf %max3A_626, %get3A_680 : vector<16xf32>
          %add3A_683 = arith.constant 2 : i32
          %add3A_684 = arith.addi %add3A_549, %add3A_683 : i32
          %get3A_685 = arith.index_cast %add3A_684 : i32 to index
          %get3A_686 = arith.constant 48 : index
          %get3A_687 = tpu.vector_load %arg5[%get3A_685, %get3A_686] {strides = array<i32>} : memref<400x128xf32, #tpu.memory_space<vmem>>, vector<16xf32>,
          %add3A_688 = arith.addf %add3A_632, %get3A_687 : vector<16xf32>
          %max3A_689 = arith.maximumf %max3A_633, %get3A_687 : vector<16xf32>
          %add3A_690 = arith.constant 2 : i32
          %add3A_691 = arith.addi %add3A_549, %add3A_690 : i32
          %get3A_692 = arith.index_cast %add3A_691 : i32 to index
          %get3A_693 = arith.constant 64 : index
          %get3A_694 = tpu.vector_load %arg5[%get3A_692, %get3A_693] {strides = array<i32>} : memref<400x128xf32, #tpu.memory_space<vmem>>, vector<16xf32>,
          %add3A_695 = arith.addf %add3A_639, %get3A_694 : vector<16xf32>
          %max3A_696 = arith.maximumf %max3A_640, %get3A_694 : vector<16xf32>
          %add3A_697 = arith.constant 2 : i32
          %add3A_698 = arith.addi %add3A_549, %add3A_697 : i32
          %get3A_699 = arith.index_cast %add3A_698 : i32 to index
          %get3A_700 = arith.constant 80 : index
          %get3A_701 = tpu.vector_load %arg5[%get3A_699, %get3A_700] {strides = array<i32>} : memref<400x128xf32, #tpu.memory_space<vmem>>, vector<16xf32>,
          %add3A_702 = arith.addf %add3A_646, %get3A_701 : vector<16xf32>
          %max3A_703 = arith.maximumf %max3A_647, %get3A_701 : vector<16xf32>
          %add3A_704 = arith.constant 2 : i32
          %add3A_705 = arith.addi %add3A_549, %add3A_704 : i32
          %get3A_706 = arith.index_cast %add3A_705 : i32 to index
          %get3A_707 = arith.constant 96 : index
          %get3A_708 = tpu.vector_load %arg5[%get3A_706, %get3A_707] {strides = array<i32>} : memref<400x128xf32, #tpu.memory_space<vmem>>, vector<16xf32>,
          %add3A_709 = arith.addf %add3A_653, %get3A_708 : vector<16xf32>
          %max3A_710 = arith.maximumf %max3A_654, %get3A_708 : vector<16xf32>
          %add3A_711 = arith.constant 2 : i32
          %add3A_712 = arith.addi %add3A_549, %add3A_711 : i32
          %get3A_713 = arith.index_cast %add3A_712 : i32 to index
          %get3A_714 = arith.constant 112 : index
          %get3A_715 = tpu.vector_load %arg5[%get3A_713, %get3A_714] {strides = array<i32>} : memref<400x128xf32, #tpu.memory_space<vmem>>, vector<16xf32>,
          %add3A_716 = arith.addf %add3A_660, %get3A_715 : vector<16xf32>
          %max3A_717 = arith.maximumf %max3A_661, %get3A_715 : vector<16xf32>
          %add3A_718 = arith.constant 3 : i32
          %add3A_719 = arith.addi %add3A_549, %add3A_718 : i32
          %get3A_720 = arith.index_cast %add3A_719 : i32 to index
          %get3A_721 = arith.constant 0 : index
          %get3A_722 = tpu.vector_load %arg5[%get3A_720, %get3A_721] {strides = array<i32>} : memref<400x128xf32, #tpu.memory_space<vmem>>, vector<16xf32>,
          %add3A_723 = arith.addf %add3A_667, %get3A_722 : vector<16xf32>
          %max3A_724 = arith.maximumf %max3A_668, %get3A_722 : vector<16xf32>
          %add3A_725 = arith.constant 3 : i32
          %add3A_726 = arith.addi %add3A_549, %add3A_725 : i32
          %get3A_727 = arith.index_cast %add3A_726 : i32 to index
          %get3A_728 = arith.constant 16 : index
          %get3A_729 = tpu.vector_load %arg5[%get3A_727, %get3A_728] {strides = array<i32>} : memref<400x128xf32, #tpu.memory_space<vmem>>, vector<16xf32>,
          %add3A_730 = arith.addf %add3A_674, %get3A_729 : vector<16xf32>
          %max3A_731 = arith.maximumf %max3A_675, %get3A_729 : vector<16xf32>
          %add3A_732 = arith.constant 3 : i32
          %add3A_733 = arith.addi %add3A_549, %add3A_732 : i32
          %get3A_734 = arith.index_cast %add3A_733 : i32 to index
          %get3A_735 = arith.constant 32 : index
          %get3A_736 = tpu.vector_load %arg5[%get3A_734, %get3A_735] {strides = array<i32>} : memref<400x128xf32, #tpu.memory_space<vmem>>, vector<16xf32>,
          %add3A_737 = arith.addf %add3A_681, %get3A_736 : vector<16xf32>
          %max3A_738 = arith.maximumf %max3A_682, %get3A_736 : vector<16xf32>
          %add3A_739 = arith.constant 3 : i32
          %add3A_740 = arith.addi %add3A_549, %add3A_739 : i32
          %get3A_741 = arith.index_cast %add3A_740 : i32 to index
          %get3A_742 = arith.constant 48 : index
          %get3A_743 = tpu.vector_load %arg5[%get3A_741, %get3A_742] {strides = array<i32>} : memref<400x128xf32, #tpu.memory_space<vmem>>, vector<16xf32>,
          %add3A_744 = arith.addf %add3A_688, %get3A_743 : vector<16xf32>
          %max3A_745 = arith.maximumf %max3A_689, %get3A_743 : vector<16xf32>
          %add3A_746 = arith.constant 3 : i32
          %add3A_747 = arith.addi %add3A_549, %add3A_746 : i32
          %get3A_748 = arith.index_cast %add3A_747 : i32 to index
          %get3A_749 = arith.constant 64 : index
          %get3A_750 = tpu.vector_load %arg5[%get3A_748, %get3A_749] {strides = array<i32>} : memref<400x128xf32, #tpu.memory_space<vmem>>, vector<16xf32>,
          %add3A_751 = arith.addf %add3A_695, %get3A_750 : vector<16xf32>
          %max3A_752 = arith.maximumf %max3A_696, %get3A_750 : vector<16xf32>
          %add3A_753 = arith.constant 3 : i32
          %add3A_754 = arith.addi %add3A_549, %add3A_753 : i32
          %get3A_755 = arith.index_cast %add3A_754 : i32 to index
          %get3A_756 = arith.constant 80 : index
          %get3A_757 = tpu.vector_load %arg5[%get3A_755, %get3A_756] {strides = array<i32>} : memref<400x128xf32, #tpu.memory_space<vmem>>, vector<16xf32>,
          %add3A_758 = arith.addf %add3A_702, %get3A_757 : vector<16xf32>
          %max3A_759 = arith.maximumf %max3A_703, %get3A_757 : vector<16xf32>
          %add3A_760 = arith.constant 3 : i32
          %add3A_761 = arith.addi %add3A_549, %add3A_760 : i32
          %get3A_762 = arith.index_cast %add3A_761 : i32 to index
          %get3A_763 = arith.constant 96 : index
          %get3A_764 = tpu.vector_load %arg5[%get3A_762, %get3A_763] {strides = array<i32>} : memref<400x128xf32, #tpu.memory_space<vmem>>, vector<16xf32>,
          %add3A_765 = arith.addf %add3A_709, %get3A_764 : vector<16xf32>
          %max3A_766 = arith.maximumf %max3A_710, %get3A_764 : vector<16xf32>
          %add3A_767 = arith.constant 3 : i32
          %add3A_768 = arith.addi %add3A_549, %add3A_767 : i32
          %get3A_769 = arith.index_cast %add3A_768 : i32 to index
          %get3A_770 = arith.constant 112 : index
          %get3A_771 = tpu.vector_load %arg5[%get3A_769, %get3A_770] {strides = array<i32>} : memref<400x128xf32, #tpu.memory_space<vmem>>, vector<16xf32>,
          %add3A_772 = arith.addf %add3A_716, %get3A_771 : vector<16xf32>
          %max3A_773 = arith.maximumf %max3A_717, %get3A_771 : vector<16xf32>
          scf.yield %add3A_723, %add3A_730, %add3A_737, %add3A_744, %add3A_751, %add3A_758, %add3A_765, %add3A_772, %max3A_724, %max3A_731, %max3A_738, %max3A_745, %max3A_752, %max3A_759, %max3A_766, %max3A_773 : vector<16xf32>, vector<16xf32>, vector<16xf32>, vector<16xf32>, vector<16xf32>, vector<16xf32>, vector<16xf32>, vector<16xf32>, vector<16xf32>, vector<16xf32>, vector<16xf32>, vector<16xf32>, vector<16xf32>, vector<16xf32>, vector<16xf32>, vector<16xf32>
        }
        %mul3A_515 = arith.constant 4 : i32
        %mul3A_516 = arith.muli %mul3A_515, %select_n3A_503 : i32
        %add3A_517 = arith.addi %while3A_409, %mul3A_516 : i32
        %while3A_518 = arith.subi %select_n3A_478, %add3A_517 : i32
        %while3A_519 = arith.addi %add3A_517, %while3A_518 : i32
        %while3A_520 = arith.constant 1 : i32
        %while3A_521 = arith.divsi %while3A_518, %while3A_520 : i32
        %while3A_522 = arith.muli %while3A_521, %while3A_520 : i32
        %while3A_523 = arith.addi %add3A_517, %while3A_522 : i32
        %while3A_524 = arith.constant 1 : i32
        %while3A_525:16 = scf.for %while3A_530 = %add3A_517 to %while3A_523 step %while3A_524 iter_args(%while3A_531 = %while3A_514#0, %while3A_532 = %while3A_514#1, %while3A_533 = %while3A_514#2, %while3A_534 = %while3A_514#3, %while3A_535 = %while3A_514#4, %while3A_536 = %while3A_514#5, %while3A_537 = %while3A_514#6, %while3A_538 = %while3A_514#7, %while3A_539 = %while3A_514#8, %while3A_540 = %while3A_514#9, %while3A_541 = %while3A_514#10, %while3A_542 = %while3A_514#11, %while3A_543 = %while3A_514#12, %while3A_544 = %while3A_514#13, %while3A_545 = %while3A_514#14, %while3A_546 = %while3A_514#15) -> (vector<16xf32>, vector<16xf32>, vector<16xf32>, vector<16xf32>, vector<16xf32>, vector<16xf32>, vector<16xf32>, vector<16xf32>, vector<16xf32>, vector<16xf32>, vector<16xf32>, vector<16xf32>, vector<16xf32>, vector<16xf32>, vector<16xf32>, vector<16xf32>)  : i32 {
          %add3A_547 = arith.constant 0 : i32
          %add3A_548 = arith.addi %while3A_530, %add3A_547 : i32
          %get3A_549 = arith.index_cast %add3A_548 : i32 to index
          %get3A_550 = arith.constant 0 : index
          %get3A_551 = tpu.vector_load %arg5[%get3A_549, %get3A_550] {strides = array<i32>} : memref<400x128xf32, #tpu.memory_space<vmem>>, vector<16xf32>,
          %add3A_552 = arith.addf %while3A_531, %get3A_551 : vector<16xf32>
          %max3A_553 = arith.maximumf %while3A_539, %get3A_551 : vector<16xf32>
          %add3A_554 = arith.constant 0 : i32
          %add3A_555 = arith.addi %while3A_530, %add3A_554 : i32
          %get3A_556 = arith.index_cast %add3A_555 : i32 to index
          %get3A_557 = arith.constant 16 : index
          %get3A_558 = tpu.vector_load %arg5[%get3A_556, %get3A_557] {strides = array<i32>} : memref<400x128xf32, #tpu.memory_space<vmem>>, vector<16xf32>,
          %add3A_559 = arith.addf %while3A_532, %get3A_558 : vector<16xf32>
          %max3A_560 = arith.maximumf %while3A_540, %get3A_558 : vector<16xf32>
          %add3A_561 = arith.constant 0 : i32
          %add3A_562 = arith.addi %while3A_530, %add3A_561 : i32
          %get3A_563 = arith.index_cast %add3A_562 : i32 to index
          %get3A_564 = arith.constant 32 : index
          %get3A_565 = tpu.vector_load %arg5[%get3A_563, %get3A_564] {strides = array<i32>} : memref<400x128xf32, #tpu.memory_space<vmem>>, vector<16xf32>,
          %add3A_566 = arith.addf %while3A_533, %get3A_565 : vector<16xf32>
          %max3A_567 = arith.maximumf %while3A_541, %get3A_565 : vector<16xf32>
          %add3A_568 = arith.constant 0 : i32
          %add3A_569 = arith.addi %while3A_530, %add3A_568 : i32
          %get3A_570 = arith.index_cast %add3A_569 : i32 to index
          %get3A_571 = arith.constant 48 : index
          %get3A_572 = tpu.vector_load %arg5[%get3A_570, %get3A_571] {strides = array<i32>} : memref<400x128xf32, #tpu.memory_space<vmem>>, vector<16xf32>,
          %add3A_573 = arith.addf %while3A_534, %get3A_572 : vector<16xf32>
          %max3A_574 = arith.maximumf %while3A_542, %get3A_572 : vector<16xf32>
          %add3A_575 = arith.constant 0 : i32
          %add3A_576 = arith.addi %while3A_530, %add3A_575 : i32
          %get3A_577 = arith.index_cast %add3A_576 : i32 to index
          %get3A_578 = arith.constant 64 : index
          %get3A_579 = tpu.vector_load %arg5[%get3A_577, %get3A_578] {strides = array<i32>} : memref<400x128xf32, #tpu.memory_space<vmem>>, vector<16xf32>,
          %add3A_580 = arith.addf %while3A_535, %get3A_579 : vector<16xf32>
          %max3A_581 = arith.maximumf %while3A_543, %get3A_579 : vector<16xf32>
          %add3A_582 = arith.constant 0 : i32
          %add3A_583 = arith.addi %while3A_530, %add3A_582 : i32
          %get3A_584 = arith.index_cast %add3A_583 : i32 to index
          %get3A_585 = arith.constant 80 : index
          %get3A_586 = tpu.vector_load %arg5[%get3A_584, %get3A_585] {strides = array<i32>} : memref<400x128xf32, #tpu.memory_space<vmem>>, vector<16xf32>,
          %add3A_587 = arith.addf %while3A_536, %get3A_586 : vector<16xf32>
          %max3A_588 = arith.maximumf %while3A_544, %get3A_586 : vector<16xf32>
          %add3A_589 = arith.constant 0 : i32
          %add3A_590 = arith.addi %while3A_530, %add3A_589 : i32
          %get3A_591 = arith.index_cast %add3A_590 : i32 to index
          %get3A_592 = arith.constant 96 : index
          %get3A_593 = tpu.vector_load %arg5[%get3A_591, %get3A_592] {strides = array<i32>} : memref<400x128xf32, #tpu.memory_space<vmem>>, vector<16xf32>,
          %add3A_594 = arith.addf %while3A_537, %get3A_593 : vector<16xf32>
          %max3A_595 = arith.maximumf %while3A_545, %get3A_593 : vector<16xf32>
          %add3A_596 = arith.constant 0 : i32
          %add3A_597 = arith.addi %while3A_530, %add3A_596 : i32
          %get3A_598 = arith.index_cast %add3A_597 : i32 to index
          %get3A_599 = arith.constant 112 : index
          %get3A_600 = tpu.vector_load %arg5[%get3A_598, %get3A_599] {strides = array<i32>} : memref<400x128xf32, #tpu.memory_space<vmem>>, vector<16xf32>,
          %add3A_601 = arith.addf %while3A_538, %get3A_600 : vector<16xf32>
          %max3A_602 = arith.maximumf %while3A_546, %get3A_600 : vector<16xf32>
          scf.yield %add3A_552, %add3A_559, %add3A_566, %add3A_573, %add3A_580, %add3A_587, %add3A_594, %add3A_601, %max3A_553, %max3A_560, %max3A_567, %max3A_574, %max3A_581, %max3A_588, %max3A_595, %max3A_602 : vector<16xf32>, vector<16xf32>, vector<16xf32>, vector<16xf32>, vector<16xf32>, vector<16xf32>, vector<16xf32>, vector<16xf32>, vector<16xf32>, vector<16xf32>, vector<16xf32>, vector<16xf32>, vector<16xf32>, vector<16xf32>, vector<16xf32>, vector<16xf32>
        }
        %while3A_526 = arith.constant 1 : i32
        %while3A_527:16 = scf.for %while3A_530 = %while3A_523 to %while3A_519 step %while3A_526 iter_args(%while3A_531 = %while3A_525#0, %while3A_532 = %while3A_525#1, %while3A_533 = %while3A_525#2, %while3A_534 = %while3A_525#3, %while3A_535 = %while3A_525#4, %while3A_536 = %while3A_525#5, %while3A_537 = %while3A_525#6, %while3A_538 = %while3A_525#7, %while3A_539 = %while3A_525#8, %while3A_540 = %while3A_525#9, %while3A_541 = %while3A_525#10, %while3A_542 = %while3A_525#11, %while3A_543 = %while3A_525#12, %while3A_544 = %while3A_525#13, %while3A_545 = %while3A_525#14, %while3A_546 = %while3A_525#15) -> (vector<16xf32>, vector<16xf32>, vector<16xf32>, vector<16xf32>, vector<16xf32>, vector<16xf32>, vector<16xf32>, vector<16xf32>, vector<16xf32>, vector<16xf32>, vector<16xf32>, vector<16xf32>, vector<16xf32>, vector<16xf32>, vector<16xf32>, vector<16xf32>)  : i32 {
          %add3A_547 = arith.constant 0 : i32
          %add3A_548 = arith.addi %while3A_530, %add3A_547 : i32
          %get3A_549 = arith.index_cast %add3A_548 : i32 to index
          %get3A_550 = arith.constant 0 : index
          %get3A_551 = tpu.vector_load %arg5[%get3A_549, %get3A_550] {strides = array<i32>} : memref<400x128xf32, #tpu.memory_space<vmem>>, vector<16xf32>,
          %add3A_552 = arith.addf %while3A_531, %get3A_551 : vector<16xf32>
          %max3A_553 = arith.maximumf %while3A_539, %get3A_551 : vector<16xf32>
          %add3A_554 = arith.constant 0 : i32
          %add3A_555 = arith.addi %while3A_530, %add3A_554 : i32
          %get3A_556 = arith.index_cast %add3A_555 : i32 to index
          %get3A_557 = arith.constant 16 : index
          %get3A_558 = tpu.vector_load %arg5[%get3A_556, %get3A_557] {strides = array<i32>} : memref<400x128xf32, #tpu.memory_space<vmem>>, vector<16xf32>,
          %add3A_559 = arith.addf %while3A_532, %get3A_558 : vector<16xf32>
          %max3A_560 = arith.maximumf %while3A_540, %get3A_558 : vector<16xf32>
          %add3A_561 = arith.constant 0 : i32
          %add3A_562 = arith.addi %while3A_530, %add3A_561 : i32
          %get3A_563 = arith.index_cast %add3A_562 : i32 to index
          %get3A_564 = arith.constant 32 : index
          %get3A_565 = tpu.vector_load %arg5[%get3A_563, %get3A_564] {strides = array<i32>} : memref<400x128xf32, #tpu.memory_space<vmem>>, vector<16xf32>,
          %add3A_566 = arith.addf %while3A_533, %get3A_565 : vector<16xf32>
          %max3A_567 = arith.maximumf %while3A_541, %get3A_565 : vector<16xf32>
          %add3A_568 = arith.constant 0 : i32
          %add3A_569 = arith.addi %while3A_530, %add3A_568 : i32
          %get3A_570 = arith.index_cast %add3A_569 : i32 to index
          %get3A_571 = arith.constant 48 : index
          %get3A_572 = tpu.vector_load %arg5[%get3A_570, %get3A_571] {strides = array<i32>} : memref<400x128xf32, #tpu.memory_space<vmem>>, vector<16xf32>,
          %add3A_573 = arith.addf %while3A_534, %get3A_572 : vector<16xf32>
          %max3A_574 = arith.maximumf %while3A_542, %get3A_572 : vector<16xf32>
          %add3A_575 = arith.constant 0 : i32
          %add3A_576 = arith.addi %while3A_530, %add3A_575 : i32
          %get3A_577 = arith.index_cast %add3A_576 : i32 to index
          %get3A_578 = arith.constant 64 : index
          %get3A_579 = tpu.vector_load %arg5[%get3A_577, %get3A_578] {strides = array<i32>} : memref<400x128xf32, #tpu.memory_space<vmem>>, vector<16xf32>,
          %add3A_580 = arith.addf %while3A_535, %get3A_579 : vector<16xf32>
          %max3A_581 = arith.maximumf %while3A_543, %get3A_579 : vector<16xf32>
          %add3A_582 = arith.constant 0 : i32
          %add3A_583 = arith.addi %while3A_530, %add3A_582 : i32
          %get3A_584 = arith.index_cast %add3A_583 : i32 to index
          %get3A_585 = arith.constant 80 : index
          %get3A_586 = tpu.vector_load %arg5[%get3A_584, %get3A_585] {strides = array<i32>} : memref<400x128xf32, #tpu.memory_space<vmem>>, vector<16xf32>,
          %add3A_587 = arith.addf %while3A_536, %get3A_586 : vector<16xf32>
          %max3A_588 = arith.maximumf %while3A_544, %get3A_586 : vector<16xf32>
          %add3A_589 = arith.constant 0 : i32
          %add3A_590 = arith.addi %while3A_530, %add3A_589 : i32
          %get3A_591 = arith.index_cast %add3A_590 : i32 to index
          %get3A_592 = arith.constant 96 : index
          %get3A_593 = tpu.vector_load %arg5[%get3A_591, %get3A_592] {strides = array<i32>} : memref<400x128xf32, #tpu.memory_space<vmem>>, vector<16xf32>,
          %add3A_594 = arith.addf %while3A_537, %get3A_593 : vector<16xf32>
          %max3A_595 = arith.maximumf %while3A_545, %get3A_593 : vector<16xf32>
          %add3A_596 = arith.constant 0 : i32
          %add3A_597 = arith.addi %while3A_530, %add3A_596 : i32
          %get3A_598 = arith.index_cast %add3A_597 : i32 to index
          %get3A_599 = arith.constant 112 : index
          %get3A_600 = tpu.vector_load %arg5[%get3A_598, %get3A_599] {strides = array<i32>} : memref<400x128xf32, #tpu.memory_space<vmem>>, vector<16xf32>,
          %add3A_601 = arith.addf %while3A_538, %get3A_600 : vector<16xf32>
          %max3A_602 = arith.maximumf %while3A_546, %get3A_600 : vector<16xf32>
          scf.yield %add3A_552, %add3A_559, %add3A_566, %add3A_573, %add3A_580, %add3A_587, %add3A_594, %add3A_601, %max3A_553, %max3A_560, %max3A_567, %max3A_574, %max3A_581, %max3A_588, %max3A_595, %max3A_602 : vector<16xf32>, vector<16xf32>, vector<16xf32>, vector<16xf32>, vector<16xf32>, vector<16xf32>, vector<16xf32>, vector<16xf32>, vector<16xf32>, vector<16xf32>, vector<16xf32>, vector<16xf32>, vector<16xf32>, vector<16xf32>, vector<16xf32>, vector<16xf32>
        }
        %sub3A_528 = arith.subi %select_n3A_478, %while3A_409 : i32
        %add3A_529 = arith.addi %select_n3A_472, %sub3A_528 : i32
        scf.yield %select_n3A_478, %squeeze3A_431, %add3A_529, %while3A_527#0, %while3A_527#1, %while3A_527#2, %while3A_527#3, %while3A_527#4, %while3A_527#5, %while3A_527#6, %while3A_527#7, %while3A_527#8, %while3A_527#9, %while3A_527#10, %while3A_527#11, %while3A_527#12, %while3A_527#13, %while3A_527#14, %while3A_527#15 : i32, i32, i32, vector<16xf32>, vector<16xf32>, vector<16xf32>, vector<16xf32>, vector<16xf32>, vector<16xf32>, vector<16xf32>, vector<16xf32>, vector<16xf32>, vector<16xf32>, vector<16xf32>, vector<16xf32>, vector<16xf32>, vector<16xf32>, vector<16xf32>, vector<16xf32>
      }
      %mul3A_381 = arith.constant 2 : i32
      %mul3A_382 = arith.muli %mul3A_381, %while3A_334 : i32
      %add3A_383 = arith.constant 1 : i32
      %add3A_384 = arith.addi %mul3A_382, %add3A_383 : i32
      %mul3A_385 = arith.constant 400 : i32
      %mul3A_386 = arith.muli %add3A_384, %mul3A_385 : i32
      %add3A_387 = arith.addi %mul3A_242, %mul3A_386 : i32
      %add3A_388 = arith.constant 1 : i32
      %add3A_389 = arith.addi %add3A_384, %add3A_388 : i32
      %lt3A_390 = arith.cmpi slt, %add3A_389, %select_n3A_269 : i32
      %convert_element_type3A_391 = arith.extui %lt3A_390 : i1 to i32
      %cond3A_392 = arith.constant 0 : i32
      %cond3A_393 = arith.cmpi ne, %convert_element_type3A_391, %cond3A_392 : i32
      scf.if %cond3A_393 {
        %mul3A_409 = arith.constant 400 : i32
        %mul3A_410 = arith.muli %add3A_389, %mul3A_409 : i32
        %add3A_411 = arith.addi %mul3A_242, %mul3A_410 : i32
        %dma_start3A_412 = arith.constant 0 : i32
        %dma_start3A_413 = tpu.memref_slice %arg2[%add3A_411, %dma_start3A_412] : memref<100000x128xf32, #tpu.memory_space<hbm>> -> memref<400x128xf32, #tpu.memory_space<hbm>>
        %dma_start3A_414 = arith.constant 0 : i32
        %dma_start3A_415 = tpu.memref_slice %arg2[%add3A_411, %dma_start3A_414] : memref<100000x128xf32, #tpu.memory_space<hbm>> -> memref<400x128xf32, #tpu.memory_space<hbm>>
        tpu.enqueue_dma source(%dma_start3A_415 : memref<400x128xf32, #tpu.memory_space<hbm>>) target(%arg5 : memref<400x128xf32, #tpu.memory_space<vmem>>) target_semaphore(%arg14 : memref<!tpu.dma_semaphore, #tpu.memory_space<semaphore_mem>>)
        %dma_start3A_416 = arith.constant 0 : i32
        %dma_start3A_417 = tpu.memref_slice %arg7[%dma_start3A_416] : memref<416xi32, #tpu.memory_space<vmem>> -> memref<400xi32, #tpu.memory_space<vmem>>
        %dma_start3A_418 = tpu.memref_slice %arg3[%add3A_411] : memref<100000xi32, #tpu.memory_space<hbm>> -> memref<400xi32, #tpu.memory_space<hbm>>
        %dma_start3A_419 = arith.constant 0 : i32
        %dma_start3A_420 = tpu.memref_slice %arg7[%dma_start3A_419] : memref<416xi32, #tpu.memory_space<vmem>> -> memref<400xi32, #tpu.memory_space<vmem>>
        %dma_start3A_421 = tpu.memref_slice %arg3[%add3A_411] : memref<100000xi32, #tpu.memory_space<hbm>> -> memref<400xi32, #tpu.memory_space<hbm>>
        tpu.enqueue_dma source(%dma_start3A_421 : memref<400xi32, #tpu.memory_space<hbm>>) target(%dma_start3A_420 : memref<400xi32, #tpu.memory_space<vmem>>) target_semaphore(%arg14 : memref<!tpu.dma_semaphore, #tpu.memory_space<semaphore_mem>>)
      } else {
      }
      %lt3A_394 = arith.cmpi slt, %add3A_384, %select_n3A_269 : i32
      %convert_element_type3A_395 = arith.extui %lt3A_394 : i1 to i32
      %cond3A_396 = arith.constant 0 : i32
      %cond3A_397 = arith.cmpi ne, %convert_element_type3A_395, %cond3A_396 : i32
      scf.if %cond3A_397 {
        %dma_wait3A_409 = arith.constant 0 : i32
        %dma_wait3A_410 = arith.constant 0 : i32
        %dma_wait3A_411 = tpu.memref_slice %arg2[%dma_wait3A_409, %dma_wait3A_410] : memref<100000x128xf32, #tpu.memory_space<hbm>> -> memref<400x128xf32, #tpu.memory_space<hbm>>
        %dma_wait3A_412 = arith.constant 0 : i32
        %dma_wait3A_413 = arith.constant 0 : i32
        %dma_wait3A_414 = tpu.memref_slice %arg2[%dma_wait3A_412, %dma_wait3A_413] : memref<100000x128xf32, #tpu.memory_space<hbm>> -> memref<400x128xf32, #tpu.memory_space<hbm>>
        tpu.wait_dma2 semaphore(%arg15 : memref<!tpu.dma_semaphore, #tpu.memory_space<semaphore_mem>>) src(%dma_wait3A_414 : memref<400x128xf32, #tpu.memory_space<hbm>>) dst(%arg6 : memref<400x128xf32, #tpu.memory_space<vmem>>)
        %dma_wait3A_415 = arith.constant 0 : i32
        %dma_wait3A_416 = tpu.memref_slice %arg8[%dma_wait3A_415] : memref<416xi32, #tpu.memory_space<vmem>> -> memref<400xi32, #tpu.memory_space<vmem>>
        %dma_wait3A_417 = arith.constant 0 : i32
        %dma_wait3A_418 = tpu.memref_slice %arg3[%dma_wait3A_417] : memref<100000xi32, #tpu.memory_space<hbm>> -> memref<400xi32, #tpu.memory_space<hbm>>
        %dma_wait3A_419 = arith.constant 0 : i32
        %dma_wait3A_420 = tpu.memref_slice %arg8[%dma_wait3A_419] : memref<416xi32, #tpu.memory_space<vmem>> -> memref<400xi32, #tpu.memory_space<vmem>>
        %dma_wait3A_421 = arith.constant 0 : i32
        %dma_wait3A_422 = tpu.memref_slice %arg3[%dma_wait3A_421] : memref<100000xi32, #tpu.memory_space<hbm>> -> memref<400xi32, #tpu.memory_space<hbm>>
        tpu.wait_dma2 semaphore(%arg15 : memref<!tpu.dma_semaphore, #tpu.memory_space<semaphore_mem>>) src(%dma_wait3A_422 : memref<400xi32, #tpu.memory_space<hbm>>) dst(%dma_wait3A_420 : memref<400xi32, #tpu.memory_space<vmem>>)
      } else {
      }
      %sub3A_398 = arith.subi %add3A_209, %add3A_387 : i32
      %max3A_399 = arith.constant 0 : i32
      %max3A_400 = arith.maxsi %sub3A_398, %max3A_399 : i32
      %min3A_401 = arith.constant 400 : i32
      %min3A_402 = arith.minsi %max3A_400, %min3A_401 : i32
      %sub3A_403 = arith.subi %add3A_222, %add3A_387 : i32
      %max3A_404 = arith.constant 0 : i32
      %max3A_405 = arith.maxsi %sub3A_403, %max3A_404 : i32
      %min3A_406 = arith.constant 400 : i32
      %min3A_407 = arith.minsi %max3A_405, %min3A_406 : i32
      %while3A_408:19 = scf.while (%while3A_409 = %min3A_402, %while3A_410 = %while3A_380#1, %while3A_411 = %while3A_380#2, %while3A_412 = %while3A_380#3, %while3A_413 = %while3A_380#4, %while3A_414 = %while3A_380#5, %while3A_415 = %while3A_380#6, %while3A_416 = %while3A_380#7, %while3A_417 = %while3A_380#8, %while3A_418 = %while3A_380#9, %while3A_419 = %while3A_380#10, %while3A_420 = %while3A_380#11, %while3A_421 = %while3A_380#12, %while3A_422 = %while3A_380#13, %while3A_423 = %while3A_380#14, %while3A_424 = %while3A_380#15, %while3A_425 = %while3A_380#16, %while3A_426 = %while3A_380#17, %while3A_427 = %while3A_380#18) : (i32, i32, i32, vector<16xf32>, vector<16xf32>, vector<16xf32>, vector<16xf32>, vector<16xf32>, vector<16xf32>, vector<16xf32>, vector<16xf32>, vector<16xf32>, vector<16xf32>, vector<16xf32>, vector<16xf32>, vector<16xf32>, vector<16xf32>, vector<16xf32>, vector<16xf32>) -> (i32, i32, i32, vector<16xf32>, vector<16xf32>, vector<16xf32>, vector<16xf32>, vector<16xf32>, vector<16xf32>, vector<16xf32>, vector<16xf32>, vector<16xf32>, vector<16xf32>, vector<16xf32>, vector<16xf32>, vector<16xf32>, vector<16xf32>, vector<16xf32>, vector<16xf32>) {
        %lt3A_428 = arith.cmpi slt, %while3A_409, %min3A_407 : i32
        scf.condition(%lt3A_428) %while3A_409, %while3A_410, %while3A_411, %while3A_412, %while3A_413, %while3A_414, %while3A_415, %while3A_416, %while3A_417, %while3A_418, %while3A_419, %while3A_420, %while3A_421, %while3A_422, %while3A_423, %while3A_424, %while3A_425, %while3A_426, %while3A_427 : i32, i32, i32, vector<16xf32>, vector<16xf32>, vector<16xf32>, vector<16xf32>, vector<16xf32>, vector<16xf32>, vector<16xf32>, vector<16xf32>, vector<16xf32>, vector<16xf32>, vector<16xf32>, vector<16xf32>, vector<16xf32>, vector<16xf32>, vector<16xf32>, vector<16xf32>
      } do {
      ^bb0(%while3A_409: i32, %while3A_410: i32, %while3A_411: i32, %while3A_412: vector<16xf32>, %while3A_413: vector<16xf32>, %while3A_414: vector<16xf32>, %while3A_415: vector<16xf32>, %while3A_416: vector<16xf32>, %while3A_417: vector<16xf32>, %while3A_418: vector<16xf32>, %while3A_419: vector<16xf32>, %while3A_420: vector<16xf32>, %while3A_421: vector<16xf32>, %while3A_422: vector<16xf32>, %while3A_423: vector<16xf32>, %while3A_424: vector<16xf32>, %while3A_425: vector<16xf32>, %while3A_426: vector<16xf32>, %while3A_427: vector<16xf32>):
        %get3A_428 = arith.index_cast %while3A_409 : i32 to index
        %get3A_429 = tpu.vector_load %arg8[%get3A_428] {strides = array<i32>} : memref<416xi32, #tpu.memory_space<vmem>>, vector<16xi32>,
        %slice3A_430 = vector.extract_strided_slice %get3A_429 {offsets = [0], sizes = [1], strides = [1]} : vector<16xi32> to vector<1xi32>
        %squeeze3A_431 = vector.extract %slice3A_430[0] : i32 from vector<1xi32>
        %ne3A_432 = arith.cmpi ne, %squeeze3A_431, %while3A_410 : i32
        %gt3A_433 = arith.constant 0 : i32
        %gt3A_434 = arith.cmpi sgt, %while3A_411, %gt3A_433 : i32
        %and3A_435 = arith.andi %ne3A_432, %gt3A_434 : i1
        %convert_element_type3A_436 = arith.extui %and3A_435 : i1 to i32
        %cond3A_437 = arith.constant 0 : i32
        %cond3A_438 = arith.cmpi ne, %convert_element_type3A_436, %cond3A_437 : i32
        scf.if %cond3A_438 {
          %sub3A_530 = arith.subi %while3A_410, %mul3A_2 : i32
          %broadcast_in_dim3A_531 = vector.broadcast %while3A_411 : i32 to vector<16xi32>
          %convert_element_type3A_532 = arith.sitofp %broadcast_in_dim3A_531 : vector<16xi32> to vector<16xf32>
          %div3A_533 = arith.constant 1.000000e+00 : f32
          %div3A_534 = vector.broadcast %div3A_533 : f32 to vector<16xf32>
          %div3A_535 = arith.divf %div3A_534, %convert_element_type3A_532 : vector<16xf32>
          %mul3A_536 = arith.mulf %while3A_412, %div3A_535 : vector<16xf32>
          %swap3A_537 = arith.index_cast %sub3A_530 : i32 to index
          %swap3A_538 = arith.constant 0 : index
          %swap3A_539 = tpu.vector_load %arg13[%swap3A_537, %swap3A_538] {strides = array<i32>} : memref<32x384xf32, #tpu.memory_space<vmem>>, vector<16xf32>,
          tpu.vector_store %arg13[%swap3A_537, %swap3A_538], %mul3A_536 {strides = array<i32>} : memref<32x384xf32, #tpu.memory_space<vmem>>, vector<16xf32>,
          %swap3A_540 = arith.index_cast %sub3A_530 : i32 to index
          %swap3A_541 = arith.constant 128 : index
          %swap3A_542 = tpu.vector_load %arg13[%swap3A_540, %swap3A_541] {strides = array<i32>} : memref<32x384xf32, #tpu.memory_space<vmem>>, vector<16xf32>,
          tpu.vector_store %arg13[%swap3A_540, %swap3A_541], %while3A_420 {strides = array<i32>} : memref<32x384xf32, #tpu.memory_space<vmem>>, vector<16xf32>,
          %swap3A_543 = arith.index_cast %sub3A_530 : i32 to index
          %swap3A_544 = arith.constant 256 : index
          %swap3A_545 = tpu.vector_load %arg13[%swap3A_543, %swap3A_544] {strides = array<i32>} : memref<32x384xf32, #tpu.memory_space<vmem>>, vector<16xf32>,
          tpu.vector_store %arg13[%swap3A_543, %swap3A_544], %while3A_412 {strides = array<i32>} : memref<32x384xf32, #tpu.memory_space<vmem>>, vector<16xf32>,
          %mul3A_546 = arith.mulf %while3A_413, %div3A_535 : vector<16xf32>
          %swap3A_547 = arith.index_cast %sub3A_530 : i32 to index
          %swap3A_548 = arith.constant 16 : index
          %swap3A_549 = tpu.vector_load %arg13[%swap3A_547, %swap3A_548] {strides = array<i32>} : memref<32x384xf32, #tpu.memory_space<vmem>>, vector<16xf32>,
          tpu.vector_store %arg13[%swap3A_547, %swap3A_548], %mul3A_546 {strides = array<i32>} : memref<32x384xf32, #tpu.memory_space<vmem>>, vector<16xf32>,
          %swap3A_550 = arith.index_cast %sub3A_530 : i32 to index
          %swap3A_551 = arith.constant 144 : index
          %swap3A_552 = tpu.vector_load %arg13[%swap3A_550, %swap3A_551] {strides = array<i32>} : memref<32x384xf32, #tpu.memory_space<vmem>>, vector<16xf32>,
          tpu.vector_store %arg13[%swap3A_550, %swap3A_551], %while3A_421 {strides = array<i32>} : memref<32x384xf32, #tpu.memory_space<vmem>>, vector<16xf32>,
          %swap3A_553 = arith.index_cast %sub3A_530 : i32 to index
          %swap3A_554 = arith.constant 272 : index
          %swap3A_555 = tpu.vector_load %arg13[%swap3A_553, %swap3A_554] {strides = array<i32>} : memref<32x384xf32, #tpu.memory_space<vmem>>, vector<16xf32>,
          tpu.vector_store %arg13[%swap3A_553, %swap3A_554], %while3A_413 {strides = array<i32>} : memref<32x384xf32, #tpu.memory_space<vmem>>, vector<16xf32>,
          %mul3A_556 = arith.mulf %while3A_414, %div3A_535 : vector<16xf32>
          %swap3A_557 = arith.index_cast %sub3A_530 : i32 to index
          %swap3A_558 = arith.constant 32 : index
          %swap3A_559 = tpu.vector_load %arg13[%swap3A_557, %swap3A_558] {strides = array<i32>} : memref<32x384xf32, #tpu.memory_space<vmem>>, vector<16xf32>,
          tpu.vector_store %arg13[%swap3A_557, %swap3A_558], %mul3A_556 {strides = array<i32>} : memref<32x384xf32, #tpu.memory_space<vmem>>, vector<16xf32>,
          %swap3A_560 = arith.index_cast %sub3A_530 : i32 to index
          %swap3A_561 = arith.constant 160 : index
          %swap3A_562 = tpu.vector_load %arg13[%swap3A_560, %swap3A_561] {strides = array<i32>} : memref<32x384xf32, #tpu.memory_space<vmem>>, vector<16xf32>,
          tpu.vector_store %arg13[%swap3A_560, %swap3A_561], %while3A_422 {strides = array<i32>} : memref<32x384xf32, #tpu.memory_space<vmem>>, vector<16xf32>,
          %swap3A_563 = arith.index_cast %sub3A_530 : i32 to index
          %swap3A_564 = arith.constant 288 : index
          %swap3A_565 = tpu.vector_load %arg13[%swap3A_563, %swap3A_564] {strides = array<i32>} : memref<32x384xf32, #tpu.memory_space<vmem>>, vector<16xf32>,
          tpu.vector_store %arg13[%swap3A_563, %swap3A_564], %while3A_414 {strides = array<i32>} : memref<32x384xf32, #tpu.memory_space<vmem>>, vector<16xf32>,
          %mul3A_566 = arith.mulf %while3A_415, %div3A_535 : vector<16xf32>
          %swap3A_567 = arith.index_cast %sub3A_530 : i32 to index
          %swap3A_568 = arith.constant 48 : index
          %swap3A_569 = tpu.vector_load %arg13[%swap3A_567, %swap3A_568] {strides = array<i32>} : memref<32x384xf32, #tpu.memory_space<vmem>>, vector<16xf32>,
          tpu.vector_store %arg13[%swap3A_567, %swap3A_568], %mul3A_566 {strides = array<i32>} : memref<32x384xf32, #tpu.memory_space<vmem>>, vector<16xf32>,
          %swap3A_570 = arith.index_cast %sub3A_530 : i32 to index
          %swap3A_571 = arith.constant 176 : index
          %swap3A_572 = tpu.vector_load %arg13[%swap3A_570, %swap3A_571] {strides = array<i32>} : memref<32x384xf32, #tpu.memory_space<vmem>>, vector<16xf32>,
          tpu.vector_store %arg13[%swap3A_570, %swap3A_571], %while3A_423 {strides = array<i32>} : memref<32x384xf32, #tpu.memory_space<vmem>>, vector<16xf32>,
          %swap3A_573 = arith.index_cast %sub3A_530 : i32 to index
          %swap3A_574 = arith.constant 304 : index
          %swap3A_575 = tpu.vector_load %arg13[%swap3A_573, %swap3A_574] {strides = array<i32>} : memref<32x384xf32, #tpu.memory_space<vmem>>, vector<16xf32>,
          tpu.vector_store %arg13[%swap3A_573, %swap3A_574], %while3A_415 {strides = array<i32>} : memref<32x384xf32, #tpu.memory_space<vmem>>, vector<16xf32>,
          %mul3A_576 = arith.mulf %while3A_416, %div3A_535 : vector<16xf32>
          %swap3A_577 = arith.index_cast %sub3A_530 : i32 to index
          %swap3A_578 = arith.constant 64 : index
          %swap3A_579 = tpu.vector_load %arg13[%swap3A_577, %swap3A_578] {strides = array<i32>} : memref<32x384xf32, #tpu.memory_space<vmem>>, vector<16xf32>,
          tpu.vector_store %arg13[%swap3A_577, %swap3A_578], %mul3A_576 {strides = array<i32>} : memref<32x384xf32, #tpu.memory_space<vmem>>, vector<16xf32>,
          %swap3A_580 = arith.index_cast %sub3A_530 : i32 to index
          %swap3A_581 = arith.constant 192 : index
          %swap3A_582 = tpu.vector_load %arg13[%swap3A_580, %swap3A_581] {strides = array<i32>} : memref<32x384xf32, #tpu.memory_space<vmem>>, vector<16xf32>,
          tpu.vector_store %arg13[%swap3A_580, %swap3A_581], %while3A_424 {strides = array<i32>} : memref<32x384xf32, #tpu.memory_space<vmem>>, vector<16xf32>,
          %swap3A_583 = arith.index_cast %sub3A_530 : i32 to index
          %swap3A_584 = arith.constant 320 : index
          %swap3A_585 = tpu.vector_load %arg13[%swap3A_583, %swap3A_584] {strides = array<i32>} : memref<32x384xf32, #tpu.memory_space<vmem>>, vector<16xf32>,
          tpu.vector_store %arg13[%swap3A_583, %swap3A_584], %while3A_416 {strides = array<i32>} : memref<32x384xf32, #tpu.memory_space<vmem>>, vector<16xf32>,
          %mul3A_586 = arith.mulf %while3A_417, %div3A_535 : vector<16xf32>
          %swap3A_587 = arith.index_cast %sub3A_530 : i32 to index
          %swap3A_588 = arith.constant 80 : index
          %swap3A_589 = tpu.vector_load %arg13[%swap3A_587, %swap3A_588] {strides = array<i32>} : memref<32x384xf32, #tpu.memory_space<vmem>>, vector<16xf32>,
          tpu.vector_store %arg13[%swap3A_587, %swap3A_588], %mul3A_586 {strides = array<i32>} : memref<32x384xf32, #tpu.memory_space<vmem>>, vector<16xf32>,
          %swap3A_590 = arith.index_cast %sub3A_530 : i32 to index
          %swap3A_591 = arith.constant 208 : index
          %swap3A_592 = tpu.vector_load %arg13[%swap3A_590, %swap3A_591] {strides = array<i32>} : memref<32x384xf32, #tpu.memory_space<vmem>>, vector<16xf32>,
          tpu.vector_store %arg13[%swap3A_590, %swap3A_591], %while3A_425 {strides = array<i32>} : memref<32x384xf32, #tpu.memory_space<vmem>>, vector<16xf32>,
          %swap3A_593 = arith.index_cast %sub3A_530 : i32 to index
          %swap3A_594 = arith.constant 336 : index
          %swap3A_595 = tpu.vector_load %arg13[%swap3A_593, %swap3A_594] {strides = array<i32>} : memref<32x384xf32, #tpu.memory_space<vmem>>, vector<16xf32>,
          tpu.vector_store %arg13[%swap3A_593, %swap3A_594], %while3A_417 {strides = array<i32>} : memref<32x384xf32, #tpu.memory_space<vmem>>, vector<16xf32>,
          %mul3A_596 = arith.mulf %while3A_418, %div3A_535 : vector<16xf32>
          %swap3A_597 = arith.index_cast %sub3A_530 : i32 to index
          %swap3A_598 = arith.constant 96 : index
          %swap3A_599 = tpu.vector_load %arg13[%swap3A_597, %swap3A_598] {strides = array<i32>} : memref<32x384xf32, #tpu.memory_space<vmem>>, vector<16xf32>,
          tpu.vector_store %arg13[%swap3A_597, %swap3A_598], %mul3A_596 {strides = array<i32>} : memref<32x384xf32, #tpu.memory_space<vmem>>, vector<16xf32>,
          %swap3A_600 = arith.index_cast %sub3A_530 : i32 to index
          %swap3A_601 = arith.constant 224 : index
          %swap3A_602 = tpu.vector_load %arg13[%swap3A_600, %swap3A_601] {strides = array<i32>} : memref<32x384xf32, #tpu.memory_space<vmem>>, vector<16xf32>,
          tpu.vector_store %arg13[%swap3A_600, %swap3A_601], %while3A_426 {strides = array<i32>} : memref<32x384xf32, #tpu.memory_space<vmem>>, vector<16xf32>,
          %swap3A_603 = arith.index_cast %sub3A_530 : i32 to index
          %swap3A_604 = arith.constant 352 : index
          %swap3A_605 = tpu.vector_load %arg13[%swap3A_603, %swap3A_604] {strides = array<i32>} : memref<32x384xf32, #tpu.memory_space<vmem>>, vector<16xf32>,
          tpu.vector_store %arg13[%swap3A_603, %swap3A_604], %while3A_418 {strides = array<i32>} : memref<32x384xf32, #tpu.memory_space<vmem>>, vector<16xf32>,
          %mul3A_606 = arith.mulf %while3A_419, %div3A_535 : vector<16xf32>
          %swap3A_607 = arith.index_cast %sub3A_530 : i32 to index
          %swap3A_608 = arith.constant 112 : index
          %swap3A_609 = tpu.vector_load %arg13[%swap3A_607, %swap3A_608] {strides = array<i32>} : memref<32x384xf32, #tpu.memory_space<vmem>>, vector<16xf32>,
          tpu.vector_store %arg13[%swap3A_607, %swap3A_608], %mul3A_606 {strides = array<i32>} : memref<32x384xf32, #tpu.memory_space<vmem>>, vector<16xf32>,
          %swap3A_610 = arith.index_cast %sub3A_530 : i32 to index
          %swap3A_611 = arith.constant 240 : index
          %swap3A_612 = tpu.vector_load %arg13[%swap3A_610, %swap3A_611] {strides = array<i32>} : memref<32x384xf32, #tpu.memory_space<vmem>>, vector<16xf32>,
          tpu.vector_store %arg13[%swap3A_610, %swap3A_611], %while3A_427 {strides = array<i32>} : memref<32x384xf32, #tpu.memory_space<vmem>>, vector<16xf32>,
          %swap3A_613 = arith.index_cast %sub3A_530 : i32 to index
          %swap3A_614 = arith.constant 368 : index
          %swap3A_615 = tpu.vector_load %arg13[%swap3A_613, %swap3A_614] {strides = array<i32>} : memref<32x384xf32, #tpu.memory_space<vmem>>, vector<16xf32>,
          tpu.vector_store %arg13[%swap3A_613, %swap3A_614], %while3A_419 {strides = array<i32>} : memref<32x384xf32, #tpu.memory_space<vmem>>, vector<16xf32>,
        } else {
        }
        %select_n3A_439 = arith.select %ne3A_432, %broadcast_in_dim3A_3, %while3A_412 : vector<16xf32>
        %select_n3A_440 = arith.select %ne3A_432, %broadcast_in_dim3A_3, %while3A_413 : vector<16xf32>
        %select_n3A_441 = arith.select %ne3A_432, %broadcast_in_dim3A_3, %while3A_414 : vector<16xf32>
        %select_n3A_442 = arith.select %ne3A_432, %broadcast_in_dim3A_3, %while3A_415 : vector<16xf32>
        %select_n3A_443 = arith.select %ne3A_432, %broadcast_in_dim3A_3, %while3A_416 : vector<16xf32>
        %select_n3A_444 = arith.select %ne3A_432, %broadcast_in_dim3A_3, %while3A_417 : vector<16xf32>
        %select_n3A_445 = arith.select %ne3A_432, %broadcast_in_dim3A_3, %while3A_418 : vector<16xf32>
        %select_n3A_446 = arith.select %ne3A_432, %broadcast_in_dim3A_3, %while3A_419 : vector<16xf32>
        %jit3A_447 = arith.constant -3.40282347E+38 : f32
        %broadcast_in_dim3A_448 = vector.broadcast %jit3A_447 : f32 to vector<16xf32>
        %select_n3A_449 = arith.select %ne3A_432, %broadcast_in_dim3A_448, %while3A_420 : vector<16xf32>
        %jit3A_450 = arith.constant -3.40282347E+38 : f32
        %broadcast_in_dim3A_451 = vector.broadcast %jit3A_450 : f32 to vector<16xf32>
        %select_n3A_452 = arith.select %ne3A_432, %broadcast_in_dim3A_451, %while3A_421 : vector<16xf32>
        %jit3A_453 = arith.constant -3.40282347E+38 : f32
        %broadcast_in_dim3A_454 = vector.broadcast %jit3A_453 : f32 to vector<16xf32>
        %select_n3A_455 = arith.select %ne3A_432, %broadcast_in_dim3A_454, %while3A_422 : vector<16xf32>
        %jit3A_456 = arith.constant -3.40282347E+38 : f32
        %broadcast_in_dim3A_457 = vector.broadcast %jit3A_456 : f32 to vector<16xf32>
        %select_n3A_458 = arith.select %ne3A_432, %broadcast_in_dim3A_457, %while3A_423 : vector<16xf32>
        %jit3A_459 = arith.constant -3.40282347E+38 : f32
        %broadcast_in_dim3A_460 = vector.broadcast %jit3A_459 : f32 to vector<16xf32>
        %select_n3A_461 = arith.select %ne3A_432, %broadcast_in_dim3A_460, %while3A_424 : vector<16xf32>
        %jit3A_462 = arith.constant -3.40282347E+38 : f32
        %broadcast_in_dim3A_463 = vector.broadcast %jit3A_462 : f32 to vector<16xf32>
        %select_n3A_464 = arith.select %ne3A_432, %broadcast_in_dim3A_463, %while3A_425 : vector<16xf32>
        %jit3A_465 = arith.constant -3.40282347E+38 : f32
        %broadcast_in_dim3A_466 = vector.broadcast %jit3A_465 : f32 to vector<16xf32>
        %select_n3A_467 = arith.select %ne3A_432, %broadcast_in_dim3A_466, %while3A_426 : vector<16xf32>
        %jit3A_468 = arith.constant -3.40282347E+38 : f32
        %broadcast_in_dim3A_469 = vector.broadcast %jit3A_468 : f32 to vector<16xf32>
        %select_n3A_470 = arith.select %ne3A_432, %broadcast_in_dim3A_469, %while3A_427 : vector<16xf32>
        %jit3A_471 = arith.constant 0 : i32
        %select_n3A_472 = arith.select %ne3A_432, %jit3A_471, %while3A_411 : i32
        %broadcast_in_dim3A_473 = vector.broadcast %squeeze3A_431 : i32 to vector<16xi32>
        %while3A_474 = arith.constant -1 : i32
        %while3A_475:2 = scf.while (%while3A_530 = %while3A_409, %while3A_531 = %while3A_474) : (i32, i32) -> (i32, i32) {
          %lt3A_532 = arith.constant 0 : i32
          %lt3A_533 = arith.cmpi slt, %while3A_531, %lt3A_532 : i32
          %lt3A_534 = arith.cmpi slt, %while3A_530, %min3A_407 : i32
          %and3A_535 = arith.andi %lt3A_533, %lt3A_534 : i1
          scf.condition(%and3A_535) %while3A_530, %while3A_531 : i32, i32
        } do {
        ^bb0(%while3A_530: i32, %while3A_531: i32):
          %get3A_532 = arith.index_cast %while3A_530 : i32 to index
          %get3A_533 = tpu.vector_load %arg8[%get3A_532] {strides = array<i32>} : memref<416xi32, #tpu.memory_space<vmem>>, vector<16xi32>,
          %ne3A_534 = arith.cmpi ne, %get3A_533, %broadcast_in_dim3A_473 : vector<16xi32>
          %add3A_535 = vector.broadcast %while3A_530 : i32 to vector<16xi32>
          %add3A_536 = arith.addi %iota3A_270, %add3A_535 : vector<16xi32>
          %ge3A = vector.broadcast %min3A_407 : i32 to vector<16xi32>
          %ge3A_537 = arith.cmpi sge, %add3A_536, %ge3A : vector<16xi32>
          %or3A = arith.ori %ne3A_534, %ge3A_537 : vector<16xi1>
          %all_reduce_population_count3A_538 = tpu.all_reduce %or3A {dim = 0 : i64, kind = #tpu.reduction_kind<sum>} : vector<16xi1> -> vector<16xi32>
          %all_reduce_ffs3A = tpu.all_reduce %or3A {dim = 0 : i64, kind = #tpu.reduction_kind<find_first_set>} : vector<16xi1> -> vector<16xi32>
          %gt3A_539 = arith.constant 0 : i32
          %gt3A_540 = vector.broadcast %gt3A_539 : i32 to vector<16xi32>
          %gt3A_541 = arith.cmpi sgt, %all_reduce_population_count3A_538, %gt3A_540 : vector<16xi32>
          %add3A_542 = vector.broadcast %while3A_530 : i32 to vector<16xi32>
          %add3A_543 = arith.addi %add3A_542, %all_reduce_ffs3A : vector<16xi32>
          %jit3A_544 = arith.constant -1 : i32
          %broadcast_in_dim3A_545 = vector.broadcast %jit3A_544 : i32 to vector<16xi32>
          %select_n3A_546 = arith.select %gt3A_541, %add3A_543, %broadcast_in_dim3A_545 : vector<16xi1>, vector<16xi32>
          %add3A_547 = arith.constant 16 : i32
          %add3A_548 = arith.addi %while3A_530, %add3A_547 : i32
          %slice3A_549 = vector.extract_strided_slice %select_n3A_546 {offsets = [0], sizes = [1], strides = [1]} : vector<16xi32> to vector<1xi32>
          %squeeze3A_550 = vector.extract %slice3A_549[0] : i32 from vector<1xi32>
          scf.yield %add3A_548, %squeeze3A_550 : i32, i32
        }
        %lt3A_476 = arith.constant 0 : i32
        %lt3A_477 = arith.cmpi slt, %while3A_475#1, %lt3A_476 : i32
        %select_n3A_478 = arith.select %lt3A_477, %min3A_407, %while3A_475#1 : i32
        %sub3A_479 = arith.subi %select_n3A_478, %while3A_409 : i32
        %jit3A_480 = arith.constant 4 : i32
        %div3A_481 = arith.divsi %sub3A_479, %jit3A_480 : i32
        %sign3A_482 = arith.constant 0 : i32
        %sign3A_483 = arith.cmpi sgt, %sub3A_479, %sign3A_482 : i32
        %sign3A_484 = arith.extui %sign3A_483 : i1 to i32
        %sign3A_485 = arith.constant 0 : i32
        %sign3A_486 = arith.cmpi slt, %sub3A_479, %sign3A_485 : i32
        %sign3A_487 = arith.extui %sign3A_486 : i1 to i32
        %sign3A_488 = arith.subi %sign3A_484, %sign3A_487 : i32
        %sign3A_489 = arith.constant 0 : i32
        %sign3A_490 = arith.cmpi sgt, %jit3A_480, %sign3A_489 : i32
        %sign3A_491 = arith.extui %sign3A_490 : i1 to i32
        %sign3A_492 = arith.constant 0 : i32
        %sign3A_493 = arith.cmpi slt, %jit3A_480, %sign3A_492 : i32
        %sign3A_494 = arith.extui %sign3A_493 : i1 to i32
        %sign3A_495 = arith.subi %sign3A_491, %sign3A_494 : i32
        %ne3A_496 = arith.cmpi ne, %sign3A_488, %sign3A_495 : i32
        %rem3A_497 = arith.remsi %sub3A_479, %jit3A_480 : i32
        %ne3A_498 = arith.constant 0 : i32
        %ne3A_499 = arith.cmpi ne, %rem3A_497, %ne3A_498 : i32
        %and3A_500 = arith.andi %ne3A_496, %ne3A_499 : i1
        %sub3A_501 = arith.constant 1 : i32
        %sub3A_502 = arith.subi %div3A_481, %sub3A_501 : i32
        %select_n3A_503 = arith.select %and3A_500, %sub3A_502, %div3A_481 : i32
        %while3A_504 = arith.constant 0 : i32
        %while3A_505 = arith.subi %select_n3A_503, %while3A_504 : i32
        %while3A_506 = arith.addi %while3A_504, %while3A_505 : i32
        %while3A_507 = arith.constant 1 : i32
        %while3A_508 = arith.divsi %while3A_505, %while3A_507 : i32
        %while3A_509 = arith.muli %while3A_508, %while3A_507 : i32
        %while3A_510 = arith.addi %while3A_504, %while3A_509 : i32
        %while3A_511 = arith.constant 1 : i32
        %while3A_512:16 = scf.for %while3A_530 = %while3A_504 to %while3A_510 step %while3A_511 iter_args(%while3A_531 = %select_n3A_439, %while3A_532 = %select_n3A_440, %while3A_533 = %select_n3A_441, %while3A_534 = %select_n3A_442, %while3A_535 = %select_n3A_443, %while3A_536 = %select_n3A_444, %while3A_537 = %select_n3A_445, %while3A_538 = %select_n3A_446, %while3A_539 = %select_n3A_449, %while3A_540 = %select_n3A_452, %while3A_541 = %select_n3A_455, %while3A_542 = %select_n3A_458, %while3A_543 = %select_n3A_461, %while3A_544 = %select_n3A_464, %while3A_545 = %select_n3A_467, %while3A_546 = %select_n3A_470) -> (vector<16xf32>, vector<16xf32>, vector<16xf32>, vector<16xf32>, vector<16xf32>, vector<16xf32>, vector<16xf32>, vector<16xf32>, vector<16xf32>, vector<16xf32>, vector<16xf32>, vector<16xf32>, vector<16xf32>, vector<16xf32>, vector<16xf32>, vector<16xf32>)  : i32 {
          %mul3A_547 = arith.constant 4 : i32
          %mul3A_548 = arith.muli %mul3A_547, %while3A_530 : i32
          %add3A_549 = arith.addi %while3A_409, %mul3A_548 : i32
          %add3A_550 = arith.constant 0 : i32
          %add3A_551 = arith.addi %add3A_549, %add3A_550 : i32
          %get3A_552 = arith.index_cast %add3A_551 : i32 to index
          %get3A_553 = arith.constant 0 : index
          %get3A_554 = tpu.vector_load %arg6[%get3A_552, %get3A_553] {strides = array<i32>} : memref<400x128xf32, #tpu.memory_space<vmem>>, vector<16xf32>,
          %add3A_555 = arith.addf %while3A_531, %get3A_554 : vector<16xf32>
          %max3A_556 = arith.maximumf %while3A_539, %get3A_554 : vector<16xf32>
          %add3A_557 = arith.constant 0 : i32
          %add3A_558 = arith.addi %add3A_549, %add3A_557 : i32
          %get3A_559 = arith.index_cast %add3A_558 : i32 to index
          %get3A_560 = arith.constant 16 : index
          %get3A_561 = tpu.vector_load %arg6[%get3A_559, %get3A_560] {strides = array<i32>} : memref<400x128xf32, #tpu.memory_space<vmem>>, vector<16xf32>,
          %add3A_562 = arith.addf %while3A_532, %get3A_561 : vector<16xf32>
          %max3A_563 = arith.maximumf %while3A_540, %get3A_561 : vector<16xf32>
          %add3A_564 = arith.constant 0 : i32
          %add3A_565 = arith.addi %add3A_549, %add3A_564 : i32
          %get3A_566 = arith.index_cast %add3A_565 : i32 to index
          %get3A_567 = arith.constant 32 : index
          %get3A_568 = tpu.vector_load %arg6[%get3A_566, %get3A_567] {strides = array<i32>} : memref<400x128xf32, #tpu.memory_space<vmem>>, vector<16xf32>,
          %add3A_569 = arith.addf %while3A_533, %get3A_568 : vector<16xf32>
          %max3A_570 = arith.maximumf %while3A_541, %get3A_568 : vector<16xf32>
          %add3A_571 = arith.constant 0 : i32
          %add3A_572 = arith.addi %add3A_549, %add3A_571 : i32
          %get3A_573 = arith.index_cast %add3A_572 : i32 to index
          %get3A_574 = arith.constant 48 : index
          %get3A_575 = tpu.vector_load %arg6[%get3A_573, %get3A_574] {strides = array<i32>} : memref<400x128xf32, #tpu.memory_space<vmem>>, vector<16xf32>,
          %add3A_576 = arith.addf %while3A_534, %get3A_575 : vector<16xf32>
          %max3A_577 = arith.maximumf %while3A_542, %get3A_575 : vector<16xf32>
          %add3A_578 = arith.constant 0 : i32
          %add3A_579 = arith.addi %add3A_549, %add3A_578 : i32
          %get3A_580 = arith.index_cast %add3A_579 : i32 to index
          %get3A_581 = arith.constant 64 : index
          %get3A_582 = tpu.vector_load %arg6[%get3A_580, %get3A_581] {strides = array<i32>} : memref<400x128xf32, #tpu.memory_space<vmem>>, vector<16xf32>,
          %add3A_583 = arith.addf %while3A_535, %get3A_582 : vector<16xf32>
          %max3A_584 = arith.maximumf %while3A_543, %get3A_582 : vector<16xf32>
          %add3A_585 = arith.constant 0 : i32
          %add3A_586 = arith.addi %add3A_549, %add3A_585 : i32
          %get3A_587 = arith.index_cast %add3A_586 : i32 to index
          %get3A_588 = arith.constant 80 : index
          %get3A_589 = tpu.vector_load %arg6[%get3A_587, %get3A_588] {strides = array<i32>} : memref<400x128xf32, #tpu.memory_space<vmem>>, vector<16xf32>,
          %add3A_590 = arith.addf %while3A_536, %get3A_589 : vector<16xf32>
          %max3A_591 = arith.maximumf %while3A_544, %get3A_589 : vector<16xf32>
          %add3A_592 = arith.constant 0 : i32
          %add3A_593 = arith.addi %add3A_549, %add3A_592 : i32
          %get3A_594 = arith.index_cast %add3A_593 : i32 to index
          %get3A_595 = arith.constant 96 : index
          %get3A_596 = tpu.vector_load %arg6[%get3A_594, %get3A_595] {strides = array<i32>} : memref<400x128xf32, #tpu.memory_space<vmem>>, vector<16xf32>,
          %add3A_597 = arith.addf %while3A_537, %get3A_596 : vector<16xf32>
          %max3A_598 = arith.maximumf %while3A_545, %get3A_596 : vector<16xf32>
          %add3A_599 = arith.constant 0 : i32
          %add3A_600 = arith.addi %add3A_549, %add3A_599 : i32
          %get3A_601 = arith.index_cast %add3A_600 : i32 to index
          %get3A_602 = arith.constant 112 : index
          %get3A_603 = tpu.vector_load %arg6[%get3A_601, %get3A_602] {strides = array<i32>} : memref<400x128xf32, #tpu.memory_space<vmem>>, vector<16xf32>,
          %add3A_604 = arith.addf %while3A_538, %get3A_603 : vector<16xf32>
          %max3A_605 = arith.maximumf %while3A_546, %get3A_603 : vector<16xf32>
          %add3A_606 = arith.constant 1 : i32
          %add3A_607 = arith.addi %add3A_549, %add3A_606 : i32
          %get3A_608 = arith.index_cast %add3A_607 : i32 to index
          %get3A_609 = arith.constant 0 : index
          %get3A_610 = tpu.vector_load %arg6[%get3A_608, %get3A_609] {strides = array<i32>} : memref<400x128xf32, #tpu.memory_space<vmem>>, vector<16xf32>,
          %add3A_611 = arith.addf %add3A_555, %get3A_610 : vector<16xf32>
          %max3A_612 = arith.maximumf %max3A_556, %get3A_610 : vector<16xf32>
          %add3A_613 = arith.constant 1 : i32
          %add3A_614 = arith.addi %add3A_549, %add3A_613 : i32
          %get3A_615 = arith.index_cast %add3A_614 : i32 to index
          %get3A_616 = arith.constant 16 : index
          %get3A_617 = tpu.vector_load %arg6[%get3A_615, %get3A_616] {strides = array<i32>} : memref<400x128xf32, #tpu.memory_space<vmem>>, vector<16xf32>,
          %add3A_618 = arith.addf %add3A_562, %get3A_617 : vector<16xf32>
          %max3A_619 = arith.maximumf %max3A_563, %get3A_617 : vector<16xf32>
          %add3A_620 = arith.constant 1 : i32
          %add3A_621 = arith.addi %add3A_549, %add3A_620 : i32
          %get3A_622 = arith.index_cast %add3A_621 : i32 to index
          %get3A_623 = arith.constant 32 : index
          %get3A_624 = tpu.vector_load %arg6[%get3A_622, %get3A_623] {strides = array<i32>} : memref<400x128xf32, #tpu.memory_space<vmem>>, vector<16xf32>,
          %add3A_625 = arith.addf %add3A_569, %get3A_624 : vector<16xf32>
          %max3A_626 = arith.maximumf %max3A_570, %get3A_624 : vector<16xf32>
          %add3A_627 = arith.constant 1 : i32
          %add3A_628 = arith.addi %add3A_549, %add3A_627 : i32
          %get3A_629 = arith.index_cast %add3A_628 : i32 to index
          %get3A_630 = arith.constant 48 : index
          %get3A_631 = tpu.vector_load %arg6[%get3A_629, %get3A_630] {strides = array<i32>} : memref<400x128xf32, #tpu.memory_space<vmem>>, vector<16xf32>,
          %add3A_632 = arith.addf %add3A_576, %get3A_631 : vector<16xf32>
          %max3A_633 = arith.maximumf %max3A_577, %get3A_631 : vector<16xf32>
          %add3A_634 = arith.constant 1 : i32
          %add3A_635 = arith.addi %add3A_549, %add3A_634 : i32
          %get3A_636 = arith.index_cast %add3A_635 : i32 to index
          %get3A_637 = arith.constant 64 : index
          %get3A_638 = tpu.vector_load %arg6[%get3A_636, %get3A_637] {strides = array<i32>} : memref<400x128xf32, #tpu.memory_space<vmem>>, vector<16xf32>,
          %add3A_639 = arith.addf %add3A_583, %get3A_638 : vector<16xf32>
          %max3A_640 = arith.maximumf %max3A_584, %get3A_638 : vector<16xf32>
          %add3A_641 = arith.constant 1 : i32
          %add3A_642 = arith.addi %add3A_549, %add3A_641 : i32
          %get3A_643 = arith.index_cast %add3A_642 : i32 to index
          %get3A_644 = arith.constant 80 : index
          %get3A_645 = tpu.vector_load %arg6[%get3A_643, %get3A_644] {strides = array<i32>} : memref<400x128xf32, #tpu.memory_space<vmem>>, vector<16xf32>,
          %add3A_646 = arith.addf %add3A_590, %get3A_645 : vector<16xf32>
          %max3A_647 = arith.maximumf %max3A_591, %get3A_645 : vector<16xf32>
          %add3A_648 = arith.constant 1 : i32
          %add3A_649 = arith.addi %add3A_549, %add3A_648 : i32
          %get3A_650 = arith.index_cast %add3A_649 : i32 to index
          %get3A_651 = arith.constant 96 : index
          %get3A_652 = tpu.vector_load %arg6[%get3A_650, %get3A_651] {strides = array<i32>} : memref<400x128xf32, #tpu.memory_space<vmem>>, vector<16xf32>,
          %add3A_653 = arith.addf %add3A_597, %get3A_652 : vector<16xf32>
          %max3A_654 = arith.maximumf %max3A_598, %get3A_652 : vector<16xf32>
          %add3A_655 = arith.constant 1 : i32
          %add3A_656 = arith.addi %add3A_549, %add3A_655 : i32
          %get3A_657 = arith.index_cast %add3A_656 : i32 to index
          %get3A_658 = arith.constant 112 : index
          %get3A_659 = tpu.vector_load %arg6[%get3A_657, %get3A_658] {strides = array<i32>} : memref<400x128xf32, #tpu.memory_space<vmem>>, vector<16xf32>,
          %add3A_660 = arith.addf %add3A_604, %get3A_659 : vector<16xf32>
          %max3A_661 = arith.maximumf %max3A_605, %get3A_659 : vector<16xf32>
          %add3A_662 = arith.constant 2 : i32
          %add3A_663 = arith.addi %add3A_549, %add3A_662 : i32
          %get3A_664 = arith.index_cast %add3A_663 : i32 to index
          %get3A_665 = arith.constant 0 : index
          %get3A_666 = tpu.vector_load %arg6[%get3A_664, %get3A_665] {strides = array<i32>} : memref<400x128xf32, #tpu.memory_space<vmem>>, vector<16xf32>,
          %add3A_667 = arith.addf %add3A_611, %get3A_666 : vector<16xf32>
          %max3A_668 = arith.maximumf %max3A_612, %get3A_666 : vector<16xf32>
          %add3A_669 = arith.constant 2 : i32
          %add3A_670 = arith.addi %add3A_549, %add3A_669 : i32
          %get3A_671 = arith.index_cast %add3A_670 : i32 to index
          %get3A_672 = arith.constant 16 : index
          %get3A_673 = tpu.vector_load %arg6[%get3A_671, %get3A_672] {strides = array<i32>} : memref<400x128xf32, #tpu.memory_space<vmem>>, vector<16xf32>,
          %add3A_674 = arith.addf %add3A_618, %get3A_673 : vector<16xf32>
          %max3A_675 = arith.maximumf %max3A_619, %get3A_673 : vector<16xf32>
          %add3A_676 = arith.constant 2 : i32
          %add3A_677 = arith.addi %add3A_549, %add3A_676 : i32
          %get3A_678 = arith.index_cast %add3A_677 : i32 to index
          %get3A_679 = arith.constant 32 : index
          %get3A_680 = tpu.vector_load %arg6[%get3A_678, %get3A_679] {strides = array<i32>} : memref<400x128xf32, #tpu.memory_space<vmem>>, vector<16xf32>,
          %add3A_681 = arith.addf %add3A_625, %get3A_680 : vector<16xf32>
          %max3A_682 = arith.maximumf %max3A_626, %get3A_680 : vector<16xf32>
          %add3A_683 = arith.constant 2 : i32
          %add3A_684 = arith.addi %add3A_549, %add3A_683 : i32
          %get3A_685 = arith.index_cast %add3A_684 : i32 to index
          %get3A_686 = arith.constant 48 : index
          %get3A_687 = tpu.vector_load %arg6[%get3A_685, %get3A_686] {strides = array<i32>} : memref<400x128xf32, #tpu.memory_space<vmem>>, vector<16xf32>,
          %add3A_688 = arith.addf %add3A_632, %get3A_687 : vector<16xf32>
          %max3A_689 = arith.maximumf %max3A_633, %get3A_687 : vector<16xf32>
          %add3A_690 = arith.constant 2 : i32
          %add3A_691 = arith.addi %add3A_549, %add3A_690 : i32
          %get3A_692 = arith.index_cast %add3A_691 : i32 to index
          %get3A_693 = arith.constant 64 : index
          %get3A_694 = tpu.vector_load %arg6[%get3A_692, %get3A_693] {strides = array<i32>} : memref<400x128xf32, #tpu.memory_space<vmem>>, vector<16xf32>,
          %add3A_695 = arith.addf %add3A_639, %get3A_694 : vector<16xf32>
          %max3A_696 = arith.maximumf %max3A_640, %get3A_694 : vector<16xf32>
          %add3A_697 = arith.constant 2 : i32
          %add3A_698 = arith.addi %add3A_549, %add3A_697 : i32
          %get3A_699 = arith.index_cast %add3A_698 : i32 to index
          %get3A_700 = arith.constant 80 : index
          %get3A_701 = tpu.vector_load %arg6[%get3A_699, %get3A_700] {strides = array<i32>} : memref<400x128xf32, #tpu.memory_space<vmem>>, vector<16xf32>,
          %add3A_702 = arith.addf %add3A_646, %get3A_701 : vector<16xf32>
          %max3A_703 = arith.maximumf %max3A_647, %get3A_701 : vector<16xf32>
          %add3A_704 = arith.constant 2 : i32
          %add3A_705 = arith.addi %add3A_549, %add3A_704 : i32
          %get3A_706 = arith.index_cast %add3A_705 : i32 to index
          %get3A_707 = arith.constant 96 : index
          %get3A_708 = tpu.vector_load %arg6[%get3A_706, %get3A_707] {strides = array<i32>} : memref<400x128xf32, #tpu.memory_space<vmem>>, vector<16xf32>,
          %add3A_709 = arith.addf %add3A_653, %get3A_708 : vector<16xf32>
          %max3A_710 = arith.maximumf %max3A_654, %get3A_708 : vector<16xf32>
          %add3A_711 = arith.constant 2 : i32
          %add3A_712 = arith.addi %add3A_549, %add3A_711 : i32
          %get3A_713 = arith.index_cast %add3A_712 : i32 to index
          %get3A_714 = arith.constant 112 : index
          %get3A_715 = tpu.vector_load %arg6[%get3A_713, %get3A_714] {strides = array<i32>} : memref<400x128xf32, #tpu.memory_space<vmem>>, vector<16xf32>,
          %add3A_716 = arith.addf %add3A_660, %get3A_715 : vector<16xf32>
          %max3A_717 = arith.maximumf %max3A_661, %get3A_715 : vector<16xf32>
          %add3A_718 = arith.constant 3 : i32
          %add3A_719 = arith.addi %add3A_549, %add3A_718 : i32
          %get3A_720 = arith.index_cast %add3A_719 : i32 to index
          %get3A_721 = arith.constant 0 : index
          %get3A_722 = tpu.vector_load %arg6[%get3A_720, %get3A_721] {strides = array<i32>} : memref<400x128xf32, #tpu.memory_space<vmem>>, vector<16xf32>,
          %add3A_723 = arith.addf %add3A_667, %get3A_722 : vector<16xf32>
          %max3A_724 = arith.maximumf %max3A_668, %get3A_722 : vector<16xf32>
          %add3A_725 = arith.constant 3 : i32
          %add3A_726 = arith.addi %add3A_549, %add3A_725 : i32
          %get3A_727 = arith.index_cast %add3A_726 : i32 to index
          %get3A_728 = arith.constant 16 : index
          %get3A_729 = tpu.vector_load %arg6[%get3A_727, %get3A_728] {strides = array<i32>} : memref<400x128xf32, #tpu.memory_space<vmem>>, vector<16xf32>,
          %add3A_730 = arith.addf %add3A_674, %get3A_729 : vector<16xf32>
          %max3A_731 = arith.maximumf %max3A_675, %get3A_729 : vector<16xf32>
          %add3A_732 = arith.constant 3 : i32
          %add3A_733 = arith.addi %add3A_549, %add3A_732 : i32
          %get3A_734 = arith.index_cast %add3A_733 : i32 to index
          %get3A_735 = arith.constant 32 : index
          %get3A_736 = tpu.vector_load %arg6[%get3A_734, %get3A_735] {strides = array<i32>} : memref<400x128xf32, #tpu.memory_space<vmem>>, vector<16xf32>,
          %add3A_737 = arith.addf %add3A_681, %get3A_736 : vector<16xf32>
          %max3A_738 = arith.maximumf %max3A_682, %get3A_736 : vector<16xf32>
          %add3A_739 = arith.constant 3 : i32
          %add3A_740 = arith.addi %add3A_549, %add3A_739 : i32
          %get3A_741 = arith.index_cast %add3A_740 : i32 to index
          %get3A_742 = arith.constant 48 : index
          %get3A_743 = tpu.vector_load %arg6[%get3A_741, %get3A_742] {strides = array<i32>} : memref<400x128xf32, #tpu.memory_space<vmem>>, vector<16xf32>,
          %add3A_744 = arith.addf %add3A_688, %get3A_743 : vector<16xf32>
          %max3A_745 = arith.maximumf %max3A_689, %get3A_743 : vector<16xf32>
          %add3A_746 = arith.constant 3 : i32
          %add3A_747 = arith.addi %add3A_549, %add3A_746 : i32
          %get3A_748 = arith.index_cast %add3A_747 : i32 to index
          %get3A_749 = arith.constant 64 : index
          %get3A_750 = tpu.vector_load %arg6[%get3A_748, %get3A_749] {strides = array<i32>} : memref<400x128xf32, #tpu.memory_space<vmem>>, vector<16xf32>,
          %add3A_751 = arith.addf %add3A_695, %get3A_750 : vector<16xf32>
          %max3A_752 = arith.maximumf %max3A_696, %get3A_750 : vector<16xf32>
          %add3A_753 = arith.constant 3 : i32
          %add3A_754 = arith.addi %add3A_549, %add3A_753 : i32
          %get3A_755 = arith.index_cast %add3A_754 : i32 to index
          %get3A_756 = arith.constant 80 : index
          %get3A_757 = tpu.vector_load %arg6[%get3A_755, %get3A_756] {strides = array<i32>} : memref<400x128xf32, #tpu.memory_space<vmem>>, vector<16xf32>,
          %add3A_758 = arith.addf %add3A_702, %get3A_757 : vector<16xf32>
          %max3A_759 = arith.maximumf %max3A_703, %get3A_757 : vector<16xf32>
          %add3A_760 = arith.constant 3 : i32
          %add3A_761 = arith.addi %add3A_549, %add3A_760 : i32
          %get3A_762 = arith.index_cast %add3A_761 : i32 to index
          %get3A_763 = arith.constant 96 : index
          %get3A_764 = tpu.vector_load %arg6[%get3A_762, %get3A_763] {strides = array<i32>} : memref<400x128xf32, #tpu.memory_space<vmem>>, vector<16xf32>,
          %add3A_765 = arith.addf %add3A_709, %get3A_764 : vector<16xf32>
          %max3A_766 = arith.maximumf %max3A_710, %get3A_764 : vector<16xf32>
          %add3A_767 = arith.constant 3 : i32
          %add3A_768 = arith.addi %add3A_549, %add3A_767 : i32
          %get3A_769 = arith.index_cast %add3A_768 : i32 to index
          %get3A_770 = arith.constant 112 : index
          %get3A_771 = tpu.vector_load %arg6[%get3A_769, %get3A_770] {strides = array<i32>} : memref<400x128xf32, #tpu.memory_space<vmem>>, vector<16xf32>,
          %add3A_772 = arith.addf %add3A_716, %get3A_771 : vector<16xf32>
          %max3A_773 = arith.maximumf %max3A_717, %get3A_771 : vector<16xf32>
          scf.yield %add3A_723, %add3A_730, %add3A_737, %add3A_744, %add3A_751, %add3A_758, %add3A_765, %add3A_772, %max3A_724, %max3A_731, %max3A_738, %max3A_745, %max3A_752, %max3A_759, %max3A_766, %max3A_773 : vector<16xf32>, vector<16xf32>, vector<16xf32>, vector<16xf32>, vector<16xf32>, vector<16xf32>, vector<16xf32>, vector<16xf32>, vector<16xf32>, vector<16xf32>, vector<16xf32>, vector<16xf32>, vector<16xf32>, vector<16xf32>, vector<16xf32>, vector<16xf32>
        }
        %while3A_513 = arith.constant 1 : i32
        %while3A_514:16 = scf.for %while3A_530 = %while3A_510 to %while3A_506 step %while3A_513 iter_args(%while3A_531 = %while3A_512#0, %while3A_532 = %while3A_512#1, %while3A_533 = %while3A_512#2, %while3A_534 = %while3A_512#3, %while3A_535 = %while3A_512#4, %while3A_536 = %while3A_512#5, %while3A_537 = %while3A_512#6, %while3A_538 = %while3A_512#7, %while3A_539 = %while3A_512#8, %while3A_540 = %while3A_512#9, %while3A_541 = %while3A_512#10, %while3A_542 = %while3A_512#11, %while3A_543 = %while3A_512#12, %while3A_544 = %while3A_512#13, %while3A_545 = %while3A_512#14, %while3A_546 = %while3A_512#15) -> (vector<16xf32>, vector<16xf32>, vector<16xf32>, vector<16xf32>, vector<16xf32>, vector<16xf32>, vector<16xf32>, vector<16xf32>, vector<16xf32>, vector<16xf32>, vector<16xf32>, vector<16xf32>, vector<16xf32>, vector<16xf32>, vector<16xf32>, vector<16xf32>)  : i32 {
          %mul3A_547 = arith.constant 4 : i32
          %mul3A_548 = arith.muli %mul3A_547, %while3A_530 : i32
          %add3A_549 = arith.addi %while3A_409, %mul3A_548 : i32
          %add3A_550 = arith.constant 0 : i32
          %add3A_551 = arith.addi %add3A_549, %add3A_550 : i32
          %get3A_552 = arith.index_cast %add3A_551 : i32 to index
          %get3A_553 = arith.constant 0 : index
          %get3A_554 = tpu.vector_load %arg6[%get3A_552, %get3A_553] {strides = array<i32>} : memref<400x128xf32, #tpu.memory_space<vmem>>, vector<16xf32>,
          %add3A_555 = arith.addf %while3A_531, %get3A_554 : vector<16xf32>
          %max3A_556 = arith.maximumf %while3A_539, %get3A_554 : vector<16xf32>
          %add3A_557 = arith.constant 0 : i32
          %add3A_558 = arith.addi %add3A_549, %add3A_557 : i32
          %get3A_559 = arith.index_cast %add3A_558 : i32 to index
          %get3A_560 = arith.constant 16 : index
          %get3A_561 = tpu.vector_load %arg6[%get3A_559, %get3A_560] {strides = array<i32>} : memref<400x128xf32, #tpu.memory_space<vmem>>, vector<16xf32>,
          %add3A_562 = arith.addf %while3A_532, %get3A_561 : vector<16xf32>
          %max3A_563 = arith.maximumf %while3A_540, %get3A_561 : vector<16xf32>
          %add3A_564 = arith.constant 0 : i32
          %add3A_565 = arith.addi %add3A_549, %add3A_564 : i32
          %get3A_566 = arith.index_cast %add3A_565 : i32 to index
          %get3A_567 = arith.constant 32 : index
          %get3A_568 = tpu.vector_load %arg6[%get3A_566, %get3A_567] {strides = array<i32>} : memref<400x128xf32, #tpu.memory_space<vmem>>, vector<16xf32>,
          %add3A_569 = arith.addf %while3A_533, %get3A_568 : vector<16xf32>
          %max3A_570 = arith.maximumf %while3A_541, %get3A_568 : vector<16xf32>
          %add3A_571 = arith.constant 0 : i32
          %add3A_572 = arith.addi %add3A_549, %add3A_571 : i32
          %get3A_573 = arith.index_cast %add3A_572 : i32 to index
          %get3A_574 = arith.constant 48 : index
          %get3A_575 = tpu.vector_load %arg6[%get3A_573, %get3A_574] {strides = array<i32>} : memref<400x128xf32, #tpu.memory_space<vmem>>, vector<16xf32>,
          %add3A_576 = arith.addf %while3A_534, %get3A_575 : vector<16xf32>
          %max3A_577 = arith.maximumf %while3A_542, %get3A_575 : vector<16xf32>
          %add3A_578 = arith.constant 0 : i32
          %add3A_579 = arith.addi %add3A_549, %add3A_578 : i32
          %get3A_580 = arith.index_cast %add3A_579 : i32 to index
          %get3A_581 = arith.constant 64 : index
          %get3A_582 = tpu.vector_load %arg6[%get3A_580, %get3A_581] {strides = array<i32>} : memref<400x128xf32, #tpu.memory_space<vmem>>, vector<16xf32>,
          %add3A_583 = arith.addf %while3A_535, %get3A_582 : vector<16xf32>
          %max3A_584 = arith.maximumf %while3A_543, %get3A_582 : vector<16xf32>
          %add3A_585 = arith.constant 0 : i32
          %add3A_586 = arith.addi %add3A_549, %add3A_585 : i32
          %get3A_587 = arith.index_cast %add3A_586 : i32 to index
          %get3A_588 = arith.constant 80 : index
          %get3A_589 = tpu.vector_load %arg6[%get3A_587, %get3A_588] {strides = array<i32>} : memref<400x128xf32, #tpu.memory_space<vmem>>, vector<16xf32>,
          %add3A_590 = arith.addf %while3A_536, %get3A_589 : vector<16xf32>
          %max3A_591 = arith.maximumf %while3A_544, %get3A_589 : vector<16xf32>
          %add3A_592 = arith.constant 0 : i32
          %add3A_593 = arith.addi %add3A_549, %add3A_592 : i32
          %get3A_594 = arith.index_cast %add3A_593 : i32 to index
          %get3A_595 = arith.constant 96 : index
          %get3A_596 = tpu.vector_load %arg6[%get3A_594, %get3A_595] {strides = array<i32>} : memref<400x128xf32, #tpu.memory_space<vmem>>, vector<16xf32>,
          %add3A_597 = arith.addf %while3A_537, %get3A_596 : vector<16xf32>
          %max3A_598 = arith.maximumf %while3A_545, %get3A_596 : vector<16xf32>
          %add3A_599 = arith.constant 0 : i32
          %add3A_600 = arith.addi %add3A_549, %add3A_599 : i32
          %get3A_601 = arith.index_cast %add3A_600 : i32 to index
          %get3A_602 = arith.constant 112 : index
          %get3A_603 = tpu.vector_load %arg6[%get3A_601, %get3A_602] {strides = array<i32>} : memref<400x128xf32, #tpu.memory_space<vmem>>, vector<16xf32>,
          %add3A_604 = arith.addf %while3A_538, %get3A_603 : vector<16xf32>
          %max3A_605 = arith.maximumf %while3A_546, %get3A_603 : vector<16xf32>
          %add3A_606 = arith.constant 1 : i32
          %add3A_607 = arith.addi %add3A_549, %add3A_606 : i32
          %get3A_608 = arith.index_cast %add3A_607 : i32 to index
          %get3A_609 = arith.constant 0 : index
          %get3A_610 = tpu.vector_load %arg6[%get3A_608, %get3A_609] {strides = array<i32>} : memref<400x128xf32, #tpu.memory_space<vmem>>, vector<16xf32>,
          %add3A_611 = arith.addf %add3A_555, %get3A_610 : vector<16xf32>
          %max3A_612 = arith.maximumf %max3A_556, %get3A_610 : vector<16xf32>
          %add3A_613 = arith.constant 1 : i32
          %add3A_614 = arith.addi %add3A_549, %add3A_613 : i32
          %get3A_615 = arith.index_cast %add3A_614 : i32 to index
          %get3A_616 = arith.constant 16 : index
          %get3A_617 = tpu.vector_load %arg6[%get3A_615, %get3A_616] {strides = array<i32>} : memref<400x128xf32, #tpu.memory_space<vmem>>, vector<16xf32>,
          %add3A_618 = arith.addf %add3A_562, %get3A_617 : vector<16xf32>
          %max3A_619 = arith.maximumf %max3A_563, %get3A_617 : vector<16xf32>
          %add3A_620 = arith.constant 1 : i32
          %add3A_621 = arith.addi %add3A_549, %add3A_620 : i32
          %get3A_622 = arith.index_cast %add3A_621 : i32 to index
          %get3A_623 = arith.constant 32 : index
          %get3A_624 = tpu.vector_load %arg6[%get3A_622, %get3A_623] {strides = array<i32>} : memref<400x128xf32, #tpu.memory_space<vmem>>, vector<16xf32>,
          %add3A_625 = arith.addf %add3A_569, %get3A_624 : vector<16xf32>
          %max3A_626 = arith.maximumf %max3A_570, %get3A_624 : vector<16xf32>
          %add3A_627 = arith.constant 1 : i32
          %add3A_628 = arith.addi %add3A_549, %add3A_627 : i32
          %get3A_629 = arith.index_cast %add3A_628 : i32 to index
          %get3A_630 = arith.constant 48 : index
          %get3A_631 = tpu.vector_load %arg6[%get3A_629, %get3A_630] {strides = array<i32>} : memref<400x128xf32, #tpu.memory_space<vmem>>, vector<16xf32>,
          %add3A_632 = arith.addf %add3A_576, %get3A_631 : vector<16xf32>
          %max3A_633 = arith.maximumf %max3A_577, %get3A_631 : vector<16xf32>
          %add3A_634 = arith.constant 1 : i32
          %add3A_635 = arith.addi %add3A_549, %add3A_634 : i32
          %get3A_636 = arith.index_cast %add3A_635 : i32 to index
          %get3A_637 = arith.constant 64 : index
          %get3A_638 = tpu.vector_load %arg6[%get3A_636, %get3A_637] {strides = array<i32>} : memref<400x128xf32, #tpu.memory_space<vmem>>, vector<16xf32>,
          %add3A_639 = arith.addf %add3A_583, %get3A_638 : vector<16xf32>
          %max3A_640 = arith.maximumf %max3A_584, %get3A_638 : vector<16xf32>
          %add3A_641 = arith.constant 1 : i32
          %add3A_642 = arith.addi %add3A_549, %add3A_641 : i32
          %get3A_643 = arith.index_cast %add3A_642 : i32 to index
          %get3A_644 = arith.constant 80 : index
          %get3A_645 = tpu.vector_load %arg6[%get3A_643, %get3A_644] {strides = array<i32>} : memref<400x128xf32, #tpu.memory_space<vmem>>, vector<16xf32>,
          %add3A_646 = arith.addf %add3A_590, %get3A_645 : vector<16xf32>
          %max3A_647 = arith.maximumf %max3A_591, %get3A_645 : vector<16xf32>
          %add3A_648 = arith.constant 1 : i32
          %add3A_649 = arith.addi %add3A_549, %add3A_648 : i32
          %get3A_650 = arith.index_cast %add3A_649 : i32 to index
          %get3A_651 = arith.constant 96 : index
          %get3A_652 = tpu.vector_load %arg6[%get3A_650, %get3A_651] {strides = array<i32>} : memref<400x128xf32, #tpu.memory_space<vmem>>, vector<16xf32>,
          %add3A_653 = arith.addf %add3A_597, %get3A_652 : vector<16xf32>
          %max3A_654 = arith.maximumf %max3A_598, %get3A_652 : vector<16xf32>
          %add3A_655 = arith.constant 1 : i32
          %add3A_656 = arith.addi %add3A_549, %add3A_655 : i32
          %get3A_657 = arith.index_cast %add3A_656 : i32 to index
          %get3A_658 = arith.constant 112 : index
          %get3A_659 = tpu.vector_load %arg6[%get3A_657, %get3A_658] {strides = array<i32>} : memref<400x128xf32, #tpu.memory_space<vmem>>, vector<16xf32>,
          %add3A_660 = arith.addf %add3A_604, %get3A_659 : vector<16xf32>
          %max3A_661 = arith.maximumf %max3A_605, %get3A_659 : vector<16xf32>
          %add3A_662 = arith.constant 2 : i32
          %add3A_663 = arith.addi %add3A_549, %add3A_662 : i32
          %get3A_664 = arith.index_cast %add3A_663 : i32 to index
          %get3A_665 = arith.constant 0 : index
          %get3A_666 = tpu.vector_load %arg6[%get3A_664, %get3A_665] {strides = array<i32>} : memref<400x128xf32, #tpu.memory_space<vmem>>, vector<16xf32>,
          %add3A_667 = arith.addf %add3A_611, %get3A_666 : vector<16xf32>
          %max3A_668 = arith.maximumf %max3A_612, %get3A_666 : vector<16xf32>
          %add3A_669 = arith.constant 2 : i32
          %add3A_670 = arith.addi %add3A_549, %add3A_669 : i32
          %get3A_671 = arith.index_cast %add3A_670 : i32 to index
          %get3A_672 = arith.constant 16 : index
          %get3A_673 = tpu.vector_load %arg6[%get3A_671, %get3A_672] {strides = array<i32>} : memref<400x128xf32, #tpu.memory_space<vmem>>, vector<16xf32>,
          %add3A_674 = arith.addf %add3A_618, %get3A_673 : vector<16xf32>
          %max3A_675 = arith.maximumf %max3A_619, %get3A_673 : vector<16xf32>
          %add3A_676 = arith.constant 2 : i32
          %add3A_677 = arith.addi %add3A_549, %add3A_676 : i32
          %get3A_678 = arith.index_cast %add3A_677 : i32 to index
          %get3A_679 = arith.constant 32 : index
          %get3A_680 = tpu.vector_load %arg6[%get3A_678, %get3A_679] {strides = array<i32>} : memref<400x128xf32, #tpu.memory_space<vmem>>, vector<16xf32>,
          %add3A_681 = arith.addf %add3A_625, %get3A_680 : vector<16xf32>
          %max3A_682 = arith.maximumf %max3A_626, %get3A_680 : vector<16xf32>
          %add3A_683 = arith.constant 2 : i32
          %add3A_684 = arith.addi %add3A_549, %add3A_683 : i32
          %get3A_685 = arith.index_cast %add3A_684 : i32 to index
          %get3A_686 = arith.constant 48 : index
          %get3A_687 = tpu.vector_load %arg6[%get3A_685, %get3A_686] {strides = array<i32>} : memref<400x128xf32, #tpu.memory_space<vmem>>, vector<16xf32>,
          %add3A_688 = arith.addf %add3A_632, %get3A_687 : vector<16xf32>
          %max3A_689 = arith.maximumf %max3A_633, %get3A_687 : vector<16xf32>
          %add3A_690 = arith.constant 2 : i32
          %add3A_691 = arith.addi %add3A_549, %add3A_690 : i32
          %get3A_692 = arith.index_cast %add3A_691 : i32 to index
          %get3A_693 = arith.constant 64 : index
          %get3A_694 = tpu.vector_load %arg6[%get3A_692, %get3A_693] {strides = array<i32>} : memref<400x128xf32, #tpu.memory_space<vmem>>, vector<16xf32>,
          %add3A_695 = arith.addf %add3A_639, %get3A_694 : vector<16xf32>
          %max3A_696 = arith.maximumf %max3A_640, %get3A_694 : vector<16xf32>
          %add3A_697 = arith.constant 2 : i32
          %add3A_698 = arith.addi %add3A_549, %add3A_697 : i32
          %get3A_699 = arith.index_cast %add3A_698 : i32 to index
          %get3A_700 = arith.constant 80 : index
          %get3A_701 = tpu.vector_load %arg6[%get3A_699, %get3A_700] {strides = array<i32>} : memref<400x128xf32, #tpu.memory_space<vmem>>, vector<16xf32>,
          %add3A_702 = arith.addf %add3A_646, %get3A_701 : vector<16xf32>
          %max3A_703 = arith.maximumf %max3A_647, %get3A_701 : vector<16xf32>
          %add3A_704 = arith.constant 2 : i32
          %add3A_705 = arith.addi %add3A_549, %add3A_704 : i32
          %get3A_706 = arith.index_cast %add3A_705 : i32 to index
          %get3A_707 = arith.constant 96 : index
          %get3A_708 = tpu.vector_load %arg6[%get3A_706, %get3A_707] {strides = array<i32>} : memref<400x128xf32, #tpu.memory_space<vmem>>, vector<16xf32>,
          %add3A_709 = arith.addf %add3A_653, %get3A_708 : vector<16xf32>
          %max3A_710 = arith.maximumf %max3A_654, %get3A_708 : vector<16xf32>
          %add3A_711 = arith.constant 2 : i32
          %add3A_712 = arith.addi %add3A_549, %add3A_711 : i32
          %get3A_713 = arith.index_cast %add3A_712 : i32 to index
          %get3A_714 = arith.constant 112 : index
          %get3A_715 = tpu.vector_load %arg6[%get3A_713, %get3A_714] {strides = array<i32>} : memref<400x128xf32, #tpu.memory_space<vmem>>, vector<16xf32>,
          %add3A_716 = arith.addf %add3A_660, %get3A_715 : vector<16xf32>
          %max3A_717 = arith.maximumf %max3A_661, %get3A_715 : vector<16xf32>
          %add3A_718 = arith.constant 3 : i32
          %add3A_719 = arith.addi %add3A_549, %add3A_718 : i32
          %get3A_720 = arith.index_cast %add3A_719 : i32 to index
          %get3A_721 = arith.constant 0 : index
          %get3A_722 = tpu.vector_load %arg6[%get3A_720, %get3A_721] {strides = array<i32>} : memref<400x128xf32, #tpu.memory_space<vmem>>, vector<16xf32>,
          %add3A_723 = arith.addf %add3A_667, %get3A_722 : vector<16xf32>
          %max3A_724 = arith.maximumf %max3A_668, %get3A_722 : vector<16xf32>
          %add3A_725 = arith.constant 3 : i32
          %add3A_726 = arith.addi %add3A_549, %add3A_725 : i32
          %get3A_727 = arith.index_cast %add3A_726 : i32 to index
          %get3A_728 = arith.constant 16 : index
          %get3A_729 = tpu.vector_load %arg6[%get3A_727, %get3A_728] {strides = array<i32>} : memref<400x128xf32, #tpu.memory_space<vmem>>, vector<16xf32>,
          %add3A_730 = arith.addf %add3A_674, %get3A_729 : vector<16xf32>
          %max3A_731 = arith.maximumf %max3A_675, %get3A_729 : vector<16xf32>
          %add3A_732 = arith.constant 3 : i32
          %add3A_733 = arith.addi %add3A_549, %add3A_732 : i32
          %get3A_734 = arith.index_cast %add3A_733 : i32 to index
          %get3A_735 = arith.constant 32 : index
          %get3A_736 = tpu.vector_load %arg6[%get3A_734, %get3A_735] {strides = array<i32>} : memref<400x128xf32, #tpu.memory_space<vmem>>, vector<16xf32>,
          %add3A_737 = arith.addf %add3A_681, %get3A_736 : vector<16xf32>
          %max3A_738 = arith.maximumf %max3A_682, %get3A_736 : vector<16xf32>
          %add3A_739 = arith.constant 3 : i32
          %add3A_740 = arith.addi %add3A_549, %add3A_739 : i32
          %get3A_741 = arith.index_cast %add3A_740 : i32 to index
          %get3A_742 = arith.constant 48 : index
          %get3A_743 = tpu.vector_load %arg6[%get3A_741, %get3A_742] {strides = array<i32>} : memref<400x128xf32, #tpu.memory_space<vmem>>, vector<16xf32>,
          %add3A_744 = arith.addf %add3A_688, %get3A_743 : vector<16xf32>
          %max3A_745 = arith.maximumf %max3A_689, %get3A_743 : vector<16xf32>
          %add3A_746 = arith.constant 3 : i32
          %add3A_747 = arith.addi %add3A_549, %add3A_746 : i32
          %get3A_748 = arith.index_cast %add3A_747 : i32 to index
          %get3A_749 = arith.constant 64 : index
          %get3A_750 = tpu.vector_load %arg6[%get3A_748, %get3A_749] {strides = array<i32>} : memref<400x128xf32, #tpu.memory_space<vmem>>, vector<16xf32>,
          %add3A_751 = arith.addf %add3A_695, %get3A_750 : vector<16xf32>
          %max3A_752 = arith.maximumf %max3A_696, %get3A_750 : vector<16xf32>
          %add3A_753 = arith.constant 3 : i32
          %add3A_754 = arith.addi %add3A_549, %add3A_753 : i32
          %get3A_755 = arith.index_cast %add3A_754 : i32 to index
          %get3A_756 = arith.constant 80 : index
          %get3A_757 = tpu.vector_load %arg6[%get3A_755, %get3A_756] {strides = array<i32>} : memref<400x128xf32, #tpu.memory_space<vmem>>, vector<16xf32>,
          %add3A_758 = arith.addf %add3A_702, %get3A_757 : vector<16xf32>
          %max3A_759 = arith.maximumf %max3A_703, %get3A_757 : vector<16xf32>
          %add3A_760 = arith.constant 3 : i32
          %add3A_761 = arith.addi %add3A_549, %add3A_760 : i32
          %get3A_762 = arith.index_cast %add3A_761 : i32 to index
          %get3A_763 = arith.constant 96 : index
          %get3A_764 = tpu.vector_load %arg6[%get3A_762, %get3A_763] {strides = array<i32>} : memref<400x128xf32, #tpu.memory_space<vmem>>, vector<16xf32>,
          %add3A_765 = arith.addf %add3A_709, %get3A_764 : vector<16xf32>
          %max3A_766 = arith.maximumf %max3A_710, %get3A_764 : vector<16xf32>
          %add3A_767 = arith.constant 3 : i32
          %add3A_768 = arith.addi %add3A_549, %add3A_767 : i32
          %get3A_769 = arith.index_cast %add3A_768 : i32 to index
          %get3A_770 = arith.constant 112 : index
          %get3A_771 = tpu.vector_load %arg6[%get3A_769, %get3A_770] {strides = array<i32>} : memref<400x128xf32, #tpu.memory_space<vmem>>, vector<16xf32>,
          %add3A_772 = arith.addf %add3A_716, %get3A_771 : vector<16xf32>
          %max3A_773 = arith.maximumf %max3A_717, %get3A_771 : vector<16xf32>
          scf.yield %add3A_723, %add3A_730, %add3A_737, %add3A_744, %add3A_751, %add3A_758, %add3A_765, %add3A_772, %max3A_724, %max3A_731, %max3A_738, %max3A_745, %max3A_752, %max3A_759, %max3A_766, %max3A_773 : vector<16xf32>, vector<16xf32>, vector<16xf32>, vector<16xf32>, vector<16xf32>, vector<16xf32>, vector<16xf32>, vector<16xf32>, vector<16xf32>, vector<16xf32>, vector<16xf32>, vector<16xf32>, vector<16xf32>, vector<16xf32>, vector<16xf32>, vector<16xf32>
        }
        %mul3A_515 = arith.constant 4 : i32
        %mul3A_516 = arith.muli %mul3A_515, %select_n3A_503 : i32
        %add3A_517 = arith.addi %while3A_409, %mul3A_516 : i32
        %while3A_518 = arith.subi %select_n3A_478, %add3A_517 : i32
        %while3A_519 = arith.addi %add3A_517, %while3A_518 : i32
        %while3A_520 = arith.constant 1 : i32
        %while3A_521 = arith.divsi %while3A_518, %while3A_520 : i32
        %while3A_522 = arith.muli %while3A_521, %while3A_520 : i32
        %while3A_523 = arith.addi %add3A_517, %while3A_522 : i32
        %while3A_524 = arith.constant 1 : i32
        %while3A_525:16 = scf.for %while3A_530 = %add3A_517 to %while3A_523 step %while3A_524 iter_args(%while3A_531 = %while3A_514#0, %while3A_532 = %while3A_514#1, %while3A_533 = %while3A_514#2, %while3A_534 = %while3A_514#3, %while3A_535 = %while3A_514#4, %while3A_536 = %while3A_514#5, %while3A_537 = %while3A_514#6, %while3A_538 = %while3A_514#7, %while3A_539 = %while3A_514#8, %while3A_540 = %while3A_514#9, %while3A_541 = %while3A_514#10, %while3A_542 = %while3A_514#11, %while3A_543 = %while3A_514#12, %while3A_544 = %while3A_514#13, %while3A_545 = %while3A_514#14, %while3A_546 = %while3A_514#15) -> (vector<16xf32>, vector<16xf32>, vector<16xf32>, vector<16xf32>, vector<16xf32>, vector<16xf32>, vector<16xf32>, vector<16xf32>, vector<16xf32>, vector<16xf32>, vector<16xf32>, vector<16xf32>, vector<16xf32>, vector<16xf32>, vector<16xf32>, vector<16xf32>)  : i32 {
          %add3A_547 = arith.constant 0 : i32
          %add3A_548 = arith.addi %while3A_530, %add3A_547 : i32
          %get3A_549 = arith.index_cast %add3A_548 : i32 to index
          %get3A_550 = arith.constant 0 : index
          %get3A_551 = tpu.vector_load %arg6[%get3A_549, %get3A_550] {strides = array<i32>} : memref<400x128xf32, #tpu.memory_space<vmem>>, vector<16xf32>,
          %add3A_552 = arith.addf %while3A_531, %get3A_551 : vector<16xf32>
          %max3A_553 = arith.maximumf %while3A_539, %get3A_551 : vector<16xf32>
          %add3A_554 = arith.constant 0 : i32
          %add3A_555 = arith.addi %while3A_530, %add3A_554 : i32
          %get3A_556 = arith.index_cast %add3A_555 : i32 to index
          %get3A_557 = arith.constant 16 : index
          %get3A_558 = tpu.vector_load %arg6[%get3A_556, %get3A_557] {strides = array<i32>} : memref<400x128xf32, #tpu.memory_space<vmem>>, vector<16xf32>,
          %add3A_559 = arith.addf %while3A_532, %get3A_558 : vector<16xf32>
          %max3A_560 = arith.maximumf %while3A_540, %get3A_558 : vector<16xf32>
          %add3A_561 = arith.constant 0 : i32
          %add3A_562 = arith.addi %while3A_530, %add3A_561 : i32
          %get3A_563 = arith.index_cast %add3A_562 : i32 to index
          %get3A_564 = arith.constant 32 : index
          %get3A_565 = tpu.vector_load %arg6[%get3A_563, %get3A_564] {strides = array<i32>} : memref<400x128xf32, #tpu.memory_space<vmem>>, vector<16xf32>,
          %add3A_566 = arith.addf %while3A_533, %get3A_565 : vector<16xf32>
          %max3A_567 = arith.maximumf %while3A_541, %get3A_565 : vector<16xf32>
          %add3A_568 = arith.constant 0 : i32
          %add3A_569 = arith.addi %while3A_530, %add3A_568 : i32
          %get3A_570 = arith.index_cast %add3A_569 : i32 to index
          %get3A_571 = arith.constant 48 : index
          %get3A_572 = tpu.vector_load %arg6[%get3A_570, %get3A_571] {strides = array<i32>} : memref<400x128xf32, #tpu.memory_space<vmem>>, vector<16xf32>,
          %add3A_573 = arith.addf %while3A_534, %get3A_572 : vector<16xf32>
          %max3A_574 = arith.maximumf %while3A_542, %get3A_572 : vector<16xf32>
          %add3A_575 = arith.constant 0 : i32
          %add3A_576 = arith.addi %while3A_530, %add3A_575 : i32
          %get3A_577 = arith.index_cast %add3A_576 : i32 to index
          %get3A_578 = arith.constant 64 : index
          %get3A_579 = tpu.vector_load %arg6[%get3A_577, %get3A_578] {strides = array<i32>} : memref<400x128xf32, #tpu.memory_space<vmem>>, vector<16xf32>,
          %add3A_580 = arith.addf %while3A_535, %get3A_579 : vector<16xf32>
          %max3A_581 = arith.maximumf %while3A_543, %get3A_579 : vector<16xf32>
          %add3A_582 = arith.constant 0 : i32
          %add3A_583 = arith.addi %while3A_530, %add3A_582 : i32
          %get3A_584 = arith.index_cast %add3A_583 : i32 to index
          %get3A_585 = arith.constant 80 : index
          %get3A_586 = tpu.vector_load %arg6[%get3A_584, %get3A_585] {strides = array<i32>} : memref<400x128xf32, #tpu.memory_space<vmem>>, vector<16xf32>,
          %add3A_587 = arith.addf %while3A_536, %get3A_586 : vector<16xf32>
          %max3A_588 = arith.maximumf %while3A_544, %get3A_586 : vector<16xf32>
          %add3A_589 = arith.constant 0 : i32
          %add3A_590 = arith.addi %while3A_530, %add3A_589 : i32
          %get3A_591 = arith.index_cast %add3A_590 : i32 to index
          %get3A_592 = arith.constant 96 : index
          %get3A_593 = tpu.vector_load %arg6[%get3A_591, %get3A_592] {strides = array<i32>} : memref<400x128xf32, #tpu.memory_space<vmem>>, vector<16xf32>,
          %add3A_594 = arith.addf %while3A_537, %get3A_593 : vector<16xf32>
          %max3A_595 = arith.maximumf %while3A_545, %get3A_593 : vector<16xf32>
          %add3A_596 = arith.constant 0 : i32
          %add3A_597 = arith.addi %while3A_530, %add3A_596 : i32
          %get3A_598 = arith.index_cast %add3A_597 : i32 to index
          %get3A_599 = arith.constant 112 : index
          %get3A_600 = tpu.vector_load %arg6[%get3A_598, %get3A_599] {strides = array<i32>} : memref<400x128xf32, #tpu.memory_space<vmem>>, vector<16xf32>,
          %add3A_601 = arith.addf %while3A_538, %get3A_600 : vector<16xf32>
          %max3A_602 = arith.maximumf %while3A_546, %get3A_600 : vector<16xf32>
          scf.yield %add3A_552, %add3A_559, %add3A_566, %add3A_573, %add3A_580, %add3A_587, %add3A_594, %add3A_601, %max3A_553, %max3A_560, %max3A_567, %max3A_574, %max3A_581, %max3A_588, %max3A_595, %max3A_602 : vector<16xf32>, vector<16xf32>, vector<16xf32>, vector<16xf32>, vector<16xf32>, vector<16xf32>, vector<16xf32>, vector<16xf32>, vector<16xf32>, vector<16xf32>, vector<16xf32>, vector<16xf32>, vector<16xf32>, vector<16xf32>, vector<16xf32>, vector<16xf32>
        }
        %while3A_526 = arith.constant 1 : i32
        %while3A_527:16 = scf.for %while3A_530 = %while3A_523 to %while3A_519 step %while3A_526 iter_args(%while3A_531 = %while3A_525#0, %while3A_532 = %while3A_525#1, %while3A_533 = %while3A_525#2, %while3A_534 = %while3A_525#3, %while3A_535 = %while3A_525#4, %while3A_536 = %while3A_525#5, %while3A_537 = %while3A_525#6, %while3A_538 = %while3A_525#7, %while3A_539 = %while3A_525#8, %while3A_540 = %while3A_525#9, %while3A_541 = %while3A_525#10, %while3A_542 = %while3A_525#11, %while3A_543 = %while3A_525#12, %while3A_544 = %while3A_525#13, %while3A_545 = %while3A_525#14, %while3A_546 = %while3A_525#15) -> (vector<16xf32>, vector<16xf32>, vector<16xf32>, vector<16xf32>, vector<16xf32>, vector<16xf32>, vector<16xf32>, vector<16xf32>, vector<16xf32>, vector<16xf32>, vector<16xf32>, vector<16xf32>, vector<16xf32>, vector<16xf32>, vector<16xf32>, vector<16xf32>)  : i32 {
          %add3A_547 = arith.constant 0 : i32
          %add3A_548 = arith.addi %while3A_530, %add3A_547 : i32
          %get3A_549 = arith.index_cast %add3A_548 : i32 to index
          %get3A_550 = arith.constant 0 : index
          %get3A_551 = tpu.vector_load %arg6[%get3A_549, %get3A_550] {strides = array<i32>} : memref<400x128xf32, #tpu.memory_space<vmem>>, vector<16xf32>,
          %add3A_552 = arith.addf %while3A_531, %get3A_551 : vector<16xf32>
          %max3A_553 = arith.maximumf %while3A_539, %get3A_551 : vector<16xf32>
          %add3A_554 = arith.constant 0 : i32
          %add3A_555 = arith.addi %while3A_530, %add3A_554 : i32
          %get3A_556 = arith.index_cast %add3A_555 : i32 to index
          %get3A_557 = arith.constant 16 : index
          %get3A_558 = tpu.vector_load %arg6[%get3A_556, %get3A_557] {strides = array<i32>} : memref<400x128xf32, #tpu.memory_space<vmem>>, vector<16xf32>,
          %add3A_559 = arith.addf %while3A_532, %get3A_558 : vector<16xf32>
          %max3A_560 = arith.maximumf %while3A_540, %get3A_558 : vector<16xf32>
          %add3A_561 = arith.constant 0 : i32
          %add3A_562 = arith.addi %while3A_530, %add3A_561 : i32
          %get3A_563 = arith.index_cast %add3A_562 : i32 to index
          %get3A_564 = arith.constant 32 : index
          %get3A_565 = tpu.vector_load %arg6[%get3A_563, %get3A_564] {strides = array<i32>} : memref<400x128xf32, #tpu.memory_space<vmem>>, vector<16xf32>,
          %add3A_566 = arith.addf %while3A_533, %get3A_565 : vector<16xf32>
          %max3A_567 = arith.maximumf %while3A_541, %get3A_565 : vector<16xf32>
          %add3A_568 = arith.constant 0 : i32
          %add3A_569 = arith.addi %while3A_530, %add3A_568 : i32
          %get3A_570 = arith.index_cast %add3A_569 : i32 to index
          %get3A_571 = arith.constant 48 : index
          %get3A_572 = tpu.vector_load %arg6[%get3A_570, %get3A_571] {strides = array<i32>} : memref<400x128xf32, #tpu.memory_space<vmem>>, vector<16xf32>,
          %add3A_573 = arith.addf %while3A_534, %get3A_572 : vector<16xf32>
          %max3A_574 = arith.maximumf %while3A_542, %get3A_572 : vector<16xf32>
          %add3A_575 = arith.constant 0 : i32
          %add3A_576 = arith.addi %while3A_530, %add3A_575 : i32
          %get3A_577 = arith.index_cast %add3A_576 : i32 to index
          %get3A_578 = arith.constant 64 : index
          %get3A_579 = tpu.vector_load %arg6[%get3A_577, %get3A_578] {strides = array<i32>} : memref<400x128xf32, #tpu.memory_space<vmem>>, vector<16xf32>,
          %add3A_580 = arith.addf %while3A_535, %get3A_579 : vector<16xf32>
          %max3A_581 = arith.maximumf %while3A_543, %get3A_579 : vector<16xf32>
          %add3A_582 = arith.constant 0 : i32
          %add3A_583 = arith.addi %while3A_530, %add3A_582 : i32
          %get3A_584 = arith.index_cast %add3A_583 : i32 to index
          %get3A_585 = arith.constant 80 : index
          %get3A_586 = tpu.vector_load %arg6[%get3A_584, %get3A_585] {strides = array<i32>} : memref<400x128xf32, #tpu.memory_space<vmem>>, vector<16xf32>,
          %add3A_587 = arith.addf %while3A_536, %get3A_586 : vector<16xf32>
          %max3A_588 = arith.maximumf %while3A_544, %get3A_586 : vector<16xf32>
          %add3A_589 = arith.constant 0 : i32
          %add3A_590 = arith.addi %while3A_530, %add3A_589 : i32
          %get3A_591 = arith.index_cast %add3A_590 : i32 to index
          %get3A_592 = arith.constant 96 : index
          %get3A_593 = tpu.vector_load %arg6[%get3A_591, %get3A_592] {strides = array<i32>} : memref<400x128xf32, #tpu.memory_space<vmem>>, vector<16xf32>,
          %add3A_594 = arith.addf %while3A_537, %get3A_593 : vector<16xf32>
          %max3A_595 = arith.maximumf %while3A_545, %get3A_593 : vector<16xf32>
          %add3A_596 = arith.constant 0 : i32
          %add3A_597 = arith.addi %while3A_530, %add3A_596 : i32
          %get3A_598 = arith.index_cast %add3A_597 : i32 to index
          %get3A_599 = arith.constant 112 : index
          %get3A_600 = tpu.vector_load %arg6[%get3A_598, %get3A_599] {strides = array<i32>} : memref<400x128xf32, #tpu.memory_space<vmem>>, vector<16xf32>,
          %add3A_601 = arith.addf %while3A_538, %get3A_600 : vector<16xf32>
          %max3A_602 = arith.maximumf %while3A_546, %get3A_600 : vector<16xf32>
          scf.yield %add3A_552, %add3A_559, %add3A_566, %add3A_573, %add3A_580, %add3A_587, %add3A_594, %add3A_601, %max3A_553, %max3A_560, %max3A_567, %max3A_574, %max3A_581, %max3A_588, %max3A_595, %max3A_602 : vector<16xf32>, vector<16xf32>, vector<16xf32>, vector<16xf32>, vector<16xf32>, vector<16xf32>, vector<16xf32>, vector<16xf32>, vector<16xf32>, vector<16xf32>, vector<16xf32>, vector<16xf32>, vector<16xf32>, vector<16xf32>, vector<16xf32>, vector<16xf32>
        }
        %sub3A_528 = arith.subi %select_n3A_478, %while3A_409 : i32
        %add3A_529 = arith.addi %select_n3A_472, %sub3A_528 : i32
        scf.yield %select_n3A_478, %squeeze3A_431, %add3A_529, %while3A_527#0, %while3A_527#1, %while3A_527#2, %while3A_527#3, %while3A_527#4, %while3A_527#5, %while3A_527#6, %while3A_527#7, %while3A_527#8, %while3A_527#9, %while3A_527#10, %while3A_527#11, %while3A_527#12, %while3A_527#13, %while3A_527#14, %while3A_527#15 : i32, i32, i32, vector<16xf32>, vector<16xf32>, vector<16xf32>, vector<16xf32>, vector<16xf32>, vector<16xf32>, vector<16xf32>, vector<16xf32>, vector<16xf32>, vector<16xf32>, vector<16xf32>, vector<16xf32>, vector<16xf32>, vector<16xf32>, vector<16xf32>, vector<16xf32>
      }
      scf.yield %while3A_408#1, %while3A_408#2, %while3A_408#3, %while3A_408#4, %while3A_408#5, %while3A_408#6, %while3A_408#7, %while3A_408#8, %while3A_408#9, %while3A_408#10, %while3A_408#11, %while3A_408#12, %while3A_408#13, %while3A_408#14, %while3A_408#15, %while3A_408#16, %while3A_408#17, %while3A_408#18 : i32, i32, vector<16xf32>, vector<16xf32>, vector<16xf32>, vector<16xf32>, vector<16xf32>, vector<16xf32>, vector<16xf32>, vector<16xf32>, vector<16xf32>, vector<16xf32>, vector<16xf32>, vector<16xf32>, vector<16xf32>, vector<16xf32>, vector<16xf32>, vector<16xf32>
    }
    %while3A_327 = arith.constant 1 : i32
    %while3A_328:18 = scf.for %while3A_334 = %while3A_324 to %while3A_320 step %while3A_327 iter_args(%while3A_335 = %while3A_326#0, %while3A_336 = %while3A_326#1, %while3A_337 = %while3A_326#2, %while3A_338 = %while3A_326#3, %while3A_339 = %while3A_326#4, %while3A_340 = %while3A_326#5, %while3A_341 = %while3A_326#6, %while3A_342 = %while3A_326#7, %while3A_343 = %while3A_326#8, %while3A_344 = %while3A_326#9, %while3A_345 = %while3A_326#10, %while3A_346 = %while3A_326#11, %while3A_347 = %while3A_326#12, %while3A_348 = %while3A_326#13, %while3A_349 = %while3A_326#14, %while3A_350 = %while3A_326#15, %while3A_351 = %while3A_326#16, %while3A_352 = %while3A_326#17) -> (i32, i32, vector<16xf32>, vector<16xf32>, vector<16xf32>, vector<16xf32>, vector<16xf32>, vector<16xf32>, vector<16xf32>, vector<16xf32>, vector<16xf32>, vector<16xf32>, vector<16xf32>, vector<16xf32>, vector<16xf32>, vector<16xf32>, vector<16xf32>, vector<16xf32>)  : i32 {
      %mul3A_353 = arith.constant 2 : i32
      %mul3A_354 = arith.muli %mul3A_353, %while3A_334 : i32
      %add3A_355 = arith.constant 0 : i32
      %add3A_356 = arith.addi %mul3A_354, %add3A_355 : i32
      %mul3A_357 = arith.constant 400 : i32
      %mul3A_358 = arith.muli %add3A_356, %mul3A_357 : i32
      %add3A_359 = arith.addi %mul3A_242, %mul3A_358 : i32
      %add3A_360 = arith.constant 1 : i32
      %add3A_361 = arith.addi %add3A_356, %add3A_360 : i32
      %lt3A_362 = arith.cmpi slt, %add3A_361, %select_n3A_269 : i32
      %convert_element_type3A_363 = arith.extui %lt3A_362 : i1 to i32
      %cond3A_364 = arith.constant 0 : i32
      %cond3A_365 = arith.cmpi ne, %convert_element_type3A_363, %cond3A_364 : i32
      scf.if %cond3A_365 {
        %mul3A_409 = arith.constant 400 : i32
        %mul3A_410 = arith.muli %add3A_361, %mul3A_409 : i32
        %add3A_411 = arith.addi %mul3A_242, %mul3A_410 : i32
        %dma_start3A_412 = arith.constant 0 : i32
        %dma_start3A_413 = tpu.memref_slice %arg2[%add3A_411, %dma_start3A_412] : memref<100000x128xf32, #tpu.memory_space<hbm>> -> memref<400x128xf32, #tpu.memory_space<hbm>>
        %dma_start3A_414 = arith.constant 0 : i32
        %dma_start3A_415 = tpu.memref_slice %arg2[%add3A_411, %dma_start3A_414] : memref<100000x128xf32, #tpu.memory_space<hbm>> -> memref<400x128xf32, #tpu.memory_space<hbm>>
        tpu.enqueue_dma source(%dma_start3A_415 : memref<400x128xf32, #tpu.memory_space<hbm>>) target(%arg6 : memref<400x128xf32, #tpu.memory_space<vmem>>) target_semaphore(%arg15 : memref<!tpu.dma_semaphore, #tpu.memory_space<semaphore_mem>>)
        %dma_start3A_416 = arith.constant 0 : i32
        %dma_start3A_417 = tpu.memref_slice %arg8[%dma_start3A_416] : memref<416xi32, #tpu.memory_space<vmem>> -> memref<400xi32, #tpu.memory_space<vmem>>
        %dma_start3A_418 = tpu.memref_slice %arg3[%add3A_411] : memref<100000xi32, #tpu.memory_space<hbm>> -> memref<400xi32, #tpu.memory_space<hbm>>
        %dma_start3A_419 = arith.constant 0 : i32
        %dma_start3A_420 = tpu.memref_slice %arg8[%dma_start3A_419] : memref<416xi32, #tpu.memory_space<vmem>> -> memref<400xi32, #tpu.memory_space<vmem>>
        %dma_start3A_421 = tpu.memref_slice %arg3[%add3A_411] : memref<100000xi32, #tpu.memory_space<hbm>> -> memref<400xi32, #tpu.memory_space<hbm>>
        tpu.enqueue_dma source(%dma_start3A_421 : memref<400xi32, #tpu.memory_space<hbm>>) target(%dma_start3A_420 : memref<400xi32, #tpu.memory_space<vmem>>) target_semaphore(%arg15 : memref<!tpu.dma_semaphore, #tpu.memory_space<semaphore_mem>>)
      } else {
      }
      %lt3A_366 = arith.cmpi slt, %add3A_356, %select_n3A_269 : i32
      %convert_element_type3A_367 = arith.extui %lt3A_366 : i1 to i32
      %cond3A_368 = arith.constant 0 : i32
      %cond3A_369 = arith.cmpi ne, %convert_element_type3A_367, %cond3A_368 : i32
      scf.if %cond3A_369 {
        %dma_wait3A_409 = arith.constant 0 : i32
        %dma_wait3A_410 = arith.constant 0 : i32
        %dma_wait3A_411 = tpu.memref_slice %arg2[%dma_wait3A_409, %dma_wait3A_410] : memref<100000x128xf32, #tpu.memory_space<hbm>> -> memref<400x128xf32, #tpu.memory_space<hbm>>
        %dma_wait3A_412 = arith.constant 0 : i32
        %dma_wait3A_413 = arith.constant 0 : i32
        %dma_wait3A_414 = tpu.memref_slice %arg2[%dma_wait3A_412, %dma_wait3A_413] : memref<100000x128xf32, #tpu.memory_space<hbm>> -> memref<400x128xf32, #tpu.memory_space<hbm>>
        tpu.wait_dma2 semaphore(%arg14 : memref<!tpu.dma_semaphore, #tpu.memory_space<semaphore_mem>>) src(%dma_wait3A_414 : memref<400x128xf32, #tpu.memory_space<hbm>>) dst(%arg5 : memref<400x128xf32, #tpu.memory_space<vmem>>)
        %dma_wait3A_415 = arith.constant 0 : i32
        %dma_wait3A_416 = tpu.memref_slice %arg7[%dma_wait3A_415] : memref<416xi32, #tpu.memory_space<vmem>> -> memref<400xi32, #tpu.memory_space<vmem>>
        %dma_wait3A_417 = arith.constant 0 : i32
        %dma_wait3A_418 = tpu.memref_slice %arg3[%dma_wait3A_417] : memref<100000xi32, #tpu.memory_space<hbm>> -> memref<400xi32, #tpu.memory_space<hbm>>
        %dma_wait3A_419 = arith.constant 0 : i32
        %dma_wait3A_420 = tpu.memref_slice %arg7[%dma_wait3A_419] : memref<416xi32, #tpu.memory_space<vmem>> -> memref<400xi32, #tpu.memory_space<vmem>>
        %dma_wait3A_421 = arith.constant 0 : i32
        %dma_wait3A_422 = tpu.memref_slice %arg3[%dma_wait3A_421] : memref<100000xi32, #tpu.memory_space<hbm>> -> memref<400xi32, #tpu.memory_space<hbm>>
        tpu.wait_dma2 semaphore(%arg14 : memref<!tpu.dma_semaphore, #tpu.memory_space<semaphore_mem>>) src(%dma_wait3A_422 : memref<400xi32, #tpu.memory_space<hbm>>) dst(%dma_wait3A_420 : memref<400xi32, #tpu.memory_space<vmem>>)
      } else {
      }
      %sub3A_370 = arith.subi %add3A_209, %add3A_359 : i32
      %max3A_371 = arith.constant 0 : i32
      %max3A_372 = arith.maxsi %sub3A_370, %max3A_371 : i32
      %min3A_373 = arith.constant 400 : i32
      %min3A_374 = arith.minsi %max3A_372, %min3A_373 : i32
      %sub3A_375 = arith.subi %add3A_222, %add3A_359 : i32
      %max3A_376 = arith.constant 0 : i32
      %max3A_377 = arith.maxsi %sub3A_375, %max3A_376 : i32
      %min3A_378 = arith.constant 400 : i32
      %min3A_379 = arith.minsi %max3A_377, %min3A_378 : i32
      %while3A_380:19 = scf.while (%while3A_409 = %min3A_374, %while3A_410 = %while3A_335, %while3A_411 = %while3A_336, %while3A_412 = %while3A_337, %while3A_413 = %while3A_338, %while3A_414 = %while3A_339, %while3A_415 = %while3A_340, %while3A_416 = %while3A_341, %while3A_417 = %while3A_342, %while3A_418 = %while3A_343, %while3A_419 = %while3A_344, %while3A_420 = %while3A_345, %while3A_421 = %while3A_346, %while3A_422 = %while3A_347, %while3A_423 = %while3A_348, %while3A_424 = %while3A_349, %while3A_425 = %while3A_350, %while3A_426 = %while3A_351, %while3A_427 = %while3A_352) : (i32, i32, i32, vector<16xf32>, vector<16xf32>, vector<16xf32>, vector<16xf32>, vector<16xf32>, vector<16xf32>, vector<16xf32>, vector<16xf32>, vector<16xf32>, vector<16xf32>, vector<16xf32>, vector<16xf32>, vector<16xf32>, vector<16xf32>, vector<16xf32>, vector<16xf32>) -> (i32, i32, i32, vector<16xf32>, vector<16xf32>, vector<16xf32>, vector<16xf32>, vector<16xf32>, vector<16xf32>, vector<16xf32>, vector<16xf32>, vector<16xf32>, vector<16xf32>, vector<16xf32>, vector<16xf32>, vector<16xf32>, vector<16xf32>, vector<16xf32>, vector<16xf32>) {
        %lt3A_428 = arith.cmpi slt, %while3A_409, %min3A_379 : i32
        scf.condition(%lt3A_428) %while3A_409, %while3A_410, %while3A_411, %while3A_412, %while3A_413, %while3A_414, %while3A_415, %while3A_416, %while3A_417, %while3A_418, %while3A_419, %while3A_420, %while3A_421, %while3A_422, %while3A_423, %while3A_424, %while3A_425, %while3A_426, %while3A_427 : i32, i32, i32, vector<16xf32>, vector<16xf32>, vector<16xf32>, vector<16xf32>, vector<16xf32>, vector<16xf32>, vector<16xf32>, vector<16xf32>, vector<16xf32>, vector<16xf32>, vector<16xf32>, vector<16xf32>, vector<16xf32>, vector<16xf32>, vector<16xf32>, vector<16xf32>
      } do {
      ^bb0(%while3A_409: i32, %while3A_410: i32, %while3A_411: i32, %while3A_412: vector<16xf32>, %while3A_413: vector<16xf32>, %while3A_414: vector<16xf32>, %while3A_415: vector<16xf32>, %while3A_416: vector<16xf32>, %while3A_417: vector<16xf32>, %while3A_418: vector<16xf32>, %while3A_419: vector<16xf32>, %while3A_420: vector<16xf32>, %while3A_421: vector<16xf32>, %while3A_422: vector<16xf32>, %while3A_423: vector<16xf32>, %while3A_424: vector<16xf32>, %while3A_425: vector<16xf32>, %while3A_426: vector<16xf32>, %while3A_427: vector<16xf32>):
        %get3A_428 = arith.index_cast %while3A_409 : i32 to index
        %get3A_429 = tpu.vector_load %arg7[%get3A_428] {strides = array<i32>} : memref<416xi32, #tpu.memory_space<vmem>>, vector<16xi32>,
        %slice3A_430 = vector.extract_strided_slice %get3A_429 {offsets = [0], sizes = [1], strides = [1]} : vector<16xi32> to vector<1xi32>
        %squeeze3A_431 = vector.extract %slice3A_430[0] : i32 from vector<1xi32>
        %ne3A_432 = arith.cmpi ne, %squeeze3A_431, %while3A_410 : i32
        %gt3A_433 = arith.constant 0 : i32
        %gt3A_434 = arith.cmpi sgt, %while3A_411, %gt3A_433 : i32
        %and3A_435 = arith.andi %ne3A_432, %gt3A_434 : i1
        %convert_element_type3A_436 = arith.extui %and3A_435 : i1 to i32
        %cond3A_437 = arith.constant 0 : i32
        %cond3A_438 = arith.cmpi ne, %convert_element_type3A_436, %cond3A_437 : i32
        scf.if %cond3A_438 {
          %sub3A_530 = arith.subi %while3A_410, %mul3A_2 : i32
          %broadcast_in_dim3A_531 = vector.broadcast %while3A_411 : i32 to vector<16xi32>
          %convert_element_type3A_532 = arith.sitofp %broadcast_in_dim3A_531 : vector<16xi32> to vector<16xf32>
          %div3A_533 = arith.constant 1.000000e+00 : f32
          %div3A_534 = vector.broadcast %div3A_533 : f32 to vector<16xf32>
          %div3A_535 = arith.divf %div3A_534, %convert_element_type3A_532 : vector<16xf32>
          %mul3A_536 = arith.mulf %while3A_412, %div3A_535 : vector<16xf32>
          %swap3A_537 = arith.index_cast %sub3A_530 : i32 to index
          %swap3A_538 = arith.constant 0 : index
          %swap3A_539 = tpu.vector_load %arg13[%swap3A_537, %swap3A_538] {strides = array<i32>} : memref<32x384xf32, #tpu.memory_space<vmem>>, vector<16xf32>,
          tpu.vector_store %arg13[%swap3A_537, %swap3A_538], %mul3A_536 {strides = array<i32>} : memref<32x384xf32, #tpu.memory_space<vmem>>, vector<16xf32>,
          %swap3A_540 = arith.index_cast %sub3A_530 : i32 to index
          %swap3A_541 = arith.constant 128 : index
          %swap3A_542 = tpu.vector_load %arg13[%swap3A_540, %swap3A_541] {strides = array<i32>} : memref<32x384xf32, #tpu.memory_space<vmem>>, vector<16xf32>,
          tpu.vector_store %arg13[%swap3A_540, %swap3A_541], %while3A_420 {strides = array<i32>} : memref<32x384xf32, #tpu.memory_space<vmem>>, vector<16xf32>,
          %swap3A_543 = arith.index_cast %sub3A_530 : i32 to index
          %swap3A_544 = arith.constant 256 : index
          %swap3A_545 = tpu.vector_load %arg13[%swap3A_543, %swap3A_544] {strides = array<i32>} : memref<32x384xf32, #tpu.memory_space<vmem>>, vector<16xf32>,
          tpu.vector_store %arg13[%swap3A_543, %swap3A_544], %while3A_412 {strides = array<i32>} : memref<32x384xf32, #tpu.memory_space<vmem>>, vector<16xf32>,
          %mul3A_546 = arith.mulf %while3A_413, %div3A_535 : vector<16xf32>
          %swap3A_547 = arith.index_cast %sub3A_530 : i32 to index
          %swap3A_548 = arith.constant 16 : index
          %swap3A_549 = tpu.vector_load %arg13[%swap3A_547, %swap3A_548] {strides = array<i32>} : memref<32x384xf32, #tpu.memory_space<vmem>>, vector<16xf32>,
          tpu.vector_store %arg13[%swap3A_547, %swap3A_548], %mul3A_546 {strides = array<i32>} : memref<32x384xf32, #tpu.memory_space<vmem>>, vector<16xf32>,
          %swap3A_550 = arith.index_cast %sub3A_530 : i32 to index
          %swap3A_551 = arith.constant 144 : index
          %swap3A_552 = tpu.vector_load %arg13[%swap3A_550, %swap3A_551] {strides = array<i32>} : memref<32x384xf32, #tpu.memory_space<vmem>>, vector<16xf32>,
          tpu.vector_store %arg13[%swap3A_550, %swap3A_551], %while3A_421 {strides = array<i32>} : memref<32x384xf32, #tpu.memory_space<vmem>>, vector<16xf32>,
          %swap3A_553 = arith.index_cast %sub3A_530 : i32 to index
          %swap3A_554 = arith.constant 272 : index
          %swap3A_555 = tpu.vector_load %arg13[%swap3A_553, %swap3A_554] {strides = array<i32>} : memref<32x384xf32, #tpu.memory_space<vmem>>, vector<16xf32>,
          tpu.vector_store %arg13[%swap3A_553, %swap3A_554], %while3A_413 {strides = array<i32>} : memref<32x384xf32, #tpu.memory_space<vmem>>, vector<16xf32>,
          %mul3A_556 = arith.mulf %while3A_414, %div3A_535 : vector<16xf32>
          %swap3A_557 = arith.index_cast %sub3A_530 : i32 to index
          %swap3A_558 = arith.constant 32 : index
          %swap3A_559 = tpu.vector_load %arg13[%swap3A_557, %swap3A_558] {strides = array<i32>} : memref<32x384xf32, #tpu.memory_space<vmem>>, vector<16xf32>,
          tpu.vector_store %arg13[%swap3A_557, %swap3A_558], %mul3A_556 {strides = array<i32>} : memref<32x384xf32, #tpu.memory_space<vmem>>, vector<16xf32>,
          %swap3A_560 = arith.index_cast %sub3A_530 : i32 to index
          %swap3A_561 = arith.constant 160 : index
          %swap3A_562 = tpu.vector_load %arg13[%swap3A_560, %swap3A_561] {strides = array<i32>} : memref<32x384xf32, #tpu.memory_space<vmem>>, vector<16xf32>,
          tpu.vector_store %arg13[%swap3A_560, %swap3A_561], %while3A_422 {strides = array<i32>} : memref<32x384xf32, #tpu.memory_space<vmem>>, vector<16xf32>,
          %swap3A_563 = arith.index_cast %sub3A_530 : i32 to index
          %swap3A_564 = arith.constant 288 : index
          %swap3A_565 = tpu.vector_load %arg13[%swap3A_563, %swap3A_564] {strides = array<i32>} : memref<32x384xf32, #tpu.memory_space<vmem>>, vector<16xf32>,
          tpu.vector_store %arg13[%swap3A_563, %swap3A_564], %while3A_414 {strides = array<i32>} : memref<32x384xf32, #tpu.memory_space<vmem>>, vector<16xf32>,
          %mul3A_566 = arith.mulf %while3A_415, %div3A_535 : vector<16xf32>
          %swap3A_567 = arith.index_cast %sub3A_530 : i32 to index
          %swap3A_568 = arith.constant 48 : index
          %swap3A_569 = tpu.vector_load %arg13[%swap3A_567, %swap3A_568] {strides = array<i32>} : memref<32x384xf32, #tpu.memory_space<vmem>>, vector<16xf32>,
          tpu.vector_store %arg13[%swap3A_567, %swap3A_568], %mul3A_566 {strides = array<i32>} : memref<32x384xf32, #tpu.memory_space<vmem>>, vector<16xf32>,
          %swap3A_570 = arith.index_cast %sub3A_530 : i32 to index
          %swap3A_571 = arith.constant 176 : index
          %swap3A_572 = tpu.vector_load %arg13[%swap3A_570, %swap3A_571] {strides = array<i32>} : memref<32x384xf32, #tpu.memory_space<vmem>>, vector<16xf32>,
          tpu.vector_store %arg13[%swap3A_570, %swap3A_571], %while3A_423 {strides = array<i32>} : memref<32x384xf32, #tpu.memory_space<vmem>>, vector<16xf32>,
          %swap3A_573 = arith.index_cast %sub3A_530 : i32 to index
          %swap3A_574 = arith.constant 304 : index
          %swap3A_575 = tpu.vector_load %arg13[%swap3A_573, %swap3A_574] {strides = array<i32>} : memref<32x384xf32, #tpu.memory_space<vmem>>, vector<16xf32>,
          tpu.vector_store %arg13[%swap3A_573, %swap3A_574], %while3A_415 {strides = array<i32>} : memref<32x384xf32, #tpu.memory_space<vmem>>, vector<16xf32>,
          %mul3A_576 = arith.mulf %while3A_416, %div3A_535 : vector<16xf32>
          %swap3A_577 = arith.index_cast %sub3A_530 : i32 to index
          %swap3A_578 = arith.constant 64 : index
          %swap3A_579 = tpu.vector_load %arg13[%swap3A_577, %swap3A_578] {strides = array<i32>} : memref<32x384xf32, #tpu.memory_space<vmem>>, vector<16xf32>,
          tpu.vector_store %arg13[%swap3A_577, %swap3A_578], %mul3A_576 {strides = array<i32>} : memref<32x384xf32, #tpu.memory_space<vmem>>, vector<16xf32>,
          %swap3A_580 = arith.index_cast %sub3A_530 : i32 to index
          %swap3A_581 = arith.constant 192 : index
          %swap3A_582 = tpu.vector_load %arg13[%swap3A_580, %swap3A_581] {strides = array<i32>} : memref<32x384xf32, #tpu.memory_space<vmem>>, vector<16xf32>,
          tpu.vector_store %arg13[%swap3A_580, %swap3A_581], %while3A_424 {strides = array<i32>} : memref<32x384xf32, #tpu.memory_space<vmem>>, vector<16xf32>,
          %swap3A_583 = arith.index_cast %sub3A_530 : i32 to index
          %swap3A_584 = arith.constant 320 : index
          %swap3A_585 = tpu.vector_load %arg13[%swap3A_583, %swap3A_584] {strides = array<i32>} : memref<32x384xf32, #tpu.memory_space<vmem>>, vector<16xf32>,
          tpu.vector_store %arg13[%swap3A_583, %swap3A_584], %while3A_416 {strides = array<i32>} : memref<32x384xf32, #tpu.memory_space<vmem>>, vector<16xf32>,
          %mul3A_586 = arith.mulf %while3A_417, %div3A_535 : vector<16xf32>
          %swap3A_587 = arith.index_cast %sub3A_530 : i32 to index
          %swap3A_588 = arith.constant 80 : index
          %swap3A_589 = tpu.vector_load %arg13[%swap3A_587, %swap3A_588] {strides = array<i32>} : memref<32x384xf32, #tpu.memory_space<vmem>>, vector<16xf32>,
          tpu.vector_store %arg13[%swap3A_587, %swap3A_588], %mul3A_586 {strides = array<i32>} : memref<32x384xf32, #tpu.memory_space<vmem>>, vector<16xf32>,
          %swap3A_590 = arith.index_cast %sub3A_530 : i32 to index
          %swap3A_591 = arith.constant 208 : index
          %swap3A_592 = tpu.vector_load %arg13[%swap3A_590, %swap3A_591] {strides = array<i32>} : memref<32x384xf32, #tpu.memory_space<vmem>>, vector<16xf32>,
          tpu.vector_store %arg13[%swap3A_590, %swap3A_591], %while3A_425 {strides = array<i32>} : memref<32x384xf32, #tpu.memory_space<vmem>>, vector<16xf32>,
          %swap3A_593 = arith.index_cast %sub3A_530 : i32 to index
          %swap3A_594 = arith.constant 336 : index
          %swap3A_595 = tpu.vector_load %arg13[%swap3A_593, %swap3A_594] {strides = array<i32>} : memref<32x384xf32, #tpu.memory_space<vmem>>, vector<16xf32>,
          tpu.vector_store %arg13[%swap3A_593, %swap3A_594], %while3A_417 {strides = array<i32>} : memref<32x384xf32, #tpu.memory_space<vmem>>, vector<16xf32>,
          %mul3A_596 = arith.mulf %while3A_418, %div3A_535 : vector<16xf32>
          %swap3A_597 = arith.index_cast %sub3A_530 : i32 to index
          %swap3A_598 = arith.constant 96 : index
          %swap3A_599 = tpu.vector_load %arg13[%swap3A_597, %swap3A_598] {strides = array<i32>} : memref<32x384xf32, #tpu.memory_space<vmem>>, vector<16xf32>,
          tpu.vector_store %arg13[%swap3A_597, %swap3A_598], %mul3A_596 {strides = array<i32>} : memref<32x384xf32, #tpu.memory_space<vmem>>, vector<16xf32>,
          %swap3A_600 = arith.index_cast %sub3A_530 : i32 to index
          %swap3A_601 = arith.constant 224 : index
          %swap3A_602 = tpu.vector_load %arg13[%swap3A_600, %swap3A_601] {strides = array<i32>} : memref<32x384xf32, #tpu.memory_space<vmem>>, vector<16xf32>,
          tpu.vector_store %arg13[%swap3A_600, %swap3A_601], %while3A_426 {strides = array<i32>} : memref<32x384xf32, #tpu.memory_space<vmem>>, vector<16xf32>,
          %swap3A_603 = arith.index_cast %sub3A_530 : i32 to index
          %swap3A_604 = arith.constant 352 : index
          %swap3A_605 = tpu.vector_load %arg13[%swap3A_603, %swap3A_604] {strides = array<i32>} : memref<32x384xf32, #tpu.memory_space<vmem>>, vector<16xf32>,
          tpu.vector_store %arg13[%swap3A_603, %swap3A_604], %while3A_418 {strides = array<i32>} : memref<32x384xf32, #tpu.memory_space<vmem>>, vector<16xf32>,
          %mul3A_606 = arith.mulf %while3A_419, %div3A_535 : vector<16xf32>
          %swap3A_607 = arith.index_cast %sub3A_530 : i32 to index
          %swap3A_608 = arith.constant 112 : index
          %swap3A_609 = tpu.vector_load %arg13[%swap3A_607, %swap3A_608] {strides = array<i32>} : memref<32x384xf32, #tpu.memory_space<vmem>>, vector<16xf32>,
          tpu.vector_store %arg13[%swap3A_607, %swap3A_608], %mul3A_606 {strides = array<i32>} : memref<32x384xf32, #tpu.memory_space<vmem>>, vector<16xf32>,
          %swap3A_610 = arith.index_cast %sub3A_530 : i32 to index
          %swap3A_611 = arith.constant 240 : index
          %swap3A_612 = tpu.vector_load %arg13[%swap3A_610, %swap3A_611] {strides = array<i32>} : memref<32x384xf32, #tpu.memory_space<vmem>>, vector<16xf32>,
          tpu.vector_store %arg13[%swap3A_610, %swap3A_611], %while3A_427 {strides = array<i32>} : memref<32x384xf32, #tpu.memory_space<vmem>>, vector<16xf32>,
          %swap3A_613 = arith.index_cast %sub3A_530 : i32 to index
          %swap3A_614 = arith.constant 368 : index
          %swap3A_615 = tpu.vector_load %arg13[%swap3A_613, %swap3A_614] {strides = array<i32>} : memref<32x384xf32, #tpu.memory_space<vmem>>, vector<16xf32>,
          tpu.vector_store %arg13[%swap3A_613, %swap3A_614], %while3A_419 {strides = array<i32>} : memref<32x384xf32, #tpu.memory_space<vmem>>, vector<16xf32>,
        } else {
        }
        %select_n3A_439 = arith.select %ne3A_432, %broadcast_in_dim3A_3, %while3A_412 : vector<16xf32>
        %select_n3A_440 = arith.select %ne3A_432, %broadcast_in_dim3A_3, %while3A_413 : vector<16xf32>
        %select_n3A_441 = arith.select %ne3A_432, %broadcast_in_dim3A_3, %while3A_414 : vector<16xf32>
        %select_n3A_442 = arith.select %ne3A_432, %broadcast_in_dim3A_3, %while3A_415 : vector<16xf32>
        %select_n3A_443 = arith.select %ne3A_432, %broadcast_in_dim3A_3, %while3A_416 : vector<16xf32>
        %select_n3A_444 = arith.select %ne3A_432, %broadcast_in_dim3A_3, %while3A_417 : vector<16xf32>
        %select_n3A_445 = arith.select %ne3A_432, %broadcast_in_dim3A_3, %while3A_418 : vector<16xf32>
        %select_n3A_446 = arith.select %ne3A_432, %broadcast_in_dim3A_3, %while3A_419 : vector<16xf32>
        %jit3A_447 = arith.constant -3.40282347E+38 : f32
        %broadcast_in_dim3A_448 = vector.broadcast %jit3A_447 : f32 to vector<16xf32>
        %select_n3A_449 = arith.select %ne3A_432, %broadcast_in_dim3A_448, %while3A_420 : vector<16xf32>
        %jit3A_450 = arith.constant -3.40282347E+38 : f32
        %broadcast_in_dim3A_451 = vector.broadcast %jit3A_450 : f32 to vector<16xf32>
        %select_n3A_452 = arith.select %ne3A_432, %broadcast_in_dim3A_451, %while3A_421 : vector<16xf32>
        %jit3A_453 = arith.constant -3.40282347E+38 : f32
        %broadcast_in_dim3A_454 = vector.broadcast %jit3A_453 : f32 to vector<16xf32>
        %select_n3A_455 = arith.select %ne3A_432, %broadcast_in_dim3A_454, %while3A_422 : vector<16xf32>
        %jit3A_456 = arith.constant -3.40282347E+38 : f32
        %broadcast_in_dim3A_457 = vector.broadcast %jit3A_456 : f32 to vector<16xf32>
        %select_n3A_458 = arith.select %ne3A_432, %broadcast_in_dim3A_457, %while3A_423 : vector<16xf32>
        %jit3A_459 = arith.constant -3.40282347E+38 : f32
        %broadcast_in_dim3A_460 = vector.broadcast %jit3A_459 : f32 to vector<16xf32>
        %select_n3A_461 = arith.select %ne3A_432, %broadcast_in_dim3A_460, %while3A_424 : vector<16xf32>
        %jit3A_462 = arith.constant -3.40282347E+38 : f32
        %broadcast_in_dim3A_463 = vector.broadcast %jit3A_462 : f32 to vector<16xf32>
        %select_n3A_464 = arith.select %ne3A_432, %broadcast_in_dim3A_463, %while3A_425 : vector<16xf32>
        %jit3A_465 = arith.constant -3.40282347E+38 : f32
        %broadcast_in_dim3A_466 = vector.broadcast %jit3A_465 : f32 to vector<16xf32>
        %select_n3A_467 = arith.select %ne3A_432, %broadcast_in_dim3A_466, %while3A_426 : vector<16xf32>
        %jit3A_468 = arith.constant -3.40282347E+38 : f32
        %broadcast_in_dim3A_469 = vector.broadcast %jit3A_468 : f32 to vector<16xf32>
        %select_n3A_470 = arith.select %ne3A_432, %broadcast_in_dim3A_469, %while3A_427 : vector<16xf32>
        %jit3A_471 = arith.constant 0 : i32
        %select_n3A_472 = arith.select %ne3A_432, %jit3A_471, %while3A_411 : i32
        %broadcast_in_dim3A_473 = vector.broadcast %squeeze3A_431 : i32 to vector<16xi32>
        %while3A_474 = arith.constant -1 : i32
        %while3A_475:2 = scf.while (%while3A_530 = %while3A_409, %while3A_531 = %while3A_474) : (i32, i32) -> (i32, i32) {
          %lt3A_532 = arith.constant 0 : i32
          %lt3A_533 = arith.cmpi slt, %while3A_531, %lt3A_532 : i32
          %lt3A_534 = arith.cmpi slt, %while3A_530, %min3A_379 : i32
          %and3A_535 = arith.andi %lt3A_533, %lt3A_534 : i1
          scf.condition(%and3A_535) %while3A_530, %while3A_531 : i32, i32
        } do {
        ^bb0(%while3A_530: i32, %while3A_531: i32):
          %get3A_532 = arith.index_cast %while3A_530 : i32 to index
          %get3A_533 = tpu.vector_load %arg7[%get3A_532] {strides = array<i32>} : memref<416xi32, #tpu.memory_space<vmem>>, vector<16xi32>,
          %ne3A_534 = arith.cmpi ne, %get3A_533, %broadcast_in_dim3A_473 : vector<16xi32>
          %add3A_535 = vector.broadcast %while3A_530 : i32 to vector<16xi32>
          %add3A_536 = arith.addi %iota3A_270, %add3A_535 : vector<16xi32>
          %ge3A = vector.broadcast %min3A_379 : i32 to vector<16xi32>
          %ge3A_537 = arith.cmpi sge, %add3A_536, %ge3A : vector<16xi32>
          %or3A = arith.ori %ne3A_534, %ge3A_537 : vector<16xi1>
          %all_reduce_population_count3A_538 = tpu.all_reduce %or3A {dim = 0 : i64, kind = #tpu.reduction_kind<sum>} : vector<16xi1> -> vector<16xi32>
          %all_reduce_ffs3A = tpu.all_reduce %or3A {dim = 0 : i64, kind = #tpu.reduction_kind<find_first_set>} : vector<16xi1> -> vector<16xi32>
          %gt3A_539 = arith.constant 0 : i32
          %gt3A_540 = vector.broadcast %gt3A_539 : i32 to vector<16xi32>
          %gt3A_541 = arith.cmpi sgt, %all_reduce_population_count3A_538, %gt3A_540 : vector<16xi32>
          %add3A_542 = vector.broadcast %while3A_530 : i32 to vector<16xi32>
          %add3A_543 = arith.addi %add3A_542, %all_reduce_ffs3A : vector<16xi32>
          %jit3A_544 = arith.constant -1 : i32
          %broadcast_in_dim3A_545 = vector.broadcast %jit3A_544 : i32 to vector<16xi32>
          %select_n3A_546 = arith.select %gt3A_541, %add3A_543, %broadcast_in_dim3A_545 : vector<16xi1>, vector<16xi32>
          %add3A_547 = arith.constant 16 : i32
          %add3A_548 = arith.addi %while3A_530, %add3A_547 : i32
          %slice3A_549 = vector.extract_strided_slice %select_n3A_546 {offsets = [0], sizes = [1], strides = [1]} : vector<16xi32> to vector<1xi32>
          %squeeze3A_550 = vector.extract %slice3A_549[0] : i32 from vector<1xi32>
          scf.yield %add3A_548, %squeeze3A_550 : i32, i32
        }
        %lt3A_476 = arith.constant 0 : i32
        %lt3A_477 = arith.cmpi slt, %while3A_475#1, %lt3A_476 : i32
        %select_n3A_478 = arith.select %lt3A_477, %min3A_379, %while3A_475#1 : i32
        %sub3A_479 = arith.subi %select_n3A_478, %while3A_409 : i32
        %jit3A_480 = arith.constant 4 : i32
        %div3A_481 = arith.divsi %sub3A_479, %jit3A_480 : i32
        %sign3A_482 = arith.constant 0 : i32
        %sign3A_483 = arith.cmpi sgt, %sub3A_479, %sign3A_482 : i32
        %sign3A_484 = arith.extui %sign3A_483 : i1 to i32
        %sign3A_485 = arith.constant 0 : i32
        %sign3A_486 = arith.cmpi slt, %sub3A_479, %sign3A_485 : i32
        %sign3A_487 = arith.extui %sign3A_486 : i1 to i32
        %sign3A_488 = arith.subi %sign3A_484, %sign3A_487 : i32
        %sign3A_489 = arith.constant 0 : i32
        %sign3A_490 = arith.cmpi sgt, %jit3A_480, %sign3A_489 : i32
        %sign3A_491 = arith.extui %sign3A_490 : i1 to i32
        %sign3A_492 = arith.constant 0 : i32
        %sign3A_493 = arith.cmpi slt, %jit3A_480, %sign3A_492 : i32
        %sign3A_494 = arith.extui %sign3A_493 : i1 to i32
        %sign3A_495 = arith.subi %sign3A_491, %sign3A_494 : i32
        %ne3A_496 = arith.cmpi ne, %sign3A_488, %sign3A_495 : i32
        %rem3A_497 = arith.remsi %sub3A_479, %jit3A_480 : i32
        %ne3A_498 = arith.constant 0 : i32
        %ne3A_499 = arith.cmpi ne, %rem3A_497, %ne3A_498 : i32
        %and3A_500 = arith.andi %ne3A_496, %ne3A_499 : i1
        %sub3A_501 = arith.constant 1 : i32
        %sub3A_502 = arith.subi %div3A_481, %sub3A_501 : i32
        %select_n3A_503 = arith.select %and3A_500, %sub3A_502, %div3A_481 : i32
        %while3A_504 = arith.constant 0 : i32
        %while3A_505 = arith.subi %select_n3A_503, %while3A_504 : i32
        %while3A_506 = arith.addi %while3A_504, %while3A_505 : i32
        %while3A_507 = arith.constant 1 : i32
        %while3A_508 = arith.divsi %while3A_505, %while3A_507 : i32
        %while3A_509 = arith.muli %while3A_508, %while3A_507 : i32
        %while3A_510 = arith.addi %while3A_504, %while3A_509 : i32
        %while3A_511 = arith.constant 1 : i32
        %while3A_512:16 = scf.for %while3A_530 = %while3A_504 to %while3A_510 step %while3A_511 iter_args(%while3A_531 = %select_n3A_439, %while3A_532 = %select_n3A_440, %while3A_533 = %select_n3A_441, %while3A_534 = %select_n3A_442, %while3A_535 = %select_n3A_443, %while3A_536 = %select_n3A_444, %while3A_537 = %select_n3A_445, %while3A_538 = %select_n3A_446, %while3A_539 = %select_n3A_449, %while3A_540 = %select_n3A_452, %while3A_541 = %select_n3A_455, %while3A_542 = %select_n3A_458, %while3A_543 = %select_n3A_461, %while3A_544 = %select_n3A_464, %while3A_545 = %select_n3A_467, %while3A_546 = %select_n3A_470) -> (vector<16xf32>, vector<16xf32>, vector<16xf32>, vector<16xf32>, vector<16xf32>, vector<16xf32>, vector<16xf32>, vector<16xf32>, vector<16xf32>, vector<16xf32>, vector<16xf32>, vector<16xf32>, vector<16xf32>, vector<16xf32>, vector<16xf32>, vector<16xf32>)  : i32 {
          %mul3A_547 = arith.constant 4 : i32
          %mul3A_548 = arith.muli %mul3A_547, %while3A_530 : i32
          %add3A_549 = arith.addi %while3A_409, %mul3A_548 : i32
          %add3A_550 = arith.constant 0 : i32
          %add3A_551 = arith.addi %add3A_549, %add3A_550 : i32
          %get3A_552 = arith.index_cast %add3A_551 : i32 to index
          %get3A_553 = arith.constant 0 : index
          %get3A_554 = tpu.vector_load %arg5[%get3A_552, %get3A_553] {strides = array<i32>} : memref<400x128xf32, #tpu.memory_space<vmem>>, vector<16xf32>,
          %add3A_555 = arith.addf %while3A_531, %get3A_554 : vector<16xf32>
          %max3A_556 = arith.maximumf %while3A_539, %get3A_554 : vector<16xf32>
          %add3A_557 = arith.constant 0 : i32
          %add3A_558 = arith.addi %add3A_549, %add3A_557 : i32
          %get3A_559 = arith.index_cast %add3A_558 : i32 to index
          %get3A_560 = arith.constant 16 : index
          %get3A_561 = tpu.vector_load %arg5[%get3A_559, %get3A_560] {strides = array<i32>} : memref<400x128xf32, #tpu.memory_space<vmem>>, vector<16xf32>,
          %add3A_562 = arith.addf %while3A_532, %get3A_561 : vector<16xf32>
          %max3A_563 = arith.maximumf %while3A_540, %get3A_561 : vector<16xf32>
          %add3A_564 = arith.constant 0 : i32
          %add3A_565 = arith.addi %add3A_549, %add3A_564 : i32
          %get3A_566 = arith.index_cast %add3A_565 : i32 to index
          %get3A_567 = arith.constant 32 : index
          %get3A_568 = tpu.vector_load %arg5[%get3A_566, %get3A_567] {strides = array<i32>} : memref<400x128xf32, #tpu.memory_space<vmem>>, vector<16xf32>,
          %add3A_569 = arith.addf %while3A_533, %get3A_568 : vector<16xf32>
          %max3A_570 = arith.maximumf %while3A_541, %get3A_568 : vector<16xf32>
          %add3A_571 = arith.constant 0 : i32
          %add3A_572 = arith.addi %add3A_549, %add3A_571 : i32
          %get3A_573 = arith.index_cast %add3A_572 : i32 to index
          %get3A_574 = arith.constant 48 : index
          %get3A_575 = tpu.vector_load %arg5[%get3A_573, %get3A_574] {strides = array<i32>} : memref<400x128xf32, #tpu.memory_space<vmem>>, vector<16xf32>,
          %add3A_576 = arith.addf %while3A_534, %get3A_575 : vector<16xf32>
          %max3A_577 = arith.maximumf %while3A_542, %get3A_575 : vector<16xf32>
          %add3A_578 = arith.constant 0 : i32
          %add3A_579 = arith.addi %add3A_549, %add3A_578 : i32
          %get3A_580 = arith.index_cast %add3A_579 : i32 to index
          %get3A_581 = arith.constant 64 : index
          %get3A_582 = tpu.vector_load %arg5[%get3A_580, %get3A_581] {strides = array<i32>} : memref<400x128xf32, #tpu.memory_space<vmem>>, vector<16xf32>,
          %add3A_583 = arith.addf %while3A_535, %get3A_582 : vector<16xf32>
          %max3A_584 = arith.maximumf %while3A_543, %get3A_582 : vector<16xf32>
          %add3A_585 = arith.constant 0 : i32
          %add3A_586 = arith.addi %add3A_549, %add3A_585 : i32
          %get3A_587 = arith.index_cast %add3A_586 : i32 to index
          %get3A_588 = arith.constant 80 : index
          %get3A_589 = tpu.vector_load %arg5[%get3A_587, %get3A_588] {strides = array<i32>} : memref<400x128xf32, #tpu.memory_space<vmem>>, vector<16xf32>,
          %add3A_590 = arith.addf %while3A_536, %get3A_589 : vector<16xf32>
          %max3A_591 = arith.maximumf %while3A_544, %get3A_589 : vector<16xf32>
          %add3A_592 = arith.constant 0 : i32
          %add3A_593 = arith.addi %add3A_549, %add3A_592 : i32
          %get3A_594 = arith.index_cast %add3A_593 : i32 to index
          %get3A_595 = arith.constant 96 : index
          %get3A_596 = tpu.vector_load %arg5[%get3A_594, %get3A_595] {strides = array<i32>} : memref<400x128xf32, #tpu.memory_space<vmem>>, vector<16xf32>,
          %add3A_597 = arith.addf %while3A_537, %get3A_596 : vector<16xf32>
          %max3A_598 = arith.maximumf %while3A_545, %get3A_596 : vector<16xf32>
          %add3A_599 = arith.constant 0 : i32
          %add3A_600 = arith.addi %add3A_549, %add3A_599 : i32
          %get3A_601 = arith.index_cast %add3A_600 : i32 to index
          %get3A_602 = arith.constant 112 : index
          %get3A_603 = tpu.vector_load %arg5[%get3A_601, %get3A_602] {strides = array<i32>} : memref<400x128xf32, #tpu.memory_space<vmem>>, vector<16xf32>,
          %add3A_604 = arith.addf %while3A_538, %get3A_603 : vector<16xf32>
          %max3A_605 = arith.maximumf %while3A_546, %get3A_603 : vector<16xf32>
          %add3A_606 = arith.constant 1 : i32
          %add3A_607 = arith.addi %add3A_549, %add3A_606 : i32
          %get3A_608 = arith.index_cast %add3A_607 : i32 to index
          %get3A_609 = arith.constant 0 : index
          %get3A_610 = tpu.vector_load %arg5[%get3A_608, %get3A_609] {strides = array<i32>} : memref<400x128xf32, #tpu.memory_space<vmem>>, vector<16xf32>,
          %add3A_611 = arith.addf %add3A_555, %get3A_610 : vector<16xf32>
          %max3A_612 = arith.maximumf %max3A_556, %get3A_610 : vector<16xf32>
          %add3A_613 = arith.constant 1 : i32
          %add3A_614 = arith.addi %add3A_549, %add3A_613 : i32
          %get3A_615 = arith.index_cast %add3A_614 : i32 to index
          %get3A_616 = arith.constant 16 : index
          %get3A_617 = tpu.vector_load %arg5[%get3A_615, %get3A_616] {strides = array<i32>} : memref<400x128xf32, #tpu.memory_space<vmem>>, vector<16xf32>,
          %add3A_618 = arith.addf %add3A_562, %get3A_617 : vector<16xf32>
          %max3A_619 = arith.maximumf %max3A_563, %get3A_617 : vector<16xf32>
          %add3A_620 = arith.constant 1 : i32
          %add3A_621 = arith.addi %add3A_549, %add3A_620 : i32
          %get3A_622 = arith.index_cast %add3A_621 : i32 to index
          %get3A_623 = arith.constant 32 : index
          %get3A_624 = tpu.vector_load %arg5[%get3A_622, %get3A_623] {strides = array<i32>} : memref<400x128xf32, #tpu.memory_space<vmem>>, vector<16xf32>,
          %add3A_625 = arith.addf %add3A_569, %get3A_624 : vector<16xf32>
          %max3A_626 = arith.maximumf %max3A_570, %get3A_624 : vector<16xf32>
          %add3A_627 = arith.constant 1 : i32
          %add3A_628 = arith.addi %add3A_549, %add3A_627 : i32
          %get3A_629 = arith.index_cast %add3A_628 : i32 to index
          %get3A_630 = arith.constant 48 : index
          %get3A_631 = tpu.vector_load %arg5[%get3A_629, %get3A_630] {strides = array<i32>} : memref<400x128xf32, #tpu.memory_space<vmem>>, vector<16xf32>,
          %add3A_632 = arith.addf %add3A_576, %get3A_631 : vector<16xf32>
          %max3A_633 = arith.maximumf %max3A_577, %get3A_631 : vector<16xf32>
          %add3A_634 = arith.constant 1 : i32
          %add3A_635 = arith.addi %add3A_549, %add3A_634 : i32
          %get3A_636 = arith.index_cast %add3A_635 : i32 to index
          %get3A_637 = arith.constant 64 : index
          %get3A_638 = tpu.vector_load %arg5[%get3A_636, %get3A_637] {strides = array<i32>} : memref<400x128xf32, #tpu.memory_space<vmem>>, vector<16xf32>,
          %add3A_639 = arith.addf %add3A_583, %get3A_638 : vector<16xf32>
          %max3A_640 = arith.maximumf %max3A_584, %get3A_638 : vector<16xf32>
          %add3A_641 = arith.constant 1 : i32
          %add3A_642 = arith.addi %add3A_549, %add3A_641 : i32
          %get3A_643 = arith.index_cast %add3A_642 : i32 to index
          %get3A_644 = arith.constant 80 : index
          %get3A_645 = tpu.vector_load %arg5[%get3A_643, %get3A_644] {strides = array<i32>} : memref<400x128xf32, #tpu.memory_space<vmem>>, vector<16xf32>,
          %add3A_646 = arith.addf %add3A_590, %get3A_645 : vector<16xf32>
          %max3A_647 = arith.maximumf %max3A_591, %get3A_645 : vector<16xf32>
          %add3A_648 = arith.constant 1 : i32
          %add3A_649 = arith.addi %add3A_549, %add3A_648 : i32
          %get3A_650 = arith.index_cast %add3A_649 : i32 to index
          %get3A_651 = arith.constant 96 : index
          %get3A_652 = tpu.vector_load %arg5[%get3A_650, %get3A_651] {strides = array<i32>} : memref<400x128xf32, #tpu.memory_space<vmem>>, vector<16xf32>,
          %add3A_653 = arith.addf %add3A_597, %get3A_652 : vector<16xf32>
          %max3A_654 = arith.maximumf %max3A_598, %get3A_652 : vector<16xf32>
          %add3A_655 = arith.constant 1 : i32
          %add3A_656 = arith.addi %add3A_549, %add3A_655 : i32
          %get3A_657 = arith.index_cast %add3A_656 : i32 to index
          %get3A_658 = arith.constant 112 : index
          %get3A_659 = tpu.vector_load %arg5[%get3A_657, %get3A_658] {strides = array<i32>} : memref<400x128xf32, #tpu.memory_space<vmem>>, vector<16xf32>,
          %add3A_660 = arith.addf %add3A_604, %get3A_659 : vector<16xf32>
          %max3A_661 = arith.maximumf %max3A_605, %get3A_659 : vector<16xf32>
          %add3A_662 = arith.constant 2 : i32
          %add3A_663 = arith.addi %add3A_549, %add3A_662 : i32
          %get3A_664 = arith.index_cast %add3A_663 : i32 to index
          %get3A_665 = arith.constant 0 : index
          %get3A_666 = tpu.vector_load %arg5[%get3A_664, %get3A_665] {strides = array<i32>} : memref<400x128xf32, #tpu.memory_space<vmem>>, vector<16xf32>,
          %add3A_667 = arith.addf %add3A_611, %get3A_666 : vector<16xf32>
          %max3A_668 = arith.maximumf %max3A_612, %get3A_666 : vector<16xf32>
          %add3A_669 = arith.constant 2 : i32
          %add3A_670 = arith.addi %add3A_549, %add3A_669 : i32
          %get3A_671 = arith.index_cast %add3A_670 : i32 to index
          %get3A_672 = arith.constant 16 : index
          %get3A_673 = tpu.vector_load %arg5[%get3A_671, %get3A_672] {strides = array<i32>} : memref<400x128xf32, #tpu.memory_space<vmem>>, vector<16xf32>,
          %add3A_674 = arith.addf %add3A_618, %get3A_673 : vector<16xf32>
          %max3A_675 = arith.maximumf %max3A_619, %get3A_673 : vector<16xf32>
          %add3A_676 = arith.constant 2 : i32
          %add3A_677 = arith.addi %add3A_549, %add3A_676 : i32
          %get3A_678 = arith.index_cast %add3A_677 : i32 to index
          %get3A_679 = arith.constant 32 : index
          %get3A_680 = tpu.vector_load %arg5[%get3A_678, %get3A_679] {strides = array<i32>} : memref<400x128xf32, #tpu.memory_space<vmem>>, vector<16xf32>,
          %add3A_681 = arith.addf %add3A_625, %get3A_680 : vector<16xf32>
          %max3A_682 = arith.maximumf %max3A_626, %get3A_680 : vector<16xf32>
          %add3A_683 = arith.constant 2 : i32
          %add3A_684 = arith.addi %add3A_549, %add3A_683 : i32
          %get3A_685 = arith.index_cast %add3A_684 : i32 to index
          %get3A_686 = arith.constant 48 : index
          %get3A_687 = tpu.vector_load %arg5[%get3A_685, %get3A_686] {strides = array<i32>} : memref<400x128xf32, #tpu.memory_space<vmem>>, vector<16xf32>,
          %add3A_688 = arith.addf %add3A_632, %get3A_687 : vector<16xf32>
          %max3A_689 = arith.maximumf %max3A_633, %get3A_687 : vector<16xf32>
          %add3A_690 = arith.constant 2 : i32
          %add3A_691 = arith.addi %add3A_549, %add3A_690 : i32
          %get3A_692 = arith.index_cast %add3A_691 : i32 to index
          %get3A_693 = arith.constant 64 : index
          %get3A_694 = tpu.vector_load %arg5[%get3A_692, %get3A_693] {strides = array<i32>} : memref<400x128xf32, #tpu.memory_space<vmem>>, vector<16xf32>,
          %add3A_695 = arith.addf %add3A_639, %get3A_694 : vector<16xf32>
          %max3A_696 = arith.maximumf %max3A_640, %get3A_694 : vector<16xf32>
          %add3A_697 = arith.constant 2 : i32
          %add3A_698 = arith.addi %add3A_549, %add3A_697 : i32
          %get3A_699 = arith.index_cast %add3A_698 : i32 to index
          %get3A_700 = arith.constant 80 : index
          %get3A_701 = tpu.vector_load %arg5[%get3A_699, %get3A_700] {strides = array<i32>} : memref<400x128xf32, #tpu.memory_space<vmem>>, vector<16xf32>,
          %add3A_702 = arith.addf %add3A_646, %get3A_701 : vector<16xf32>
          %max3A_703 = arith.maximumf %max3A_647, %get3A_701 : vector<16xf32>
          %add3A_704 = arith.constant 2 : i32
          %add3A_705 = arith.addi %add3A_549, %add3A_704 : i32
          %get3A_706 = arith.index_cast %add3A_705 : i32 to index
          %get3A_707 = arith.constant 96 : index
          %get3A_708 = tpu.vector_load %arg5[%get3A_706, %get3A_707] {strides = array<i32>} : memref<400x128xf32, #tpu.memory_space<vmem>>, vector<16xf32>,
          %add3A_709 = arith.addf %add3A_653, %get3A_708 : vector<16xf32>
          %max3A_710 = arith.maximumf %max3A_654, %get3A_708 : vector<16xf32>
          %add3A_711 = arith.constant 2 : i32
          %add3A_712 = arith.addi %add3A_549, %add3A_711 : i32
          %get3A_713 = arith.index_cast %add3A_712 : i32 to index
          %get3A_714 = arith.constant 112 : index
          %get3A_715 = tpu.vector_load %arg5[%get3A_713, %get3A_714] {strides = array<i32>} : memref<400x128xf32, #tpu.memory_space<vmem>>, vector<16xf32>,
          %add3A_716 = arith.addf %add3A_660, %get3A_715 : vector<16xf32>
          %max3A_717 = arith.maximumf %max3A_661, %get3A_715 : vector<16xf32>
          %add3A_718 = arith.constant 3 : i32
          %add3A_719 = arith.addi %add3A_549, %add3A_718 : i32
          %get3A_720 = arith.index_cast %add3A_719 : i32 to index
          %get3A_721 = arith.constant 0 : index
          %get3A_722 = tpu.vector_load %arg5[%get3A_720, %get3A_721] {strides = array<i32>} : memref<400x128xf32, #tpu.memory_space<vmem>>, vector<16xf32>,
          %add3A_723 = arith.addf %add3A_667, %get3A_722 : vector<16xf32>
          %max3A_724 = arith.maximumf %max3A_668, %get3A_722 : vector<16xf32>
          %add3A_725 = arith.constant 3 : i32
          %add3A_726 = arith.addi %add3A_549, %add3A_725 : i32
          %get3A_727 = arith.index_cast %add3A_726 : i32 to index
          %get3A_728 = arith.constant 16 : index
          %get3A_729 = tpu.vector_load %arg5[%get3A_727, %get3A_728] {strides = array<i32>} : memref<400x128xf32, #tpu.memory_space<vmem>>, vector<16xf32>,
          %add3A_730 = arith.addf %add3A_674, %get3A_729 : vector<16xf32>
          %max3A_731 = arith.maximumf %max3A_675, %get3A_729 : vector<16xf32>
          %add3A_732 = arith.constant 3 : i32
          %add3A_733 = arith.addi %add3A_549, %add3A_732 : i32
          %get3A_734 = arith.index_cast %add3A_733 : i32 to index
          %get3A_735 = arith.constant 32 : index
          %get3A_736 = tpu.vector_load %arg5[%get3A_734, %get3A_735] {strides = array<i32>} : memref<400x128xf32, #tpu.memory_space<vmem>>, vector<16xf32>,
          %add3A_737 = arith.addf %add3A_681, %get3A_736 : vector<16xf32>
          %max3A_738 = arith.maximumf %max3A_682, %get3A_736 : vector<16xf32>
          %add3A_739 = arith.constant 3 : i32
          %add3A_740 = arith.addi %add3A_549, %add3A_739 : i32
          %get3A_741 = arith.index_cast %add3A_740 : i32 to index
          %get3A_742 = arith.constant 48 : index
          %get3A_743 = tpu.vector_load %arg5[%get3A_741, %get3A_742] {strides = array<i32>} : memref<400x128xf32, #tpu.memory_space<vmem>>, vector<16xf32>,
          %add3A_744 = arith.addf %add3A_688, %get3A_743 : vector<16xf32>
          %max3A_745 = arith.maximumf %max3A_689, %get3A_743 : vector<16xf32>
          %add3A_746 = arith.constant 3 : i32
          %add3A_747 = arith.addi %add3A_549, %add3A_746 : i32
          %get3A_748 = arith.index_cast %add3A_747 : i32 to index
          %get3A_749 = arith.constant 64 : index
          %get3A_750 = tpu.vector_load %arg5[%get3A_748, %get3A_749] {strides = array<i32>} : memref<400x128xf32, #tpu.memory_space<vmem>>, vector<16xf32>,
          %add3A_751 = arith.addf %add3A_695, %get3A_750 : vector<16xf32>
          %max3A_752 = arith.maximumf %max3A_696, %get3A_750 : vector<16xf32>
          %add3A_753 = arith.constant 3 : i32
          %add3A_754 = arith.addi %add3A_549, %add3A_753 : i32
          %get3A_755 = arith.index_cast %add3A_754 : i32 to index
          %get3A_756 = arith.constant 80 : index
          %get3A_757 = tpu.vector_load %arg5[%get3A_755, %get3A_756] {strides = array<i32>} : memref<400x128xf32, #tpu.memory_space<vmem>>, vector<16xf32>,
          %add3A_758 = arith.addf %add3A_702, %get3A_757 : vector<16xf32>
          %max3A_759 = arith.maximumf %max3A_703, %get3A_757 : vector<16xf32>
          %add3A_760 = arith.constant 3 : i32
          %add3A_761 = arith.addi %add3A_549, %add3A_760 : i32
          %get3A_762 = arith.index_cast %add3A_761 : i32 to index
          %get3A_763 = arith.constant 96 : index
          %get3A_764 = tpu.vector_load %arg5[%get3A_762, %get3A_763] {strides = array<i32>} : memref<400x128xf32, #tpu.memory_space<vmem>>, vector<16xf32>,
          %add3A_765 = arith.addf %add3A_709, %get3A_764 : vector<16xf32>
          %max3A_766 = arith.maximumf %max3A_710, %get3A_764 : vector<16xf32>
          %add3A_767 = arith.constant 3 : i32
          %add3A_768 = arith.addi %add3A_549, %add3A_767 : i32
          %get3A_769 = arith.index_cast %add3A_768 : i32 to index
          %get3A_770 = arith.constant 112 : index
          %get3A_771 = tpu.vector_load %arg5[%get3A_769, %get3A_770] {strides = array<i32>} : memref<400x128xf32, #tpu.memory_space<vmem>>, vector<16xf32>,
          %add3A_772 = arith.addf %add3A_716, %get3A_771 : vector<16xf32>
          %max3A_773 = arith.maximumf %max3A_717, %get3A_771 : vector<16xf32>
          scf.yield %add3A_723, %add3A_730, %add3A_737, %add3A_744, %add3A_751, %add3A_758, %add3A_765, %add3A_772, %max3A_724, %max3A_731, %max3A_738, %max3A_745, %max3A_752, %max3A_759, %max3A_766, %max3A_773 : vector<16xf32>, vector<16xf32>, vector<16xf32>, vector<16xf32>, vector<16xf32>, vector<16xf32>, vector<16xf32>, vector<16xf32>, vector<16xf32>, vector<16xf32>, vector<16xf32>, vector<16xf32>, vector<16xf32>, vector<16xf32>, vector<16xf32>, vector<16xf32>
        }
        %while3A_513 = arith.constant 1 : i32
        %while3A_514:16 = scf.for %while3A_530 = %while3A_510 to %while3A_506 step %while3A_513 iter_args(%while3A_531 = %while3A_512#0, %while3A_532 = %while3A_512#1, %while3A_533 = %while3A_512#2, %while3A_534 = %while3A_512#3, %while3A_535 = %while3A_512#4, %while3A_536 = %while3A_512#5, %while3A_537 = %while3A_512#6, %while3A_538 = %while3A_512#7, %while3A_539 = %while3A_512#8, %while3A_540 = %while3A_512#9, %while3A_541 = %while3A_512#10, %while3A_542 = %while3A_512#11, %while3A_543 = %while3A_512#12, %while3A_544 = %while3A_512#13, %while3A_545 = %while3A_512#14, %while3A_546 = %while3A_512#15) -> (vector<16xf32>, vector<16xf32>, vector<16xf32>, vector<16xf32>, vector<16xf32>, vector<16xf32>, vector<16xf32>, vector<16xf32>, vector<16xf32>, vector<16xf32>, vector<16xf32>, vector<16xf32>, vector<16xf32>, vector<16xf32>, vector<16xf32>, vector<16xf32>)  : i32 {
          %mul3A_547 = arith.constant 4 : i32
          %mul3A_548 = arith.muli %mul3A_547, %while3A_530 : i32
          %add3A_549 = arith.addi %while3A_409, %mul3A_548 : i32
          %add3A_550 = arith.constant 0 : i32
          %add3A_551 = arith.addi %add3A_549, %add3A_550 : i32
          %get3A_552 = arith.index_cast %add3A_551 : i32 to index
          %get3A_553 = arith.constant 0 : index
          %get3A_554 = tpu.vector_load %arg5[%get3A_552, %get3A_553] {strides = array<i32>} : memref<400x128xf32, #tpu.memory_space<vmem>>, vector<16xf32>,
          %add3A_555 = arith.addf %while3A_531, %get3A_554 : vector<16xf32>
          %max3A_556 = arith.maximumf %while3A_539, %get3A_554 : vector<16xf32>
          %add3A_557 = arith.constant 0 : i32
          %add3A_558 = arith.addi %add3A_549, %add3A_557 : i32
          %get3A_559 = arith.index_cast %add3A_558 : i32 to index
          %get3A_560 = arith.constant 16 : index
          %get3A_561 = tpu.vector_load %arg5[%get3A_559, %get3A_560] {strides = array<i32>} : memref<400x128xf32, #tpu.memory_space<vmem>>, vector<16xf32>,
          %add3A_562 = arith.addf %while3A_532, %get3A_561 : vector<16xf32>
          %max3A_563 = arith.maximumf %while3A_540, %get3A_561 : vector<16xf32>
          %add3A_564 = arith.constant 0 : i32
          %add3A_565 = arith.addi %add3A_549, %add3A_564 : i32
          %get3A_566 = arith.index_cast %add3A_565 : i32 to index
          %get3A_567 = arith.constant 32 : index
          %get3A_568 = tpu.vector_load %arg5[%get3A_566, %get3A_567] {strides = array<i32>} : memref<400x128xf32, #tpu.memory_space<vmem>>, vector<16xf32>,
          %add3A_569 = arith.addf %while3A_533, %get3A_568 : vector<16xf32>
          %max3A_570 = arith.maximumf %while3A_541, %get3A_568 : vector<16xf32>
          %add3A_571 = arith.constant 0 : i32
          %add3A_572 = arith.addi %add3A_549, %add3A_571 : i32
          %get3A_573 = arith.index_cast %add3A_572 : i32 to index
          %get3A_574 = arith.constant 48 : index
          %get3A_575 = tpu.vector_load %arg5[%get3A_573, %get3A_574] {strides = array<i32>} : memref<400x128xf32, #tpu.memory_space<vmem>>, vector<16xf32>,
          %add3A_576 = arith.addf %while3A_534, %get3A_575 : vector<16xf32>
          %max3A_577 = arith.maximumf %while3A_542, %get3A_575 : vector<16xf32>
          %add3A_578 = arith.constant 0 : i32
          %add3A_579 = arith.addi %add3A_549, %add3A_578 : i32
          %get3A_580 = arith.index_cast %add3A_579 : i32 to index
          %get3A_581 = arith.constant 64 : index
          %get3A_582 = tpu.vector_load %arg5[%get3A_580, %get3A_581] {strides = array<i32>} : memref<400x128xf32, #tpu.memory_space<vmem>>, vector<16xf32>,
          %add3A_583 = arith.addf %while3A_535, %get3A_582 : vector<16xf32>
          %max3A_584 = arith.maximumf %while3A_543, %get3A_582 : vector<16xf32>
          %add3A_585 = arith.constant 0 : i32
          %add3A_586 = arith.addi %add3A_549, %add3A_585 : i32
          %get3A_587 = arith.index_cast %add3A_586 : i32 to index
          %get3A_588 = arith.constant 80 : index
          %get3A_589 = tpu.vector_load %arg5[%get3A_587, %get3A_588] {strides = array<i32>} : memref<400x128xf32, #tpu.memory_space<vmem>>, vector<16xf32>,
          %add3A_590 = arith.addf %while3A_536, %get3A_589 : vector<16xf32>
          %max3A_591 = arith.maximumf %while3A_544, %get3A_589 : vector<16xf32>
          %add3A_592 = arith.constant 0 : i32
          %add3A_593 = arith.addi %add3A_549, %add3A_592 : i32
          %get3A_594 = arith.index_cast %add3A_593 : i32 to index
          %get3A_595 = arith.constant 96 : index
          %get3A_596 = tpu.vector_load %arg5[%get3A_594, %get3A_595] {strides = array<i32>} : memref<400x128xf32, #tpu.memory_space<vmem>>, vector<16xf32>,
          %add3A_597 = arith.addf %while3A_537, %get3A_596 : vector<16xf32>
          %max3A_598 = arith.maximumf %while3A_545, %get3A_596 : vector<16xf32>
          %add3A_599 = arith.constant 0 : i32
          %add3A_600 = arith.addi %add3A_549, %add3A_599 : i32
          %get3A_601 = arith.index_cast %add3A_600 : i32 to index
          %get3A_602 = arith.constant 112 : index
          %get3A_603 = tpu.vector_load %arg5[%get3A_601, %get3A_602] {strides = array<i32>} : memref<400x128xf32, #tpu.memory_space<vmem>>, vector<16xf32>,
          %add3A_604 = arith.addf %while3A_538, %get3A_603 : vector<16xf32>
          %max3A_605 = arith.maximumf %while3A_546, %get3A_603 : vector<16xf32>
          %add3A_606 = arith.constant 1 : i32
          %add3A_607 = arith.addi %add3A_549, %add3A_606 : i32
          %get3A_608 = arith.index_cast %add3A_607 : i32 to index
          %get3A_609 = arith.constant 0 : index
          %get3A_610 = tpu.vector_load %arg5[%get3A_608, %get3A_609] {strides = array<i32>} : memref<400x128xf32, #tpu.memory_space<vmem>>, vector<16xf32>,
          %add3A_611 = arith.addf %add3A_555, %get3A_610 : vector<16xf32>
          %max3A_612 = arith.maximumf %max3A_556, %get3A_610 : vector<16xf32>
          %add3A_613 = arith.constant 1 : i32
          %add3A_614 = arith.addi %add3A_549, %add3A_613 : i32
          %get3A_615 = arith.index_cast %add3A_614 : i32 to index
          %get3A_616 = arith.constant 16 : index
          %get3A_617 = tpu.vector_load %arg5[%get3A_615, %get3A_616] {strides = array<i32>} : memref<400x128xf32, #tpu.memory_space<vmem>>, vector<16xf32>,
          %add3A_618 = arith.addf %add3A_562, %get3A_617 : vector<16xf32>
          %max3A_619 = arith.maximumf %max3A_563, %get3A_617 : vector<16xf32>
          %add3A_620 = arith.constant 1 : i32
          %add3A_621 = arith.addi %add3A_549, %add3A_620 : i32
          %get3A_622 = arith.index_cast %add3A_621 : i32 to index
          %get3A_623 = arith.constant 32 : index
          %get3A_624 = tpu.vector_load %arg5[%get3A_622, %get3A_623] {strides = array<i32>} : memref<400x128xf32, #tpu.memory_space<vmem>>, vector<16xf32>,
          %add3A_625 = arith.addf %add3A_569, %get3A_624 : vector<16xf32>
          %max3A_626 = arith.maximumf %max3A_570, %get3A_624 : vector<16xf32>
          %add3A_627 = arith.constant 1 : i32
          %add3A_628 = arith.addi %add3A_549, %add3A_627 : i32
          %get3A_629 = arith.index_cast %add3A_628 : i32 to index
          %get3A_630 = arith.constant 48 : index
          %get3A_631 = tpu.vector_load %arg5[%get3A_629, %get3A_630] {strides = array<i32>} : memref<400x128xf32, #tpu.memory_space<vmem>>, vector<16xf32>,
          %add3A_632 = arith.addf %add3A_576, %get3A_631 : vector<16xf32>
          %max3A_633 = arith.maximumf %max3A_577, %get3A_631 : vector<16xf32>
          %add3A_634 = arith.constant 1 : i32
          %add3A_635 = arith.addi %add3A_549, %add3A_634 : i32
          %get3A_636 = arith.index_cast %add3A_635 : i32 to index
          %get3A_637 = arith.constant 64 : index
          %get3A_638 = tpu.vector_load %arg5[%get3A_636, %get3A_637] {strides = array<i32>} : memref<400x128xf32, #tpu.memory_space<vmem>>, vector<16xf32>,
          %add3A_639 = arith.addf %add3A_583, %get3A_638 : vector<16xf32>
          %max3A_640 = arith.maximumf %max3A_584, %get3A_638 : vector<16xf32>
          %add3A_641 = arith.constant 1 : i32
          %add3A_642 = arith.addi %add3A_549, %add3A_641 : i32
          %get3A_643 = arith.index_cast %add3A_642 : i32 to index
          %get3A_644 = arith.constant 80 : index
          %get3A_645 = tpu.vector_load %arg5[%get3A_643, %get3A_644] {strides = array<i32>} : memref<400x128xf32, #tpu.memory_space<vmem>>, vector<16xf32>,
          %add3A_646 = arith.addf %add3A_590, %get3A_645 : vector<16xf32>
          %max3A_647 = arith.maximumf %max3A_591, %get3A_645 : vector<16xf32>
          %add3A_648 = arith.constant 1 : i32
          %add3A_649 = arith.addi %add3A_549, %add3A_648 : i32
          %get3A_650 = arith.index_cast %add3A_649 : i32 to index
          %get3A_651 = arith.constant 96 : index
          %get3A_652 = tpu.vector_load %arg5[%get3A_650, %get3A_651] {strides = array<i32>} : memref<400x128xf32, #tpu.memory_space<vmem>>, vector<16xf32>,
          %add3A_653 = arith.addf %add3A_597, %get3A_652 : vector<16xf32>
          %max3A_654 = arith.maximumf %max3A_598, %get3A_652 : vector<16xf32>
          %add3A_655 = arith.constant 1 : i32
          %add3A_656 = arith.addi %add3A_549, %add3A_655 : i32
          %get3A_657 = arith.index_cast %add3A_656 : i32 to index
          %get3A_658 = arith.constant 112 : index
          %get3A_659 = tpu.vector_load %arg5[%get3A_657, %get3A_658] {strides = array<i32>} : memref<400x128xf32, #tpu.memory_space<vmem>>, vector<16xf32>,
          %add3A_660 = arith.addf %add3A_604, %get3A_659 : vector<16xf32>
          %max3A_661 = arith.maximumf %max3A_605, %get3A_659 : vector<16xf32>
          %add3A_662 = arith.constant 2 : i32
          %add3A_663 = arith.addi %add3A_549, %add3A_662 : i32
          %get3A_664 = arith.index_cast %add3A_663 : i32 to index
          %get3A_665 = arith.constant 0 : index
          %get3A_666 = tpu.vector_load %arg5[%get3A_664, %get3A_665] {strides = array<i32>} : memref<400x128xf32, #tpu.memory_space<vmem>>, vector<16xf32>,
          %add3A_667 = arith.addf %add3A_611, %get3A_666 : vector<16xf32>
          %max3A_668 = arith.maximumf %max3A_612, %get3A_666 : vector<16xf32>
          %add3A_669 = arith.constant 2 : i32
          %add3A_670 = arith.addi %add3A_549, %add3A_669 : i32
          %get3A_671 = arith.index_cast %add3A_670 : i32 to index
          %get3A_672 = arith.constant 16 : index
          %get3A_673 = tpu.vector_load %arg5[%get3A_671, %get3A_672] {strides = array<i32>} : memref<400x128xf32, #tpu.memory_space<vmem>>, vector<16xf32>,
          %add3A_674 = arith.addf %add3A_618, %get3A_673 : vector<16xf32>
          %max3A_675 = arith.maximumf %max3A_619, %get3A_673 : vector<16xf32>
          %add3A_676 = arith.constant 2 : i32
          %add3A_677 = arith.addi %add3A_549, %add3A_676 : i32
          %get3A_678 = arith.index_cast %add3A_677 : i32 to index
          %get3A_679 = arith.constant 32 : index
          %get3A_680 = tpu.vector_load %arg5[%get3A_678, %get3A_679] {strides = array<i32>} : memref<400x128xf32, #tpu.memory_space<vmem>>, vector<16xf32>,
          %add3A_681 = arith.addf %add3A_625, %get3A_680 : vector<16xf32>
          %max3A_682 = arith.maximumf %max3A_626, %get3A_680 : vector<16xf32>
          %add3A_683 = arith.constant 2 : i32
          %add3A_684 = arith.addi %add3A_549, %add3A_683 : i32
          %get3A_685 = arith.index_cast %add3A_684 : i32 to index
          %get3A_686 = arith.constant 48 : index
          %get3A_687 = tpu.vector_load %arg5[%get3A_685, %get3A_686] {strides = array<i32>} : memref<400x128xf32, #tpu.memory_space<vmem>>, vector<16xf32>,
          %add3A_688 = arith.addf %add3A_632, %get3A_687 : vector<16xf32>
          %max3A_689 = arith.maximumf %max3A_633, %get3A_687 : vector<16xf32>
          %add3A_690 = arith.constant 2 : i32
          %add3A_691 = arith.addi %add3A_549, %add3A_690 : i32
          %get3A_692 = arith.index_cast %add3A_691 : i32 to index
          %get3A_693 = arith.constant 64 : index
          %get3A_694 = tpu.vector_load %arg5[%get3A_692, %get3A_693] {strides = array<i32>} : memref<400x128xf32, #tpu.memory_space<vmem>>, vector<16xf32>,
          %add3A_695 = arith.addf %add3A_639, %get3A_694 : vector<16xf32>
          %max3A_696 = arith.maximumf %max3A_640, %get3A_694 : vector<16xf32>
          %add3A_697 = arith.constant 2 : i32
          %add3A_698 = arith.addi %add3A_549, %add3A_697 : i32
          %get3A_699 = arith.index_cast %add3A_698 : i32 to index
          %get3A_700 = arith.constant 80 : index
          %get3A_701 = tpu.vector_load %arg5[%get3A_699, %get3A_700] {strides = array<i32>} : memref<400x128xf32, #tpu.memory_space<vmem>>, vector<16xf32>,
          %add3A_702 = arith.addf %add3A_646, %get3A_701 : vector<16xf32>
          %max3A_703 = arith.maximumf %max3A_647, %get3A_701 : vector<16xf32>
          %add3A_704 = arith.constant 2 : i32
          %add3A_705 = arith.addi %add3A_549, %add3A_704 : i32
          %get3A_706 = arith.index_cast %add3A_705 : i32 to index
          %get3A_707 = arith.constant 96 : index
          %get3A_708 = tpu.vector_load %arg5[%get3A_706, %get3A_707] {strides = array<i32>} : memref<400x128xf32, #tpu.memory_space<vmem>>, vector<16xf32>,
          %add3A_709 = arith.addf %add3A_653, %get3A_708 : vector<16xf32>
          %max3A_710 = arith.maximumf %max3A_654, %get3A_708 : vector<16xf32>
          %add3A_711 = arith.constant 2 : i32
          %add3A_712 = arith.addi %add3A_549, %add3A_711 : i32
          %get3A_713 = arith.index_cast %add3A_712 : i32 to index
          %get3A_714 = arith.constant 112 : index
          %get3A_715 = tpu.vector_load %arg5[%get3A_713, %get3A_714] {strides = array<i32>} : memref<400x128xf32, #tpu.memory_space<vmem>>, vector<16xf32>,
          %add3A_716 = arith.addf %add3A_660, %get3A_715 : vector<16xf32>
          %max3A_717 = arith.maximumf %max3A_661, %get3A_715 : vector<16xf32>
          %add3A_718 = arith.constant 3 : i32
          %add3A_719 = arith.addi %add3A_549, %add3A_718 : i32
          %get3A_720 = arith.index_cast %add3A_719 : i32 to index
          %get3A_721 = arith.constant 0 : index
          %get3A_722 = tpu.vector_load %arg5[%get3A_720, %get3A_721] {strides = array<i32>} : memref<400x128xf32, #tpu.memory_space<vmem>>, vector<16xf32>,
          %add3A_723 = arith.addf %add3A_667, %get3A_722 : vector<16xf32>
          %max3A_724 = arith.maximumf %max3A_668, %get3A_722 : vector<16xf32>
          %add3A_725 = arith.constant 3 : i32
          %add3A_726 = arith.addi %add3A_549, %add3A_725 : i32
          %get3A_727 = arith.index_cast %add3A_726 : i32 to index
          %get3A_728 = arith.constant 16 : index
          %get3A_729 = tpu.vector_load %arg5[%get3A_727, %get3A_728] {strides = array<i32>} : memref<400x128xf32, #tpu.memory_space<vmem>>, vector<16xf32>,
          %add3A_730 = arith.addf %add3A_674, %get3A_729 : vector<16xf32>
          %max3A_731 = arith.maximumf %max3A_675, %get3A_729 : vector<16xf32>
          %add3A_732 = arith.constant 3 : i32
          %add3A_733 = arith.addi %add3A_549, %add3A_732 : i32
          %get3A_734 = arith.index_cast %add3A_733 : i32 to index
          %get3A_735 = arith.constant 32 : index
          %get3A_736 = tpu.vector_load %arg5[%get3A_734, %get3A_735] {strides = array<i32>} : memref<400x128xf32, #tpu.memory_space<vmem>>, vector<16xf32>,
          %add3A_737 = arith.addf %add3A_681, %get3A_736 : vector<16xf32>
          %max3A_738 = arith.maximumf %max3A_682, %get3A_736 : vector<16xf32>
          %add3A_739 = arith.constant 3 : i32
          %add3A_740 = arith.addi %add3A_549, %add3A_739 : i32
          %get3A_741 = arith.index_cast %add3A_740 : i32 to index
          %get3A_742 = arith.constant 48 : index
          %get3A_743 = tpu.vector_load %arg5[%get3A_741, %get3A_742] {strides = array<i32>} : memref<400x128xf32, #tpu.memory_space<vmem>>, vector<16xf32>,
          %add3A_744 = arith.addf %add3A_688, %get3A_743 : vector<16xf32>
          %max3A_745 = arith.maximumf %max3A_689, %get3A_743 : vector<16xf32>
          %add3A_746 = arith.constant 3 : i32
          %add3A_747 = arith.addi %add3A_549, %add3A_746 : i32
          %get3A_748 = arith.index_cast %add3A_747 : i32 to index
          %get3A_749 = arith.constant 64 : index
          %get3A_750 = tpu.vector_load %arg5[%get3A_748, %get3A_749] {strides = array<i32>} : memref<400x128xf32, #tpu.memory_space<vmem>>, vector<16xf32>,
          %add3A_751 = arith.addf %add3A_695, %get3A_750 : vector<16xf32>
          %max3A_752 = arith.maximumf %max3A_696, %get3A_750 : vector<16xf32>
          %add3A_753 = arith.constant 3 : i32
          %add3A_754 = arith.addi %add3A_549, %add3A_753 : i32
          %get3A_755 = arith.index_cast %add3A_754 : i32 to index
          %get3A_756 = arith.constant 80 : index
          %get3A_757 = tpu.vector_load %arg5[%get3A_755, %get3A_756] {strides = array<i32>} : memref<400x128xf32, #tpu.memory_space<vmem>>, vector<16xf32>,
          %add3A_758 = arith.addf %add3A_702, %get3A_757 : vector<16xf32>
          %max3A_759 = arith.maximumf %max3A_703, %get3A_757 : vector<16xf32>
          %add3A_760 = arith.constant 3 : i32
          %add3A_761 = arith.addi %add3A_549, %add3A_760 : i32
          %get3A_762 = arith.index_cast %add3A_761 : i32 to index
          %get3A_763 = arith.constant 96 : index
          %get3A_764 = tpu.vector_load %arg5[%get3A_762, %get3A_763] {strides = array<i32>} : memref<400x128xf32, #tpu.memory_space<vmem>>, vector<16xf32>,
          %add3A_765 = arith.addf %add3A_709, %get3A_764 : vector<16xf32>
          %max3A_766 = arith.maximumf %max3A_710, %get3A_764 : vector<16xf32>
          %add3A_767 = arith.constant 3 : i32
          %add3A_768 = arith.addi %add3A_549, %add3A_767 : i32
          %get3A_769 = arith.index_cast %add3A_768 : i32 to index
          %get3A_770 = arith.constant 112 : index
          %get3A_771 = tpu.vector_load %arg5[%get3A_769, %get3A_770] {strides = array<i32>} : memref<400x128xf32, #tpu.memory_space<vmem>>, vector<16xf32>,
          %add3A_772 = arith.addf %add3A_716, %get3A_771 : vector<16xf32>
          %max3A_773 = arith.maximumf %max3A_717, %get3A_771 : vector<16xf32>
          scf.yield %add3A_723, %add3A_730, %add3A_737, %add3A_744, %add3A_751, %add3A_758, %add3A_765, %add3A_772, %max3A_724, %max3A_731, %max3A_738, %max3A_745, %max3A_752, %max3A_759, %max3A_766, %max3A_773 : vector<16xf32>, vector<16xf32>, vector<16xf32>, vector<16xf32>, vector<16xf32>, vector<16xf32>, vector<16xf32>, vector<16xf32>, vector<16xf32>, vector<16xf32>, vector<16xf32>, vector<16xf32>, vector<16xf32>, vector<16xf32>, vector<16xf32>, vector<16xf32>
        }
        %mul3A_515 = arith.constant 4 : i32
        %mul3A_516 = arith.muli %mul3A_515, %select_n3A_503 : i32
        %add3A_517 = arith.addi %while3A_409, %mul3A_516 : i32
        %while3A_518 = arith.subi %select_n3A_478, %add3A_517 : i32
        %while3A_519 = arith.addi %add3A_517, %while3A_518 : i32
        %while3A_520 = arith.constant 1 : i32
        %while3A_521 = arith.divsi %while3A_518, %while3A_520 : i32
        %while3A_522 = arith.muli %while3A_521, %while3A_520 : i32
        %while3A_523 = arith.addi %add3A_517, %while3A_522 : i32
        %while3A_524 = arith.constant 1 : i32
        %while3A_525:16 = scf.for %while3A_530 = %add3A_517 to %while3A_523 step %while3A_524 iter_args(%while3A_531 = %while3A_514#0, %while3A_532 = %while3A_514#1, %while3A_533 = %while3A_514#2, %while3A_534 = %while3A_514#3, %while3A_535 = %while3A_514#4, %while3A_536 = %while3A_514#5, %while3A_537 = %while3A_514#6, %while3A_538 = %while3A_514#7, %while3A_539 = %while3A_514#8, %while3A_540 = %while3A_514#9, %while3A_541 = %while3A_514#10, %while3A_542 = %while3A_514#11, %while3A_543 = %while3A_514#12, %while3A_544 = %while3A_514#13, %while3A_545 = %while3A_514#14, %while3A_546 = %while3A_514#15) -> (vector<16xf32>, vector<16xf32>, vector<16xf32>, vector<16xf32>, vector<16xf32>, vector<16xf32>, vector<16xf32>, vector<16xf32>, vector<16xf32>, vector<16xf32>, vector<16xf32>, vector<16xf32>, vector<16xf32>, vector<16xf32>, vector<16xf32>, vector<16xf32>)  : i32 {
          %add3A_547 = arith.constant 0 : i32
          %add3A_548 = arith.addi %while3A_530, %add3A_547 : i32
          %get3A_549 = arith.index_cast %add3A_548 : i32 to index
          %get3A_550 = arith.constant 0 : index
          %get3A_551 = tpu.vector_load %arg5[%get3A_549, %get3A_550] {strides = array<i32>} : memref<400x128xf32, #tpu.memory_space<vmem>>, vector<16xf32>,
          %add3A_552 = arith.addf %while3A_531, %get3A_551 : vector<16xf32>
          %max3A_553 = arith.maximumf %while3A_539, %get3A_551 : vector<16xf32>
          %add3A_554 = arith.constant 0 : i32
          %add3A_555 = arith.addi %while3A_530, %add3A_554 : i32
          %get3A_556 = arith.index_cast %add3A_555 : i32 to index
          %get3A_557 = arith.constant 16 : index
          %get3A_558 = tpu.vector_load %arg5[%get3A_556, %get3A_557] {strides = array<i32>} : memref<400x128xf32, #tpu.memory_space<vmem>>, vector<16xf32>,
          %add3A_559 = arith.addf %while3A_532, %get3A_558 : vector<16xf32>
          %max3A_560 = arith.maximumf %while3A_540, %get3A_558 : vector<16xf32>
          %add3A_561 = arith.constant 0 : i32
          %add3A_562 = arith.addi %while3A_530, %add3A_561 : i32
          %get3A_563 = arith.index_cast %add3A_562 : i32 to index
          %get3A_564 = arith.constant 32 : index
          %get3A_565 = tpu.vector_load %arg5[%get3A_563, %get3A_564] {strides = array<i32>} : memref<400x128xf32, #tpu.memory_space<vmem>>, vector<16xf32>,
          %add3A_566 = arith.addf %while3A_533, %get3A_565 : vector<16xf32>
          %max3A_567 = arith.maximumf %while3A_541, %get3A_565 : vector<16xf32>
          %add3A_568 = arith.constant 0 : i32
          %add3A_569 = arith.addi %while3A_530, %add3A_568 : i32
          %get3A_570 = arith.index_cast %add3A_569 : i32 to index
          %get3A_571 = arith.constant 48 : index
          %get3A_572 = tpu.vector_load %arg5[%get3A_570, %get3A_571] {strides = array<i32>} : memref<400x128xf32, #tpu.memory_space<vmem>>, vector<16xf32>,
          %add3A_573 = arith.addf %while3A_534, %get3A_572 : vector<16xf32>
          %max3A_574 = arith.maximumf %while3A_542, %get3A_572 : vector<16xf32>
          %add3A_575 = arith.constant 0 : i32
          %add3A_576 = arith.addi %while3A_530, %add3A_575 : i32
          %get3A_577 = arith.index_cast %add3A_576 : i32 to index
          %get3A_578 = arith.constant 64 : index
          %get3A_579 = tpu.vector_load %arg5[%get3A_577, %get3A_578] {strides = array<i32>} : memref<400x128xf32, #tpu.memory_space<vmem>>, vector<16xf32>,
          %add3A_580 = arith.addf %while3A_535, %get3A_579 : vector<16xf32>
          %max3A_581 = arith.maximumf %while3A_543, %get3A_579 : vector<16xf32>
          %add3A_582 = arith.constant 0 : i32
          %add3A_583 = arith.addi %while3A_530, %add3A_582 : i32
          %get3A_584 = arith.index_cast %add3A_583 : i32 to index
          %get3A_585 = arith.constant 80 : index
          %get3A_586 = tpu.vector_load %arg5[%get3A_584, %get3A_585] {strides = array<i32>} : memref<400x128xf32, #tpu.memory_space<vmem>>, vector<16xf32>,
          %add3A_587 = arith.addf %while3A_536, %get3A_586 : vector<16xf32>
          %max3A_588 = arith.maximumf %while3A_544, %get3A_586 : vector<16xf32>
          %add3A_589 = arith.constant 0 : i32
          %add3A_590 = arith.addi %while3A_530, %add3A_589 : i32
          %get3A_591 = arith.index_cast %add3A_590 : i32 to index
          %get3A_592 = arith.constant 96 : index
          %get3A_593 = tpu.vector_load %arg5[%get3A_591, %get3A_592] {strides = array<i32>} : memref<400x128xf32, #tpu.memory_space<vmem>>, vector<16xf32>,
          %add3A_594 = arith.addf %while3A_537, %get3A_593 : vector<16xf32>
          %max3A_595 = arith.maximumf %while3A_545, %get3A_593 : vector<16xf32>
          %add3A_596 = arith.constant 0 : i32
          %add3A_597 = arith.addi %while3A_530, %add3A_596 : i32
          %get3A_598 = arith.index_cast %add3A_597 : i32 to index
          %get3A_599 = arith.constant 112 : index
          %get3A_600 = tpu.vector_load %arg5[%get3A_598, %get3A_599] {strides = array<i32>} : memref<400x128xf32, #tpu.memory_space<vmem>>, vector<16xf32>,
          %add3A_601 = arith.addf %while3A_538, %get3A_600 : vector<16xf32>
          %max3A_602 = arith.maximumf %while3A_546, %get3A_600 : vector<16xf32>
          scf.yield %add3A_552, %add3A_559, %add3A_566, %add3A_573, %add3A_580, %add3A_587, %add3A_594, %add3A_601, %max3A_553, %max3A_560, %max3A_567, %max3A_574, %max3A_581, %max3A_588, %max3A_595, %max3A_602 : vector<16xf32>, vector<16xf32>, vector<16xf32>, vector<16xf32>, vector<16xf32>, vector<16xf32>, vector<16xf32>, vector<16xf32>, vector<16xf32>, vector<16xf32>, vector<16xf32>, vector<16xf32>, vector<16xf32>, vector<16xf32>, vector<16xf32>, vector<16xf32>
        }
        %while3A_526 = arith.constant 1 : i32
        %while3A_527:16 = scf.for %while3A_530 = %while3A_523 to %while3A_519 step %while3A_526 iter_args(%while3A_531 = %while3A_525#0, %while3A_532 = %while3A_525#1, %while3A_533 = %while3A_525#2, %while3A_534 = %while3A_525#3, %while3A_535 = %while3A_525#4, %while3A_536 = %while3A_525#5, %while3A_537 = %while3A_525#6, %while3A_538 = %while3A_525#7, %while3A_539 = %while3A_525#8, %while3A_540 = %while3A_525#9, %while3A_541 = %while3A_525#10, %while3A_542 = %while3A_525#11, %while3A_543 = %while3A_525#12, %while3A_544 = %while3A_525#13, %while3A_545 = %while3A_525#14, %while3A_546 = %while3A_525#15) -> (vector<16xf32>, vector<16xf32>, vector<16xf32>, vector<16xf32>, vector<16xf32>, vector<16xf32>, vector<16xf32>, vector<16xf32>, vector<16xf32>, vector<16xf32>, vector<16xf32>, vector<16xf32>, vector<16xf32>, vector<16xf32>, vector<16xf32>, vector<16xf32>)  : i32 {
          %add3A_547 = arith.constant 0 : i32
          %add3A_548 = arith.addi %while3A_530, %add3A_547 : i32
          %get3A_549 = arith.index_cast %add3A_548 : i32 to index
          %get3A_550 = arith.constant 0 : index
          %get3A_551 = tpu.vector_load %arg5[%get3A_549, %get3A_550] {strides = array<i32>} : memref<400x128xf32, #tpu.memory_space<vmem>>, vector<16xf32>,
          %add3A_552 = arith.addf %while3A_531, %get3A_551 : vector<16xf32>
          %max3A_553 = arith.maximumf %while3A_539, %get3A_551 : vector<16xf32>
          %add3A_554 = arith.constant 0 : i32
          %add3A_555 = arith.addi %while3A_530, %add3A_554 : i32
          %get3A_556 = arith.index_cast %add3A_555 : i32 to index
          %get3A_557 = arith.constant 16 : index
          %get3A_558 = tpu.vector_load %arg5[%get3A_556, %get3A_557] {strides = array<i32>} : memref<400x128xf32, #tpu.memory_space<vmem>>, vector<16xf32>,
          %add3A_559 = arith.addf %while3A_532, %get3A_558 : vector<16xf32>
          %max3A_560 = arith.maximumf %while3A_540, %get3A_558 : vector<16xf32>
          %add3A_561 = arith.constant 0 : i32
          %add3A_562 = arith.addi %while3A_530, %add3A_561 : i32
          %get3A_563 = arith.index_cast %add3A_562 : i32 to index
          %get3A_564 = arith.constant 32 : index
          %get3A_565 = tpu.vector_load %arg5[%get3A_563, %get3A_564] {strides = array<i32>} : memref<400x128xf32, #tpu.memory_space<vmem>>, vector<16xf32>,
          %add3A_566 = arith.addf %while3A_533, %get3A_565 : vector<16xf32>
          %max3A_567 = arith.maximumf %while3A_541, %get3A_565 : vector<16xf32>
          %add3A_568 = arith.constant 0 : i32
          %add3A_569 = arith.addi %while3A_530, %add3A_568 : i32
          %get3A_570 = arith.index_cast %add3A_569 : i32 to index
          %get3A_571 = arith.constant 48 : index
          %get3A_572 = tpu.vector_load %arg5[%get3A_570, %get3A_571] {strides = array<i32>} : memref<400x128xf32, #tpu.memory_space<vmem>>, vector<16xf32>,
          %add3A_573 = arith.addf %while3A_534, %get3A_572 : vector<16xf32>
          %max3A_574 = arith.maximumf %while3A_542, %get3A_572 : vector<16xf32>
          %add3A_575 = arith.constant 0 : i32
          %add3A_576 = arith.addi %while3A_530, %add3A_575 : i32
          %get3A_577 = arith.index_cast %add3A_576 : i32 to index
          %get3A_578 = arith.constant 64 : index
          %get3A_579 = tpu.vector_load %arg5[%get3A_577, %get3A_578] {strides = array<i32>} : memref<400x128xf32, #tpu.memory_space<vmem>>, vector<16xf32>,
          %add3A_580 = arith.addf %while3A_535, %get3A_579 : vector<16xf32>
          %max3A_581 = arith.maximumf %while3A_543, %get3A_579 : vector<16xf32>
          %add3A_582 = arith.constant 0 : i32
          %add3A_583 = arith.addi %while3A_530, %add3A_582 : i32
          %get3A_584 = arith.index_cast %add3A_583 : i32 to index
          %get3A_585 = arith.constant 80 : index
          %get3A_586 = tpu.vector_load %arg5[%get3A_584, %get3A_585] {strides = array<i32>} : memref<400x128xf32, #tpu.memory_space<vmem>>, vector<16xf32>,
          %add3A_587 = arith.addf %while3A_536, %get3A_586 : vector<16xf32>
          %max3A_588 = arith.maximumf %while3A_544, %get3A_586 : vector<16xf32>
          %add3A_589 = arith.constant 0 : i32
          %add3A_590 = arith.addi %while3A_530, %add3A_589 : i32
          %get3A_591 = arith.index_cast %add3A_590 : i32 to index
          %get3A_592 = arith.constant 96 : index
          %get3A_593 = tpu.vector_load %arg5[%get3A_591, %get3A_592] {strides = array<i32>} : memref<400x128xf32, #tpu.memory_space<vmem>>, vector<16xf32>,
          %add3A_594 = arith.addf %while3A_537, %get3A_593 : vector<16xf32>
          %max3A_595 = arith.maximumf %while3A_545, %get3A_593 : vector<16xf32>
          %add3A_596 = arith.constant 0 : i32
          %add3A_597 = arith.addi %while3A_530, %add3A_596 : i32
          %get3A_598 = arith.index_cast %add3A_597 : i32 to index
          %get3A_599 = arith.constant 112 : index
          %get3A_600 = tpu.vector_load %arg5[%get3A_598, %get3A_599] {strides = array<i32>} : memref<400x128xf32, #tpu.memory_space<vmem>>, vector<16xf32>,
          %add3A_601 = arith.addf %while3A_538, %get3A_600 : vector<16xf32>
          %max3A_602 = arith.maximumf %while3A_546, %get3A_600 : vector<16xf32>
          scf.yield %add3A_552, %add3A_559, %add3A_566, %add3A_573, %add3A_580, %add3A_587, %add3A_594, %add3A_601, %max3A_553, %max3A_560, %max3A_567, %max3A_574, %max3A_581, %max3A_588, %max3A_595, %max3A_602 : vector<16xf32>, vector<16xf32>, vector<16xf32>, vector<16xf32>, vector<16xf32>, vector<16xf32>, vector<16xf32>, vector<16xf32>, vector<16xf32>, vector<16xf32>, vector<16xf32>, vector<16xf32>, vector<16xf32>, vector<16xf32>, vector<16xf32>, vector<16xf32>
        }
        %sub3A_528 = arith.subi %select_n3A_478, %while3A_409 : i32
        %add3A_529 = arith.addi %select_n3A_472, %sub3A_528 : i32
        scf.yield %select_n3A_478, %squeeze3A_431, %add3A_529, %while3A_527#0, %while3A_527#1, %while3A_527#2, %while3A_527#3, %while3A_527#4, %while3A_527#5, %while3A_527#6, %while3A_527#7, %while3A_527#8, %while3A_527#9, %while3A_527#10, %while3A_527#11, %while3A_527#12, %while3A_527#13, %while3A_527#14, %while3A_527#15 : i32, i32, i32, vector<16xf32>, vector<16xf32>, vector<16xf32>, vector<16xf32>, vector<16xf32>, vector<16xf32>, vector<16xf32>, vector<16xf32>, vector<16xf32>, vector<16xf32>, vector<16xf32>, vector<16xf32>, vector<16xf32>, vector<16xf32>, vector<16xf32>, vector<16xf32>
      }
      %mul3A_381 = arith.constant 2 : i32
      %mul3A_382 = arith.muli %mul3A_381, %while3A_334 : i32
      %add3A_383 = arith.constant 1 : i32
      %add3A_384 = arith.addi %mul3A_382, %add3A_383 : i32
      %mul3A_385 = arith.constant 400 : i32
      %mul3A_386 = arith.muli %add3A_384, %mul3A_385 : i32
      %add3A_387 = arith.addi %mul3A_242, %mul3A_386 : i32
      %add3A_388 = arith.constant 1 : i32
      %add3A_389 = arith.addi %add3A_384, %add3A_388 : i32
      %lt3A_390 = arith.cmpi slt, %add3A_389, %select_n3A_269 : i32
      %convert_element_type3A_391 = arith.extui %lt3A_390 : i1 to i32
      %cond3A_392 = arith.constant 0 : i32
      %cond3A_393 = arith.cmpi ne, %convert_element_type3A_391, %cond3A_392 : i32
      scf.if %cond3A_393 {
        %mul3A_409 = arith.constant 400 : i32
        %mul3A_410 = arith.muli %add3A_389, %mul3A_409 : i32
        %add3A_411 = arith.addi %mul3A_242, %mul3A_410 : i32
        %dma_start3A_412 = arith.constant 0 : i32
        %dma_start3A_413 = tpu.memref_slice %arg2[%add3A_411, %dma_start3A_412] : memref<100000x128xf32, #tpu.memory_space<hbm>> -> memref<400x128xf32, #tpu.memory_space<hbm>>
        %dma_start3A_414 = arith.constant 0 : i32
        %dma_start3A_415 = tpu.memref_slice %arg2[%add3A_411, %dma_start3A_414] : memref<100000x128xf32, #tpu.memory_space<hbm>> -> memref<400x128xf32, #tpu.memory_space<hbm>>
        tpu.enqueue_dma source(%dma_start3A_415 : memref<400x128xf32, #tpu.memory_space<hbm>>) target(%arg5 : memref<400x128xf32, #tpu.memory_space<vmem>>) target_semaphore(%arg14 : memref<!tpu.dma_semaphore, #tpu.memory_space<semaphore_mem>>)
        %dma_start3A_416 = arith.constant 0 : i32
        %dma_start3A_417 = tpu.memref_slice %arg7[%dma_start3A_416] : memref<416xi32, #tpu.memory_space<vmem>> -> memref<400xi32, #tpu.memory_space<vmem>>
        %dma_start3A_418 = tpu.memref_slice %arg3[%add3A_411] : memref<100000xi32, #tpu.memory_space<hbm>> -> memref<400xi32, #tpu.memory_space<hbm>>
        %dma_start3A_419 = arith.constant 0 : i32
        %dma_start3A_420 = tpu.memref_slice %arg7[%dma_start3A_419] : memref<416xi32, #tpu.memory_space<vmem>> -> memref<400xi32, #tpu.memory_space<vmem>>
        %dma_start3A_421 = tpu.memref_slice %arg3[%add3A_411] : memref<100000xi32, #tpu.memory_space<hbm>> -> memref<400xi32, #tpu.memory_space<hbm>>
        tpu.enqueue_dma source(%dma_start3A_421 : memref<400xi32, #tpu.memory_space<hbm>>) target(%dma_start3A_420 : memref<400xi32, #tpu.memory_space<vmem>>) target_semaphore(%arg14 : memref<!tpu.dma_semaphore, #tpu.memory_space<semaphore_mem>>)
      } else {
      }
      %lt3A_394 = arith.cmpi slt, %add3A_384, %select_n3A_269 : i32
      %convert_element_type3A_395 = arith.extui %lt3A_394 : i1 to i32
      %cond3A_396 = arith.constant 0 : i32
      %cond3A_397 = arith.cmpi ne, %convert_element_type3A_395, %cond3A_396 : i32
      scf.if %cond3A_397 {
        %dma_wait3A_409 = arith.constant 0 : i32
        %dma_wait3A_410 = arith.constant 0 : i32
        %dma_wait3A_411 = tpu.memref_slice %arg2[%dma_wait3A_409, %dma_wait3A_410] : memref<100000x128xf32, #tpu.memory_space<hbm>> -> memref<400x128xf32, #tpu.memory_space<hbm>>
        %dma_wait3A_412 = arith.constant 0 : i32
        %dma_wait3A_413 = arith.constant 0 : i32
        %dma_wait3A_414 = tpu.memref_slice %arg2[%dma_wait3A_412, %dma_wait3A_413] : memref<100000x128xf32, #tpu.memory_space<hbm>> -> memref<400x128xf32, #tpu.memory_space<hbm>>
        tpu.wait_dma2 semaphore(%arg15 : memref<!tpu.dma_semaphore, #tpu.memory_space<semaphore_mem>>) src(%dma_wait3A_414 : memref<400x128xf32, #tpu.memory_space<hbm>>) dst(%arg6 : memref<400x128xf32, #tpu.memory_space<vmem>>)
        %dma_wait3A_415 = arith.constant 0 : i32
        %dma_wait3A_416 = tpu.memref_slice %arg8[%dma_wait3A_415] : memref<416xi32, #tpu.memory_space<vmem>> -> memref<400xi32, #tpu.memory_space<vmem>>
        %dma_wait3A_417 = arith.constant 0 : i32
        %dma_wait3A_418 = tpu.memref_slice %arg3[%dma_wait3A_417] : memref<100000xi32, #tpu.memory_space<hbm>> -> memref<400xi32, #tpu.memory_space<hbm>>
        %dma_wait3A_419 = arith.constant 0 : i32
        %dma_wait3A_420 = tpu.memref_slice %arg8[%dma_wait3A_419] : memref<416xi32, #tpu.memory_space<vmem>> -> memref<400xi32, #tpu.memory_space<vmem>>
        %dma_wait3A_421 = arith.constant 0 : i32
        %dma_wait3A_422 = tpu.memref_slice %arg3[%dma_wait3A_421] : memref<100000xi32, #tpu.memory_space<hbm>> -> memref<400xi32, #tpu.memory_space<hbm>>
        tpu.wait_dma2 semaphore(%arg15 : memref<!tpu.dma_semaphore, #tpu.memory_space<semaphore_mem>>) src(%dma_wait3A_422 : memref<400xi32, #tpu.memory_space<hbm>>) dst(%dma_wait3A_420 : memref<400xi32, #tpu.memory_space<vmem>>)
      } else {
      }
      %sub3A_398 = arith.subi %add3A_209, %add3A_387 : i32
      %max3A_399 = arith.constant 0 : i32
      %max3A_400 = arith.maxsi %sub3A_398, %max3A_399 : i32
      %min3A_401 = arith.constant 400 : i32
      %min3A_402 = arith.minsi %max3A_400, %min3A_401 : i32
      %sub3A_403 = arith.subi %add3A_222, %add3A_387 : i32
      %max3A_404 = arith.constant 0 : i32
      %max3A_405 = arith.maxsi %sub3A_403, %max3A_404 : i32
      %min3A_406 = arith.constant 400 : i32
      %min3A_407 = arith.minsi %max3A_405, %min3A_406 : i32
      %while3A_408:19 = scf.while (%while3A_409 = %min3A_402, %while3A_410 = %while3A_380#1, %while3A_411 = %while3A_380#2, %while3A_412 = %while3A_380#3, %while3A_413 = %while3A_380#4, %while3A_414 = %while3A_380#5, %while3A_415 = %while3A_380#6, %while3A_416 = %while3A_380#7, %while3A_417 = %while3A_380#8, %while3A_418 = %while3A_380#9, %while3A_419 = %while3A_380#10, %while3A_420 = %while3A_380#11, %while3A_421 = %while3A_380#12, %while3A_422 = %while3A_380#13, %while3A_423 = %while3A_380#14, %while3A_424 = %while3A_380#15, %while3A_425 = %while3A_380#16, %while3A_426 = %while3A_380#17, %while3A_427 = %while3A_380#18) : (i32, i32, i32, vector<16xf32>, vector<16xf32>, vector<16xf32>, vector<16xf32>, vector<16xf32>, vector<16xf32>, vector<16xf32>, vector<16xf32>, vector<16xf32>, vector<16xf32>, vector<16xf32>, vector<16xf32>, vector<16xf32>, vector<16xf32>, vector<16xf32>, vector<16xf32>) -> (i32, i32, i32, vector<16xf32>, vector<16xf32>, vector<16xf32>, vector<16xf32>, vector<16xf32>, vector<16xf32>, vector<16xf32>, vector<16xf32>, vector<16xf32>, vector<16xf32>, vector<16xf32>, vector<16xf32>, vector<16xf32>, vector<16xf32>, vector<16xf32>, vector<16xf32>) {
        %lt3A_428 = arith.cmpi slt, %while3A_409, %min3A_407 : i32
        scf.condition(%lt3A_428) %while3A_409, %while3A_410, %while3A_411, %while3A_412, %while3A_413, %while3A_414, %while3A_415, %while3A_416, %while3A_417, %while3A_418, %while3A_419, %while3A_420, %while3A_421, %while3A_422, %while3A_423, %while3A_424, %while3A_425, %while3A_426, %while3A_427 : i32, i32, i32, vector<16xf32>, vector<16xf32>, vector<16xf32>, vector<16xf32>, vector<16xf32>, vector<16xf32>, vector<16xf32>, vector<16xf32>, vector<16xf32>, vector<16xf32>, vector<16xf32>, vector<16xf32>, vector<16xf32>, vector<16xf32>, vector<16xf32>, vector<16xf32>
      } do {
      ^bb0(%while3A_409: i32, %while3A_410: i32, %while3A_411: i32, %while3A_412: vector<16xf32>, %while3A_413: vector<16xf32>, %while3A_414: vector<16xf32>, %while3A_415: vector<16xf32>, %while3A_416: vector<16xf32>, %while3A_417: vector<16xf32>, %while3A_418: vector<16xf32>, %while3A_419: vector<16xf32>, %while3A_420: vector<16xf32>, %while3A_421: vector<16xf32>, %while3A_422: vector<16xf32>, %while3A_423: vector<16xf32>, %while3A_424: vector<16xf32>, %while3A_425: vector<16xf32>, %while3A_426: vector<16xf32>, %while3A_427: vector<16xf32>):
        %get3A_428 = arith.index_cast %while3A_409 : i32 to index
        %get3A_429 = tpu.vector_load %arg8[%get3A_428] {strides = array<i32>} : memref<416xi32, #tpu.memory_space<vmem>>, vector<16xi32>,
        %slice3A_430 = vector.extract_strided_slice %get3A_429 {offsets = [0], sizes = [1], strides = [1]} : vector<16xi32> to vector<1xi32>
        %squeeze3A_431 = vector.extract %slice3A_430[0] : i32 from vector<1xi32>
        %ne3A_432 = arith.cmpi ne, %squeeze3A_431, %while3A_410 : i32
        %gt3A_433 = arith.constant 0 : i32
        %gt3A_434 = arith.cmpi sgt, %while3A_411, %gt3A_433 : i32
        %and3A_435 = arith.andi %ne3A_432, %gt3A_434 : i1
        %convert_element_type3A_436 = arith.extui %and3A_435 : i1 to i32
        %cond3A_437 = arith.constant 0 : i32
        %cond3A_438 = arith.cmpi ne, %convert_element_type3A_436, %cond3A_437 : i32
        scf.if %cond3A_438 {
          %sub3A_530 = arith.subi %while3A_410, %mul3A_2 : i32
          %broadcast_in_dim3A_531 = vector.broadcast %while3A_411 : i32 to vector<16xi32>
          %convert_element_type3A_532 = arith.sitofp %broadcast_in_dim3A_531 : vector<16xi32> to vector<16xf32>
          %div3A_533 = arith.constant 1.000000e+00 : f32
          %div3A_534 = vector.broadcast %div3A_533 : f32 to vector<16xf32>
          %div3A_535 = arith.divf %div3A_534, %convert_element_type3A_532 : vector<16xf32>
          %mul3A_536 = arith.mulf %while3A_412, %div3A_535 : vector<16xf32>
          %swap3A_537 = arith.index_cast %sub3A_530 : i32 to index
          %swap3A_538 = arith.constant 0 : index
          %swap3A_539 = tpu.vector_load %arg13[%swap3A_537, %swap3A_538] {strides = array<i32>} : memref<32x384xf32, #tpu.memory_space<vmem>>, vector<16xf32>,
          tpu.vector_store %arg13[%swap3A_537, %swap3A_538], %mul3A_536 {strides = array<i32>} : memref<32x384xf32, #tpu.memory_space<vmem>>, vector<16xf32>,
          %swap3A_540 = arith.index_cast %sub3A_530 : i32 to index
          %swap3A_541 = arith.constant 128 : index
          %swap3A_542 = tpu.vector_load %arg13[%swap3A_540, %swap3A_541] {strides = array<i32>} : memref<32x384xf32, #tpu.memory_space<vmem>>, vector<16xf32>,
          tpu.vector_store %arg13[%swap3A_540, %swap3A_541], %while3A_420 {strides = array<i32>} : memref<32x384xf32, #tpu.memory_space<vmem>>, vector<16xf32>,
          %swap3A_543 = arith.index_cast %sub3A_530 : i32 to index
          %swap3A_544 = arith.constant 256 : index
          %swap3A_545 = tpu.vector_load %arg13[%swap3A_543, %swap3A_544] {strides = array<i32>} : memref<32x384xf32, #tpu.memory_space<vmem>>, vector<16xf32>,
          tpu.vector_store %arg13[%swap3A_543, %swap3A_544], %while3A_412 {strides = array<i32>} : memref<32x384xf32, #tpu.memory_space<vmem>>, vector<16xf32>,
          %mul3A_546 = arith.mulf %while3A_413, %div3A_535 : vector<16xf32>
          %swap3A_547 = arith.index_cast %sub3A_530 : i32 to index
          %swap3A_548 = arith.constant 16 : index
          %swap3A_549 = tpu.vector_load %arg13[%swap3A_547, %swap3A_548] {strides = array<i32>} : memref<32x384xf32, #tpu.memory_space<vmem>>, vector<16xf32>,
          tpu.vector_store %arg13[%swap3A_547, %swap3A_548], %mul3A_546 {strides = array<i32>} : memref<32x384xf32, #tpu.memory_space<vmem>>, vector<16xf32>,
          %swap3A_550 = arith.index_cast %sub3A_530 : i32 to index
          %swap3A_551 = arith.constant 144 : index
          %swap3A_552 = tpu.vector_load %arg13[%swap3A_550, %swap3A_551] {strides = array<i32>} : memref<32x384xf32, #tpu.memory_space<vmem>>, vector<16xf32>,
          tpu.vector_store %arg13[%swap3A_550, %swap3A_551], %while3A_421 {strides = array<i32>} : memref<32x384xf32, #tpu.memory_space<vmem>>, vector<16xf32>,
          %swap3A_553 = arith.index_cast %sub3A_530 : i32 to index
          %swap3A_554 = arith.constant 272 : index
          %swap3A_555 = tpu.vector_load %arg13[%swap3A_553, %swap3A_554] {strides = array<i32>} : memref<32x384xf32, #tpu.memory_space<vmem>>, vector<16xf32>,
          tpu.vector_store %arg13[%swap3A_553, %swap3A_554], %while3A_413 {strides = array<i32>} : memref<32x384xf32, #tpu.memory_space<vmem>>, vector<16xf32>,
          %mul3A_556 = arith.mulf %while3A_414, %div3A_535 : vector<16xf32>
          %swap3A_557 = arith.index_cast %sub3A_530 : i32 to index
          %swap3A_558 = arith.constant 32 : index
          %swap3A_559 = tpu.vector_load %arg13[%swap3A_557, %swap3A_558] {strides = array<i32>} : memref<32x384xf32, #tpu.memory_space<vmem>>, vector<16xf32>,
          tpu.vector_store %arg13[%swap3A_557, %swap3A_558], %mul3A_556 {strides = array<i32>} : memref<32x384xf32, #tpu.memory_space<vmem>>, vector<16xf32>,
          %swap3A_560 = arith.index_cast %sub3A_530 : i32 to index
          %swap3A_561 = arith.constant 160 : index
          %swap3A_562 = tpu.vector_load %arg13[%swap3A_560, %swap3A_561] {strides = array<i32>} : memref<32x384xf32, #tpu.memory_space<vmem>>, vector<16xf32>,
          tpu.vector_store %arg13[%swap3A_560, %swap3A_561], %while3A_422 {strides = array<i32>} : memref<32x384xf32, #tpu.memory_space<vmem>>, vector<16xf32>,
          %swap3A_563 = arith.index_cast %sub3A_530 : i32 to index
          %swap3A_564 = arith.constant 288 : index
          %swap3A_565 = tpu.vector_load %arg13[%swap3A_563, %swap3A_564] {strides = array<i32>} : memref<32x384xf32, #tpu.memory_space<vmem>>, vector<16xf32>,
          tpu.vector_store %arg13[%swap3A_563, %swap3A_564], %while3A_414 {strides = array<i32>} : memref<32x384xf32, #tpu.memory_space<vmem>>, vector<16xf32>,
          %mul3A_566 = arith.mulf %while3A_415, %div3A_535 : vector<16xf32>
          %swap3A_567 = arith.index_cast %sub3A_530 : i32 to index
          %swap3A_568 = arith.constant 48 : index
          %swap3A_569 = tpu.vector_load %arg13[%swap3A_567, %swap3A_568] {strides = array<i32>} : memref<32x384xf32, #tpu.memory_space<vmem>>, vector<16xf32>,
          tpu.vector_store %arg13[%swap3A_567, %swap3A_568], %mul3A_566 {strides = array<i32>} : memref<32x384xf32, #tpu.memory_space<vmem>>, vector<16xf32>,
          %swap3A_570 = arith.index_cast %sub3A_530 : i32 to index
          %swap3A_571 = arith.constant 176 : index
          %swap3A_572 = tpu.vector_load %arg13[%swap3A_570, %swap3A_571] {strides = array<i32>} : memref<32x384xf32, #tpu.memory_space<vmem>>, vector<16xf32>,
          tpu.vector_store %arg13[%swap3A_570, %swap3A_571], %while3A_423 {strides = array<i32>} : memref<32x384xf32, #tpu.memory_space<vmem>>, vector<16xf32>,
          %swap3A_573 = arith.index_cast %sub3A_530 : i32 to index
          %swap3A_574 = arith.constant 304 : index
          %swap3A_575 = tpu.vector_load %arg13[%swap3A_573, %swap3A_574] {strides = array<i32>} : memref<32x384xf32, #tpu.memory_space<vmem>>, vector<16xf32>,
          tpu.vector_store %arg13[%swap3A_573, %swap3A_574], %while3A_415 {strides = array<i32>} : memref<32x384xf32, #tpu.memory_space<vmem>>, vector<16xf32>,
          %mul3A_576 = arith.mulf %while3A_416, %div3A_535 : vector<16xf32>
          %swap3A_577 = arith.index_cast %sub3A_530 : i32 to index
          %swap3A_578 = arith.constant 64 : index
          %swap3A_579 = tpu.vector_load %arg13[%swap3A_577, %swap3A_578] {strides = array<i32>} : memref<32x384xf32, #tpu.memory_space<vmem>>, vector<16xf32>,
          tpu.vector_store %arg13[%swap3A_577, %swap3A_578], %mul3A_576 {strides = array<i32>} : memref<32x384xf32, #tpu.memory_space<vmem>>, vector<16xf32>,
          %swap3A_580 = arith.index_cast %sub3A_530 : i32 to index
          %swap3A_581 = arith.constant 192 : index
          %swap3A_582 = tpu.vector_load %arg13[%swap3A_580, %swap3A_581] {strides = array<i32>} : memref<32x384xf32, #tpu.memory_space<vmem>>, vector<16xf32>,
          tpu.vector_store %arg13[%swap3A_580, %swap3A_581], %while3A_424 {strides = array<i32>} : memref<32x384xf32, #tpu.memory_space<vmem>>, vector<16xf32>,
          %swap3A_583 = arith.index_cast %sub3A_530 : i32 to index
          %swap3A_584 = arith.constant 320 : index
          %swap3A_585 = tpu.vector_load %arg13[%swap3A_583, %swap3A_584] {strides = array<i32>} : memref<32x384xf32, #tpu.memory_space<vmem>>, vector<16xf32>,
          tpu.vector_store %arg13[%swap3A_583, %swap3A_584], %while3A_416 {strides = array<i32>} : memref<32x384xf32, #tpu.memory_space<vmem>>, vector<16xf32>,
          %mul3A_586 = arith.mulf %while3A_417, %div3A_535 : vector<16xf32>
          %swap3A_587 = arith.index_cast %sub3A_530 : i32 to index
          %swap3A_588 = arith.constant 80 : index
          %swap3A_589 = tpu.vector_load %arg13[%swap3A_587, %swap3A_588] {strides = array<i32>} : memref<32x384xf32, #tpu.memory_space<vmem>>, vector<16xf32>,
          tpu.vector_store %arg13[%swap3A_587, %swap3A_588], %mul3A_586 {strides = array<i32>} : memref<32x384xf32, #tpu.memory_space<vmem>>, vector<16xf32>,
          %swap3A_590 = arith.index_cast %sub3A_530 : i32 to index
          %swap3A_591 = arith.constant 208 : index
          %swap3A_592 = tpu.vector_load %arg13[%swap3A_590, %swap3A_591] {strides = array<i32>} : memref<32x384xf32, #tpu.memory_space<vmem>>, vector<16xf32>,
          tpu.vector_store %arg13[%swap3A_590, %swap3A_591], %while3A_425 {strides = array<i32>} : memref<32x384xf32, #tpu.memory_space<vmem>>, vector<16xf32>,
          %swap3A_593 = arith.index_cast %sub3A_530 : i32 to index
          %swap3A_594 = arith.constant 336 : index
          %swap3A_595 = tpu.vector_load %arg13[%swap3A_593, %swap3A_594] {strides = array<i32>} : memref<32x384xf32, #tpu.memory_space<vmem>>, vector<16xf32>,
          tpu.vector_store %arg13[%swap3A_593, %swap3A_594], %while3A_417 {strides = array<i32>} : memref<32x384xf32, #tpu.memory_space<vmem>>, vector<16xf32>,
          %mul3A_596 = arith.mulf %while3A_418, %div3A_535 : vector<16xf32>
          %swap3A_597 = arith.index_cast %sub3A_530 : i32 to index
          %swap3A_598 = arith.constant 96 : index
          %swap3A_599 = tpu.vector_load %arg13[%swap3A_597, %swap3A_598] {strides = array<i32>} : memref<32x384xf32, #tpu.memory_space<vmem>>, vector<16xf32>,
          tpu.vector_store %arg13[%swap3A_597, %swap3A_598], %mul3A_596 {strides = array<i32>} : memref<32x384xf32, #tpu.memory_space<vmem>>, vector<16xf32>,
          %swap3A_600 = arith.index_cast %sub3A_530 : i32 to index
          %swap3A_601 = arith.constant 224 : index
          %swap3A_602 = tpu.vector_load %arg13[%swap3A_600, %swap3A_601] {strides = array<i32>} : memref<32x384xf32, #tpu.memory_space<vmem>>, vector<16xf32>,
          tpu.vector_store %arg13[%swap3A_600, %swap3A_601], %while3A_426 {strides = array<i32>} : memref<32x384xf32, #tpu.memory_space<vmem>>, vector<16xf32>,
          %swap3A_603 = arith.index_cast %sub3A_530 : i32 to index
          %swap3A_604 = arith.constant 352 : index
          %swap3A_605 = tpu.vector_load %arg13[%swap3A_603, %swap3A_604] {strides = array<i32>} : memref<32x384xf32, #tpu.memory_space<vmem>>, vector<16xf32>,
          tpu.vector_store %arg13[%swap3A_603, %swap3A_604], %while3A_418 {strides = array<i32>} : memref<32x384xf32, #tpu.memory_space<vmem>>, vector<16xf32>,
          %mul3A_606 = arith.mulf %while3A_419, %div3A_535 : vector<16xf32>
          %swap3A_607 = arith.index_cast %sub3A_530 : i32 to index
          %swap3A_608 = arith.constant 112 : index
          %swap3A_609 = tpu.vector_load %arg13[%swap3A_607, %swap3A_608] {strides = array<i32>} : memref<32x384xf32, #tpu.memory_space<vmem>>, vector<16xf32>,
          tpu.vector_store %arg13[%swap3A_607, %swap3A_608], %mul3A_606 {strides = array<i32>} : memref<32x384xf32, #tpu.memory_space<vmem>>, vector<16xf32>,
          %swap3A_610 = arith.index_cast %sub3A_530 : i32 to index
          %swap3A_611 = arith.constant 240 : index
          %swap3A_612 = tpu.vector_load %arg13[%swap3A_610, %swap3A_611] {strides = array<i32>} : memref<32x384xf32, #tpu.memory_space<vmem>>, vector<16xf32>,
          tpu.vector_store %arg13[%swap3A_610, %swap3A_611], %while3A_427 {strides = array<i32>} : memref<32x384xf32, #tpu.memory_space<vmem>>, vector<16xf32>,
          %swap3A_613 = arith.index_cast %sub3A_530 : i32 to index
          %swap3A_614 = arith.constant 368 : index
          %swap3A_615 = tpu.vector_load %arg13[%swap3A_613, %swap3A_614] {strides = array<i32>} : memref<32x384xf32, #tpu.memory_space<vmem>>, vector<16xf32>,
          tpu.vector_store %arg13[%swap3A_613, %swap3A_614], %while3A_419 {strides = array<i32>} : memref<32x384xf32, #tpu.memory_space<vmem>>, vector<16xf32>,
        } else {
        }
        %select_n3A_439 = arith.select %ne3A_432, %broadcast_in_dim3A_3, %while3A_412 : vector<16xf32>
        %select_n3A_440 = arith.select %ne3A_432, %broadcast_in_dim3A_3, %while3A_413 : vector<16xf32>
        %select_n3A_441 = arith.select %ne3A_432, %broadcast_in_dim3A_3, %while3A_414 : vector<16xf32>
        %select_n3A_442 = arith.select %ne3A_432, %broadcast_in_dim3A_3, %while3A_415 : vector<16xf32>
        %select_n3A_443 = arith.select %ne3A_432, %broadcast_in_dim3A_3, %while3A_416 : vector<16xf32>
        %select_n3A_444 = arith.select %ne3A_432, %broadcast_in_dim3A_3, %while3A_417 : vector<16xf32>
        %select_n3A_445 = arith.select %ne3A_432, %broadcast_in_dim3A_3, %while3A_418 : vector<16xf32>
        %select_n3A_446 = arith.select %ne3A_432, %broadcast_in_dim3A_3, %while3A_419 : vector<16xf32>
        %jit3A_447 = arith.constant -3.40282347E+38 : f32
        %broadcast_in_dim3A_448 = vector.broadcast %jit3A_447 : f32 to vector<16xf32>
        %select_n3A_449 = arith.select %ne3A_432, %broadcast_in_dim3A_448, %while3A_420 : vector<16xf32>
        %jit3A_450 = arith.constant -3.40282347E+38 : f32
        %broadcast_in_dim3A_451 = vector.broadcast %jit3A_450 : f32 to vector<16xf32>
        %select_n3A_452 = arith.select %ne3A_432, %broadcast_in_dim3A_451, %while3A_421 : vector<16xf32>
        %jit3A_453 = arith.constant -3.40282347E+38 : f32
        %broadcast_in_dim3A_454 = vector.broadcast %jit3A_453 : f32 to vector<16xf32>
        %select_n3A_455 = arith.select %ne3A_432, %broadcast_in_dim3A_454, %while3A_422 : vector<16xf32>
        %jit3A_456 = arith.constant -3.40282347E+38 : f32
        %broadcast_in_dim3A_457 = vector.broadcast %jit3A_456 : f32 to vector<16xf32>
        %select_n3A_458 = arith.select %ne3A_432, %broadcast_in_dim3A_457, %while3A_423 : vector<16xf32>
        %jit3A_459 = arith.constant -3.40282347E+38 : f32
        %broadcast_in_dim3A_460 = vector.broadcast %jit3A_459 : f32 to vector<16xf32>
        %select_n3A_461 = arith.select %ne3A_432, %broadcast_in_dim3A_460, %while3A_424 : vector<16xf32>
        %jit3A_462 = arith.constant -3.40282347E+38 : f32
        %broadcast_in_dim3A_463 = vector.broadcast %jit3A_462 : f32 to vector<16xf32>
        %select_n3A_464 = arith.select %ne3A_432, %broadcast_in_dim3A_463, %while3A_425 : vector<16xf32>
        %jit3A_465 = arith.constant -3.40282347E+38 : f32
        %broadcast_in_dim3A_466 = vector.broadcast %jit3A_465 : f32 to vector<16xf32>
        %select_n3A_467 = arith.select %ne3A_432, %broadcast_in_dim3A_466, %while3A_426 : vector<16xf32>
        %jit3A_468 = arith.constant -3.40282347E+38 : f32
        %broadcast_in_dim3A_469 = vector.broadcast %jit3A_468 : f32 to vector<16xf32>
        %select_n3A_470 = arith.select %ne3A_432, %broadcast_in_dim3A_469, %while3A_427 : vector<16xf32>
        %jit3A_471 = arith.constant 0 : i32
        %select_n3A_472 = arith.select %ne3A_432, %jit3A_471, %while3A_411 : i32
        %broadcast_in_dim3A_473 = vector.broadcast %squeeze3A_431 : i32 to vector<16xi32>
        %while3A_474 = arith.constant -1 : i32
        %while3A_475:2 = scf.while (%while3A_530 = %while3A_409, %while3A_531 = %while3A_474) : (i32, i32) -> (i32, i32) {
          %lt3A_532 = arith.constant 0 : i32
          %lt3A_533 = arith.cmpi slt, %while3A_531, %lt3A_532 : i32
          %lt3A_534 = arith.cmpi slt, %while3A_530, %min3A_407 : i32
          %and3A_535 = arith.andi %lt3A_533, %lt3A_534 : i1
          scf.condition(%and3A_535) %while3A_530, %while3A_531 : i32, i32
        } do {
        ^bb0(%while3A_530: i32, %while3A_531: i32):
          %get3A_532 = arith.index_cast %while3A_530 : i32 to index
          %get3A_533 = tpu.vector_load %arg8[%get3A_532] {strides = array<i32>} : memref<416xi32, #tpu.memory_space<vmem>>, vector<16xi32>,
          %ne3A_534 = arith.cmpi ne, %get3A_533, %broadcast_in_dim3A_473 : vector<16xi32>
          %add3A_535 = vector.broadcast %while3A_530 : i32 to vector<16xi32>
          %add3A_536 = arith.addi %iota3A_270, %add3A_535 : vector<16xi32>
          %ge3A = vector.broadcast %min3A_407 : i32 to vector<16xi32>
          %ge3A_537 = arith.cmpi sge, %add3A_536, %ge3A : vector<16xi32>
          %or3A = arith.ori %ne3A_534, %ge3A_537 : vector<16xi1>
          %all_reduce_population_count3A_538 = tpu.all_reduce %or3A {dim = 0 : i64, kind = #tpu.reduction_kind<sum>} : vector<16xi1> -> vector<16xi32>
          %all_reduce_ffs3A = tpu.all_reduce %or3A {dim = 0 : i64, kind = #tpu.reduction_kind<find_first_set>} : vector<16xi1> -> vector<16xi32>
          %gt3A_539 = arith.constant 0 : i32
          %gt3A_540 = vector.broadcast %gt3A_539 : i32 to vector<16xi32>
          %gt3A_541 = arith.cmpi sgt, %all_reduce_population_count3A_538, %gt3A_540 : vector<16xi32>
          %add3A_542 = vector.broadcast %while3A_530 : i32 to vector<16xi32>
          %add3A_543 = arith.addi %add3A_542, %all_reduce_ffs3A : vector<16xi32>
          %jit3A_544 = arith.constant -1 : i32
          %broadcast_in_dim3A_545 = vector.broadcast %jit3A_544 : i32 to vector<16xi32>
          %select_n3A_546 = arith.select %gt3A_541, %add3A_543, %broadcast_in_dim3A_545 : vector<16xi1>, vector<16xi32>
          %add3A_547 = arith.constant 16 : i32
          %add3A_548 = arith.addi %while3A_530, %add3A_547 : i32
          %slice3A_549 = vector.extract_strided_slice %select_n3A_546 {offsets = [0], sizes = [1], strides = [1]} : vector<16xi32> to vector<1xi32>
          %squeeze3A_550 = vector.extract %slice3A_549[0] : i32 from vector<1xi32>
          scf.yield %add3A_548, %squeeze3A_550 : i32, i32
        }
        %lt3A_476 = arith.constant 0 : i32
        %lt3A_477 = arith.cmpi slt, %while3A_475#1, %lt3A_476 : i32
        %select_n3A_478 = arith.select %lt3A_477, %min3A_407, %while3A_475#1 : i32
        %sub3A_479 = arith.subi %select_n3A_478, %while3A_409 : i32
        %jit3A_480 = arith.constant 4 : i32
        %div3A_481 = arith.divsi %sub3A_479, %jit3A_480 : i32
        %sign3A_482 = arith.constant 0 : i32
        %sign3A_483 = arith.cmpi sgt, %sub3A_479, %sign3A_482 : i32
        %sign3A_484 = arith.extui %sign3A_483 : i1 to i32
        %sign3A_485 = arith.constant 0 : i32
        %sign3A_486 = arith.cmpi slt, %sub3A_479, %sign3A_485 : i32
        %sign3A_487 = arith.extui %sign3A_486 : i1 to i32
        %sign3A_488 = arith.subi %sign3A_484, %sign3A_487 : i32
        %sign3A_489 = arith.constant 0 : i32
        %sign3A_490 = arith.cmpi sgt, %jit3A_480, %sign3A_489 : i32
        %sign3A_491 = arith.extui %sign3A_490 : i1 to i32
        %sign3A_492 = arith.constant 0 : i32
        %sign3A_493 = arith.cmpi slt, %jit3A_480, %sign3A_492 : i32
        %sign3A_494 = arith.extui %sign3A_493 : i1 to i32
        %sign3A_495 = arith.subi %sign3A_491, %sign3A_494 : i32
        %ne3A_496 = arith.cmpi ne, %sign3A_488, %sign3A_495 : i32
        %rem3A_497 = arith.remsi %sub3A_479, %jit3A_480 : i32
        %ne3A_498 = arith.constant 0 : i32
        %ne3A_499 = arith.cmpi ne, %rem3A_497, %ne3A_498 : i32
        %and3A_500 = arith.andi %ne3A_496, %ne3A_499 : i1
        %sub3A_501 = arith.constant 1 : i32
        %sub3A_502 = arith.subi %div3A_481, %sub3A_501 : i32
        %select_n3A_503 = arith.select %and3A_500, %sub3A_502, %div3A_481 : i32
        %while3A_504 = arith.constant 0 : i32
        %while3A_505 = arith.subi %select_n3A_503, %while3A_504 : i32
        %while3A_506 = arith.addi %while3A_504, %while3A_505 : i32
        %while3A_507 = arith.constant 1 : i32
        %while3A_508 = arith.divsi %while3A_505, %while3A_507 : i32
        %while3A_509 = arith.muli %while3A_508, %while3A_507 : i32
        %while3A_510 = arith.addi %while3A_504, %while3A_509 : i32
        %while3A_511 = arith.constant 1 : i32
        %while3A_512:16 = scf.for %while3A_530 = %while3A_504 to %while3A_510 step %while3A_511 iter_args(%while3A_531 = %select_n3A_439, %while3A_532 = %select_n3A_440, %while3A_533 = %select_n3A_441, %while3A_534 = %select_n3A_442, %while3A_535 = %select_n3A_443, %while3A_536 = %select_n3A_444, %while3A_537 = %select_n3A_445, %while3A_538 = %select_n3A_446, %while3A_539 = %select_n3A_449, %while3A_540 = %select_n3A_452, %while3A_541 = %select_n3A_455, %while3A_542 = %select_n3A_458, %while3A_543 = %select_n3A_461, %while3A_544 = %select_n3A_464, %while3A_545 = %select_n3A_467, %while3A_546 = %select_n3A_470) -> (vector<16xf32>, vector<16xf32>, vector<16xf32>, vector<16xf32>, vector<16xf32>, vector<16xf32>, vector<16xf32>, vector<16xf32>, vector<16xf32>, vector<16xf32>, vector<16xf32>, vector<16xf32>, vector<16xf32>, vector<16xf32>, vector<16xf32>, vector<16xf32>)  : i32 {
          %mul3A_547 = arith.constant 4 : i32
          %mul3A_548 = arith.muli %mul3A_547, %while3A_530 : i32
          %add3A_549 = arith.addi %while3A_409, %mul3A_548 : i32
          %add3A_550 = arith.constant 0 : i32
          %add3A_551 = arith.addi %add3A_549, %add3A_550 : i32
          %get3A_552 = arith.index_cast %add3A_551 : i32 to index
          %get3A_553 = arith.constant 0 : index
          %get3A_554 = tpu.vector_load %arg6[%get3A_552, %get3A_553] {strides = array<i32>} : memref<400x128xf32, #tpu.memory_space<vmem>>, vector<16xf32>,
          %add3A_555 = arith.addf %while3A_531, %get3A_554 : vector<16xf32>
          %max3A_556 = arith.maximumf %while3A_539, %get3A_554 : vector<16xf32>
          %add3A_557 = arith.constant 0 : i32
          %add3A_558 = arith.addi %add3A_549, %add3A_557 : i32
          %get3A_559 = arith.index_cast %add3A_558 : i32 to index
          %get3A_560 = arith.constant 16 : index
          %get3A_561 = tpu.vector_load %arg6[%get3A_559, %get3A_560] {strides = array<i32>} : memref<400x128xf32, #tpu.memory_space<vmem>>, vector<16xf32>,
          %add3A_562 = arith.addf %while3A_532, %get3A_561 : vector<16xf32>
          %max3A_563 = arith.maximumf %while3A_540, %get3A_561 : vector<16xf32>
          %add3A_564 = arith.constant 0 : i32
          %add3A_565 = arith.addi %add3A_549, %add3A_564 : i32
          %get3A_566 = arith.index_cast %add3A_565 : i32 to index
          %get3A_567 = arith.constant 32 : index
          %get3A_568 = tpu.vector_load %arg6[%get3A_566, %get3A_567] {strides = array<i32>} : memref<400x128xf32, #tpu.memory_space<vmem>>, vector<16xf32>,
          %add3A_569 = arith.addf %while3A_533, %get3A_568 : vector<16xf32>
          %max3A_570 = arith.maximumf %while3A_541, %get3A_568 : vector<16xf32>
          %add3A_571 = arith.constant 0 : i32
          %add3A_572 = arith.addi %add3A_549, %add3A_571 : i32
          %get3A_573 = arith.index_cast %add3A_572 : i32 to index
          %get3A_574 = arith.constant 48 : index
          %get3A_575 = tpu.vector_load %arg6[%get3A_573, %get3A_574] {strides = array<i32>} : memref<400x128xf32, #tpu.memory_space<vmem>>, vector<16xf32>,
          %add3A_576 = arith.addf %while3A_534, %get3A_575 : vector<16xf32>
          %max3A_577 = arith.maximumf %while3A_542, %get3A_575 : vector<16xf32>
          %add3A_578 = arith.constant 0 : i32
          %add3A_579 = arith.addi %add3A_549, %add3A_578 : i32
          %get3A_580 = arith.index_cast %add3A_579 : i32 to index
          %get3A_581 = arith.constant 64 : index
          %get3A_582 = tpu.vector_load %arg6[%get3A_580, %get3A_581] {strides = array<i32>} : memref<400x128xf32, #tpu.memory_space<vmem>>, vector<16xf32>,
          %add3A_583 = arith.addf %while3A_535, %get3A_582 : vector<16xf32>
          %max3A_584 = arith.maximumf %while3A_543, %get3A_582 : vector<16xf32>
          %add3A_585 = arith.constant 0 : i32
          %add3A_586 = arith.addi %add3A_549, %add3A_585 : i32
          %get3A_587 = arith.index_cast %add3A_586 : i32 to index
          %get3A_588 = arith.constant 80 : index
          %get3A_589 = tpu.vector_load %arg6[%get3A_587, %get3A_588] {strides = array<i32>} : memref<400x128xf32, #tpu.memory_space<vmem>>, vector<16xf32>,
          %add3A_590 = arith.addf %while3A_536, %get3A_589 : vector<16xf32>
          %max3A_591 = arith.maximumf %while3A_544, %get3A_589 : vector<16xf32>
          %add3A_592 = arith.constant 0 : i32
          %add3A_593 = arith.addi %add3A_549, %add3A_592 : i32
          %get3A_594 = arith.index_cast %add3A_593 : i32 to index
          %get3A_595 = arith.constant 96 : index
          %get3A_596 = tpu.vector_load %arg6[%get3A_594, %get3A_595] {strides = array<i32>} : memref<400x128xf32, #tpu.memory_space<vmem>>, vector<16xf32>,
          %add3A_597 = arith.addf %while3A_537, %get3A_596 : vector<16xf32>
          %max3A_598 = arith.maximumf %while3A_545, %get3A_596 : vector<16xf32>
          %add3A_599 = arith.constant 0 : i32
          %add3A_600 = arith.addi %add3A_549, %add3A_599 : i32
          %get3A_601 = arith.index_cast %add3A_600 : i32 to index
          %get3A_602 = arith.constant 112 : index
          %get3A_603 = tpu.vector_load %arg6[%get3A_601, %get3A_602] {strides = array<i32>} : memref<400x128xf32, #tpu.memory_space<vmem>>, vector<16xf32>,
          %add3A_604 = arith.addf %while3A_538, %get3A_603 : vector<16xf32>
          %max3A_605 = arith.maximumf %while3A_546, %get3A_603 : vector<16xf32>
          %add3A_606 = arith.constant 1 : i32
          %add3A_607 = arith.addi %add3A_549, %add3A_606 : i32
          %get3A_608 = arith.index_cast %add3A_607 : i32 to index
          %get3A_609 = arith.constant 0 : index
          %get3A_610 = tpu.vector_load %arg6[%get3A_608, %get3A_609] {strides = array<i32>} : memref<400x128xf32, #tpu.memory_space<vmem>>, vector<16xf32>,
          %add3A_611 = arith.addf %add3A_555, %get3A_610 : vector<16xf32>
          %max3A_612 = arith.maximumf %max3A_556, %get3A_610 : vector<16xf32>
          %add3A_613 = arith.constant 1 : i32
          %add3A_614 = arith.addi %add3A_549, %add3A_613 : i32
          %get3A_615 = arith.index_cast %add3A_614 : i32 to index
          %get3A_616 = arith.constant 16 : index
          %get3A_617 = tpu.vector_load %arg6[%get3A_615, %get3A_616] {strides = array<i32>} : memref<400x128xf32, #tpu.memory_space<vmem>>, vector<16xf32>,
          %add3A_618 = arith.addf %add3A_562, %get3A_617 : vector<16xf32>
          %max3A_619 = arith.maximumf %max3A_563, %get3A_617 : vector<16xf32>
          %add3A_620 = arith.constant 1 : i32
          %add3A_621 = arith.addi %add3A_549, %add3A_620 : i32
          %get3A_622 = arith.index_cast %add3A_621 : i32 to index
          %get3A_623 = arith.constant 32 : index
          %get3A_624 = tpu.vector_load %arg6[%get3A_622, %get3A_623] {strides = array<i32>} : memref<400x128xf32, #tpu.memory_space<vmem>>, vector<16xf32>,
          %add3A_625 = arith.addf %add3A_569, %get3A_624 : vector<16xf32>
          %max3A_626 = arith.maximumf %max3A_570, %get3A_624 : vector<16xf32>
          %add3A_627 = arith.constant 1 : i32
          %add3A_628 = arith.addi %add3A_549, %add3A_627 : i32
          %get3A_629 = arith.index_cast %add3A_628 : i32 to index
          %get3A_630 = arith.constant 48 : index
          %get3A_631 = tpu.vector_load %arg6[%get3A_629, %get3A_630] {strides = array<i32>} : memref<400x128xf32, #tpu.memory_space<vmem>>, vector<16xf32>,
          %add3A_632 = arith.addf %add3A_576, %get3A_631 : vector<16xf32>
          %max3A_633 = arith.maximumf %max3A_577, %get3A_631 : vector<16xf32>
          %add3A_634 = arith.constant 1 : i32
          %add3A_635 = arith.addi %add3A_549, %add3A_634 : i32
          %get3A_636 = arith.index_cast %add3A_635 : i32 to index
          %get3A_637 = arith.constant 64 : index
          %get3A_638 = tpu.vector_load %arg6[%get3A_636, %get3A_637] {strides = array<i32>} : memref<400x128xf32, #tpu.memory_space<vmem>>, vector<16xf32>,
          %add3A_639 = arith.addf %add3A_583, %get3A_638 : vector<16xf32>
          %max3A_640 = arith.maximumf %max3A_584, %get3A_638 : vector<16xf32>
          %add3A_641 = arith.constant 1 : i32
          %add3A_642 = arith.addi %add3A_549, %add3A_641 : i32
          %get3A_643 = arith.index_cast %add3A_642 : i32 to index
          %get3A_644 = arith.constant 80 : index
          %get3A_645 = tpu.vector_load %arg6[%get3A_643, %get3A_644] {strides = array<i32>} : memref<400x128xf32, #tpu.memory_space<vmem>>, vector<16xf32>,
          %add3A_646 = arith.addf %add3A_590, %get3A_645 : vector<16xf32>
          %max3A_647 = arith.maximumf %max3A_591, %get3A_645 : vector<16xf32>
          %add3A_648 = arith.constant 1 : i32
          %add3A_649 = arith.addi %add3A_549, %add3A_648 : i32
          %get3A_650 = arith.index_cast %add3A_649 : i32 to index
          %get3A_651 = arith.constant 96 : index
          %get3A_652 = tpu.vector_load %arg6[%get3A_650, %get3A_651] {strides = array<i32>} : memref<400x128xf32, #tpu.memory_space<vmem>>, vector<16xf32>,
          %add3A_653 = arith.addf %add3A_597, %get3A_652 : vector<16xf32>
          %max3A_654 = arith.maximumf %max3A_598, %get3A_652 : vector<16xf32>
          %add3A_655 = arith.constant 1 : i32
          %add3A_656 = arith.addi %add3A_549, %add3A_655 : i32
          %get3A_657 = arith.index_cast %add3A_656 : i32 to index
          %get3A_658 = arith.constant 112 : index
          %get3A_659 = tpu.vector_load %arg6[%get3A_657, %get3A_658] {strides = array<i32>} : memref<400x128xf32, #tpu.memory_space<vmem>>, vector<16xf32>,
          %add3A_660 = arith.addf %add3A_604, %get3A_659 : vector<16xf32>
          %max3A_661 = arith.maximumf %max3A_605, %get3A_659 : vector<16xf32>
          %add3A_662 = arith.constant 2 : i32
          %add3A_663 = arith.addi %add3A_549, %add3A_662 : i32
          %get3A_664 = arith.index_cast %add3A_663 : i32 to index
          %get3A_665 = arith.constant 0 : index
          %get3A_666 = tpu.vector_load %arg6[%get3A_664, %get3A_665] {strides = array<i32>} : memref<400x128xf32, #tpu.memory_space<vmem>>, vector<16xf32>,
          %add3A_667 = arith.addf %add3A_611, %get3A_666 : vector<16xf32>
          %max3A_668 = arith.maximumf %max3A_612, %get3A_666 : vector<16xf32>
          %add3A_669 = arith.constant 2 : i32
          %add3A_670 = arith.addi %add3A_549, %add3A_669 : i32
          %get3A_671 = arith.index_cast %add3A_670 : i32 to index
          %get3A_672 = arith.constant 16 : index
          %get3A_673 = tpu.vector_load %arg6[%get3A_671, %get3A_672] {strides = array<i32>} : memref<400x128xf32, #tpu.memory_space<vmem>>, vector<16xf32>,
          %add3A_674 = arith.addf %add3A_618, %get3A_673 : vector<16xf32>
          %max3A_675 = arith.maximumf %max3A_619, %get3A_673 : vector<16xf32>
          %add3A_676 = arith.constant 2 : i32
          %add3A_677 = arith.addi %add3A_549, %add3A_676 : i32
          %get3A_678 = arith.index_cast %add3A_677 : i32 to index
          %get3A_679 = arith.constant 32 : index
          %get3A_680 = tpu.vector_load %arg6[%get3A_678, %get3A_679] {strides = array<i32>} : memref<400x128xf32, #tpu.memory_space<vmem>>, vector<16xf32>,
          %add3A_681 = arith.addf %add3A_625, %get3A_680 : vector<16xf32>
          %max3A_682 = arith.maximumf %max3A_626, %get3A_680 : vector<16xf32>
          %add3A_683 = arith.constant 2 : i32
          %add3A_684 = arith.addi %add3A_549, %add3A_683 : i32
          %get3A_685 = arith.index_cast %add3A_684 : i32 to index
          %get3A_686 = arith.constant 48 : index
          %get3A_687 = tpu.vector_load %arg6[%get3A_685, %get3A_686] {strides = array<i32>} : memref<400x128xf32, #tpu.memory_space<vmem>>, vector<16xf32>,
          %add3A_688 = arith.addf %add3A_632, %get3A_687 : vector<16xf32>
          %max3A_689 = arith.maximumf %max3A_633, %get3A_687 : vector<16xf32>
          %add3A_690 = arith.constant 2 : i32
          %add3A_691 = arith.addi %add3A_549, %add3A_690 : i32
          %get3A_692 = arith.index_cast %add3A_691 : i32 to index
          %get3A_693 = arith.constant 64 : index
          %get3A_694 = tpu.vector_load %arg6[%get3A_692, %get3A_693] {strides = array<i32>} : memref<400x128xf32, #tpu.memory_space<vmem>>, vector<16xf32>,
          %add3A_695 = arith.addf %add3A_639, %get3A_694 : vector<16xf32>
          %max3A_696 = arith.maximumf %max3A_640, %get3A_694 : vector<16xf32>
          %add3A_697 = arith.constant 2 : i32
          %add3A_698 = arith.addi %add3A_549, %add3A_697 : i32
          %get3A_699 = arith.index_cast %add3A_698 : i32 to index
          %get3A_700 = arith.constant 80 : index
          %get3A_701 = tpu.vector_load %arg6[%get3A_699, %get3A_700] {strides = array<i32>} : memref<400x128xf32, #tpu.memory_space<vmem>>, vector<16xf32>,
          %add3A_702 = arith.addf %add3A_646, %get3A_701 : vector<16xf32>
          %max3A_703 = arith.maximumf %max3A_647, %get3A_701 : vector<16xf32>
          %add3A_704 = arith.constant 2 : i32
          %add3A_705 = arith.addi %add3A_549, %add3A_704 : i32
          %get3A_706 = arith.index_cast %add3A_705 : i32 to index
          %get3A_707 = arith.constant 96 : index
          %get3A_708 = tpu.vector_load %arg6[%get3A_706, %get3A_707] {strides = array<i32>} : memref<400x128xf32, #tpu.memory_space<vmem>>, vector<16xf32>,
          %add3A_709 = arith.addf %add3A_653, %get3A_708 : vector<16xf32>
          %max3A_710 = arith.maximumf %max3A_654, %get3A_708 : vector<16xf32>
          %add3A_711 = arith.constant 2 : i32
          %add3A_712 = arith.addi %add3A_549, %add3A_711 : i32
          %get3A_713 = arith.index_cast %add3A_712 : i32 to index
          %get3A_714 = arith.constant 112 : index
          %get3A_715 = tpu.vector_load %arg6[%get3A_713, %get3A_714] {strides = array<i32>} : memref<400x128xf32, #tpu.memory_space<vmem>>, vector<16xf32>,
          %add3A_716 = arith.addf %add3A_660, %get3A_715 : vector<16xf32>
          %max3A_717 = arith.maximumf %max3A_661, %get3A_715 : vector<16xf32>
          %add3A_718 = arith.constant 3 : i32
          %add3A_719 = arith.addi %add3A_549, %add3A_718 : i32
          %get3A_720 = arith.index_cast %add3A_719 : i32 to index
          %get3A_721 = arith.constant 0 : index
          %get3A_722 = tpu.vector_load %arg6[%get3A_720, %get3A_721] {strides = array<i32>} : memref<400x128xf32, #tpu.memory_space<vmem>>, vector<16xf32>,
          %add3A_723 = arith.addf %add3A_667, %get3A_722 : vector<16xf32>
          %max3A_724 = arith.maximumf %max3A_668, %get3A_722 : vector<16xf32>
          %add3A_725 = arith.constant 3 : i32
          %add3A_726 = arith.addi %add3A_549, %add3A_725 : i32
          %get3A_727 = arith.index_cast %add3A_726 : i32 to index
          %get3A_728 = arith.constant 16 : index
          %get3A_729 = tpu.vector_load %arg6[%get3A_727, %get3A_728] {strides = array<i32>} : memref<400x128xf32, #tpu.memory_space<vmem>>, vector<16xf32>,
          %add3A_730 = arith.addf %add3A_674, %get3A_729 : vector<16xf32>
          %max3A_731 = arith.maximumf %max3A_675, %get3A_729 : vector<16xf32>
          %add3A_732 = arith.constant 3 : i32
          %add3A_733 = arith.addi %add3A_549, %add3A_732 : i32
          %get3A_734 = arith.index_cast %add3A_733 : i32 to index
          %get3A_735 = arith.constant 32 : index
          %get3A_736 = tpu.vector_load %arg6[%get3A_734, %get3A_735] {strides = array<i32>} : memref<400x128xf32, #tpu.memory_space<vmem>>, vector<16xf32>,
          %add3A_737 = arith.addf %add3A_681, %get3A_736 : vector<16xf32>
          %max3A_738 = arith.maximumf %max3A_682, %get3A_736 : vector<16xf32>
          %add3A_739 = arith.constant 3 : i32
          %add3A_740 = arith.addi %add3A_549, %add3A_739 : i32
          %get3A_741 = arith.index_cast %add3A_740 : i32 to index
          %get3A_742 = arith.constant 48 : index
          %get3A_743 = tpu.vector_load %arg6[%get3A_741, %get3A_742] {strides = array<i32>} : memref<400x128xf32, #tpu.memory_space<vmem>>, vector<16xf32>,
          %add3A_744 = arith.addf %add3A_688, %get3A_743 : vector<16xf32>
          %max3A_745 = arith.maximumf %max3A_689, %get3A_743 : vector<16xf32>
          %add3A_746 = arith.constant 3 : i32
          %add3A_747 = arith.addi %add3A_549, %add3A_746 : i32
          %get3A_748 = arith.index_cast %add3A_747 : i32 to index
          %get3A_749 = arith.constant 64 : index
          %get3A_750 = tpu.vector_load %arg6[%get3A_748, %get3A_749] {strides = array<i32>} : memref<400x128xf32, #tpu.memory_space<vmem>>, vector<16xf32>,
          %add3A_751 = arith.addf %add3A_695, %get3A_750 : vector<16xf32>
          %max3A_752 = arith.maximumf %max3A_696, %get3A_750 : vector<16xf32>
          %add3A_753 = arith.constant 3 : i32
          %add3A_754 = arith.addi %add3A_549, %add3A_753 : i32
          %get3A_755 = arith.index_cast %add3A_754 : i32 to index
          %get3A_756 = arith.constant 80 : index
          %get3A_757 = tpu.vector_load %arg6[%get3A_755, %get3A_756] {strides = array<i32>} : memref<400x128xf32, #tpu.memory_space<vmem>>, vector<16xf32>,
          %add3A_758 = arith.addf %add3A_702, %get3A_757 : vector<16xf32>
          %max3A_759 = arith.maximumf %max3A_703, %get3A_757 : vector<16xf32>
          %add3A_760 = arith.constant 3 : i32
          %add3A_761 = arith.addi %add3A_549, %add3A_760 : i32
          %get3A_762 = arith.index_cast %add3A_761 : i32 to index
          %get3A_763 = arith.constant 96 : index
          %get3A_764 = tpu.vector_load %arg6[%get3A_762, %get3A_763] {strides = array<i32>} : memref<400x128xf32, #tpu.memory_space<vmem>>, vector<16xf32>,
          %add3A_765 = arith.addf %add3A_709, %get3A_764 : vector<16xf32>
          %max3A_766 = arith.maximumf %max3A_710, %get3A_764 : vector<16xf32>
          %add3A_767 = arith.constant 3 : i32
          %add3A_768 = arith.addi %add3A_549, %add3A_767 : i32
          %get3A_769 = arith.index_cast %add3A_768 : i32 to index
          %get3A_770 = arith.constant 112 : index
          %get3A_771 = tpu.vector_load %arg6[%get3A_769, %get3A_770] {strides = array<i32>} : memref<400x128xf32, #tpu.memory_space<vmem>>, vector<16xf32>,
          %add3A_772 = arith.addf %add3A_716, %get3A_771 : vector<16xf32>
          %max3A_773 = arith.maximumf %max3A_717, %get3A_771 : vector<16xf32>
          scf.yield %add3A_723, %add3A_730, %add3A_737, %add3A_744, %add3A_751, %add3A_758, %add3A_765, %add3A_772, %max3A_724, %max3A_731, %max3A_738, %max3A_745, %max3A_752, %max3A_759, %max3A_766, %max3A_773 : vector<16xf32>, vector<16xf32>, vector<16xf32>, vector<16xf32>, vector<16xf32>, vector<16xf32>, vector<16xf32>, vector<16xf32>, vector<16xf32>, vector<16xf32>, vector<16xf32>, vector<16xf32>, vector<16xf32>, vector<16xf32>, vector<16xf32>, vector<16xf32>
        }
        %while3A_513 = arith.constant 1 : i32
        %while3A_514:16 = scf.for %while3A_530 = %while3A_510 to %while3A_506 step %while3A_513 iter_args(%while3A_531 = %while3A_512#0, %while3A_532 = %while3A_512#1, %while3A_533 = %while3A_512#2, %while3A_534 = %while3A_512#3, %while3A_535 = %while3A_512#4, %while3A_536 = %while3A_512#5, %while3A_537 = %while3A_512#6, %while3A_538 = %while3A_512#7, %while3A_539 = %while3A_512#8, %while3A_540 = %while3A_512#9, %while3A_541 = %while3A_512#10, %while3A_542 = %while3A_512#11, %while3A_543 = %while3A_512#12, %while3A_544 = %while3A_512#13, %while3A_545 = %while3A_512#14, %while3A_546 = %while3A_512#15) -> (vector<16xf32>, vector<16xf32>, vector<16xf32>, vector<16xf32>, vector<16xf32>, vector<16xf32>, vector<16xf32>, vector<16xf32>, vector<16xf32>, vector<16xf32>, vector<16xf32>, vector<16xf32>, vector<16xf32>, vector<16xf32>, vector<16xf32>, vector<16xf32>)  : i32 {
          %mul3A_547 = arith.constant 4 : i32
          %mul3A_548 = arith.muli %mul3A_547, %while3A_530 : i32
          %add3A_549 = arith.addi %while3A_409, %mul3A_548 : i32
          %add3A_550 = arith.constant 0 : i32
          %add3A_551 = arith.addi %add3A_549, %add3A_550 : i32
          %get3A_552 = arith.index_cast %add3A_551 : i32 to index
          %get3A_553 = arith.constant 0 : index
          %get3A_554 = tpu.vector_load %arg6[%get3A_552, %get3A_553] {strides = array<i32>} : memref<400x128xf32, #tpu.memory_space<vmem>>, vector<16xf32>,
          %add3A_555 = arith.addf %while3A_531, %get3A_554 : vector<16xf32>
          %max3A_556 = arith.maximumf %while3A_539, %get3A_554 : vector<16xf32>
          %add3A_557 = arith.constant 0 : i32
          %add3A_558 = arith.addi %add3A_549, %add3A_557 : i32
          %get3A_559 = arith.index_cast %add3A_558 : i32 to index
          %get3A_560 = arith.constant 16 : index
          %get3A_561 = tpu.vector_load %arg6[%get3A_559, %get3A_560] {strides = array<i32>} : memref<400x128xf32, #tpu.memory_space<vmem>>, vector<16xf32>,
          %add3A_562 = arith.addf %while3A_532, %get3A_561 : vector<16xf32>
          %max3A_563 = arith.maximumf %while3A_540, %get3A_561 : vector<16xf32>
          %add3A_564 = arith.constant 0 : i32
          %add3A_565 = arith.addi %add3A_549, %add3A_564 : i32
          %get3A_566 = arith.index_cast %add3A_565 : i32 to index
          %get3A_567 = arith.constant 32 : index
          %get3A_568 = tpu.vector_load %arg6[%get3A_566, %get3A_567] {strides = array<i32>} : memref<400x128xf32, #tpu.memory_space<vmem>>, vector<16xf32>,
          %add3A_569 = arith.addf %while3A_533, %get3A_568 : vector<16xf32>
          %max3A_570 = arith.maximumf %while3A_541, %get3A_568 : vector<16xf32>
          %add3A_571 = arith.constant 0 : i32
          %add3A_572 = arith.addi %add3A_549, %add3A_571 : i32
          %get3A_573 = arith.index_cast %add3A_572 : i32 to index
          %get3A_574 = arith.constant 48 : index
          %get3A_575 = tpu.vector_load %arg6[%get3A_573, %get3A_574] {strides = array<i32>} : memref<400x128xf32, #tpu.memory_space<vmem>>, vector<16xf32>,
          %add3A_576 = arith.addf %while3A_534, %get3A_575 : vector<16xf32>
          %max3A_577 = arith.maximumf %while3A_542, %get3A_575 : vector<16xf32>
          %add3A_578 = arith.constant 0 : i32
          %add3A_579 = arith.addi %add3A_549, %add3A_578 : i32
          %get3A_580 = arith.index_cast %add3A_579 : i32 to index
          %get3A_581 = arith.constant 64 : index
          %get3A_582 = tpu.vector_load %arg6[%get3A_580, %get3A_581] {strides = array<i32>} : memref<400x128xf32, #tpu.memory_space<vmem>>, vector<16xf32>,
          %add3A_583 = arith.addf %while3A_535, %get3A_582 : vector<16xf32>
          %max3A_584 = arith.maximumf %while3A_543, %get3A_582 : vector<16xf32>
          %add3A_585 = arith.constant 0 : i32
          %add3A_586 = arith.addi %add3A_549, %add3A_585 : i32
          %get3A_587 = arith.index_cast %add3A_586 : i32 to index
          %get3A_588 = arith.constant 80 : index
          %get3A_589 = tpu.vector_load %arg6[%get3A_587, %get3A_588] {strides = array<i32>} : memref<400x128xf32, #tpu.memory_space<vmem>>, vector<16xf32>,
          %add3A_590 = arith.addf %while3A_536, %get3A_589 : vector<16xf32>
          %max3A_591 = arith.maximumf %while3A_544, %get3A_589 : vector<16xf32>
          %add3A_592 = arith.constant 0 : i32
          %add3A_593 = arith.addi %add3A_549, %add3A_592 : i32
          %get3A_594 = arith.index_cast %add3A_593 : i32 to index
          %get3A_595 = arith.constant 96 : index
          %get3A_596 = tpu.vector_load %arg6[%get3A_594, %get3A_595] {strides = array<i32>} : memref<400x128xf32, #tpu.memory_space<vmem>>, vector<16xf32>,
          %add3A_597 = arith.addf %while3A_537, %get3A_596 : vector<16xf32>
          %max3A_598 = arith.maximumf %while3A_545, %get3A_596 : vector<16xf32>
          %add3A_599 = arith.constant 0 : i32
          %add3A_600 = arith.addi %add3A_549, %add3A_599 : i32
          %get3A_601 = arith.index_cast %add3A_600 : i32 to index
          %get3A_602 = arith.constant 112 : index
          %get3A_603 = tpu.vector_load %arg6[%get3A_601, %get3A_602] {strides = array<i32>} : memref<400x128xf32, #tpu.memory_space<vmem>>, vector<16xf32>,
          %add3A_604 = arith.addf %while3A_538, %get3A_603 : vector<16xf32>
          %max3A_605 = arith.maximumf %while3A_546, %get3A_603 : vector<16xf32>
          %add3A_606 = arith.constant 1 : i32
          %add3A_607 = arith.addi %add3A_549, %add3A_606 : i32
          %get3A_608 = arith.index_cast %add3A_607 : i32 to index
          %get3A_609 = arith.constant 0 : index
          %get3A_610 = tpu.vector_load %arg6[%get3A_608, %get3A_609] {strides = array<i32>} : memref<400x128xf32, #tpu.memory_space<vmem>>, vector<16xf32>,
          %add3A_611 = arith.addf %add3A_555, %get3A_610 : vector<16xf32>
          %max3A_612 = arith.maximumf %max3A_556, %get3A_610 : vector<16xf32>
          %add3A_613 = arith.constant 1 : i32
          %add3A_614 = arith.addi %add3A_549, %add3A_613 : i32
          %get3A_615 = arith.index_cast %add3A_614 : i32 to index
          %get3A_616 = arith.constant 16 : index
          %get3A_617 = tpu.vector_load %arg6[%get3A_615, %get3A_616] {strides = array<i32>} : memref<400x128xf32, #tpu.memory_space<vmem>>, vector<16xf32>,
          %add3A_618 = arith.addf %add3A_562, %get3A_617 : vector<16xf32>
          %max3A_619 = arith.maximumf %max3A_563, %get3A_617 : vector<16xf32>
          %add3A_620 = arith.constant 1 : i32
          %add3A_621 = arith.addi %add3A_549, %add3A_620 : i32
          %get3A_622 = arith.index_cast %add3A_621 : i32 to index
          %get3A_623 = arith.constant 32 : index
          %get3A_624 = tpu.vector_load %arg6[%get3A_622, %get3A_623] {strides = array<i32>} : memref<400x128xf32, #tpu.memory_space<vmem>>, vector<16xf32>,
          %add3A_625 = arith.addf %add3A_569, %get3A_624 : vector<16xf32>
          %max3A_626 = arith.maximumf %max3A_570, %get3A_624 : vector<16xf32>
          %add3A_627 = arith.constant 1 : i32
          %add3A_628 = arith.addi %add3A_549, %add3A_627 : i32
          %get3A_629 = arith.index_cast %add3A_628 : i32 to index
          %get3A_630 = arith.constant 48 : index
          %get3A_631 = tpu.vector_load %arg6[%get3A_629, %get3A_630] {strides = array<i32>} : memref<400x128xf32, #tpu.memory_space<vmem>>, vector<16xf32>,
          %add3A_632 = arith.addf %add3A_576, %get3A_631 : vector<16xf32>
          %max3A_633 = arith.maximumf %max3A_577, %get3A_631 : vector<16xf32>
          %add3A_634 = arith.constant 1 : i32
          %add3A_635 = arith.addi %add3A_549, %add3A_634 : i32
          %get3A_636 = arith.index_cast %add3A_635 : i32 to index
          %get3A_637 = arith.constant 64 : index
          %get3A_638 = tpu.vector_load %arg6[%get3A_636, %get3A_637] {strides = array<i32>} : memref<400x128xf32, #tpu.memory_space<vmem>>, vector<16xf32>,
          %add3A_639 = arith.addf %add3A_583, %get3A_638 : vector<16xf32>
          %max3A_640 = arith.maximumf %max3A_584, %get3A_638 : vector<16xf32>
          %add3A_641 = arith.constant 1 : i32
          %add3A_642 = arith.addi %add3A_549, %add3A_641 : i32
          %get3A_643 = arith.index_cast %add3A_642 : i32 to index
          %get3A_644 = arith.constant 80 : index
          %get3A_645 = tpu.vector_load %arg6[%get3A_643, %get3A_644] {strides = array<i32>} : memref<400x128xf32, #tpu.memory_space<vmem>>, vector<16xf32>,
          %add3A_646 = arith.addf %add3A_590, %get3A_645 : vector<16xf32>
          %max3A_647 = arith.maximumf %max3A_591, %get3A_645 : vector<16xf32>
          %add3A_648 = arith.constant 1 : i32
          %add3A_649 = arith.addi %add3A_549, %add3A_648 : i32
          %get3A_650 = arith.index_cast %add3A_649 : i32 to index
          %get3A_651 = arith.constant 96 : index
          %get3A_652 = tpu.vector_load %arg6[%get3A_650, %get3A_651] {strides = array<i32>} : memref<400x128xf32, #tpu.memory_space<vmem>>, vector<16xf32>,
          %add3A_653 = arith.addf %add3A_597, %get3A_652 : vector<16xf32>
          %max3A_654 = arith.maximumf %max3A_598, %get3A_652 : vector<16xf32>
          %add3A_655 = arith.constant 1 : i32
          %add3A_656 = arith.addi %add3A_549, %add3A_655 : i32
          %get3A_657 = arith.index_cast %add3A_656 : i32 to index
          %get3A_658 = arith.constant 112 : index
          %get3A_659 = tpu.vector_load %arg6[%get3A_657, %get3A_658] {strides = array<i32>} : memref<400x128xf32, #tpu.memory_space<vmem>>, vector<16xf32>,
          %add3A_660 = arith.addf %add3A_604, %get3A_659 : vector<16xf32>
          %max3A_661 = arith.maximumf %max3A_605, %get3A_659 : vector<16xf32>
          %add3A_662 = arith.constant 2 : i32
          %add3A_663 = arith.addi %add3A_549, %add3A_662 : i32
          %get3A_664 = arith.index_cast %add3A_663 : i32 to index
          %get3A_665 = arith.constant 0 : index
          %get3A_666 = tpu.vector_load %arg6[%get3A_664, %get3A_665] {strides = array<i32>} : memref<400x128xf32, #tpu.memory_space<vmem>>, vector<16xf32>,
          %add3A_667 = arith.addf %add3A_611, %get3A_666 : vector<16xf32>
          %max3A_668 = arith.maximumf %max3A_612, %get3A_666 : vector<16xf32>
          %add3A_669 = arith.constant 2 : i32
          %add3A_670 = arith.addi %add3A_549, %add3A_669 : i32
          %get3A_671 = arith.index_cast %add3A_670 : i32 to index
          %get3A_672 = arith.constant 16 : index
          %get3A_673 = tpu.vector_load %arg6[%get3A_671, %get3A_672] {strides = array<i32>} : memref<400x128xf32, #tpu.memory_space<vmem>>, vector<16xf32>,
          %add3A_674 = arith.addf %add3A_618, %get3A_673 : vector<16xf32>
          %max3A_675 = arith.maximumf %max3A_619, %get3A_673 : vector<16xf32>
          %add3A_676 = arith.constant 2 : i32
          %add3A_677 = arith.addi %add3A_549, %add3A_676 : i32
          %get3A_678 = arith.index_cast %add3A_677 : i32 to index
          %get3A_679 = arith.constant 32 : index
          %get3A_680 = tpu.vector_load %arg6[%get3A_678, %get3A_679] {strides = array<i32>} : memref<400x128xf32, #tpu.memory_space<vmem>>, vector<16xf32>,
          %add3A_681 = arith.addf %add3A_625, %get3A_680 : vector<16xf32>
          %max3A_682 = arith.maximumf %max3A_626, %get3A_680 : vector<16xf32>
          %add3A_683 = arith.constant 2 : i32
          %add3A_684 = arith.addi %add3A_549, %add3A_683 : i32
          %get3A_685 = arith.index_cast %add3A_684 : i32 to index
          %get3A_686 = arith.constant 48 : index
          %get3A_687 = tpu.vector_load %arg6[%get3A_685, %get3A_686] {strides = array<i32>} : memref<400x128xf32, #tpu.memory_space<vmem>>, vector<16xf32>,
          %add3A_688 = arith.addf %add3A_632, %get3A_687 : vector<16xf32>
          %max3A_689 = arith.maximumf %max3A_633, %get3A_687 : vector<16xf32>
          %add3A_690 = arith.constant 2 : i32
          %add3A_691 = arith.addi %add3A_549, %add3A_690 : i32
          %get3A_692 = arith.index_cast %add3A_691 : i32 to index
          %get3A_693 = arith.constant 64 : index
          %get3A_694 = tpu.vector_load %arg6[%get3A_692, %get3A_693] {strides = array<i32>} : memref<400x128xf32, #tpu.memory_space<vmem>>, vector<16xf32>,
          %add3A_695 = arith.addf %add3A_639, %get3A_694 : vector<16xf32>
          %max3A_696 = arith.maximumf %max3A_640, %get3A_694 : vector<16xf32>
          %add3A_697 = arith.constant 2 : i32
          %add3A_698 = arith.addi %add3A_549, %add3A_697 : i32
          %get3A_699 = arith.index_cast %add3A_698 : i32 to index
          %get3A_700 = arith.constant 80 : index
          %get3A_701 = tpu.vector_load %arg6[%get3A_699, %get3A_700] {strides = array<i32>} : memref<400x128xf32, #tpu.memory_space<vmem>>, vector<16xf32>,
          %add3A_702 = arith.addf %add3A_646, %get3A_701 : vector<16xf32>
          %max3A_703 = arith.maximumf %max3A_647, %get3A_701 : vector<16xf32>
          %add3A_704 = arith.constant 2 : i32
          %add3A_705 = arith.addi %add3A_549, %add3A_704 : i32
          %get3A_706 = arith.index_cast %add3A_705 : i32 to index
          %get3A_707 = arith.constant 96 : index
          %get3A_708 = tpu.vector_load %arg6[%get3A_706, %get3A_707] {strides = array<i32>} : memref<400x128xf32, #tpu.memory_space<vmem>>, vector<16xf32>,
          %add3A_709 = arith.addf %add3A_653, %get3A_708 : vector<16xf32>
          %max3A_710 = arith.maximumf %max3A_654, %get3A_708 : vector<16xf32>
          %add3A_711 = arith.constant 2 : i32
          %add3A_712 = arith.addi %add3A_549, %add3A_711 : i32
          %get3A_713 = arith.index_cast %add3A_712 : i32 to index
          %get3A_714 = arith.constant 112 : index
          %get3A_715 = tpu.vector_load %arg6[%get3A_713, %get3A_714] {strides = array<i32>} : memref<400x128xf32, #tpu.memory_space<vmem>>, vector<16xf32>,
          %add3A_716 = arith.addf %add3A_660, %get3A_715 : vector<16xf32>
          %max3A_717 = arith.maximumf %max3A_661, %get3A_715 : vector<16xf32>
          %add3A_718 = arith.constant 3 : i32
          %add3A_719 = arith.addi %add3A_549, %add3A_718 : i32
          %get3A_720 = arith.index_cast %add3A_719 : i32 to index
          %get3A_721 = arith.constant 0 : index
          %get3A_722 = tpu.vector_load %arg6[%get3A_720, %get3A_721] {strides = array<i32>} : memref<400x128xf32, #tpu.memory_space<vmem>>, vector<16xf32>,
          %add3A_723 = arith.addf %add3A_667, %get3A_722 : vector<16xf32>
          %max3A_724 = arith.maximumf %max3A_668, %get3A_722 : vector<16xf32>
          %add3A_725 = arith.constant 3 : i32
          %add3A_726 = arith.addi %add3A_549, %add3A_725 : i32
          %get3A_727 = arith.index_cast %add3A_726 : i32 to index
          %get3A_728 = arith.constant 16 : index
          %get3A_729 = tpu.vector_load %arg6[%get3A_727, %get3A_728] {strides = array<i32>} : memref<400x128xf32, #tpu.memory_space<vmem>>, vector<16xf32>,
          %add3A_730 = arith.addf %add3A_674, %get3A_729 : vector<16xf32>
          %max3A_731 = arith.maximumf %max3A_675, %get3A_729 : vector<16xf32>
          %add3A_732 = arith.constant 3 : i32
          %add3A_733 = arith.addi %add3A_549, %add3A_732 : i32
          %get3A_734 = arith.index_cast %add3A_733 : i32 to index
          %get3A_735 = arith.constant 32 : index
          %get3A_736 = tpu.vector_load %arg6[%get3A_734, %get3A_735] {strides = array<i32>} : memref<400x128xf32, #tpu.memory_space<vmem>>, vector<16xf32>,
          %add3A_737 = arith.addf %add3A_681, %get3A_736 : vector<16xf32>
          %max3A_738 = arith.maximumf %max3A_682, %get3A_736 : vector<16xf32>
          %add3A_739 = arith.constant 3 : i32
          %add3A_740 = arith.addi %add3A_549, %add3A_739 : i32
          %get3A_741 = arith.index_cast %add3A_740 : i32 to index
          %get3A_742 = arith.constant 48 : index
          %get3A_743 = tpu.vector_load %arg6[%get3A_741, %get3A_742] {strides = array<i32>} : memref<400x128xf32, #tpu.memory_space<vmem>>, vector<16xf32>,
          %add3A_744 = arith.addf %add3A_688, %get3A_743 : vector<16xf32>
          %max3A_745 = arith.maximumf %max3A_689, %get3A_743 : vector<16xf32>
          %add3A_746 = arith.constant 3 : i32
          %add3A_747 = arith.addi %add3A_549, %add3A_746 : i32
          %get3A_748 = arith.index_cast %add3A_747 : i32 to index
          %get3A_749 = arith.constant 64 : index
          %get3A_750 = tpu.vector_load %arg6[%get3A_748, %get3A_749] {strides = array<i32>} : memref<400x128xf32, #tpu.memory_space<vmem>>, vector<16xf32>,
          %add3A_751 = arith.addf %add3A_695, %get3A_750 : vector<16xf32>
          %max3A_752 = arith.maximumf %max3A_696, %get3A_750 : vector<16xf32>
          %add3A_753 = arith.constant 3 : i32
          %add3A_754 = arith.addi %add3A_549, %add3A_753 : i32
          %get3A_755 = arith.index_cast %add3A_754 : i32 to index
          %get3A_756 = arith.constant 80 : index
          %get3A_757 = tpu.vector_load %arg6[%get3A_755, %get3A_756] {strides = array<i32>} : memref<400x128xf32, #tpu.memory_space<vmem>>, vector<16xf32>,
          %add3A_758 = arith.addf %add3A_702, %get3A_757 : vector<16xf32>
          %max3A_759 = arith.maximumf %max3A_703, %get3A_757 : vector<16xf32>
          %add3A_760 = arith.constant 3 : i32
          %add3A_761 = arith.addi %add3A_549, %add3A_760 : i32
          %get3A_762 = arith.index_cast %add3A_761 : i32 to index
          %get3A_763 = arith.constant 96 : index
          %get3A_764 = tpu.vector_load %arg6[%get3A_762, %get3A_763] {strides = array<i32>} : memref<400x128xf32, #tpu.memory_space<vmem>>, vector<16xf32>,
          %add3A_765 = arith.addf %add3A_709, %get3A_764 : vector<16xf32>
          %max3A_766 = arith.maximumf %max3A_710, %get3A_764 : vector<16xf32>
          %add3A_767 = arith.constant 3 : i32
          %add3A_768 = arith.addi %add3A_549, %add3A_767 : i32
          %get3A_769 = arith.index_cast %add3A_768 : i32 to index
          %get3A_770 = arith.constant 112 : index
          %get3A_771 = tpu.vector_load %arg6[%get3A_769, %get3A_770] {strides = array<i32>} : memref<400x128xf32, #tpu.memory_space<vmem>>, vector<16xf32>,
          %add3A_772 = arith.addf %add3A_716, %get3A_771 : vector<16xf32>
          %max3A_773 = arith.maximumf %max3A_717, %get3A_771 : vector<16xf32>
          scf.yield %add3A_723, %add3A_730, %add3A_737, %add3A_744, %add3A_751, %add3A_758, %add3A_765, %add3A_772, %max3A_724, %max3A_731, %max3A_738, %max3A_745, %max3A_752, %max3A_759, %max3A_766, %max3A_773 : vector<16xf32>, vector<16xf32>, vector<16xf32>, vector<16xf32>, vector<16xf32>, vector<16xf32>, vector<16xf32>, vector<16xf32>, vector<16xf32>, vector<16xf32>, vector<16xf32>, vector<16xf32>, vector<16xf32>, vector<16xf32>, vector<16xf32>, vector<16xf32>
        }
        %mul3A_515 = arith.constant 4 : i32
        %mul3A_516 = arith.muli %mul3A_515, %select_n3A_503 : i32
        %add3A_517 = arith.addi %while3A_409, %mul3A_516 : i32
        %while3A_518 = arith.subi %select_n3A_478, %add3A_517 : i32
        %while3A_519 = arith.addi %add3A_517, %while3A_518 : i32
        %while3A_520 = arith.constant 1 : i32
        %while3A_521 = arith.divsi %while3A_518, %while3A_520 : i32
        %while3A_522 = arith.muli %while3A_521, %while3A_520 : i32
        %while3A_523 = arith.addi %add3A_517, %while3A_522 : i32
        %while3A_524 = arith.constant 1 : i32
        %while3A_525:16 = scf.for %while3A_530 = %add3A_517 to %while3A_523 step %while3A_524 iter_args(%while3A_531 = %while3A_514#0, %while3A_532 = %while3A_514#1, %while3A_533 = %while3A_514#2, %while3A_534 = %while3A_514#3, %while3A_535 = %while3A_514#4, %while3A_536 = %while3A_514#5, %while3A_537 = %while3A_514#6, %while3A_538 = %while3A_514#7, %while3A_539 = %while3A_514#8, %while3A_540 = %while3A_514#9, %while3A_541 = %while3A_514#10, %while3A_542 = %while3A_514#11, %while3A_543 = %while3A_514#12, %while3A_544 = %while3A_514#13, %while3A_545 = %while3A_514#14, %while3A_546 = %while3A_514#15) -> (vector<16xf32>, vector<16xf32>, vector<16xf32>, vector<16xf32>, vector<16xf32>, vector<16xf32>, vector<16xf32>, vector<16xf32>, vector<16xf32>, vector<16xf32>, vector<16xf32>, vector<16xf32>, vector<16xf32>, vector<16xf32>, vector<16xf32>, vector<16xf32>)  : i32 {
          %add3A_547 = arith.constant 0 : i32
          %add3A_548 = arith.addi %while3A_530, %add3A_547 : i32
          %get3A_549 = arith.index_cast %add3A_548 : i32 to index
          %get3A_550 = arith.constant 0 : index
          %get3A_551 = tpu.vector_load %arg6[%get3A_549, %get3A_550] {strides = array<i32>} : memref<400x128xf32, #tpu.memory_space<vmem>>, vector<16xf32>,
          %add3A_552 = arith.addf %while3A_531, %get3A_551 : vector<16xf32>
          %max3A_553 = arith.maximumf %while3A_539, %get3A_551 : vector<16xf32>
          %add3A_554 = arith.constant 0 : i32
          %add3A_555 = arith.addi %while3A_530, %add3A_554 : i32
          %get3A_556 = arith.index_cast %add3A_555 : i32 to index
          %get3A_557 = arith.constant 16 : index
          %get3A_558 = tpu.vector_load %arg6[%get3A_556, %get3A_557] {strides = array<i32>} : memref<400x128xf32, #tpu.memory_space<vmem>>, vector<16xf32>,
          %add3A_559 = arith.addf %while3A_532, %get3A_558 : vector<16xf32>
          %max3A_560 = arith.maximumf %while3A_540, %get3A_558 : vector<16xf32>
          %add3A_561 = arith.constant 0 : i32
          %add3A_562 = arith.addi %while3A_530, %add3A_561 : i32
          %get3A_563 = arith.index_cast %add3A_562 : i32 to index
          %get3A_564 = arith.constant 32 : index
          %get3A_565 = tpu.vector_load %arg6[%get3A_563, %get3A_564] {strides = array<i32>} : memref<400x128xf32, #tpu.memory_space<vmem>>, vector<16xf32>,
          %add3A_566 = arith.addf %while3A_533, %get3A_565 : vector<16xf32>
          %max3A_567 = arith.maximumf %while3A_541, %get3A_565 : vector<16xf32>
          %add3A_568 = arith.constant 0 : i32
          %add3A_569 = arith.addi %while3A_530, %add3A_568 : i32
          %get3A_570 = arith.index_cast %add3A_569 : i32 to index
          %get3A_571 = arith.constant 48 : index
          %get3A_572 = tpu.vector_load %arg6[%get3A_570, %get3A_571] {strides = array<i32>} : memref<400x128xf32, #tpu.memory_space<vmem>>, vector<16xf32>,
          %add3A_573 = arith.addf %while3A_534, %get3A_572 : vector<16xf32>
          %max3A_574 = arith.maximumf %while3A_542, %get3A_572 : vector<16xf32>
          %add3A_575 = arith.constant 0 : i32
          %add3A_576 = arith.addi %while3A_530, %add3A_575 : i32
          %get3A_577 = arith.index_cast %add3A_576 : i32 to index
          %get3A_578 = arith.constant 64 : index
          %get3A_579 = tpu.vector_load %arg6[%get3A_577, %get3A_578] {strides = array<i32>} : memref<400x128xf32, #tpu.memory_space<vmem>>, vector<16xf32>,
          %add3A_580 = arith.addf %while3A_535, %get3A_579 : vector<16xf32>
          %max3A_581 = arith.maximumf %while3A_543, %get3A_579 : vector<16xf32>
          %add3A_582 = arith.constant 0 : i32
          %add3A_583 = arith.addi %while3A_530, %add3A_582 : i32
          %get3A_584 = arith.index_cast %add3A_583 : i32 to index
          %get3A_585 = arith.constant 80 : index
          %get3A_586 = tpu.vector_load %arg6[%get3A_584, %get3A_585] {strides = array<i32>} : memref<400x128xf32, #tpu.memory_space<vmem>>, vector<16xf32>,
          %add3A_587 = arith.addf %while3A_536, %get3A_586 : vector<16xf32>
          %max3A_588 = arith.maximumf %while3A_544, %get3A_586 : vector<16xf32>
          %add3A_589 = arith.constant 0 : i32
          %add3A_590 = arith.addi %while3A_530, %add3A_589 : i32
          %get3A_591 = arith.index_cast %add3A_590 : i32 to index
          %get3A_592 = arith.constant 96 : index
          %get3A_593 = tpu.vector_load %arg6[%get3A_591, %get3A_592] {strides = array<i32>} : memref<400x128xf32, #tpu.memory_space<vmem>>, vector<16xf32>,
          %add3A_594 = arith.addf %while3A_537, %get3A_593 : vector<16xf32>
          %max3A_595 = arith.maximumf %while3A_545, %get3A_593 : vector<16xf32>
          %add3A_596 = arith.constant 0 : i32
          %add3A_597 = arith.addi %while3A_530, %add3A_596 : i32
          %get3A_598 = arith.index_cast %add3A_597 : i32 to index
          %get3A_599 = arith.constant 112 : index
          %get3A_600 = tpu.vector_load %arg6[%get3A_598, %get3A_599] {strides = array<i32>} : memref<400x128xf32, #tpu.memory_space<vmem>>, vector<16xf32>,
          %add3A_601 = arith.addf %while3A_538, %get3A_600 : vector<16xf32>
          %max3A_602 = arith.maximumf %while3A_546, %get3A_600 : vector<16xf32>
          scf.yield %add3A_552, %add3A_559, %add3A_566, %add3A_573, %add3A_580, %add3A_587, %add3A_594, %add3A_601, %max3A_553, %max3A_560, %max3A_567, %max3A_574, %max3A_581, %max3A_588, %max3A_595, %max3A_602 : vector<16xf32>, vector<16xf32>, vector<16xf32>, vector<16xf32>, vector<16xf32>, vector<16xf32>, vector<16xf32>, vector<16xf32>, vector<16xf32>, vector<16xf32>, vector<16xf32>, vector<16xf32>, vector<16xf32>, vector<16xf32>, vector<16xf32>, vector<16xf32>
        }
        %while3A_526 = arith.constant 1 : i32
        %while3A_527:16 = scf.for %while3A_530 = %while3A_523 to %while3A_519 step %while3A_526 iter_args(%while3A_531 = %while3A_525#0, %while3A_532 = %while3A_525#1, %while3A_533 = %while3A_525#2, %while3A_534 = %while3A_525#3, %while3A_535 = %while3A_525#4, %while3A_536 = %while3A_525#5, %while3A_537 = %while3A_525#6, %while3A_538 = %while3A_525#7, %while3A_539 = %while3A_525#8, %while3A_540 = %while3A_525#9, %while3A_541 = %while3A_525#10, %while3A_542 = %while3A_525#11, %while3A_543 = %while3A_525#12, %while3A_544 = %while3A_525#13, %while3A_545 = %while3A_525#14, %while3A_546 = %while3A_525#15) -> (vector<16xf32>, vector<16xf32>, vector<16xf32>, vector<16xf32>, vector<16xf32>, vector<16xf32>, vector<16xf32>, vector<16xf32>, vector<16xf32>, vector<16xf32>, vector<16xf32>, vector<16xf32>, vector<16xf32>, vector<16xf32>, vector<16xf32>, vector<16xf32>)  : i32 {
          %add3A_547 = arith.constant 0 : i32
          %add3A_548 = arith.addi %while3A_530, %add3A_547 : i32
          %get3A_549 = arith.index_cast %add3A_548 : i32 to index
          %get3A_550 = arith.constant 0 : index
          %get3A_551 = tpu.vector_load %arg6[%get3A_549, %get3A_550] {strides = array<i32>} : memref<400x128xf32, #tpu.memory_space<vmem>>, vector<16xf32>,
          %add3A_552 = arith.addf %while3A_531, %get3A_551 : vector<16xf32>
          %max3A_553 = arith.maximumf %while3A_539, %get3A_551 : vector<16xf32>
          %add3A_554 = arith.constant 0 : i32
          %add3A_555 = arith.addi %while3A_530, %add3A_554 : i32
          %get3A_556 = arith.index_cast %add3A_555 : i32 to index
          %get3A_557 = arith.constant 16 : index
          %get3A_558 = tpu.vector_load %arg6[%get3A_556, %get3A_557] {strides = array<i32>} : memref<400x128xf32, #tpu.memory_space<vmem>>, vector<16xf32>,
          %add3A_559 = arith.addf %while3A_532, %get3A_558 : vector<16xf32>
          %max3A_560 = arith.maximumf %while3A_540, %get3A_558 : vector<16xf32>
          %add3A_561 = arith.constant 0 : i32
          %add3A_562 = arith.addi %while3A_530, %add3A_561 : i32
          %get3A_563 = arith.index_cast %add3A_562 : i32 to index
          %get3A_564 = arith.constant 32 : index
          %get3A_565 = tpu.vector_load %arg6[%get3A_563, %get3A_564] {strides = array<i32>} : memref<400x128xf32, #tpu.memory_space<vmem>>, vector<16xf32>,
          %add3A_566 = arith.addf %while3A_533, %get3A_565 : vector<16xf32>
          %max3A_567 = arith.maximumf %while3A_541, %get3A_565 : vector<16xf32>
          %add3A_568 = arith.constant 0 : i32
          %add3A_569 = arith.addi %while3A_530, %add3A_568 : i32
          %get3A_570 = arith.index_cast %add3A_569 : i32 to index
          %get3A_571 = arith.constant 48 : index
          %get3A_572 = tpu.vector_load %arg6[%get3A_570, %get3A_571] {strides = array<i32>} : memref<400x128xf32, #tpu.memory_space<vmem>>, vector<16xf32>,
          %add3A_573 = arith.addf %while3A_534, %get3A_572 : vector<16xf32>
          %max3A_574 = arith.maximumf %while3A_542, %get3A_572 : vector<16xf32>
          %add3A_575 = arith.constant 0 : i32
          %add3A_576 = arith.addi %while3A_530, %add3A_575 : i32
          %get3A_577 = arith.index_cast %add3A_576 : i32 to index
          %get3A_578 = arith.constant 64 : index
          %get3A_579 = tpu.vector_load %arg6[%get3A_577, %get3A_578] {strides = array<i32>} : memref<400x128xf32, #tpu.memory_space<vmem>>, vector<16xf32>,
          %add3A_580 = arith.addf %while3A_535, %get3A_579 : vector<16xf32>
          %max3A_581 = arith.maximumf %while3A_543, %get3A_579 : vector<16xf32>
          %add3A_582 = arith.constant 0 : i32
          %add3A_583 = arith.addi %while3A_530, %add3A_582 : i32
          %get3A_584 = arith.index_cast %add3A_583 : i32 to index
          %get3A_585 = arith.constant 80 : index
          %get3A_586 = tpu.vector_load %arg6[%get3A_584, %get3A_585] {strides = array<i32>} : memref<400x128xf32, #tpu.memory_space<vmem>>, vector<16xf32>,
          %add3A_587 = arith.addf %while3A_536, %get3A_586 : vector<16xf32>
          %max3A_588 = arith.maximumf %while3A_544, %get3A_586 : vector<16xf32>
          %add3A_589 = arith.constant 0 : i32
          %add3A_590 = arith.addi %while3A_530, %add3A_589 : i32
          %get3A_591 = arith.index_cast %add3A_590 : i32 to index
          %get3A_592 = arith.constant 96 : index
          %get3A_593 = tpu.vector_load %arg6[%get3A_591, %get3A_592] {strides = array<i32>} : memref<400x128xf32, #tpu.memory_space<vmem>>, vector<16xf32>,
          %add3A_594 = arith.addf %while3A_537, %get3A_593 : vector<16xf32>
          %max3A_595 = arith.maximumf %while3A_545, %get3A_593 : vector<16xf32>
          %add3A_596 = arith.constant 0 : i32
          %add3A_597 = arith.addi %while3A_530, %add3A_596 : i32
          %get3A_598 = arith.index_cast %add3A_597 : i32 to index
          %get3A_599 = arith.constant 112 : index
          %get3A_600 = tpu.vector_load %arg6[%get3A_598, %get3A_599] {strides = array<i32>} : memref<400x128xf32, #tpu.memory_space<vmem>>, vector<16xf32>,
          %add3A_601 = arith.addf %while3A_538, %get3A_600 : vector<16xf32>
          %max3A_602 = arith.maximumf %while3A_546, %get3A_600 : vector<16xf32>
          scf.yield %add3A_552, %add3A_559, %add3A_566, %add3A_573, %add3A_580, %add3A_587, %add3A_594, %add3A_601, %max3A_553, %max3A_560, %max3A_567, %max3A_574, %max3A_581, %max3A_588, %max3A_595, %max3A_602 : vector<16xf32>, vector<16xf32>, vector<16xf32>, vector<16xf32>, vector<16xf32>, vector<16xf32>, vector<16xf32>, vector<16xf32>, vector<16xf32>, vector<16xf32>, vector<16xf32>, vector<16xf32>, vector<16xf32>, vector<16xf32>, vector<16xf32>, vector<16xf32>
        }
        %sub3A_528 = arith.subi %select_n3A_478, %while3A_409 : i32
        %add3A_529 = arith.addi %select_n3A_472, %sub3A_528 : i32
        scf.yield %select_n3A_478, %squeeze3A_431, %add3A_529, %while3A_527#0, %while3A_527#1, %while3A_527#2, %while3A_527#3, %while3A_527#4, %while3A_527#5, %while3A_527#6, %while3A_527#7, %while3A_527#8, %while3A_527#9, %while3A_527#10, %while3A_527#11, %while3A_527#12, %while3A_527#13, %while3A_527#14, %while3A_527#15 : i32, i32, i32, vector<16xf32>, vector<16xf32>, vector<16xf32>, vector<16xf32>, vector<16xf32>, vector<16xf32>, vector<16xf32>, vector<16xf32>, vector<16xf32>, vector<16xf32>, vector<16xf32>, vector<16xf32>, vector<16xf32>, vector<16xf32>, vector<16xf32>, vector<16xf32>
      }
      scf.yield %while3A_408#1, %while3A_408#2, %while3A_408#3, %while3A_408#4, %while3A_408#5, %while3A_408#6, %while3A_408#7, %while3A_408#8, %while3A_408#9, %while3A_408#10, %while3A_408#11, %while3A_408#12, %while3A_408#13, %while3A_408#14, %while3A_408#15, %while3A_408#16, %while3A_408#17, %while3A_408#18 : i32, i32, vector<16xf32>, vector<16xf32>, vector<16xf32>, vector<16xf32>, vector<16xf32>, vector<16xf32>, vector<16xf32>, vector<16xf32>, vector<16xf32>, vector<16xf32>, vector<16xf32>, vector<16xf32>, vector<16xf32>, vector<16xf32>, vector<16xf32>, vector<16xf32>
    }
    %gt3A_329 = arith.constant 0 : i32
    %gt3A_330 = arith.cmpi sgt, %while3A_328#1, %gt3A_329 : i32
    %convert_element_type3A_331 = arith.extui %gt3A_330 : i1 to i32
    %cond3A_332 = arith.constant 0 : i32
    %cond3A_333 = arith.cmpi ne, %convert_element_type3A_331, %cond3A_332 : i32
    scf.if %cond3A_333 {
      %sub3A_334 = arith.subi %while3A_328#0, %mul3A_2 : i32
      %broadcast_in_dim3A_335 = vector.broadcast %while3A_328#1 : i32 to vector<16xi32>
      %convert_element_type3A_336 = arith.sitofp %broadcast_in_dim3A_335 : vector<16xi32> to vector<16xf32>
      %div3A_337 = arith.constant 1.000000e+00 : f32
      %div3A_338 = vector.broadcast %div3A_337 : f32 to vector<16xf32>
      %div3A_339 = arith.divf %div3A_338, %convert_element_type3A_336 : vector<16xf32>
      %mul3A_340 = arith.mulf %while3A_328#2, %div3A_339 : vector<16xf32>
      %swap3A_341 = arith.index_cast %sub3A_334 : i32 to index
      %swap3A_342 = arith.constant 0 : index
      %swap3A_343 = tpu.vector_load %arg13[%swap3A_341, %swap3A_342] {strides = array<i32>} : memref<32x384xf32, #tpu.memory_space<vmem>>, vector<16xf32>,
      tpu.vector_store %arg13[%swap3A_341, %swap3A_342], %mul3A_340 {strides = array<i32>} : memref<32x384xf32, #tpu.memory_space<vmem>>, vector<16xf32>,
      %swap3A_344 = arith.index_cast %sub3A_334 : i32 to index
      %swap3A_345 = arith.constant 128 : index
      %swap3A_346 = tpu.vector_load %arg13[%swap3A_344, %swap3A_345] {strides = array<i32>} : memref<32x384xf32, #tpu.memory_space<vmem>>, vector<16xf32>,
      tpu.vector_store %arg13[%swap3A_344, %swap3A_345], %while3A_328#10 {strides = array<i32>} : memref<32x384xf32, #tpu.memory_space<vmem>>, vector<16xf32>,
      %swap3A_347 = arith.index_cast %sub3A_334 : i32 to index
      %swap3A_348 = arith.constant 256 : index
      %swap3A_349 = tpu.vector_load %arg13[%swap3A_347, %swap3A_348] {strides = array<i32>} : memref<32x384xf32, #tpu.memory_space<vmem>>, vector<16xf32>,
      tpu.vector_store %arg13[%swap3A_347, %swap3A_348], %while3A_328#2 {strides = array<i32>} : memref<32x384xf32, #tpu.memory_space<vmem>>, vector<16xf32>,
      %mul3A_350 = arith.mulf %while3A_328#3, %div3A_339 : vector<16xf32>
      %swap3A_351 = arith.index_cast %sub3A_334 : i32 to index
      %swap3A_352 = arith.constant 16 : index
      %swap3A_353 = tpu.vector_load %arg13[%swap3A_351, %swap3A_352] {strides = array<i32>} : memref<32x384xf32, #tpu.memory_space<vmem>>, vector<16xf32>,
      tpu.vector_store %arg13[%swap3A_351, %swap3A_352], %mul3A_350 {strides = array<i32>} : memref<32x384xf32, #tpu.memory_space<vmem>>, vector<16xf32>,
      %swap3A_354 = arith.index_cast %sub3A_334 : i32 to index
      %swap3A_355 = arith.constant 144 : index
      %swap3A_356 = tpu.vector_load %arg13[%swap3A_354, %swap3A_355] {strides = array<i32>} : memref<32x384xf32, #tpu.memory_space<vmem>>, vector<16xf32>,
      tpu.vector_store %arg13[%swap3A_354, %swap3A_355], %while3A_328#11 {strides = array<i32>} : memref<32x384xf32, #tpu.memory_space<vmem>>, vector<16xf32>,
      %swap3A_357 = arith.index_cast %sub3A_334 : i32 to index
      %swap3A_358 = arith.constant 272 : index
      %swap3A_359 = tpu.vector_load %arg13[%swap3A_357, %swap3A_358] {strides = array<i32>} : memref<32x384xf32, #tpu.memory_space<vmem>>, vector<16xf32>,
      tpu.vector_store %arg13[%swap3A_357, %swap3A_358], %while3A_328#3 {strides = array<i32>} : memref<32x384xf32, #tpu.memory_space<vmem>>, vector<16xf32>,
      %mul3A_360 = arith.mulf %while3A_328#4, %div3A_339 : vector<16xf32>
      %swap3A_361 = arith.index_cast %sub3A_334 : i32 to index
      %swap3A_362 = arith.constant 32 : index
      %swap3A_363 = tpu.vector_load %arg13[%swap3A_361, %swap3A_362] {strides = array<i32>} : memref<32x384xf32, #tpu.memory_space<vmem>>, vector<16xf32>,
      tpu.vector_store %arg13[%swap3A_361, %swap3A_362], %mul3A_360 {strides = array<i32>} : memref<32x384xf32, #tpu.memory_space<vmem>>, vector<16xf32>,
      %swap3A_364 = arith.index_cast %sub3A_334 : i32 to index
      %swap3A_365 = arith.constant 160 : index
      %swap3A_366 = tpu.vector_load %arg13[%swap3A_364, %swap3A_365] {strides = array<i32>} : memref<32x384xf32, #tpu.memory_space<vmem>>, vector<16xf32>,
      tpu.vector_store %arg13[%swap3A_364, %swap3A_365], %while3A_328#12 {strides = array<i32>} : memref<32x384xf32, #tpu.memory_space<vmem>>, vector<16xf32>,
      %swap3A_367 = arith.index_cast %sub3A_334 : i32 to index
      %swap3A_368 = arith.constant 288 : index
      %swap3A_369 = tpu.vector_load %arg13[%swap3A_367, %swap3A_368] {strides = array<i32>} : memref<32x384xf32, #tpu.memory_space<vmem>>, vector<16xf32>,
      tpu.vector_store %arg13[%swap3A_367, %swap3A_368], %while3A_328#4 {strides = array<i32>} : memref<32x384xf32, #tpu.memory_space<vmem>>, vector<16xf32>,
      %mul3A_370 = arith.mulf %while3A_328#5, %div3A_339 : vector<16xf32>
      %swap3A_371 = arith.index_cast %sub3A_334 : i32 to index
      %swap3A_372 = arith.constant 48 : index
      %swap3A_373 = tpu.vector_load %arg13[%swap3A_371, %swap3A_372] {strides = array<i32>} : memref<32x384xf32, #tpu.memory_space<vmem>>, vector<16xf32>,
      tpu.vector_store %arg13[%swap3A_371, %swap3A_372], %mul3A_370 {strides = array<i32>} : memref<32x384xf32, #tpu.memory_space<vmem>>, vector<16xf32>,
      %swap3A_374 = arith.index_cast %sub3A_334 : i32 to index
      %swap3A_375 = arith.constant 176 : index
      %swap3A_376 = tpu.vector_load %arg13[%swap3A_374, %swap3A_375] {strides = array<i32>} : memref<32x384xf32, #tpu.memory_space<vmem>>, vector<16xf32>,
      tpu.vector_store %arg13[%swap3A_374, %swap3A_375], %while3A_328#13 {strides = array<i32>} : memref<32x384xf32, #tpu.memory_space<vmem>>, vector<16xf32>,
      %swap3A_377 = arith.index_cast %sub3A_334 : i32 to index
      %swap3A_378 = arith.constant 304 : index
      %swap3A_379 = tpu.vector_load %arg13[%swap3A_377, %swap3A_378] {strides = array<i32>} : memref<32x384xf32, #tpu.memory_space<vmem>>, vector<16xf32>,
      tpu.vector_store %arg13[%swap3A_377, %swap3A_378], %while3A_328#5 {strides = array<i32>} : memref<32x384xf32, #tpu.memory_space<vmem>>, vector<16xf32>,
      %mul3A_380 = arith.mulf %while3A_328#6, %div3A_339 : vector<16xf32>
      %swap3A_381 = arith.index_cast %sub3A_334 : i32 to index
      %swap3A_382 = arith.constant 64 : index
      %swap3A_383 = tpu.vector_load %arg13[%swap3A_381, %swap3A_382] {strides = array<i32>} : memref<32x384xf32, #tpu.memory_space<vmem>>, vector<16xf32>,
      tpu.vector_store %arg13[%swap3A_381, %swap3A_382], %mul3A_380 {strides = array<i32>} : memref<32x384xf32, #tpu.memory_space<vmem>>, vector<16xf32>,
      %swap3A_384 = arith.index_cast %sub3A_334 : i32 to index
      %swap3A_385 = arith.constant 192 : index
      %swap3A_386 = tpu.vector_load %arg13[%swap3A_384, %swap3A_385] {strides = array<i32>} : memref<32x384xf32, #tpu.memory_space<vmem>>, vector<16xf32>,
      tpu.vector_store %arg13[%swap3A_384, %swap3A_385], %while3A_328#14 {strides = array<i32>} : memref<32x384xf32, #tpu.memory_space<vmem>>, vector<16xf32>,
      %swap3A_387 = arith.index_cast %sub3A_334 : i32 to index
      %swap3A_388 = arith.constant 320 : index
      %swap3A_389 = tpu.vector_load %arg13[%swap3A_387, %swap3A_388] {strides = array<i32>} : memref<32x384xf32, #tpu.memory_space<vmem>>, vector<16xf32>,
      tpu.vector_store %arg13[%swap3A_387, %swap3A_388], %while3A_328#6 {strides = array<i32>} : memref<32x384xf32, #tpu.memory_space<vmem>>, vector<16xf32>,
      %mul3A_390 = arith.mulf %while3A_328#7, %div3A_339 : vector<16xf32>
      %swap3A_391 = arith.index_cast %sub3A_334 : i32 to index
      %swap3A_392 = arith.constant 80 : index
      %swap3A_393 = tpu.vector_load %arg13[%swap3A_391, %swap3A_392] {strides = array<i32>} : memref<32x384xf32, #tpu.memory_space<vmem>>, vector<16xf32>,
      tpu.vector_store %arg13[%swap3A_391, %swap3A_392], %mul3A_390 {strides = array<i32>} : memref<32x384xf32, #tpu.memory_space<vmem>>, vector<16xf32>,
      %swap3A_394 = arith.index_cast %sub3A_334 : i32 to index
      %swap3A_395 = arith.constant 208 : index
      %swap3A_396 = tpu.vector_load %arg13[%swap3A_394, %swap3A_395] {strides = array<i32>} : memref<32x384xf32, #tpu.memory_space<vmem>>, vector<16xf32>,
      tpu.vector_store %arg13[%swap3A_394, %swap3A_395], %while3A_328#15 {strides = array<i32>} : memref<32x384xf32, #tpu.memory_space<vmem>>, vector<16xf32>,
      %swap3A_397 = arith.index_cast %sub3A_334 : i32 to index
      %swap3A_398 = arith.constant 336 : index
      %swap3A_399 = tpu.vector_load %arg13[%swap3A_397, %swap3A_398] {strides = array<i32>} : memref<32x384xf32, #tpu.memory_space<vmem>>, vector<16xf32>,
      tpu.vector_store %arg13[%swap3A_397, %swap3A_398], %while3A_328#7 {strides = array<i32>} : memref<32x384xf32, #tpu.memory_space<vmem>>, vector<16xf32>,
      %mul3A_400 = arith.mulf %while3A_328#8, %div3A_339 : vector<16xf32>
      %swap3A_401 = arith.index_cast %sub3A_334 : i32 to index
      %swap3A_402 = arith.constant 96 : index
      %swap3A_403 = tpu.vector_load %arg13[%swap3A_401, %swap3A_402] {strides = array<i32>} : memref<32x384xf32, #tpu.memory_space<vmem>>, vector<16xf32>,
      tpu.vector_store %arg13[%swap3A_401, %swap3A_402], %mul3A_400 {strides = array<i32>} : memref<32x384xf32, #tpu.memory_space<vmem>>, vector<16xf32>,
      %swap3A_404 = arith.index_cast %sub3A_334 : i32 to index
      %swap3A_405 = arith.constant 224 : index
      %swap3A_406 = tpu.vector_load %arg13[%swap3A_404, %swap3A_405] {strides = array<i32>} : memref<32x384xf32, #tpu.memory_space<vmem>>, vector<16xf32>,
      tpu.vector_store %arg13[%swap3A_404, %swap3A_405], %while3A_328#16 {strides = array<i32>} : memref<32x384xf32, #tpu.memory_space<vmem>>, vector<16xf32>,
      %swap3A_407 = arith.index_cast %sub3A_334 : i32 to index
      %swap3A_408 = arith.constant 352 : index
      %swap3A_409 = tpu.vector_load %arg13[%swap3A_407, %swap3A_408] {strides = array<i32>} : memref<32x384xf32, #tpu.memory_space<vmem>>, vector<16xf32>,
      tpu.vector_store %arg13[%swap3A_407, %swap3A_408], %while3A_328#8 {strides = array<i32>} : memref<32x384xf32, #tpu.memory_space<vmem>>, vector<16xf32>,
      %mul3A_410 = arith.mulf %while3A_328#9, %div3A_339 : vector<16xf32>
      %swap3A_411 = arith.index_cast %sub3A_334 : i32 to index
      %swap3A_412 = arith.constant 112 : index
      %swap3A_413 = tpu.vector_load %arg13[%swap3A_411, %swap3A_412] {strides = array<i32>} : memref<32x384xf32, #tpu.memory_space<vmem>>, vector<16xf32>,
      tpu.vector_store %arg13[%swap3A_411, %swap3A_412], %mul3A_410 {strides = array<i32>} : memref<32x384xf32, #tpu.memory_space<vmem>>, vector<16xf32>,
      %swap3A_414 = arith.index_cast %sub3A_334 : i32 to index
      %swap3A_415 = arith.constant 240 : index
      %swap3A_416 = tpu.vector_load %arg13[%swap3A_414, %swap3A_415] {strides = array<i32>} : memref<32x384xf32, #tpu.memory_space<vmem>>, vector<16xf32>,
      tpu.vector_store %arg13[%swap3A_414, %swap3A_415], %while3A_328#17 {strides = array<i32>} : memref<32x384xf32, #tpu.memory_space<vmem>>, vector<16xf32>,
      %swap3A_417 = arith.index_cast %sub3A_334 : i32 to index
      %swap3A_418 = arith.constant 368 : index
      %swap3A_419 = tpu.vector_load %arg13[%swap3A_417, %swap3A_418] {strides = array<i32>} : memref<32x384xf32, #tpu.memory_space<vmem>>, vector<16xf32>,
      tpu.vector_store %arg13[%swap3A_417, %swap3A_418], %while3A_328#9 {strides = array<i32>} : memref<32x384xf32, #tpu.memory_space<vmem>>, vector<16xf32>,
    } else {
    }
    "tpu.region"() ({
      %run_scoped3A = tpu.sem_alloc : memref<!tpu.dma_semaphore, #tpu.memory_space<semaphore_mem>>
      %dma_start3A_334 = arith.constant 0 : i32
      %dma_start3A_335 = tpu.memref_slice %arg4[%mul3A_2, %dma_start3A_334] : memref<1024x384xf32, #tpu.memory_space<hbm>> -> memref<32x384xf32, #tpu.memory_space<hbm>>
      %dma_start3A_336 = arith.constant 0 : i32
      %dma_start3A_337 = tpu.memref_slice %arg4[%mul3A_2, %dma_start3A_336] : memref<1024x384xf32, #tpu.memory_space<hbm>> -> memref<32x384xf32, #tpu.memory_space<hbm>>
      tpu.enqueue_dma source(%arg13 : memref<32x384xf32, #tpu.memory_space<vmem>>) target(%dma_start3A_337 : memref<32x384xf32, #tpu.memory_space<hbm>>) target_semaphore(%run_scoped3A : memref<!tpu.dma_semaphore, #tpu.memory_space<semaphore_mem>>)
      %dma_wait3A_338 = arith.constant 0 : i32
      %dma_wait3A_339 = tpu.memref_slice %arg4[%mul3A_2, %dma_wait3A_338] : memref<1024x384xf32, #tpu.memory_space<hbm>> -> memref<32x384xf32, #tpu.memory_space<hbm>>
      %dma_wait3A_340 = arith.constant 0 : i32
      %dma_wait3A_341 = tpu.memref_slice %arg4[%mul3A_2, %dma_wait3A_340] : memref<1024x384xf32, #tpu.memory_space<hbm>> -> memref<32x384xf32, #tpu.memory_space<hbm>>
      tpu.wait_dma2 semaphore(%run_scoped3A : memref<!tpu.dma_semaphore, #tpu.memory_space<semaphore_mem>>) src(%arg13 : memref<32x384xf32, #tpu.memory_space<vmem>>) dst(%dma_wait3A_341 : memref<32x384xf32, #tpu.memory_space<hbm>>)
      tpu.yield
    }) : () -> ()
    return
  }
}

</mosaic_0001>

<sc_bundles>
// kernel: _pool.3.cloned.1.call-start
scs
__scs_entry_jumppad:
0x0: {  	(pc) =	sbr.rel $0x88, $3  }
0x1: {  	(tag) =	ssettag $0x0;
	lr =	simm.s32 $0x1  }
0x2: {  	[smem:$0x3F9F] =	sst lr;
	_ =	strace $0xD0000000  }
0x3: {  	_ = 	snop  }
0x4: {  	_ = 	snop  }
0x5: {  	_ = 	snop  }
0x6: {  	_ = 	snop  }
0x7: {  	_ = 	snop  }
__scs_overlays_trampoline_lowered:
0x8: {  	[smem:$0x3FAE] =	sst s0  }
0x9: {  	[smem:$0x3FAF] =	sst s1  }
0xa: {  	[smem:$0x3FB0] =	sst s2  }
0xb: {  	[smem:$0x3FB1] =	sst s3  }
0xc: {  	[smem:$0x3FB2] =	sst s4  }
0xd: {  	[smem:$0x3FB3] =	sst s5  }
0xe: {  	[smem:$0x3FB4] =	sst s6  }
0xf: {  	[smem:$0x3FB5] =	sst s7  }
0x10: {  	[smem:$0x3FB6] =	sst s8  }
0x11: {  	[smem:$0x3FB7] =	sst s9;
	s0 =	simm.s32 @!p0 $0x0  }
0x12: {  	s1 =	sld [smem:$0x3F9D];
	s0 =	simm.s32 @p0 $0x1  }
0x13: {  	[smem:$0x3FB8] =	sst s0;
	s0 =	simm.s32 @!p1 $0x0  }
0x14: {  	s2 =	sld [smem:$0x3F9C];
	s0 =	simm.s32 @p1 $0x1  }
0x15: {  	[smem:$0x3FB9] =	sst s0;
	s0 =	simm.s32 @!p2 $0x0  }
0x16: {  	s3 =	sld [smem:$0x3FDB];
	s0 =	simm.s32 @p2 $0x1  }
0x17: {  	s4 =	simm.s32 $0x1BF5;
	[smem:$0x3FBB] =	sst s0  }
0x18: {  	s0 =	sld [smem:$0x3F9E];
	_ =	swait.ge [sflag:s4], $0x0  }
0x19: {  	s7 =	sld [smem:$0x3F9F]  }
0x1a: {  	s8 =	sadd.s32 $0xFFFFE003, lr  }
0x1b: {  	s9 =	sadd.s32 $0xFFFFFEF7, lr;
	s5 =	simm.s32 $0xFFFFFFFF;
	p2 =	slt.u32 s8, $0xFFFFF086  }
0x1c: {  	p1 =	slt.u32 s9, $0xF7A;
	s5 =	simm.s32 @!p2 $0x0  }
0x1d: {  	s5 =	simm.s32 @p1 $0x1;
	p0 =	seq.s32 s7, s2  }
0x1e: {  	s7 =	smul.u32 @!p0 $0xF7A, s2;
	p2 =	seq.s32 @!p0 s5, $0x0  }
0x1f: {  	s9 =	smul.u32 $0xF7A, s1;
	s8 =	simm.s32 @!p0 $0x1BF5;
	p2 =	por !p2, p0  }
0x20: {  	[sflag:s8] =	ssyncset.s32 @!p0 $0xFFFFF086;
	s6 =	sadd.s32 @!p0 s3, s7;
	s7 =	simm.s32 @!p0 $0x108  }
0x21: {  	s3 =	sadd.s32 s3, s9;
	s6 =	sadd.s32 @!p0 $0x88, s6;
	s7 =	simm.s32 @p2 $0x1082  }
0x22: {  	[simem:s7], [sflag:s8] =	dma.local @!p0 [hbm:s6], $0xF7A  }
0x23: {  	s9 =	sor.u32 $0xD0000000, s2;
	s6 =	simm.s32 $0x108;
	_ =	swait.ge @!p0 [sflag:s8], $0x0  }
0x24: {  	s3 =	sadd.s32 $0x88, s3;
	s6 =	simm.s32 @!p1 $0x1082;
	[sflag:s4] =	ssyncset.s32 $0xFFFFF086  }
0x25: {  	[simem:s6], [sflag:s4] =	dma.local [hbm:s3], $0xF7A  }
0x26: {  	[smem:$0x3F9F] =	sst s1;
	(tag) =	ssettag s2;
	_ =	strace s9  }
0x27: {  	s1 =	sld [smem:$0x3FAF]  }
0x28: {  	s2 =	sld [smem:$0x3FB0]  }
0x29: {  	s4 =	sld [smem:$0x3FB2]  }
0x2a: {  	p0 =	seq.s32 s5, $0x0;
	s5 =	sld [smem:$0x3FB3]  }
0x2b: {  	s6 =	sld [smem:$0x3FB4]  }
0x2c: {  	s7 =	sld [smem:$0x3FB5]  }
0x2d: {  	s3 =	simm.s32 $0x108;
	s8 =	sld [smem:$0x3FB6]  }
0x2e: {  	s3 =	simm.s32 @!p0 $0x1082;
	s9 =	sld [smem:$0x3FB7]  }
0x2f: {  	lr =	sadd.s32 s0, s3;
	s0 =	sld [smem:$0x3FAE]  }
0x30: {  	s3 =	sld [smem:$0x3FB1]  }
0x31: {  	[smem:$0x3FBA] =	sst s10  }
0x32: {  	s10 =	sld [smem:$0x3FB8];
	_ =	sdelay $0x3  }
0x33: {  	p0 =	seq.s32 s10, $0x1;
	s10 =	sld [smem:$0x3FBA];
	_ =	sdelay $0x3  }
0x34: {  	[smem:$0x3FBA] =	sst s10  }
0x35: {  	s10 =	sld [smem:$0x3FB9];
	_ =	sdelay $0x3  }
0x36: {  	p1 =	seq.s32 s10, $0x1;
	s10 =	sld [smem:$0x3FBA];
	_ =	sdelay $0x3  }
0x37: {  	[smem:$0x3FBA] =	sst s10  }
0x38: {  	s10 =	sld [smem:$0x3FBB]  }
0x39: {  	_ = 	snop;
	(pc) =	sbr.ind lr, $3  }
0x3a: {  	_ = 	snop  }
0x3b: {  	_ = 	snop  }
0x3c: {  	p2 =	seq.s32 s10, $0x1;
	s10 =	sld [smem:$0x3FBA]  }
0x3d: {  	_ =	shalt  }
0x3e: {  	_ =	shalt  }
0x3f: {  	_ =	shalt  }
0x40: {  	_ =	shalt  }
0x41: {  	_ =	shalt  }
0x42: {  	_ =	shalt  }
0x43: {  	_ =	shalt  }
0x44: {  	_ =	shalt  }
0x45: {  	_ =	shalt  }
0x46: {  	_ =	shalt  }
0x47: {  	_ =	shalt  }
0x48: {  	_ =	shalt  }
0x49: {  	_ =	shalt  }
0x4a: {  	_ =	shalt  }
0x4b: {  	_ =	shalt  }
0x4c: {  	_ =	shalt  }
0x4d: {  	_ =	shalt  }
0x4e: {  	_ =	shalt  }
0x4f: {  	_ =	shalt  }
0x50: {  	_ =	shalt  }
0x51: {  	_ =	shalt  }
0x52: {  	_ =	shalt  }
0x53: {  	_ =	shalt  }
0x54: {  	_ =	shalt  }
0x55: {  	_ =	shalt  }
0x56: {  	_ =	shalt  }
0x57: {  	_ =	shalt  }
0x58: {  	_ =	shalt  }
0x59: {  	_ =	shalt  }
0x5a: {  	_ =	shalt  }
0x5b: {  	_ =	shalt  }
0x5c: {  	_ =	shalt  }
0x5d: {  	_ =	shalt  }
0x5e: {  	_ =	shalt  }
0x5f: {  	_ =	shalt  }
0x60: {  	_ =	shalt  }
0x61: {  	_ =	shalt  }
0x62: {  	_ =	shalt  }
0x63: {  	_ =	shalt  }
0x64: {  	_ =	shalt  }
0x65: {  	_ =	shalt  }
0x66: {  	_ =	shalt  }
0x67: {  	_ =	shalt  }
0x68: {  	_ =	shalt  }
0x69: {  	_ =	shalt  }
0x6a: {  	_ =	shalt  }
0x6b: {  	_ =	shalt  }
0x6c: {  	_ =	shalt  }
0x6d: {  	_ =	shalt  }
0x6e: {  	_ =	shalt  }
0x6f: {  	_ =	shalt  }
0x70: {  	_ =	shalt  }
0x71: {  	_ =	shalt  }
0x72: {  	_ =	shalt  }
0x73: {  	_ =	shalt  }
0x74: {  	_ =	shalt  }
0x75: {  	_ =	shalt  }
0x76: {  	_ =	shalt  }
0x77: {  	_ =	shalt  }
0x78: {  	_ =	shalt  }
0x79: {  	_ =	shalt  }
0x7a: {  	_ =	shalt  }
0x7b: {  	_ =	shalt  }
0x7c: {  	_ =	shalt  }
0x7d: {  	_ =	shalt  }
0x7e: {  	_ =	shalt  }
0x7f: {  	_ =	shalt  }
0x80: {  	_ =	shalt  }
0x81: {  	_ =	shalt  }
0x82: {  	_ =	shalt  }
0x83: {  	_ =	shalt  }
0x84: {  	_ =	shalt  }
0x85: {  	_ =	shalt  }
0x86: {  	_ =	shalt  }
0x87: {  	_ =	shalt  }
.Lfunc_end0:
.L_simem_size_0:
called_computation_lowered:
.L_overlay_start_0:
0x88: {  	s2 =	sld [smem:$0x3FD9]  }
0x89: {  	s3 =	sld [smem:$0x3FFE];
	_ =	sdelay $0x1  }
0x8a: {  	s1 =	srdreg.scid  }
0x8b: {  	s0 =	sand.u32 $0x1, s1  }
0x8c: {  	s18 =	sshll.u32 s0, $0xA;
	s2 =	sadd.s32 s3, s2  }
0x8d: {  	s2 =	sadd.s32 s2, s18  }
0x8e: {  	[smem:$0x3FC6] =	sst s2  }
0x8f: {  	_ = 	snop  }
0x90: {  	s2 =	sld [smem:$0x3FC9]  }
0x91: {  	s19 =	sld [smem:$0x3FC8]  }
0x92: {  	s4 =	sld [smem:$0x3FD0];
	(tm) =	ssettm $0x1  }
0x93: {  	s5 =	sld [smem:$0x3FFB];
	_ =	sdelay $0x3  }
0x94: {  	_ =	strace s5  }
0x95: {  	s5 =	sld [smem:$0x3FFC];
	_ =	sdelay $0x3  }
0x96: {  	_ =	strace s5  }
0x97: {  	s5 =	sld [smem:$0x3FFD];
	_ =	sdelay $0x3  }
0x98: {  	_ =	strace s5  }
0x99: {  	_ =	strace $0x8FFFFFFF  }
0x9a: {  	s20 =	sld [smem:$0x3FDB];
	_ =	sdelay $0x1  }
0x9b: {  	s6 =	simm.s32 $_scs_section_size  }
0x9c: {  	s7 =	simm.s32 $_size__tile_overlayer_lowered;
	s8 =	simm.s32 $_tile_overlayer_lowered  }
0x9d: {  	s23 =	simm.s32 $0x1BFF;
	s22 =	sshll.u32 s8, $0x1;
	s5 =	sadd.s32 s6, s20  }
0x9e: {  	s9 =	simm.s32 $0x0;
	s21 =	sshll.u32 s7, $0x1;
	s7 =	sadd.s32 s22, s5  }
0x9f: {  	[timem:s9], [sflag:s23] =	dma.local [hbm:s7], s21  }
0xa0: {  	_ =	swait.ge [sflag:s23], s21  }
0xa1: {  	s6 =	ssub.s32 $0x0, s21;
	[sflag:s23] =	ssyncset.done $0x0  }
0xa2: {  	[sflag:s23] =	ssyncadd.s32 s6;
	_ =	sdelay $0x1  }
0xa3: {  	s24 =	simm.s32 $0x1B8B  }
0xa4: {  	_ =	swait.ge [sflag:s24], $0x1  }
0xa5: {  	[sflag:s24] =	ssyncset.done $0x0  }
0xa6: {  	s25 =	simm.s32 $0x1B8E;
	[sflag:s24] =	ssyncadd.s32 $0xFFFFFFFF  }
0xa7: {  	s26 =	simm.s32 $execute0_lowered;
	[smem:$0x3FD2] =	sst s25  }
0xa8: {  	s6 =	sshll.u32 s26, $0x1;
	_ =	strace $0x80000046;
	[dreg:$0x1] =	wrdreg $0xFFFFFFFF  }
0xa9: {  	s28 =	simm.s32 $_size_execute0_lowered;
	s5 =	sadd.s32 s5, s6;
	[dreg:$0x0] =	wrdreg $0x0  }
0xaa: {  	s6 =	sshll.u32 s28, $0x1;
	[dreg:$0x2] =	wrdreg s5  }
0xab: {  	[dreg:$0x3] =	wrdreg s6  }
0xac: {  	[dreg:$0x4] =	wrdreg $0xC0  }
0xad: {  	_ =	task [dreg:s9], $0x5FFFF  }
0xae: {  	[dreg:$0x1] =	wrdreg $0xFFFFFFFF  }
0xaf: {  	[dreg:$0x0] =	wrdreg $0x60  }
0xb0: {  	[dreg:$0x2] =	wrdreg s2  }
0xb1: {  	[dreg:$0x3] =	wrdreg s19  }
0xb2: {  	[dreg:$0x4] =	wrdreg s4  }
0xb3: {  	[dreg:$0x5] =	wrdreg $0x9  }
0xb4: {  	_ =	task.clear_ibuf [dreg:s9], $0x6FFFF;
	_ =	strace $0x90000046  }
0xb5: {  	s29 =	simm.s32 $0x9;
	_ =	strace $0x80000048  }
0xb6: {  	_ =	swait.ge [sflag:s29], $0x1  }
0xb7: {  	[sflag:s29] =	ssyncadd.s32 $0xFFFFFFFF  }
0xb8: {  	_ =	strace $0x90000048  }
0xb9: {  	_ =	sfence  }
0xba: {  	s30 =	sld [smem:$0x0];
	_ =	sdelay $0x2  }
0xbb: {  	s31 =	sshll.u32 s1, $0xD;
	s1 =	sshrl.u32 s1, $0x2  }
0xbc: {  	s3 =	sand.u32 $0x4000, s31;
	s1 =	sadd.s32 s1, s30  }
0xbd: {  	s0 =	sor.u32 s3, s0;
	s1 =	sshll.u32 s1, $0x11  }
0xbe: {  	s0 =	sor.u32 s1, s0  }
0xbf: {  	s0 =	sadd.s32 $0x8F2B, s0  }
0xc0: {  	[sflag:s0] =	ssyncadd.remote.s32 $0x1  }
0xc1: {  	_ =	sfence.sel $0xFFFF  }
0xc2: {  	[dreg:$0x0] =	wrdreg $0xFFFFFFFF;
	(pc) =	sbr.abs _section_cstart, $3  }
0xc3: {  	[dreg:$0x1] =	wrdreg $0xFFFFFFFF  }
0xc4: {  	_ =	task.clear_ibuf [dreg:s9], $0x2FFFF;
	_ =	strace $0x9FFFFFFF  }
0xc5: {  	(tm) =	ssettm $0x7FFFFFFF  }
tec
execute0_lowered:
.L_overlay_start_1:
0x0: {  	(tag) =	ssettag $0x1  }
0x1: {  	s1 =	rddreg [dreg:$0x0]  }
0x2: {  	s0 =	srdreg.scid;
	s3 =	rddreg [dreg:$0x1]  }
0x3: {  	s4 =	stileid.u32;
	s2 =	rddreg [dreg:$0x2]  }
0x4: {  	s12 =	simm.s32 $0x1;
	s15 =	simm.s32 $0x2;
	s0 =	sand.u32 $0x1, s0  }
0x5: {  	s16 =	simm.s32 $0x1A500;
	s4 =	sshll.u32 s4, $0x6;
	s5 =	sshll.u32 s0, $0x5  }
.Ltmp0:
0x6: {  	v0 =	vlaneseq.u32;
	s17 =	simm.s32 $0x3;
	s4 =	sor.u32 s5, s4;
	(pc) =	sbr.rel .LBB2_1-.Ltmp0, $4  }
0x7: {  	v6 =	vimm.s32 $0x17ED0;
	s18 =	simm.s32 $0x0;
	v2 =	vmul.u32 $0x7D0, v0;
	s0 =	ssub.s32 $0x2, s0;
	s6 =	sshrl.u32 s4, $0x3  }
0x8: {  	vm0 =	vcmask $0x300;
	v7 =	vimm.f32 $0.0e+00;
	v8 =	vimm.s32 $0x40000000;
	s5 =	simm.s32 $0x0;
	s7 =	sshrl.u32 s0, $0x1;
	s8 =	smul.u32 $0x180, s6  }
0x9: {  	v6 =	vsel vm0, $0x17700, v6;
	vm0 =	vmmov $0x3;
	v4 =	vadd.s32 $0x7D00, v2;
	[smem:$0x7FF] =	sst s5;
	s0 =	ssub.s32 s0, s7;
	s6 =	sadd.s32 $0x20, s4  }
0xa: {  	v5 =	vadd.s32 $0xFA00, v2;
	v1 =	vmov s4;
	_ =	strace $0x80000047;
	v3 =	vmov s6;
	s7 =	sadd.s32 s2, s8;
	s8 =	smax.u32 s0, $0x1  }
.LBB2_42:
0xb: {  	p0 =	slt.s32 s25, $0x1  }
0xc: {  	v25 =	vmov @!p0 s25  }
0xd: {  	v25 =	vcvt.s32.f32 @!p0 v25;
	_ =	sdelay $0x1  }
0xe: {  	v25 =	vbroadcast @!p0 v25, $0x0;
	_ =	sdelay $0x1  }
0xf: {  	(erf) = vrcp.f32 @!p0 v25;
	_ =	sdelay $0x3  }
0x10: {  	s0 =	ssub.s32 @!p0 s28, s4  }
0x11: {  	s0 =	sshrl.u32 @!p0 s0, $0x3  }
0x12: {  	s0 =	smul.u32 @!p0 $0x3000, s0  }
0x13: {  	s2 =	sshll.u32 @!p0 s28, $0x7  }
0x14: {  	s2 =	sand.u32 @!p0 $0x380, s2;
	s0 =	sshra.s32 @!p0 s0, $0x2  }
0x15: {  	s0 =	sor.u32 @!p0 s2, s0;
	v25 =	vpop @!p0 (erf)  }
0x16: {  	[tilespmem:s0+$0x1A900] =	vst @!p0 v15;
	v26 =	vmul.f32 @!p0 v25, v18  }
0x17: {  	[tilespmem:s0+$0x1AD00] =	vst @!p0 v18;
	v15 =	vmul.f32 @!p0 v25, v20  }
0x18: {  	s2 =	sadd.s32 @!p0 $0x1A500, s0;
	[tilespmem:s0+$0x1A500] =	vst @!p0 v26  }
0x19: {  	s9 =	sadd.s32 @!p0 $0x1A900, s0;
	[tilespmem:s2+$0x10] =	vst @!p0 v15  }
0x1a: {  	s0 =	sadd.s32 @!p0 $0x1AD00, s0;
	[tilespmem:s9+$0x10] =	vst @!p0 v14;
	v14 =	vmul.f32 @!p0 v25, v21  }
0x1b: {  	[tilespmem:s0+$0x10] =	vst @!p0 v20  }
0x1c: {  	[tilespmem:s2+$0x20] =	vst @!p0 v14  }
0x1d: {  	[tilespmem:s9+$0x20] =	vst @!p0 v12;
	v12 =	vmul.f32 @!p0 v25, v24  }
0x1e: {  	[tilespmem:s0+$0x20] =	vst @!p0 v21  }
0x1f: {  	[tilespmem:s2+$0x30] =	vst @!p0 v12  }
0x20: {  	v12 =	vmul.f32 @!p0 v23, v25;
	[tilespmem:s9+$0x30] =	vst @!p0 v22  }
0x21: {  	[tilespmem:s0+$0x30] =	vst @!p0 v24  }
0x22: {  	[tilespmem:s2+$0x40] =	vst @!p0 v12  }
0x23: {  	v12 =	vmul.f32 @!p0 v19, v25;
	[tilespmem:s9+$0x40] =	vst @!p0 v13  }
0x24: {  	[tilespmem:s0+$0x40] =	vst @!p0 v23  }
0x25: {  	[tilespmem:s2+$0x50] =	vst @!p0 v12  }
0x26: {  	[tilespmem:s9+$0x50] =	vst @!p0 v11;
	v11 =	vmul.f32 @!p0 v17, v25  }
0x27: {  	[tilespmem:s0+$0x50] =	vst @!p0 v19  }
0x28: {  	[tilespmem:s2+$0x60] =	vst @!p0 v11  }
0x29: {  	[tilespmem:s9+$0x60] =	vst @!p0 v10;
	v10 =	vmul.f32 @!p0 v16, v25  }
0x2a: {  	[tilespmem:s0+$0x60] =	vst @!p0 v17  }
0x2b: {  	[tilespmem:s2+$0x70] =	vst @!p0 v10  }
0x2c: {  	[tilespmem:s9+$0x70] =	vst @!p0 v9  }
0x2d: {  	[tilespmem:s0+$0x70] =	vst @!p0 v16  }
.LBB2_43:
0x2e: {  	s18 =	sadd.s32 $0x1, s18  }
0x2f: {  	p0 =	sne.s32 s18, s8  }
.Ltmp1:
0x30: {  	_ = 	snop;
	(pc) =	sbr.rel @!p0 .LBB2_44-.Ltmp1, $4  }
0x31: {  	[hbm4b:s7+s5] =	stream.linear.scatter [tilespmem:s16], [sflag:$0x3], $0x3000, $0x38;
	[tilespmem:$0x1D500] =	vst v63  }
0x32: {  	_ =	swait.ge [sflag:s17], $0x3000  }
0x33: {  	[sflag:s17] =	ssyncset.done $0x0  }
0x34: {  	[sflag:s17] =	ssyncadd.s32 $0xFFFFD000  }
.LBB2_1:
0x35: {  	[tilespmem:$0x19400] =	vst v2  }
0x36: {  	[tilespmem:$0x19410] =	vst v4  }
0x37: {  	[tilespmem:$0x19420] =	vst v5;
	s0 =	simm.s32 $0x0;
	s2 =	simm.s32 $0x40  }
0x38: {  	[tilespmem:$0x19430] =	vst v6;
	s9 =	simm.s32 $0x19400;
	s10 =	simm.s32 $0x19480;
	s0 =	smul.u32 $0x3000, s0  }
0x39: {  	[tilespmem:s10], [sflag:$0x1] =	stream.indirect.gather [hbm4b:s3+s2], $0x1, s9, s2, $0xb8;
	[tilespmem:$0x1D500] =	vst v63  }
0x3a: {  	s30 =	sand.u32 $0x380, s5;
	s0 =	sshra.s32 s0, $0x2  }
0x3b: {  	s0 =	sor.u32 s30, s0  }
0x3c: {  	s2 =	sadd.s32 $0x1A500, s0;
	[tilespmem:s0+$0x1A500] =	vst v7  }
0x3d: {  	[tilespmem:s2+$0x70] =	vst v7  }
0x3e: {  	[tilespmem:s2+$0x60] =	vst v7  }
0x3f: {  	[tilespmem:s2+$0x30] =	vst v7  }
0x40: {  	[tilespmem:s2+$0x50] =	vst v7  }
0x41: {  	[tilespmem:s2+$0x20] =	vst v7  }
0x42: {  	[tilespmem:s2+$0x40] =	vst v7  }
0x43: {  	s31 =	sadd.s32 $0x1A900, s0;
	[tilespmem:s2+$0x10] =	vst v7  }
0x44: {  	[tilespmem:s31+$0x70] =	vst v7  }
0x45: {  	[tilespmem:s31+$0x60] =	vst v7  }
0x46: {  	[tilespmem:s31+$0x50] =	vst v7  }
0x47: {  	[tilespmem:s31+$0x40] =	vst v7  }
0x48: {  	[tilespmem:s0+$0x1A900] =	vst v7  }
0x49: {  	[tilespmem:s31+$0x20] =	vst v7  }
0x4a: {  	[tilespmem:s31+$0x10] =	vst v7  }
0x4b: {  	s9 =	sadd.s32 $0x1AD00, s0;
	[tilespmem:s31+$0x30] =	vst v7  }
0x4c: {  	[tilespmem:s9+$0x70] =	vst v7  }
0x4d: {  	[tilespmem:s9+$0x40] =	vst v7  }
0x4e: {  	s10 =	simm.s32 $0x1;
	s2 =	simm.s32 $0x0;
	[tilespmem:s9+$0x60] =	vst v7  }
.LBB2_2:
0x4f: {  	s11 =	sshrl.u32 s10, $0x3  }
0x50: {  	[tilespmem:s0+$0x1AD00] =	vst v7;
	s2 =	sadd.s32 $0x80, s2;
	s0 =	smov.u32 s10;
	s13 =	sadd.s32 $0x1, s10  }
0x51: {  	p0 =	sne.s32 s10, $0x1F;
	s0 =	smul.u32 $0x3000, s11;
	[tilespmem:s9+$0x20] =	vst v7  }
0x52: {  	[tilespmem:s9+$0x30] =	vst v7  }
0x53: {  	s10 =	sand.u32 $0x380, s2;
	s0 =	sshra.s32 s0, $0x2;
	[tilespmem:s9+$0x10] =	vst v7  }
0x54: {  	s0 =	sor.u32 s10, s0;
	[tilespmem:s9+$0x50] =	vst v7  }
0x55: {  	s9 =	sadd.s32 $0x1A500, s0;
	[tilespmem:s0+$0x1A500] =	vst v7  }
0x56: {  	[tilespmem:s9+$0x70] =	vst v7  }
0x57: {  	[tilespmem:s9+$0x60] =	vst v7  }
0x58: {  	[tilespmem:s9+$0x30] =	vst v7  }
0x59: {  	[tilespmem:s9+$0x50] =	vst v7  }
0x5a: {  	[tilespmem:s9+$0x20] =	vst v7  }
0x5b: {  	[tilespmem:s9+$0x40] =	vst v7  }
0x5c: {  	[tilespmem:s9+$0x10] =	vst v7;
	s9 =	sadd.s32 $0x1A900, s0  }
0x5d: {  	[tilespmem:s9+$0x70] =	vst v7  }
0x5e: {  	[tilespmem:s9+$0x60] =	vst v7  }
0x5f: {  	[tilespmem:s9+$0x50] =	vst v7  }
0x60: {  	[tilespmem:s9+$0x40] =	vst v7  }
0x61: {  	[tilespmem:s0+$0x1A900] =	vst v7  }
0x62: {  	[tilespmem:s9+$0x20] =	vst v7  }
.Ltmp2:
0x63: {  	[tilespmem:s9+$0x10] =	vst v7;
	(pc) =	sbr.rel @p0 .LBB2_2-.Ltmp2, $4  }
0x64: {  	[tilespmem:s9+$0x30] =	vst v7;
	s9 =	sadd.s32 $0x1AD00, s0  }
0x65: {  	[tilespmem:s9+$0x70] =	vst v7  }
0x66: {  	[tilespmem:s9+$0x40] =	vst v7  }
0x67: {  	s10 =	smov.u32 s13;
	[tilespmem:s9+$0x60] =	vst v7  }
0x68: {  	[tilespmem:s0+$0x1AD00] =	vst v7  }
0x69: {  	[tilespmem:s9+$0x50] =	vst v7  }
0x6a: {  	[tilespmem:s9+$0x20] =	vst v7  }
0x6b: {  	[tilespmem:s9+$0x30] =	vst v7  }
0x6c: {  	[tilespmem:s9+$0x10] =	vst v7  }
0x6d: {  	_ =	swait.ge [sflag:s12], $0x40  }
0x6e: {  	[sflag:s12] =	ssyncset.done $0x0  }
0x6f: {  	[sflag:s12] =	ssyncadd.s32 $0xFFFFFFC0  }
0x70: {  	v9 =	vld [tilespmem:$0x19480]  }
0x71: {  	v10 =	vld [tilespmem:$0x19490]  }
0x72: {  	v11 =	vld [tilespmem:$0x194B0]  }
0x73: {  	v12 =	vld [tilespmem:$0x194A0];
	_ =	sdelay $0x2  }
0x74: {  	vm1 =	vlt.s32 v9, v1  }
0x75: {  	v11 =	vnsel vm0, $0x40000000, v11;
	v13 =	vmpcnt.ones.xlane vm1;
	vm1 =	vlt.s32 v10, v1  }
0x76: {  	vm2 =	vlt.s32 v11, v1;
	v14 =	vmpcnt.ones.xlane vm1;
	vm1 =	vlt.s32 v12, v1  }
0x77: {  	v16 =	vmpcnt.ones.xlane vm2;
	v15 =	vmpcnt.ones.xlane vm1;
	vm1 =	vlt.s32 v9, v3  }
0x78: {  	v9 =	vadd.s32 v13, v14;
	v63 =	vmpcnt.ones.xlane vm1;
	vm1 =	vlt.s32 v10, v3  }
0x79: {  	v9 =	vadd.s32 v15, v9;
	v10 =	vmpcnt.ones.xlane vm1;
	vm1 =	vlt.s32 v12, v3  }
0x7a: {  	v9 =	vadd.s32 v16, v9;
	v12 =	vmpcnt.ones.xlane vm1;
	vm1 =	vlt.s32 v11, v3  }
0x7b: {  	(v2sf) =	vpush v9, $0x0;
	v9 =	vmpcnt.ones.xlane vm1;
	v10 =	vadd.s32 v63, v10  }
0x7c: {  	v10 =	vadd.s32 v12, v10  }
0x7d: {  	v9 =	vadd.s32 v9, v10  }
0x7e: {  	(v2sf) =	vpush v9, $0x0;
	_ =	sdelay $0xb  }
0x7f: {  	s29 =	spop (v2sf)  }
0x80: {  	s0 =	sadd.s32 $0xFFFFFFFF, s29  }
0x81: {  	p0 =	sgt.s32 s0, $0x0  }
0x82: {  	s0 =	simm.s32 @!p0 $0x0;
	s2 =	spop (v2sf)  }
0x83: {  	s9 =	smul.u32 $0x7D0, s0;
	s2 =	sadd.s32 $0xFFFFFFFF, s2  }
0x84: {  	p0 =	sgt.s32 s2, $0x0  }
0x85: {  	s11 =	simm.s32 $0x19500;
	s2 =	simm.s32 @!p0 $0x0;
	s0 =	sshrl.u32 s9, $0x3  }
0x86: {  	s10 =	sadd.s32 s3, s0;
	s0 =	simm.s32 $0x0;
	s2 =	smul.u32 $0x7D0, s2  }
0x87: {  	[tilespmem:s11], [sflag:$0x1] =	stream.linear.gather [hbm4b:s10+s0], $0x7D0, $0x38;
	[tilespmem:$0x1D500] =	vst v63  }
0x88: {  	s30 =	sshrl.u32 s2, $0x3  }
0x89: {  	s31 =	simm.s32 $0x19D00;
	s10 =	sadd.s32 s3, s30  }
0x8a: {  	[tilespmem:s31], [sflag:$0x2] =	stream.linear.gather [hbm4b:s10+s0], $0x7D0, $0x38;
	[tilespmem:$0x1D500] =	vst v63  }
0x8b: {  	_ =	swait.ge [sflag:s12], $0x7D0  }
0x8c: {  	[sflag:s12] =	ssyncset.done $0x0  }
0x8d: {  	[sflag:s12] =	ssyncadd.s32 $0xFFFFF830  }
0x8e: {  	_ =	swait.ge [sflag:s15], $0x7D0  }
0x8f: {  	[sflag:s15] =	ssyncset.done $0x0  }
0x90: {  	[sflag:s15] =	ssyncadd.s32 $0xFFFFF830  }
0x91: {  	s19 =	simm.s32 $0x7D0;
	s13 =	simm.s32 $0xA;
	[tilespmem:$0x19CD0] =	vst v8  }
0x92: {  	s14 =	simm.s32 $0x7D0;
	s11 =	simm.s32 $0x7D0;
	s10 =	simm.s32 $0x0;
	[tilespmem:$0x1A4D0] =	vst v8  }
.LBB2_4:
0x93: {  	s20 =	smov.u32 s14  }
0x94: {  	p0 =	sne.s32 s13, $0x1;
	s14 =	sand.u32 $0x1, s19  }
0x95: {  	p1 =	slt.s32 s19, $0x1;
	p2 =	seq.s32 s14, $0x1  }
0x96: {  	s14 =	sshrl.u32 s19, $0x1F;
	p1 =	por !p1, !p2  }
0x97: {  	s14 =	sadd.s32 s14, s19;
	s19 =	simm.s32 $0x1;
	p1 =	por !p1, !p1  }
0x98: {  	s14 =	sshra.s32 s14, $0x1;
	s19 =	simm.s32 @!p1 $0x0  }
0x99: {  	s14 =	ssub.s32 s14, s19  }
0x9a: {  	v9 =	vld [tilespmem:s14+$0x19500];
	_ =	sdelay $0x4  }
0x9b: {  	(v2sf) =	vpush v9, $0x0;
	_ =	sdelay $0xd  }
.Ltmp3:
0x9c: {  	(pc) =	sbr.rel @p0 .LBB2_4-.Ltmp3, $4  }
0x9d: {  	s19 =	spop (v2sf)  }
0x9e: {  	p1 =	slt.s32 s19, s4;
	s19 =	sadd.s32 $0x1, s14  }
0x9f: {  	s10 =	smov.u32 @p1 s19;
	s14 =	smov.u32 @p1 s20  }
0xa0: {  	s13 =	sadd.s32 $0xFFFFFFFF, s13;
	s19 =	sadd.s32 s10, s14  }
0xa1: {  	s13 =	sand.u32 $0x1, s19  }
0xa2: {  	p0 =	slt.s32 s19, $0x1;
	p1 =	seq.s32 s13, $0x1  }
0xa3: {  	s30 =	sshrl.u32 s19, $0x1F;
	p0 =	por !p0, !p1  }
0xa4: {  	s14 =	simm.s32 $0x1;
	s13 =	sadd.s32 s30, s19;
	p0 =	por !p0, !p0  }
0xa5: {  	s13 =	sshra.s32 s13, $0x1;
	s14 =	simm.s32 @!p0 $0x0  }
0xa6: {  	s13 =	ssub.s32 s13, s14  }
0xa7: {  	v9 =	vld [tilespmem:s13+$0x19500];
	_ =	sdelay $0x4  }
0xa8: {  	(v2sf) =	vpush v9, $0x0;
	_ =	sdelay $0xe  }
0xa9: {  	s31 =	spop (v2sf)  }
0xaa: {  	s13 =	sadd.s32 $0x1, s13;
	p0 =	slt.s32 s31, s4  }
0xab: {  	s14 =	simm.s32 $0x7D0;
	s10 =	smov.u32 @p0 s13;
	s13 =	simm.s32 $0xA  }
.LBB2_6:
0xac: {  	s19 =	smov.u32 s11  }
0xad: {  	p0 =	sne.s32 s13, $0x1;
	s11 =	sand.u32 $0x1, s14  }
0xae: {  	p1 =	slt.s32 s14, $0x1;
	p2 =	seq.s32 s11, $0x1  }
0xaf: {  	s11 =	sshrl.u32 s14, $0x1F;
	p1 =	por !p1, !p2  }
0xb0: {  	s11 =	sadd.s32 s11, s14;
	s14 =	simm.s32 $0x1;
	p1 =	por !p1, !p1  }
0xb1: {  	s11 =	sshra.s32 s11, $0x1;
	s14 =	simm.s32 @!p1 $0x0  }
0xb2: {  	s11 =	ssub.s32 s11, s14  }
0xb3: {  	v9 =	vld [tilespmem:s11+$0x19D00];
	_ =	sdelay $0x4  }
0xb4: {  	(v2sf) =	vpush v9, $0x0;
	_ =	sdelay $0xd  }
.Ltmp4:
0xb5: {  	(pc) =	sbr.rel @p0 .LBB2_6-.Ltmp4, $4  }
0xb6: {  	s14 =	spop (v2sf)  }
0xb7: {  	p1 =	slt.s32 s14, s6;
	s14 =	sadd.s32 $0x1, s11  }
0xb8: {  	s0 =	smov.u32 @p1 s14;
	s11 =	smov.u32 @p1 s19  }
0xb9: {  	s13 =	sadd.s32 $0xFFFFFFFF, s13;
	s14 =	sadd.s32 s0, s11  }
0xba: {  	s11 =	sand.u32 $0x1, s14  }
0xbb: {  	p0 =	slt.s32 s14, $0x1;
	p1 =	seq.s32 s11, $0x1  }
0xbc: {  	s22 =	sshrl.u32 s14, $0x1F;
	p0 =	por !p0, !p1  }
0xbd: {  	s13 =	simm.s32 $0x1;
	s11 =	sadd.s32 s22, s14;
	p0 =	por !p0, !p0  }
0xbe: {  	s11 =	sshra.s32 s11, $0x1;
	s13 =	simm.s32 @!p0 $0x0  }
0xbf: {  	s11 =	ssub.s32 s11, s13  }
0xc0: {  	v9 =	vld [tilespmem:s11+$0x19D00];
	_ =	sdelay $0x4  }
0xc1: {  	(v2sf) =	vpush v9, $0x0;
	_ =	sdelay $0x2  }
0xc2: {  	s19 =	sadd.s32 s9, s10  }
0xc3: {  	s9 =	smulhi.u32 $0x51EB851F, s19;
	s10 =	sshra.s32 s19, $0x1F  }
0xc4: {  	s10 =	smul.u32 $0x51EB851F, s10;
	_ =	sdelay $0x1  }
0xc5: {  	s9 =	sadd.s32 s10, s9  }
0xc6: {  	s10 =	sshrl.u32 s9, $0x1F;
	s9 =	sshra.s32 s9, $0x7  }
0xc7: {  	s9 =	sadd.s32 s10, s9  }
0xc8: {  	s10 =	smul.u32 $0xFFFFFE70, s9  }
0xc9: {  	s23 =	ssub.s32 $0x0, s19  }
0xca: {  	p1 =	slt.s32 s19, $0x1;
	p2 =	sne.s32 s10, s23  }
0xcb: {  	p0 =	por !p1, !p2  }
0xcc: {  	s10 =	simm.s32 $0x1;
	p0 =	por !p0, !p0  }
0xcd: {  	s10 =	simm.s32 @!p0 $0x0;
	s24 =	spop (v2sf)  }
0xce: {  	s11 =	sadd.s32 $0x1, s11;
	s20 =	ssub.s32 s9, s10;
	p0 =	slt.s32 s24, s6  }
0xcf: {  	s21 =	smul.u32 $0x190, s20;
	s0 =	smov.u32 @p0 s11  }
0xd0: {  	s22 =	sadd.s32 s2, s0  }
0xd1: {  	s0 =	ssub.s32 s22, s21  }
0xd2: {  	s25 =	sadd.s32 $0x18F, s0  }
0xd3: {  	s26 =	smulhi.u32 $0x51EB851F, s25;
	s28 =	sshra.s32 s25, $0x1F  }
0xd4: {  	s10 =	smul.u32 $0x51EB851F, s28;
	_ =	sdelay $0x1  }
0xd5: {  	s9 =	sadd.s32 s10, s26  }
0xd6: {  	s10 =	sshrl.u32 s9, $0x1F;
	s9 =	sshra.s32 s9, $0x7  }
0xd7: {  	s9 =	sadd.s32 s10, s9  }
0xd8: {  	s10 =	smul.u32 $0xFFFFFE70, s9  }
0xd9: {  	s0 =	ssub.s32 $0xFFFFFE71, s0  }
0xda: {  	p3 =	slt.s32 s25, $0x1;
	p4 =	sne.s32 s10, s0  }
0xdb: {  	p0 =	por !p3, !p4  }
0xdc: {  	s0 =	simm.s32 $0x1;
	p0 =	por !p0, !p0  }
0xdd: {  	s0 =	simm.s32 @!p0 $0x0  }
0xde: {  	s23 =	ssub.s32 s9, s0  }
0xdf: {  	p0 =	slt.s32 s23, $0x1  }
0xe0: {  	s0 =	smul.u32 @!p0 $0xC800, s20;
	_ =	sdelay $0x1  }
0xe1: {  	s0 =	sshrl.u32 @!p0 s0, $0x3  }
0xe2: {  	s29 =	sadd.s32 $0x1, s23;
	s2 =	simm.s32 @!p0 $0x0;
	s0 =	sadd.s32 @!p0 s1, s0  }
0xe3: {  	[tilespmem:s2], [sflag:$0x1] =	stream.linear.gather @!p0 [hbm4b:s0+s2], $0xC800, $0x38;
	[tilespmem:$0x1D500] =	vst v63  }
0xe4: {  	p5 =	slt.s32 s23, $0x0;
	s30 =	sand.u32 $0x1, s29;
	s0 =	sshrl.u32 @!p0 s21, $0x3  }
0xe5: {  	s9 =	simm.s32 @!p0 $0x19000;
	p6 =	seq.s32 s30, $0x1;
	s0 =	sadd.s32 @!p0 s3, s0  }
0xe6: {  	[tilespmem:s9], [sflag:$0x1] =	stream.linear.gather @!p0 [hbm4b:s0+s2], $0x190, $0x38;
	[tilespmem:$0x1D500] =	vst v63  }
0xe7: {  	s31 =	sshrl.u32 s29, $0x1F;
	p0 =	por !p5, !p6  }
0xe8: {  	s0 =	sadd.s32 s31, s29;
	s2 =	simm.s32 $0x1;
	p0 =	por !p0, !p0  }
0xe9: {  	s0 =	sshra.s32 s0, $0x1;
	s2 =	simm.s32 @!p0 $0x0  }
0xea: {  	s24 =	ssub.s32 s0, s2  }
0xeb: {  	p0 =	slt.s32 s24, $0x1  }
.Ltmp5:
0xec: {  	_ = 	snop;
	(pc) =	sbr.rel @p0 .LBB2_43-.Ltmp5, $1  }
0xed: {  	_ =	sdelay $0x3  }
0xee: {  	v16 =	vimm.f32 $0.0e+00  }
.Ltmp6:
0xef: {  	v9 =	vimm.f32 $-3.402823470e+38;
	v10 =	vimm.f32 $-3.402823470e+38;
	v11 =	vimm.f32 $-3.402823470e+38;
	(pc) =	sbr.rel .LBB2_9-.Ltmp6, $4  }
0xf0: {  	v13 =	vimm.f32 $-3.402823470e+38;
	v22 =	vimm.f32 $-3.402823470e+38;
	v12 =	vimm.f32 $-3.402823470e+38  }
0xf1: {  	v14 =	vimm.f32 $-3.402823470e+38;
	v15 =	vimm.f32 $-3.402823470e+38;
	v17 =	vimm.f32 $0.0e+00  }
0xf2: {  	v19 =	vimm.f32 $0.0e+00;
	v23 =	vimm.f32 $0.0e+00;
	v24 =	vimm.f32 $0.0e+00  }
0xf3: {  	s28 =	simm.s32 $0xFFFFFFFF;
	s25 =	simm.s32 $0x0;
	v21 =	vimm.f32 $0.0e+00;
	v20 =	vimm.f32 $0.0e+00;
	v18 =	vimm.f32 $0.0e+00;
	s26 =	simm.s32 $0x0  }
.LBB2_26:
0xf4: {  	s28 =	smov.u32 s29  }
.LBB2_41:
0xf5: {  	s26 =	sadd.s32 $0x1, s26  }
0xf6: {  	p0 =	sne.s32 s26, s24  }
.Ltmp7:
0xf7: {  	_ = 	snop;
	(pc) =	sbr.rel @!p0 .LBB2_42-.Ltmp7, $1  }
0xf8: {  	_ =	sdelay $0x3  }
.LBB2_9:
0xf9: {  	s30 =	sshllo.u32 s26, $0x1  }
0xfa: {  	p0 =	sge.s32 s30, s23  }
0xfb: {  	s0 =	sadd.s32 @!p0 s20, s30  }
0xfc: {  	s2 =	smul.u32 @!p0 $0xC800, s0  }
0xfd: {  	s0 =	smul.u32 @!p0 $0x190, s0  }
0xfe: {  	s14 =	smul.u32 $0x320, s26;
	s9 =	simm.s32 @!p0 $0x0;
	s2 =	sshrl.u32 @!p0 s2, $0x3  }
0xff: {  	s10 =	simm.s32 @!p0 $0xC800;
	s0 =	sshrl.u32 @!p0 s0, $0x3;
	s2 =	sadd.s32 @!p0 s1, s2  }
0x100: {  	[tilespmem:s10], [sflag:$0x2] =	stream.linear.gather @!p0 [hbm4b:s2+s9], $0xC800, $0x38;
	[tilespmem:$0x1D500] =	vst v63  }
0x101: {  	s29 =	sadd.s32 s21, s14;
	s0 =	sadd.s32 @!p0 s3, s0;
	s10 =	simm.s32 @!p0 $0x19200  }
0x102: {  	[tilespmem:s10], [sflag:$0x2] =	stream.linear.gather @!p0 [hbm4b:s0+s9], $0x190, $0x38;
	[tilespmem:$0x1D500] =	vst v63  }
0x103: {  	s9 =	ssub.s32 s22, s29  }
0x104: {  	s31 =	sshll.u32 s26, $0x1;
	s0 =	ssub.s32 s19, s29;
	p2 =	sgt.s32 s9, $0x0  }
0x105: {  	p1 =	sge.s32 s31, s23;
	s9 =	simm.s32 @!p2 $0x0;
	p2 =	sgt.s32 s0, $0x0  }
0x106: {  	s2 =	simm.s32 @!p1 $0x1;
	s0 =	simm.s32 @!p2 $0x0;
	s9 =	smin.u32 s9, $0x190  }
0x107: {  	_ =	swait.ge @!p1 [sflag:s2], $0xC800;
	p2 =	sge.u32 s0, s9  }
.Ltmp8:
0x108: {  	[sflag:s2] =	ssyncset.done @!p1 $0x0;
	(pc) =	sbr.rel @p2 .LBB2_10-.Ltmp8, $4  }
0x109: {  	[sflag:s2] =	ssyncadd.s32 @!p1 $0xFFFF3800  }
0x10a: {  	_ =	swait.ge @!p1 [sflag:s2], $0x190  }
0x10b: {  	[sflag:s2] =	ssyncset.done @!p1 $0x0  }
0x10c: {  	[sflag:s2] =	ssyncadd.s32 @!p1 $0xFFFFFE70  }
.Ltmp9:
0x10d: {  	(pc) =	sbr.rel .LBB2_12-.Ltmp9, $2  }
0x10e: {  	_ =	sdelay $0x2  }
0x10f: {  	v25 =	vmov s9  }
.LBB2_23:
0x110: {  	v24 =	vadd.f32 v28, v24  }
0x111: {  	v22 =	vmax.f32 v22, v28;
	v23 =	vadd.f32 v26, v23;
	v13 =	vmax.f32 v13, v26  }
0x112: {  	v19 =	vadd.f32 v27, v19;
	v11 =	vmax.f32 v11, v27;
	v17 =	vadd.f32 v30, v17  }
0x113: {  	v10 =	vmax.f32 v10, v30;
	v18 =	vadd.f32 v29, v18;
	v15 =	vmax.f32 v15, v29  }
.LBB2_24:
0x114: {  	s25 =	simm.s32 @p1 $0x0;
	p1 =	slt.s32 s2, s9  }
.Ltmp10:
0x115: {  	_ = 	snop;
	(pc) =	sbr.rel @!p1 .LBB2_25-.Ltmp10, $2  }
0x116: {  	_ =	sdelay $0x2  }
0x117: {  	s28 =	smov.u32 s29;
	s0 =	smov.u32 s2;
	s25 =	sadd.s32 s25, s10  }
.LBB2_12:
0x118: {  	v26 =	vld [tilespmem:s0+$0x19000];
	_ =	sdelay $0x4  }
0x119: {  	(v2sf) =	vpush v26, $0x0;
	_ =	sdelay $0xe  }
0x11a: {  	p1 =	slt.s32 s25, $0x1;
	s29 =	spop (v2sf)  }
0x11b: {  	p2 =	seq.s32 @!p1 s29, s28  }
0x11c: {  	p1 =	por p2, p1  }
0x11d: {  	v27 =	vmov @!p1 s25  }
0x11e: {  	v27 =	vcvt.s32.f32 @!p1 v27;
	_ =	sdelay $0x1  }
0x11f: {  	v27 =	vbroadcast @!p1 v27, $0x0;
	_ =	sdelay $0x1  }
0x120: {  	(erf) = vrcp.f32 @!p1 v27;
	_ =	sdelay $0x4  }
0x121: {  	s2 =	ssub.s32 @!p1 s28, s4  }
0x122: {  	s2 =	sshrl.u32 @!p1 s2, $0x3  }
0x123: {  	s2 =	smul.u32 @!p1 $0x3000, s2  }
0x124: {  	s10 =	sshll.u32 @!p1 s28, $0x7  }
0x125: {  	s10 =	sand.u32 @!p1 $0x380, s10;
	s2 =	sshra.s32 @!p1 s2, $0x2;
	v27 =	vpop @!p1 (erf)  }
0x126: {  	s2 =	sor.u32 @!p1 s10, s2;
	v28 =	vmul.f32 @!p1 v27, v18  }
0x127: {  	[tilespmem:s2+$0x1A900] =	vst @!p1 v15  }
0x128: {  	[tilespmem:s2+$0x1A500] =	vst @!p1 v28;
	v28 =	vmul.f32 @!p1 v27, v20  }
0x129: {  	s10 =	sadd.s32 @!p1 $0x1A500, s2;
	[tilespmem:s2+$0x1AD00] =	vst @!p1 v18  }
0x12a: {  	s11 =	sadd.s32 @!p1 $0x1A900, s2;
	[tilespmem:s10+$0x10] =	vst @!p1 v28  }
0x12b: {  	s2 =	sadd.s32 @!p1 $0x1AD00, s2;
	v28 =	vmul.f32 @!p1 v27, v21;
	[tilespmem:s11+$0x10] =	vst @!p1 v14  }
0x12c: {  	[tilespmem:s2+$0x10] =	vst @!p1 v20  }
0x12d: {  	[tilespmem:s10+$0x20] =	vst @!p1 v28  }
0x12e: {  	v28 =	vmul.f32 @!p1 v27, v24;
	[tilespmem:s11+$0x20] =	vst @!p1 v12  }
0x12f: {  	[tilespmem:s2+$0x20] =	vst @!p1 v21  }
0x130: {  	[tilespmem:s10+$0x30] =	vst @!p1 v28  }
0x131: {  	v28 =	vmul.f32 @!p1 v23, v27;
	[tilespmem:s11+$0x30] =	vst @!p1 v22  }
0x132: {  	[tilespmem:s2+$0x30] =	vst @!p1 v24  }
0x133: {  	[tilespmem:s10+$0x40] =	vst @!p1 v28  }
0x134: {  	v28 =	vmul.f32 @!p1 v19, v27;
	[tilespmem:s11+$0x40] =	vst @!p1 v13  }
0x135: {  	[tilespmem:s2+$0x40] =	vst @!p1 v23  }
0x136: {  	[tilespmem:s10+$0x50] =	vst @!p1 v28  }
0x137: {  	v28 =	vmul.f32 @!p1 v17, v27;
	[tilespmem:s11+$0x50] =	vst @!p1 v11  }
0x138: {  	[tilespmem:s2+$0x50] =	vst @!p1 v19  }
0x139: {  	p2 =	sge.s32 s0, s9;
	[tilespmem:s10+$0x60] =	vst @!p1 v28  }
.Ltmp11:
0x13a: {  	v27 =	vmul.f32 @!p1 v16, v27;
	[tilespmem:s11+$0x60] =	vst @!p1 v10;
	(pc) =	sbr.rel @p2 .LBB2_16-.Ltmp11, $4  }
0x13b: {  	[tilespmem:s2+$0x60] =	vst @!p1 v17  }
0x13c: {  	[tilespmem:s10+$0x70] =	vst @!p1 v27  }
0x13d: {  	[tilespmem:s11+$0x70] =	vst @!p1 v9  }
0x13e: {  	[tilespmem:s2+$0x70] =	vst @!p1 v16;
	s2 =	smov.u32 s9  }
0x13f: {  	s2 =	sshll.u32 s0, $0x2  }
0x140: {  	s2 =	sshra.s32 s2, $0x2  }
0x141: {  	v26 =	vbroadcast v26, $0x0;
	s10 =	sadd.s32 $0x10, s0;
	s11 =	sadd.s32 $0x19000, s2  }
.LBB2_14:
0x142: {  	v27 =	vld [tilespmem:s11+$0x0];
	_ =	sdelay $0x2  }
0x143: {  	s2 =	sadd.s32 $0xFFFFFFF0, s10  }
0x144: {  	v28 =	vadd.s32 s2, v0  }
0x145: {  	vm2 =	vge.s32 v28, v25;
	vm1 =	vne.s32 v27, v26  }
0x146: {  	vm1 =	vmor vm2, vm1  }
0x147: {  	v27 =	vmpcnt.ones.xlane vm1;
	v63 =	vmctz.xlane vm1;
	_ =	sdelay $0x1  }
0x148: {  	vm1 =	vgt.s32 v27, $0x0;
	v27 =	vadd.s32 s2, v63  }
0x149: {  	v27 =	vnsel vm1, $0xFFFFFFFF, v27  }
0x14a: {  	(v2sf) =	vpush v27, $0x0;
	_ =	sdelay $0xe  }
0x14b: {  	p1 =	sge.s32 s10, s9;
	s2 =	spop (v2sf)  }
0x14c: {  	p2 =	slt.s32 @!p1 s2, $0x0  }
0x14d: {  	p1 =	por p1, !p2  }
.Ltmp12:
0x14e: {  	_ = 	snop;
	(pc) =	sbr.rel @!p1 .LBB2_14-.Ltmp12, $2  }
0x14f: {  	_ =	sdelay $0x2  }
0x150: {  	s10 =	sadd.s32 $0x10, s10;
	s11 =	sadd.s32 $0x10, s11  }
0x151: {  	p1 =	slt.s32 s2, $0x0  }
0x152: {  	s2 =	smov.u32 @p1 s9  }
.LBB2_16:
0x153: {  	s10 =	ssub.s32 s2, s0;
	p1 =	sne.s32 s2, s0;
	s11 =	simm.s32 $0x1  }
0x154: {  	s13 =	sshra.s32 s10, $0x1F;
	s11 =	simm.s32 @!p1 $0x0  }
0x155: {  	s14 =	sand.u32 $0x3, s10;
	s11 =	sor.u32 s11, s13  }
0x156: {  	p3 =	sne.s32 s14, $0x0;
	p2 =	sne.s32 s11, $0x1  }
0x157: {  	s14 =	sshrl.u32 s13, $0x1E;
	p2 =	por !p3, !p2  }
0x158: {  	s13 =	simm.s32 $0x1;
	s11 =	sadd.s32 s14, s10;
	p2 =	por !p2, !p2  }
0x159: {  	s11 =	sshra.s32 s11, $0x2;
	s13 =	simm.s32 @!p2 $0x0  }
0x15a: {  	p1 =	sne.s32 s29, s28;
	s28 =	ssub.s32 s11, s13  }
0x15b: {  	v18 =	vpsel p1, $0x0, v18;
	p2 =	slt.s32 s28, $0x1  }
.Ltmp13:
0x15c: {  	v20 =	vpsel p1, $0x0, v20;
	v21 =	vpsel p1, $0x0, v21;
	v24 =	vpsel p1, $0x0, v24;
	(pc) =	sbr.rel @p2 .LBB2_20-.Ltmp13, $4  }
0x15d: {  	v23 =	vpsel p1, $0x0, v23;
	v19 =	vpsel p1, $0x0, v19;
	v17 =	vpsel p1, $0x0, v17  }
0x15e: {  	v16 =	vpsel p1, $0x0, v16;
	v15 =	vpsel p1, $0xFF7FFFFF, v15;
	v14 =	vpsel p1, $0xFF7FFFFF, v14  }
0x15f: {  	v12 =	vpsel p1, $0xFF7FFFFF, v12;
	v22 =	vpsel p1, $0xFF7FFFFF, v22;
	v13 =	vpsel p1, $0xFF7FFFFF, v13  }
0x160: {  	v11 =	vpsel p1, $0xFF7FFFFF, v11;
	v10 =	vpsel p1, $0xFF7FFFFF, v10;
	v9 =	vpsel p1, $0xFF7FFFFF, v9;
	s11 =	sshll.u32 s0, $0x9  }
0x161: {  	s13 =	sshra.s32 s11, $0x2  }
0x162: {  	s13 =	sadd.s32 $0x100, s13  }
0x163: {  	v32 =	vld [tilespmem:s13+$0x80]  }
0x164: {  	v35 =	vld [tilespmem:s13+$0x90]  }
0x165: {  	v38 =	vld [tilespmem:s13+$0xA0]  }
0x166: {  	v28 =	vld [tilespmem:s13+$0xB0]  }
0x167: {  	v27 =	vld [tilespmem:s13+$0xC0]  }
0x168: {  	v26 =	vld [tilespmem:s13+$0xD0]  }
0x169: {  	v31 =	vld [tilespmem:s13+$0x0]  }
0x16a: {  	v30 =	vld [tilespmem:s13+$0xFFFFFF00]  }
0x16b: {  	v33 =	vld [tilespmem:s13+$0xFFFFFF80]  }
0x16c: {  	v34 =	vld [tilespmem:s13+$0xFFFFFF10]  }
0x16d: {  	v37 =	vld [tilespmem:s13+$0x10]  }
0x16e: {  	v39 =	vld [tilespmem:s13+$0xFFFFFF20]  }
0x16f: {  	v42 =	vld [tilespmem:s13+$0xFFFFFF30]  }
0x170: {  	v36 =	vld [tilespmem:s13+$0xFFFFFF90]  }
0x171: {  	v41 =	vld [tilespmem:s13+$0xFFFFFFA0]  }
0x172: {  	v43 =	vld [tilespmem:s13+$0xFFFFFFB0];
	v18 =	vadd.f32 v30, v18  }
0x173: {  	v40 =	vld [tilespmem:s13+$0x20];
	v20 =	vadd.f32 v34, v20;
	v15 =	vmax.f32 v15, v30;
	v21 =	vadd.f32 v39, v21  }
0x174: {  	v30 =	vld [tilespmem:s13+$0xFFFFFF40];
	v14 =	vmax.f32 v14, v34;
	v24 =	vadd.f32 v42, v24;
	v12 =	vmax.f32 v12, v39  }
0x175: {  	v29 =	vld [tilespmem:s13+$0x30];
	v15 =	vmax.f32 v15, v33;
	v14 =	vmax.f32 v14, v36;
	v18 =	vadd.f32 v33, v18  }
0x176: {  	v34 =	vld [tilespmem:s13+$0xFFFFFFC0];
	v12 =	vmax.f32 v12, v41;
	v20 =	vadd.f32 v36, v20;
	v21 =	vadd.f32 v41, v21  }
0x177: {  	p2 =	sne.s32 s28, $0x1;
	v15 =	vmax.f32 v15, v31;
	v36 =	vld [tilespmem:s13+$0xFFFFFF50];
	v14 =	vmax.f32 v14, v37;
	v63 =	vadd.f32 v43, v24  }
.Ltmp14:
0x178: {  	v24 =	vmax.f32 v22, v42;
	v12 =	vmax.f32 v12, v40;
	v18 =	vadd.f32 v31, v18;
	v31 =	vld [tilespmem:s13+$0x40];
	(pc) =	sbr.rel @!p2 .LBB2_19-.Ltmp14, $4  }
0x179: {  	v33 =	vld [tilespmem:s13+$0x50];
	v15 =	vmax.f32 v15, v32;
	v20 =	vadd.f32 v37, v20;
	v23 =	vadd.f32 v30, v23  }
0x17a: {  	v14 =	vmax.f32 v14, v35;
	v21 =	vadd.f32 v40, v21;
	v37 =	vld [tilespmem:s13+$0xFFFFFFD0];
	v18 =	vadd.f32 v32, v18  }
0x17b: {  	v24 =	vmax.f32 v24, v43;
	v20 =	vadd.f32 v35, v20;
	v32 =	vld [tilespmem:s13+$0xFFFFFF60];
	v22 =	vadd.f32 v34, v23  }
0x17c: {  	s14 =	sadd.s32 $0xFFFFFFFF, s28;
	v12 =	vmax.f32 v12, v38;
	v21 =	vadd.f32 v38, v21;
	v35 =	vld [tilespmem:s13+$0xFFFFFF70];
	v23 =	vadd.f32 v29, v63  }
.LBB2_18:
0x17d: {  	p2 =	sne.s32 s14, $0x1;
	v19 =	vadd.f32 v36, v19;
	v38 =	vld [tilespmem:s13+$0xFFFFFFE0];
	v24 =	vmax.f32 v24, v29;
	v22 =	vadd.f32 v31, v22  }
0x17e: {  	v13 =	vmax.f32 v13, v30;
	v29 =	vld [tilespmem:s13+$0xFFFFFFF0];
	v23 =	vadd.f32 v28, v23;
	v24 =	vmax.f32 v24, v28  }
0x17f: {  	v13 =	vmax.f32 v13, v34;
	v19 =	vadd.f32 v37, v19;
	v30 =	vld [tilespmem:s13+$0x60];
	v22 =	vadd.f32 v27, v22  }
0x180: {  	v11 =	vmax.f32 v11, v36;
	v13 =	vmax.f32 v13, v31;
	v17 =	vadd.f32 v32, v17;
	v31 =	vld [tilespmem:s13+$0x70]  }
0x181: {  	v11 =	vmax.f32 v11, v37;
	v16 =	vadd.f32 v35, v16;
	v19 =	vadd.f32 v33, v19;
	v34 =	vld [tilespmem:s13+$0xE0]  }
0x182: {  	v11 =	vmax.f32 v11, v33;
	v13 =	vmax.f32 v13, v27;
	v17 =	vadd.f32 v38, v17;
	v33 =	vld [tilespmem:s13+$0xF0];
	s13 =	sadd.s32 $0x200, s13  }
0x183: {  	v11 =	vmax.f32 v11, v26;
	v36 =	vld [tilespmem:s13+$0x80];
	v16 =	vadd.f32 v29, v16;
	v19 =	vadd.f32 v26, v19  }
0x184: {  	v10 =	vmax.f32 v10, v32;
	v9 =	vmax.f32 v9, v35;
	v37 =	vld [tilespmem:s13+$0x90];
	v17 =	vadd.f32 v30, v17  }
0x185: {  	v10 =	vmax.f32 v10, v38;
	v9 =	vmax.f32 v9, v29;
	v39 =	vld [tilespmem:s13+$0xA0];
	v16 =	vadd.f32 v31, v16  }
0x186: {  	v10 =	vmax.f32 v10, v30;
	v9 =	vmax.f32 v9, v31;
	v28 =	vld [tilespmem:s13+$0xB0];
	v17 =	vadd.f32 v34, v17  }
0x187: {  	v10 =	vmax.f32 v10, v34;
	v27 =	vld [tilespmem:s13+$0xC0];
	v16 =	vadd.f32 v33, v16;
	v9 =	vmax.f32 v9, v33  }
0x188: {  	v26 =	vld [tilespmem:s13+$0xD0]  }
0x189: {  	v31 =	vld [tilespmem:s13+$0x0]  }
0x18a: {  	v30 =	vld [tilespmem:s13+$0xFFFFFF00]  }
0x18b: {  	v32 =	vld [tilespmem:s13+$0xFFFFFF80]  }
0x18c: {  	v33 =	vld [tilespmem:s13+$0xFFFFFF10]  }
0x18d: {  	v35 =	vld [tilespmem:s13+$0x10]  }
0x18e: {  	v38 =	vld [tilespmem:s13+$0xFFFFFF90]  }
0x18f: {  	v18 =	vadd.f32 v30, v18;
	v40 =	vld [tilespmem:s13+$0xFFFFFF20]  }
0x190: {  	v41 =	vld [tilespmem:s13+$0x20]  }
0x191: {  	v20 =	vadd.f32 v33, v20;
	v18 =	vadd.f32 v32, v18;
	v42 =	vld [tilespmem:s13+$0xFFFFFFA0]  }
0x192: {  	v29 =	vld [tilespmem:s13+$0x30]  }
0x193: {  	v43 =	vld [tilespmem:s13+$0xFFFFFF30];
	v20 =	vadd.f32 v38, v20;
	v18 =	vadd.f32 v31, v18  }
0x194: {  	v15 =	vmax.f32 v15, v30;
	v21 =	vadd.f32 v40, v21;
	v30 =	vld [tilespmem:s13+$0xFFFFFF40]  }
0x195: {  	v15 =	vmax.f32 v15, v32;
	v44 =	vld [tilespmem:s13+$0xFFFFFFB0];
	v20 =	vadd.f32 v35, v20;
	v18 =	vadd.f32 v36, v18  }
0x196: {  	v14 =	vmax.f32 v14, v33;
	v15 =	vmax.f32 v15, v31;
	v21 =	vadd.f32 v42, v21;
	v34 =	vld [tilespmem:s13+$0xFFFFFFC0]  }
0x197: {  	v15 =	vmax.f32 v15, v36;
	v14 =	vmax.f32 v14, v38;
	v31 =	vld [tilespmem:s13+$0x40];
	v20 =	vadd.f32 v37, v20  }
.Ltmp15:
0x198: {  	v14 =	vmax.f32 v14, v35;
	v23 =	vadd.f32 v43, v23;
	v36 =	vld [tilespmem:s13+$0xFFFFFF50];
	v21 =	vadd.f32 v41, v21;
	(pc) =	sbr.rel @p2 .LBB2_18-.Ltmp15, $4  }
0x199: {  	v12 =	vmax.f32 v12, v40;
	v14 =	vmax.f32 v14, v37;
	v22 =	vadd.f32 v30, v22;
	v33 =	vld [tilespmem:s13+$0x50]  }
0x19a: {  	v12 =	vmax.f32 v12, v42;
	v23 =	vadd.f32 v44, v23;
	v37 =	vld [tilespmem:s13+$0xFFFFFFD0];
	v21 =	vadd.f32 v39, v21  }
0x19b: {  	v12 =	vmax.f32 v12, v41;
	v24 =	vmax.f32 v24, v43;
	v32 =	vld [tilespmem:s13+$0xFFFFFF60];
	v22 =	vadd.f32 v34, v22  }
0x19c: {  	s14 =	sadd.s32 $0xFFFFFFFF, s14;
	v12 =	vmax.f32 v12, v39;
	v24 =	vmax.f32 v24, v44;
	v35 =	vld [tilespmem:s13+$0xFFFFFF70];
	v23 =	vadd.f32 v29, v23  }
.LBB2_19:
0x19d: {  	v19 =	vadd.f32 v36, v19;
	v38 =	vld [tilespmem:s13+$0xFFFFFFE0];
	v29 =	vmax.f32 v24, v29;
	v39 =	vadd.f32 v31, v22  }
0x19e: {  	v13 =	vmax.f32 v13, v30;
	v60 =	vld [tilespmem:s13+$0xFFFFFFF0];
	v11 =	vmax.f32 v11, v36;
	v24 =	vadd.f32 v28, v23  }
0x19f: {  	v61 =	vld [tilespmem:s13+$0x60];
	v22 =	vmax.f32 v29, v28;
	v13 =	vmax.f32 v13, v34;
	v19 =	vadd.f32 v37, v19  }
0x1a0: {  	v62 =	vld [tilespmem:s13+$0x70];
	v23 =	vadd.f32 v27, v39;
	v13 =	vmax.f32 v13, v31;
	v11 =	vmax.f32 v11, v37  }
0x1a1: {  	v63 =	vld [tilespmem:s13+$0xE0];
	v17 =	vadd.f32 v32, v17;
	v11 =	vmax.f32 v11, v33;
	v16 =	vadd.f32 v35, v16  }
0x1a2: {  	v13 =	vmax.f32 v13, v27;
	v27 =	vld [tilespmem:s13+$0xF0];
	v10 =	vmax.f32 v10, v32;
	v19 =	vadd.f32 v33, v19  }
0x1a3: {  	v9 =	vmax.f32 v9, v35;
	v17 =	vadd.f32 v38, v17;
	v16 =	vadd.f32 v60, v16  }
0x1a4: {  	v11 =	vmax.f32 v11, v26;
	v10 =	vmax.f32 v10, v38;
	v9 =	vmax.f32 v9, v60  }
0x1a5: {  	v10 =	vmax.f32 v10, v61;
	v17 =	vadd.f32 v61, v17;
	v16 =	vadd.f32 v62, v16  }
0x1a6: {  	v19 =	vadd.f32 v26, v19;
	v9 =	vmax.f32 v9, v62;
	v10 =	vmax.f32 v10, v63  }
0x1a7: {  	v9 =	vmax.f32 v9, v27;
	v17 =	vadd.f32 v63, v17;
	v16 =	vadd.f32 v27, v16  }
.LBB2_20:
0x1a8: {  	s13 =	sshll.u32 s28, $0x2  }
0x1a9: {  	s0 =	sadd.s32 s0, s13  }
0x1aa: {  	p2 =	sge.s32 s0, s2  }
.Ltmp16:
0x1ab: {  	_ = 	snop;
	(pc) =	sbr.rel @p2 .LBB2_24-.Ltmp16, $1  }
0x1ac: {  	_ =	sdelay $0x3  }
0x1ad: {  	s13 =	sshll.u32 s28, $0xB  }
0x1ae: {  	s11 =	sadd.s32 s11, s13  }
0x1af: {  	s11 =	sshra.s32 s11, $0x2  }
0x1b0: {  	s11 =	sor.u32 $0x40, s11  }
0x1b1: {  	v29 =	vld [tilespmem:s11+$0x30]  }
0x1b2: {  	v31 =	vld [tilespmem:s11+$0xFFFFFFD0]  }
0x1b3: {  	s0 =	sadd.s32 $0x1, s0;
	v32 =	vld [tilespmem:s11+$0xFFFFFFE0]  }
0x1b4: {  	p2 =	slt.s32 s0, s2;
	v28 =	vld [tilespmem:s11+$0xFFFFFFF0]  }
.Ltmp17:
0x1b5: {  	v26 =	vld [tilespmem:s11+$0x0];
	(pc) =	sbr.rel @!p2 .LBB2_23-.Ltmp17, $4  }
0x1b6: {  	v27 =	vld [tilespmem:s11+$0x10]  }
0x1b7: {  	v30 =	vld [tilespmem:s11+$0x20]  }
0x1b8: {  	v16 =	vadd.f32 v29, v16;
	v9 =	vmax.f32 v9, v29;
	v20 =	vadd.f32 v31, v20;
	v29 =	vld [tilespmem:s11+$0xFFFFFFC0]  }
0x1b9: {  	v14 =	vmax.f32 v14, v31;
	v21 =	vadd.f32 v32, v21;
	v12 =	vmax.f32 v12, v32;
	s11 =	sadd.s32 $0x80, s11  }
.LBB2_22:
0x1ba: {  	v31 =	vld [tilespmem:s11+$0x30];
	s0 =	sadd.s32 $0x1, s0;
	v24 =	vadd.f32 v28, v24;
	v22 =	vmax.f32 v22, v28  }
0x1bb: {  	v23 =	vadd.f32 v26, v23;
	v13 =	vmax.f32 v13, v26;
	v32 =	vld [tilespmem:s11+$0xFFFFFFD0];
	p2 =	slt.s32 s0, s2  }
0x1bc: {  	v19 =	vadd.f32 v27, v19;
	v11 =	vmax.f32 v11, v27;
	v33 =	vld [tilespmem:s11+$0xFFFFFFE0]  }
.Ltmp18:
0x1bd: {  	v17 =	vadd.f32 v30, v17;
	v10 =	vmax.f32 v10, v30;
	v28 =	vld [tilespmem:s11+$0xFFFFFFF0];
	(pc) =	sbr.rel @p2 .LBB2_22-.Ltmp18, $4  }
0x1be: {  	v18 =	vadd.f32 v29, v18;
	v15 =	vmax.f32 v15, v29;
	v26 =	vld [tilespmem:s11+$0x0]  }
0x1bf: {  	v27 =	vld [tilespmem:s11+$0x10];
	v16 =	vadd.f32 v31, v16;
	v9 =	vmax.f32 v9, v31  }
0x1c0: {  	v20 =	vadd.f32 v32, v20;
	v14 =	vmax.f32 v14, v32;
	v30 =	vld [tilespmem:s11+$0x20]  }
0x1c1: {  	v29 =	vld [tilespmem:s11+$0xFFFFFFC0];
	v21 =	vadd.f32 v33, v21;
	v12 =	vmax.f32 v12, v33;
	s11 =	sadd.s32 $0x80, s11  }
.Ltmp19:
0x1c2: {  	_ = 	snop;
	(pc) =	sbr.rel .LBB2_23-.Ltmp19, $1  }
0x1c3: {  	_ =	sdelay $0x3  }
.LBB2_10:
0x1c4: {  	s29 =	smov.u32 s28  }
.LBB2_25:
0x1c5: {  	s0 =	sadd.s32 $0x2, s31  }
0x1c6: {  	p1 =	sge.s32 s0, s23  }
0x1c7: {  	s0 =	sadd.s32 @!p1 s20, s0  }
0x1c8: {  	s2 =	smul.u32 @!p1 $0xC800, s0  }
0x1c9: {  	s0 =	smul.u32 @!p1 $0x190, s0  }
0x1ca: {  	s31 =	sadd.s32 s20, s30;
	s2 =	sshrl.u32 @!p1 s2, $0x3  }
0x1cb: {  	s9 =	simm.s32 @!p1 $0x0;
	s0 =	sshrl.u32 @!p1 s0, $0x3;
	s2 =	sadd.s32 @!p1 s1, s2  }
0x1cc: {  	[tilespmem:s9], [sflag:$0x1] =	stream.linear.gather @!p1 [hbm4b:s2+s9], $0xC800, $0x38;
	[tilespmem:$0x1D500] =	vst v63  }
0x1cd: {  	s10 =	simm.s32 @!p1 $0x19000;
	s0 =	sadd.s32 @!p1 s3, s0;
	s2 =	smul.u32 $0x190, s31  }
0x1ce: {  	[tilespmem:s10], [sflag:$0x1] =	stream.linear.gather @!p1 [hbm4b:s0+s9], $0x190, $0x38;
	[tilespmem:$0x1D500] =	vst v63  }
0x1cf: {  	s10 =	ssub.s32 s22, s2  }
0x1d0: {  	s0 =	ssub.s32 s19, s2;
	p1 =	sgt.s32 s10, $0x0  }
0x1d1: {  	s10 =	simm.s32 @!p1 $0x0;
	p1 =	sgt.s32 s0, $0x0  }
0x1d2: {  	s9 =	simm.s32 @!p0 $0x2;
	s0 =	simm.s32 @!p1 $0x0;
	s2 =	smin.u32 s10, $0x190  }
0x1d3: {  	_ =	swait.ge @!p0 [sflag:s9], $0xC800;
	p1 =	sge.u32 s0, s2  }
.Ltmp20:
0x1d4: {  	[sflag:s9] =	ssyncset.done @!p0 $0x0;
	(pc) =	sbr.rel @p1 .LBB2_26-.Ltmp20, $4  }
0x1d5: {  	[sflag:s9] =	ssyncadd.s32 @!p0 $0xFFFF3800  }
0x1d6: {  	_ =	swait.ge @!p0 [sflag:s9], $0x190  }
0x1d7: {  	[sflag:s9] =	ssyncset.done @!p0 $0x0  }
0x1d8: {  	[sflag:s9] =	ssyncadd.s32 @!p0 $0xFFFFFE70  }
.Ltmp21:
0x1d9: {  	(pc) =	sbr.rel .LBB2_28-.Ltmp21, $2  }
0x1da: {  	_ =	sdelay $0x2  }
0x1db: {  	v25 =	vmov s2  }
.LBB2_39:
0x1dc: {  	v24 =	vadd.f32 v28, v24  }
0x1dd: {  	v22 =	vmax.f32 v22, v28;
	v23 =	vadd.f32 v26, v23;
	v13 =	vmax.f32 v13, v26  }
0x1de: {  	v19 =	vadd.f32 v27, v19;
	v11 =	vmax.f32 v11, v27;
	v17 =	vadd.f32 v30, v17  }
0x1df: {  	v10 =	vmax.f32 v10, v30;
	v18 =	vadd.f32 v29, v18;
	v15 =	vmax.f32 v15, v29  }
.LBB2_40:
0x1e0: {  	s25 =	simm.s32 @p0 $0x0;
	p0 =	slt.s32 s9, s2  }
.Ltmp22:
0x1e1: {  	_ = 	snop;
	(pc) =	sbr.rel @!p0 .LBB2_41-.Ltmp22, $2  }
0x1e2: {  	_ =	sdelay $0x2  }
0x1e3: {  	s29 =	smov.u32 s28;
	s0 =	smov.u32 s9;
	s25 =	sadd.s32 s25, s10  }
.LBB2_28:
0x1e4: {  	v26 =	vld [tilespmem:s0+$0x19200];
	_ =	sdelay $0x4  }
0x1e5: {  	(v2sf) =	vpush v26, $0x0;
	_ =	sdelay $0xe  }
0x1e6: {  	p0 =	slt.s32 s25, $0x1;
	s28 =	spop (v2sf)  }
0x1e7: {  	p1 =	seq.s32 @!p0 s28, s29  }
0x1e8: {  	p0 =	por p1, p0  }
0x1e9: {  	v27 =	vmov @!p0 s25  }
0x1ea: {  	v27 =	vcvt.s32.f32 @!p0 v27;
	_ =	sdelay $0x1  }
0x1eb: {  	v27 =	vbroadcast @!p0 v27, $0x0;
	_ =	sdelay $0x1  }
0x1ec: {  	(erf) = vrcp.f32 @!p0 v27;
	_ =	sdelay $0x4  }
0x1ed: {  	s9 =	ssub.s32 @!p0 s29, s4  }
0x1ee: {  	s9 =	sshrl.u32 @!p0 s9, $0x3  }
0x1ef: {  	s9 =	smul.u32 @!p0 $0x3000, s9  }
0x1f0: {  	s10 =	sshll.u32 @!p0 s29, $0x7  }
0x1f1: {  	s10 =	sand.u32 @!p0 $0x380, s10;
	s9 =	sshra.s32 @!p0 s9, $0x2;
	v27 =	vpop @!p0 (erf)  }
0x1f2: {  	s9 =	sor.u32 @!p0 s10, s9;
	v28 =	vmul.f32 @!p0 v27, v18  }
0x1f3: {  	[tilespmem:s9+$0x1A900] =	vst @!p0 v15  }
0x1f4: {  	[tilespmem:s9+$0x1A500] =	vst @!p0 v28;
	v28 =	vmul.f32 @!p0 v27, v20  }
0x1f5: {  	s10 =	sadd.s32 @!p0 $0x1A500, s9;
	[tilespmem:s9+$0x1AD00] =	vst @!p0 v18  }
0x1f6: {  	s11 =	sadd.s32 @!p0 $0x1A900, s9;
	[tilespmem:s10+$0x10] =	vst @!p0 v28  }
0x1f7: {  	s9 =	sadd.s32 @!p0 $0x1AD00, s9;
	v28 =	vmul.f32 @!p0 v27, v21;
	[tilespmem:s11+$0x10] =	vst @!p0 v14  }
0x1f8: {  	[tilespmem:s9+$0x10] =	vst @!p0 v20  }
0x1f9: {  	[tilespmem:s10+$0x20] =	vst @!p0 v28  }
0x1fa: {  	v28 =	vmul.f32 @!p0 v27, v24;
	[tilespmem:s11+$0x20] =	vst @!p0 v12  }
0x1fb: {  	[tilespmem:s9+$0x20] =	vst @!p0 v21  }
0x1fc: {  	[tilespmem:s10+$0x30] =	vst @!p0 v28  }
0x1fd: {  	v28 =	vmul.f32 @!p0 v23, v27;
	[tilespmem:s11+$0x30] =	vst @!p0 v22  }
0x1fe: {  	[tilespmem:s9+$0x30] =	vst @!p0 v24  }
0x1ff: {  	[tilespmem:s10+$0x40] =	vst @!p0 v28  }
0x200: {  	v28 =	vmul.f32 @!p0 v19, v27;
	[tilespmem:s11+$0x40] =	vst @!p0 v13  }
0x201: {  	[tilespmem:s9+$0x40] =	vst @!p0 v23  }
0x202: {  	[tilespmem:s10+$0x50] =	vst @!p0 v28  }
0x203: {  	v28 =	vmul.f32 @!p0 v17, v27;
	[tilespmem:s11+$0x50] =	vst @!p0 v11  }
0x204: {  	[tilespmem:s9+$0x50] =	vst @!p0 v19  }
0x205: {  	p1 =	sge.s32 s0, s2;
	[tilespmem:s10+$0x60] =	vst @!p0 v28  }
.Ltmp23:
0x206: {  	v27 =	vmul.f32 @!p0 v16, v27;
	[tilespmem:s11+$0x60] =	vst @!p0 v10;
	(pc) =	sbr.rel @p1 .LBB2_32-.Ltmp23, $4  }
0x207: {  	[tilespmem:s9+$0x60] =	vst @!p0 v17  }
0x208: {  	[tilespmem:s10+$0x70] =	vst @!p0 v27  }
0x209: {  	[tilespmem:s11+$0x70] =	vst @!p0 v9  }
0x20a: {  	[tilespmem:s9+$0x70] =	vst @!p0 v16;
	s9 =	smov.u32 s2  }
0x20b: {  	s9 =	sshll.u32 s0, $0x2  }
0x20c: {  	s9 =	sshra.s32 s9, $0x2  }
0x20d: {  	v26 =	vbroadcast v26, $0x0;
	s10 =	sadd.s32 $0x10, s0;
	s11 =	sadd.s32 $0x19200, s9  }
.LBB2_30:
0x20e: {  	v27 =	vld [tilespmem:s11+$0x0];
	_ =	sdelay $0x2  }
0x20f: {  	s9 =	sadd.s32 $0xFFFFFFF0, s10  }
0x210: {  	v28 =	vadd.s32 s9, v0  }
0x211: {  	vm2 =	vge.s32 v28, v25;
	vm1 =	vne.s32 v27, v26  }
0x212: {  	vm1 =	vmor vm2, vm1  }
0x213: {  	v27 =	vmpcnt.ones.xlane vm1;
	v63 =	vmctz.xlane vm1;
	_ =	sdelay $0x1  }
0x214: {  	vm1 =	vgt.s32 v27, $0x0;
	v27 =	vadd.s32 s9, v63  }
0x215: {  	v27 =	vnsel vm1, $0xFFFFFFFF, v27  }
0x216: {  	(v2sf) =	vpush v27, $0x0;
	_ =	sdelay $0xe  }
0x217: {  	p0 =	sge.s32 s10, s2;
	s9 =	spop (v2sf)  }
0x218: {  	p1 =	slt.s32 @!p0 s9, $0x0  }
0x219: {  	p0 =	por p0, !p1  }
.Ltmp24:
0x21a: {  	_ = 	snop;
	(pc) =	sbr.rel @!p0 .LBB2_30-.Ltmp24, $2  }
0x21b: {  	_ =	sdelay $0x2  }
0x21c: {  	s10 =	sadd.s32 $0x10, s10;
	s11 =	sadd.s32 $0x10, s11  }
0x21d: {  	p0 =	slt.s32 s9, $0x0  }
0x21e: {  	s9 =	smov.u32 @p0 s2  }
.LBB2_32:
0x21f: {  	s10 =	ssub.s32 s9, s0;
	p0 =	sne.s32 s9, s0;
	s11 =	simm.s32 $0x1  }
0x220: {  	s13 =	sshra.s32 s10, $0x1F;
	s11 =	simm.s32 @!p0 $0x0  }
0x221: {  	s14 =	sand.u32 $0x3, s10;
	s11 =	sor.u32 s11, s13  }
0x222: {  	p2 =	sne.s32 s14, $0x0;
	p1 =	sne.s32 s11, $0x1  }
0x223: {  	s31 =	sshrl.u32 s13, $0x1E;
	p1 =	por !p2, !p1  }
0x224: {  	s13 =	simm.s32 $0x1;
	s11 =	sadd.s32 s31, s10;
	p1 =	por !p1, !p1  }
0x225: {  	s11 =	sshra.s32 s11, $0x2;
	s13 =	simm.s32 @!p1 $0x0  }
0x226: {  	p0 =	sne.s32 s28, s29;
	s29 =	ssub.s32 s11, s13  }
0x227: {  	v18 =	vpsel p0, $0x0, v18;
	p1 =	slt.s32 s29, $0x1  }
.Ltmp25:
0x228: {  	v20 =	vpsel p0, $0x0, v20;
	v21 =	vpsel p0, $0x0, v21;
	v24 =	vpsel p0, $0x0, v24;
	(pc) =	sbr.rel @p1 .LBB2_36-.Ltmp25, $4  }
0x229: {  	v23 =	vpsel p0, $0x0, v23;
	v19 =	vpsel p0, $0x0, v19;
	v17 =	vpsel p0, $0x0, v17  }
0x22a: {  	v16 =	vpsel p0, $0x0, v16;
	v15 =	vpsel p0, $0xFF7FFFFF, v15;
	v14 =	vpsel p0, $0xFF7FFFFF, v14  }
0x22b: {  	v12 =	vpsel p0, $0xFF7FFFFF, v12;
	v22 =	vpsel p0, $0xFF7FFFFF, v22;
	v13 =	vpsel p0, $0xFF7FFFFF, v13  }
0x22c: {  	s30 =	sshll.u32 s0, $0x9;
	v11 =	vpsel p0, $0xFF7FFFFF, v11;
	v10 =	vpsel p0, $0xFF7FFFFF, v10;
	v9 =	vpsel p0, $0xFF7FFFFF, v9  }
0x22d: {  	s11 =	sshra.s32 s30, $0x2  }
0x22e: {  	s11 =	sadd.s32 $0xC900, s11  }
0x22f: {  	v32 =	vld [tilespmem:s11+$0x80]  }
0x230: {  	v35 =	vld [tilespmem:s11+$0x90]  }
0x231: {  	v38 =	vld [tilespmem:s11+$0xA0]  }
0x232: {  	v28 =	vld [tilespmem:s11+$0xB0]  }
0x233: {  	v27 =	vld [tilespmem:s11+$0xC0]  }
0x234: {  	v26 =	vld [tilespmem:s11+$0xD0]  }
0x235: {  	v31 =	vld [tilespmem:s11+$0x0]  }
0x236: {  	v30 =	vld [tilespmem:s11+$0xFFFFFF00]  }
0x237: {  	v33 =	vld [tilespmem:s11+$0xFFFFFF80]  }
0x238: {  	v34 =	vld [tilespmem:s11+$0xFFFFFF10]  }
0x239: {  	v37 =	vld [tilespmem:s11+$0x10]  }
0x23a: {  	v39 =	vld [tilespmem:s11+$0xFFFFFF20]  }
0x23b: {  	v42 =	vld [tilespmem:s11+$0xFFFFFF30]  }
0x23c: {  	v36 =	vld [tilespmem:s11+$0xFFFFFF90]  }
0x23d: {  	v41 =	vld [tilespmem:s11+$0xFFFFFFA0]  }
0x23e: {  	v43 =	vld [tilespmem:s11+$0xFFFFFFB0];
	v18 =	vadd.f32 v30, v18  }
0x23f: {  	v40 =	vld [tilespmem:s11+$0x20];
	v20 =	vadd.f32 v34, v20;
	v15 =	vmax.f32 v15, v30;
	v21 =	vadd.f32 v39, v21  }
0x240: {  	v30 =	vld [tilespmem:s11+$0xFFFFFF40];
	v14 =	vmax.f32 v14, v34;
	v24 =	vadd.f32 v42, v24;
	v12 =	vmax.f32 v12, v39  }
0x241: {  	v29 =	vld [tilespmem:s11+$0x30];
	v15 =	vmax.f32 v15, v33;
	v14 =	vmax.f32 v14, v36;
	v18 =	vadd.f32 v33, v18  }
0x242: {  	v34 =	vld [tilespmem:s11+$0xFFFFFFC0];
	v12 =	vmax.f32 v12, v41;
	v20 =	vadd.f32 v36, v20;
	v21 =	vadd.f32 v41, v21  }
0x243: {  	p1 =	sne.s32 s29, $0x1;
	v15 =	vmax.f32 v15, v31;
	v36 =	vld [tilespmem:s11+$0xFFFFFF50];
	v14 =	vmax.f32 v14, v37;
	v63 =	vadd.f32 v43, v24  }
.Ltmp26:
0x244: {  	v24 =	vmax.f32 v22, v42;
	v12 =	vmax.f32 v12, v40;
	v18 =	vadd.f32 v31, v18;
	v31 =	vld [tilespmem:s11+$0x40];
	(pc) =	sbr.rel @!p1 .LBB2_35-.Ltmp26, $4  }
0x245: {  	v33 =	vld [tilespmem:s11+$0x50];
	v15 =	vmax.f32 v15, v32;
	v20 =	vadd.f32 v37, v20;
	v23 =	vadd.f32 v30, v23  }
0x246: {  	v14 =	vmax.f32 v14, v35;
	v21 =	vadd.f32 v40, v21;
	v37 =	vld [tilespmem:s11+$0xFFFFFFD0];
	v18 =	vadd.f32 v32, v18  }
0x247: {  	v24 =	vmax.f32 v24, v43;
	v20 =	vadd.f32 v35, v20;
	v32 =	vld [tilespmem:s11+$0xFFFFFF60];
	v22 =	vadd.f32 v34, v23  }
0x248: {  	s13 =	sadd.s32 $0xFFFFFFFF, s29;
	v12 =	vmax.f32 v12, v38;
	v21 =	vadd.f32 v38, v21;
	v35 =	vld [tilespmem:s11+$0xFFFFFF70];
	v23 =	vadd.f32 v29, v63  }
.LBB2_34:
0x249: {  	p1 =	sne.s32 s13, $0x1;
	v19 =	vadd.f32 v36, v19;
	v38 =	vld [tilespmem:s11+$0xFFFFFFE0];
	v24 =	vmax.f32 v24, v29;
	v22 =	vadd.f32 v31, v22  }
0x24a: {  	v13 =	vmax.f32 v13, v30;
	v29 =	vld [tilespmem:s11+$0xFFFFFFF0];
	v23 =	vadd.f32 v28, v23;
	v24 =	vmax.f32 v24, v28  }
0x24b: {  	v13 =	vmax.f32 v13, v34;
	v19 =	vadd.f32 v37, v19;
	v30 =	vld [tilespmem:s11+$0x60];
	v22 =	vadd.f32 v27, v22  }
0x24c: {  	v11 =	vmax.f32 v11, v36;
	v13 =	vmax.f32 v13, v31;
	v17 =	vadd.f32 v32, v17;
	v31 =	vld [tilespmem:s11+$0x70]  }
0x24d: {  	v11 =	vmax.f32 v11, v37;
	v16 =	vadd.f32 v35, v16;
	v19 =	vadd.f32 v33, v19;
	v34 =	vld [tilespmem:s11+$0xE0]  }
0x24e: {  	v11 =	vmax.f32 v11, v33;
	v13 =	vmax.f32 v13, v27;
	v17 =	vadd.f32 v38, v17;
	v33 =	vld [tilespmem:s11+$0xF0];
	s11 =	sadd.s32 $0x200, s11  }
0x24f: {  	v11 =	vmax.f32 v11, v26;
	v36 =	vld [tilespmem:s11+$0x80];
	v16 =	vadd.f32 v29, v16;
	v19 =	vadd.f32 v26, v19  }
0x250: {  	v10 =	vmax.f32 v10, v32;
	v9 =	vmax.f32 v9, v35;
	v37 =	vld [tilespmem:s11+$0x90];
	v17 =	vadd.f32 v30, v17  }
0x251: {  	v10 =	vmax.f32 v10, v38;
	v9 =	vmax.f32 v9, v29;
	v39 =	vld [tilespmem:s11+$0xA0];
	v16 =	vadd.f32 v31, v16  }
0x252: {  	v10 =	vmax.f32 v10, v30;
	v9 =	vmax.f32 v9, v31;
	v28 =	vld [tilespmem:s11+$0xB0];
	v17 =	vadd.f32 v34, v17  }
0x253: {  	v10 =	vmax.f32 v10, v34;
	v27 =	vld [tilespmem:s11+$0xC0];
	v16 =	vadd.f32 v33, v16;
	v9 =	vmax.f32 v9, v33  }
0x254: {  	v26 =	vld [tilespmem:s11+$0xD0]  }
0x255: {  	v31 =	vld [tilespmem:s11+$0x0]  }
0x256: {  	v30 =	vld [tilespmem:s11+$0xFFFFFF00]  }
0x257: {  	v32 =	vld [tilespmem:s11+$0xFFFFFF80]  }
0x258: {  	v33 =	vld [tilespmem:s11+$0xFFFFFF10]  }
0x259: {  	v35 =	vld [tilespmem:s11+$0x10]  }
0x25a: {  	v38 =	vld [tilespmem:s11+$0xFFFFFF90]  }
0x25b: {  	v18 =	vadd.f32 v30, v18;
	v40 =	vld [tilespmem:s11+$0xFFFFFF20]  }
0x25c: {  	v41 =	vld [tilespmem:s11+$0x20]  }
0x25d: {  	v20 =	vadd.f32 v33, v20;
	v18 =	vadd.f32 v32, v18;
	v42 =	vld [tilespmem:s11+$0xFFFFFFA0]  }
0x25e: {  	v29 =	vld [tilespmem:s11+$0x30]  }
0x25f: {  	v43 =	vld [tilespmem:s11+$0xFFFFFF30];
	v20 =	vadd.f32 v38, v20;
	v18 =	vadd.f32 v31, v18  }
0x260: {  	v15 =	vmax.f32 v15, v30;
	v21 =	vadd.f32 v40, v21;
	v30 =	vld [tilespmem:s11+$0xFFFFFF40]  }
0x261: {  	v15 =	vmax.f32 v15, v32;
	v44 =	vld [tilespmem:s11+$0xFFFFFFB0];
	v20 =	vadd.f32 v35, v20;
	v18 =	vadd.f32 v36, v18  }
0x262: {  	v14 =	vmax.f32 v14, v33;
	v15 =	vmax.f32 v15, v31;
	v21 =	vadd.f32 v42, v21;
	v34 =	vld [tilespmem:s11+$0xFFFFFFC0]  }
0x263: {  	v15 =	vmax.f32 v15, v36;
	v14 =	vmax.f32 v14, v38;
	v31 =	vld [tilespmem:s11+$0x40];
	v20 =	vadd.f32 v37, v20  }
.Ltmp27:
0x264: {  	v14 =	vmax.f32 v14, v35;
	v23 =	vadd.f32 v43, v23;
	v36 =	vld [tilespmem:s11+$0xFFFFFF50];
	v21 =	vadd.f32 v41, v21;
	(pc) =	sbr.rel @p1 .LBB2_34-.Ltmp27, $4  }
0x265: {  	v12 =	vmax.f32 v12, v40;
	v14 =	vmax.f32 v14, v37;
	v22 =	vadd.f32 v30, v22;
	v33 =	vld [tilespmem:s11+$0x50]  }
0x266: {  	v12 =	vmax.f32 v12, v42;
	v23 =	vadd.f32 v44, v23;
	v37 =	vld [tilespmem:s11+$0xFFFFFFD0];
	v21 =	vadd.f32 v39, v21  }
0x267: {  	v12 =	vmax.f32 v12, v41;
	v24 =	vmax.f32 v24, v43;
	v32 =	vld [tilespmem:s11+$0xFFFFFF60];
	v22 =	vadd.f32 v34, v22  }
0x268: {  	s13 =	sadd.s32 $0xFFFFFFFF, s13;
	v12 =	vmax.f32 v12, v39;
	v24 =	vmax.f32 v24, v44;
	v35 =	vld [tilespmem:s11+$0xFFFFFF70];
	v23 =	vadd.f32 v29, v23  }
.LBB2_35:
0x269: {  	v19 =	vadd.f32 v36, v19;
	v38 =	vld [tilespmem:s11+$0xFFFFFFE0];
	v29 =	vmax.f32 v24, v29;
	v39 =	vadd.f32 v31, v22  }
0x26a: {  	v13 =	vmax.f32 v13, v30;
	v60 =	vld [tilespmem:s11+$0xFFFFFFF0];
	v11 =	vmax.f32 v11, v36;
	v24 =	vadd.f32 v28, v23  }
0x26b: {  	v61 =	vld [tilespmem:s11+$0x60];
	v22 =	vmax.f32 v29, v28;
	v13 =	vmax.f32 v13, v34;
	v19 =	vadd.f32 v37, v19  }
0x26c: {  	v62 =	vld [tilespmem:s11+$0x70];
	v23 =	vadd.f32 v27, v39;
	v13 =	vmax.f32 v13, v31;
	v11 =	vmax.f32 v11, v37  }
0x26d: {  	v63 =	vld [tilespmem:s11+$0xE0];
	v17 =	vadd.f32 v32, v17;
	v11 =	vmax.f32 v11, v33;
	v16 =	vadd.f32 v35, v16  }
0x26e: {  	v13 =	vmax.f32 v13, v27;
	v27 =	vld [tilespmem:s11+$0xF0];
	v10 =	vmax.f32 v10, v32;
	v19 =	vadd.f32 v33, v19  }
0x26f: {  	v9 =	vmax.f32 v9, v35;
	v17 =	vadd.f32 v38, v17;
	v16 =	vadd.f32 v60, v16  }
0x270: {  	v11 =	vmax.f32 v11, v26;
	v10 =	vmax.f32 v10, v38;
	v9 =	vmax.f32 v9, v60  }
0x271: {  	v10 =	vmax.f32 v10, v61;
	v17 =	vadd.f32 v61, v17;
	v16 =	vadd.f32 v62, v16  }
0x272: {  	v19 =	vadd.f32 v26, v19;
	v9 =	vmax.f32 v9, v62;
	v10 =	vmax.f32 v10, v63  }
0x273: {  	v9 =	vmax.f32 v9, v27;
	v17 =	vadd.f32 v63, v17;
	v16 =	vadd.f32 v27, v16  }
.LBB2_36:
0x274: {  	s11 =	sshll.u32 s29, $0x2  }
0x275: {  	s0 =	sadd.s32 s0, s11  }
0x276: {  	p1 =	sge.s32 s0, s9  }
.Ltmp28:
0x277: {  	_ = 	snop;
	(pc) =	sbr.rel @p1 .LBB2_40-.Ltmp28, $1  }
0x278: {  	_ =	sdelay $0x3  }
0x279: {  	s11 =	sshll.u32 s29, $0xB  }
0x27a: {  	s11 =	sadd.s32 s30, s11  }
0x27b: {  	s11 =	sshra.s32 s11, $0x2  }
0x27c: {  	s11 =	sadd.s32 $0xC840, s11  }
0x27d: {  	v29 =	vld [tilespmem:s11+$0x30]  }
0x27e: {  	v31 =	vld [tilespmem:s11+$0xFFFFFFD0]  }
0x27f: {  	s0 =	sadd.s32 $0x1, s0;
	v32 =	vld [tilespmem:s11+$0xFFFFFFE0]  }
0x280: {  	p1 =	slt.s32 s0, s9;
	v28 =	vld [tilespmem:s11+$0xFFFFFFF0]  }
.Ltmp29:
0x281: {  	v26 =	vld [tilespmem:s11+$0x0];
	(pc) =	sbr.rel @!p1 .LBB2_39-.Ltmp29, $4  }
0x282: {  	v27 =	vld [tilespmem:s11+$0x10]  }
0x283: {  	v30 =	vld [tilespmem:s11+$0x20]  }
0x284: {  	v16 =	vadd.f32 v29, v16;
	v9 =	vmax.f32 v9, v29;
	v20 =	vadd.f32 v31, v20;
	v29 =	vld [tilespmem:s11+$0xFFFFFFC0]  }
0x285: {  	v14 =	vmax.f32 v14, v31;
	v21 =	vadd.f32 v32, v21;
	v12 =	vmax.f32 v12, v32;
	s11 =	sadd.s32 $0x80, s11  }
.LBB2_38:
0x286: {  	v31 =	vld [tilespmem:s11+$0x30];
	s0 =	sadd.s32 $0x1, s0;
	v24 =	vadd.f32 v28, v24;
	v22 =	vmax.f32 v22, v28  }
0x287: {  	v23 =	vadd.f32 v26, v23;
	v13 =	vmax.f32 v13, v26;
	v32 =	vld [tilespmem:s11+$0xFFFFFFD0];
	p1 =	slt.s32 s0, s9  }
0x288: {  	v19 =	vadd.f32 v27, v19;
	v11 =	vmax.f32 v11, v27;
	v33 =	vld [tilespmem:s11+$0xFFFFFFE0]  }
.Ltmp30:
0x289: {  	v17 =	vadd.f32 v30, v17;
	v10 =	vmax.f32 v10, v30;
	v28 =	vld [tilespmem:s11+$0xFFFFFFF0];
	(pc) =	sbr.rel @p1 .LBB2_38-.Ltmp30, $4  }
0x28a: {  	v18 =	vadd.f32 v29, v18;
	v15 =	vmax.f32 v15, v29;
	v26 =	vld [tilespmem:s11+$0x0]  }
0x28b: {  	v27 =	vld [tilespmem:s11+$0x10];
	v16 =	vadd.f32 v31, v16;
	v9 =	vmax.f32 v9, v31  }
0x28c: {  	v20 =	vadd.f32 v32, v20;
	v14 =	vmax.f32 v14, v32;
	v30 =	vld [tilespmem:s11+$0x20]  }
0x28d: {  	v29 =	vld [tilespmem:s11+$0xFFFFFFC0];
	v21 =	vadd.f32 v33, v21;
	v12 =	vmax.f32 v12, v33;
	s11 =	sadd.s32 $0x80, s11  }
.Ltmp31:
0x28e: {  	_ = 	snop;
	(pc) =	sbr.rel .LBB2_39-.Ltmp31, $1  }
0x28f: {  	_ =	sdelay $0x3  }
.LBB2_44:
0x290: {  	_ =	sfence.sel $0x180000  }
0x291: {  	[bflag:$0x0] =	sbarrier.arrive $0xFFFF  }
0x292: {  	_ =	strace $0x90000047  }
0x293: {  	s0 =	stileid.u32;
	[bflag:$0x2] =	sbarrier.arrive $0xFFFF  }
0x294: {  	p0 =	sne.s32 s0, $0x0;
	s0 =	rddreg [dreg:$0x3]  }
0x295: {  	s0 =	sadd.s32 @!p0 $0x100000, s0  }
0x296: {  	[sflag:s0] =	ssyncadd.tile.s32 @!p0 $0x1;
	_ =	shalt  }
.Lfunc_end2:
_tile_overlayer_lowered:
.L_overlay_start_2:
0x297: {  	(tag) =	ssettag $0x2  }
0x298: {  	s0 =	rddreg [dreg:$0x0];
	s2 =	stileid.u32  }
0x299: {  	s1 =	rddreg [dreg:$0x1];
	p0 =	sne.s32 s2, $0x0  }
0x29a: {  	s3 =	rddreg [dreg:$0x2];
	[bflag:$0x3] =	sbarrier.arrive $0xFFFF;
	s2 =	simm.s32 @!p0 $0x1C03  }
0x29b: {  	[timem:s3], [sflag:s2] =	dma.local @!p0 [hbm:s0], s1  }
0x29c: {  	s0 =	simm.s32 @!p0 $0x3  }
0x29d: {  	_ =	swait.ge @!p0 [sflag:s0], s1  }
0x29e: {  	s1 =	ssub.s32 @!p0 $0x0, s1;
	[sflag:s0] =	ssyncset.done @!p0 $0x0  }
0x29f: {  	[sflag:s0] =	ssyncadd.s32 @!p0 s1  }
0x2a0: {  	[bflag:$0x3] =	sbarrier.arrive $0xFFFF  }
0x2a1: {  	_ =	shalt  }

</sc_bundles>
